<compile_context>
chip_gen: v7x
topology: tpu7x:2x2x1
jax: 0.10.2.dev20260603
libtpu: 0.0.44.dev20260713+nightly
codegen_flags: <defaults>
</compile_context>

<pallas_src>
import functools

import jax
import jax.numpy as jnp
from jax import lax
from jax.experimental import pallas as pl
from jax.experimental.pallas import tpu as pltpu
from jax.experimental.pallas import tpu_sc as plsc

_BATCH = 1024
_SLOT = 26
_DIM = 32
_NSEG = _BATCH * _SLOT
_NNZ = _NSEG * 20
_NC = 2
_NS = 16
_NW = _NC * _NS
_P = _NNZ // _NW
_UNIT = 416
_NUNIT = _P // _UNIT
_SEG_T = _NSEG // _NS


def _sc_body(values_hbm, segids_hbm, table_hbm, acc_hbm, cnt_hbm,
             acc_s, cnt_s, idx_all, seg_all, seg2, ones_v, rows2, zcnt,
             gsem, gsem1):
    c = lax.axis_index("c")
    s = lax.axis_index("s")
    base = (c * _NS + s) * _P

    zeros16 = jnp.zeros((16,), jnp.float32)
    ones16 = jnp.ones((16,), jnp.float32)

    def _zrow(r, carry):
        rows2[0, r, pl.ds(0, 16)] = zeros16
        rows2[0, r, pl.ds(16, 16)] = zeros16
        return carry
    lax.fori_loop(0, _UNIT, _zrow, 0)

    def _zc(i, carry):
        zcnt[pl.ds(i * 16, 16)] = zeros16
        return carry
    lax.fori_loop(0, _SEG_T // 16, _zc, 0)

    for j in range(_UNIT // 16):
        ones_v[pl.ds(j * 16, 16)] = ones16

    def _zacc(k, carry):
        pltpu.sync_copy(rows2.at[0],
                        acc_s.at[pl.ds(s * _SEG_T + k * _UNIT, _UNIT)])
        return carry
    lax.fori_loop(0, _SEG_T // _UNIT, _zacc, 0)
    pltpu.sync_copy(zcnt, cnt_s.at[pl.ds(s * _SEG_T, _SEG_T)])

    pltpu.sync_copy(values_hbm.at[pl.ds(base, _P)], idx_all)
    pltpu.sync_copy(segids_hbm.at[pl.ds(base, _P)], seg_all)

    plsc.subcore_barrier()

    def _fill_seg(b, u):
        off = u * _UNIT
        for j in range(_UNIT // 16):
            seg2[b, pl.ds(j * 16, 16)] = seg_all[pl.ds(off + j * 16, 16)]

    def _start_gather(b, u, sem):
        pltpu.async_copy(table_hbm.at[idx_all.at[pl.ds(u * _UNIT, _UNIT)]],
                         rows2.at[b], sem)

    def _finish(b, u, sem):
        pltpu.make_async_copy(
            table_hbm.at[idx_all.at[pl.ds(u * _UNIT, _UNIT)]],
            rows2.at[b], sem).wait()
        pltpu.sync_copy(rows2.at[b], acc_s.at[seg2.at[b]], add=True)
        pltpu.sync_copy(ones_v, cnt_s.at[seg2.at[b]], add=True)

    _fill_seg(0, 0)
    _start_gather(0, 0, gsem)

    def _pair(p, carry):
        u0 = 2 * p
        _fill_seg(1, u0 + 1)
        _start_gather(1, u0 + 1, gsem1)
        _finish(0, u0, gsem)

        @pl.when(p + 1 < _NUNIT // 2)
        def _():
            _fill_seg(0, u0 + 2)
            _start_gather(0, u0 + 2, gsem)
        _finish(1, u0 + 1, gsem1)
        return carry
    lax.fori_loop(0, _NUNIT // 2, _pair, 0)

    plsc.subcore_barrier()

    row0 = s * _SEG_T
    pltpu.sync_copy(acc_s.at[pl.ds(row0, _SEG_T)],
                    acc_hbm.at[c, pl.ds(row0, _SEG_T)])
    pltpu.sync_copy(cnt_s.at[pl.ds(row0, _SEG_T)],
                    cnt_hbm.at[c, pl.ds(row0, _SEG_T)])


_sc_lookup = functools.partial(
    pl.kernel,
    out_type=(jax.ShapeDtypeStruct((_NC, _NSEG, _DIM), jnp.float32),
              jax.ShapeDtypeStruct((_NC, _NSEG), jnp.float32)),
    mesh=plsc.VectorSubcoreMesh(core_axis_name="c", subcore_axis_name="s",
                                num_cores=_NC, num_subcores=_NS),
    scratch_types=[
        pltpu.VMEM_SHARED((_NSEG, _DIM), jnp.float32),
        pltpu.VMEM_SHARED((_NSEG,), jnp.float32),
        pltpu.VMEM((_P,), jnp.int32),
        pltpu.VMEM((_P,), jnp.int32),
        pltpu.VMEM((2, _UNIT), jnp.int32),
        pltpu.VMEM((_UNIT,), jnp.float32),
        pltpu.VMEM((2, _UNIT, _DIM), jnp.float32),
        pltpu.VMEM((_SEG_T,), jnp.float32),
        pltpu.SemaphoreType.DMA,
        pltpu.SemaphoreType.DMA,
    ],
    compiler_params=pltpu.CompilerParams(use_tc_tiling_on_sc=False),
)(_sc_body)


_VOCAB = 1000000
_TCOLS = 7813
_CW = 13
_CKEYS = _CW * 128
_NCHUNK = _TCOLS // _CW
_CPT = (_NCHUNK + _NW - 1) // _NW
_VPAD = _TCOLS * 128
_CFLAT = _CKEYS * _DIM


_SLAB = 8 * _CKEYS


def _tr_body(t_hbm, flat_hbm, bufk, flat_buf, dsem, osem):
    c = lax.axis_index("c")
    s = lax.axis_index("s")
    w = c * _NS + s

    iota = jax.lax.iota(jnp.int32, 16)
    iota32 = iota * _DIM

    def _chunk(i, carry):
        chunk = w * _CPT + i

        @pl.when(chunk < _NCHUNK)
        def _():
            col0 = chunk * _CKEYS
            pltpu.async_copy(
                t_hbm.at[pl.ds(0, _DIM), pl.ds(col0, _CKEYS)],
                bufk, dsem)

            @pl.when(i > 0)
            def _():
                pltpu.make_async_copy(
                    flat_buf,
                    flat_hbm.at[pl.ds((chunk - 1) * _CFLAT, _CFLAT)],
                    osem).wait()

            pltpu.make_async_copy(
                t_hbm.at[pl.ds(0, _DIM), pl.ds(col0, _CKEYS)],
                bufk, dsem).wait()

            @plsc.parallel_loop(0, _CKEYS // 16, unroll=4)
            def _grp(g):
                col = g * 16 + iota
                sscat = g * (16 * _DIM)
                for r in range(_DIM):
                    l = jnp.bitwise_and(iota + r, 31)
                    x = plsc.load_gather(bufk, [l, col])
                    si = iota32 + l + sscat
                    plsc.store_scatter(flat_buf, [si], x)

            pltpu.async_copy(flat_buf,
                             flat_hbm.at[pl.ds(chunk * _CFLAT, _CFLAT)],
                             osem)
        return carry
    lax.fori_loop(0, _CPT, _chunk, 0)

    nexec = jnp.minimum(_NCHUNK - w * _CPT, _CPT)

    @pl.when(nexec > 0)
    def _():
        last = w * _CPT + nexec - 1
        pltpu.make_async_copy(
            flat_buf, flat_hbm.at[pl.ds(last * _CFLAT, _CFLAT)],
            osem).wait()


_transpose_table = functools.partial(
    pl.kernel,
    out_type=jax.ShapeDtypeStruct((_VPAD * _DIM,), jnp.float32),
    mesh=plsc.VectorSubcoreMesh(core_axis_name="c", subcore_axis_name="s",
                                num_cores=_NC, num_subcores=_NS),
    scratch_types=[
        pltpu.VMEM((_DIM, _CKEYS), jnp.float32),
        pltpu.VMEM((_CFLAT,), jnp.float32),
        pltpu.SemaphoreType.DMA,
        pltpu.SemaphoreType.DMA,
    ],
    compiler_params=pltpu.CompilerParams(use_tc_tiling_on_sc=True,
                                         needs_layout_passes=False),
)(_tr_body)


def _combine_body(acc_ref, cnt_ref, out_ref):
    total = acc_ref[0] + acc_ref[1]
    cnt = jnp.maximum(cnt_ref[0] + cnt_ref[1], 1.0)
    out_ref[...] = total / cnt


_ROWS_BLK = 2048


def _combine(acc, cnt):
    grid = _NSEG // _ROWS_BLK
    return pl.pallas_call(
        _combine_body,
        grid=(grid,),
        in_specs=[
            pl.BlockSpec((_NC, _ROWS_BLK, _DIM), lambda i: (0, i, 0)),
            pl.BlockSpec((_NC, _ROWS_BLK, 1), lambda i: (0, i, 0)),
        ],
        out_specs=pl.BlockSpec((_ROWS_BLK, _DIM), lambda i: (i, 0)),
        out_shape=jax.ShapeDtypeStruct((_NSEG, _DIM), jnp.float32),
    )(acc, cnt.reshape(_NC, _NSEG, 1))


def kernel(values, row_indices, table):
    flat = _transpose_table(jnp.swapaxes(table, 0, 1))
    acc, cnt = _sc_lookup(values, row_indices, flat.reshape(_VPAD, _DIM))
    out = _combine(acc, cnt)
    return out.reshape(_BATCH, _SLOT, _DIM)

# --- scband reference (transcript-rebuilt; emitter-appended) ---
"""Pipeline reference for scband-distributed-embedding-13726715478733 (READ-ONLY COPY).

The authoritative reference and input builder live on the scoring server;
editing this copy changes nothing except your own understanding.
"""

import jax, jax.numpy as jnp
import numpy as np

BATCH = 1024
SLOT_NUM = 26
MAX_NNZ = 20
VOCAB = 1000000
EMB_DIM = 32
NNZ = BATCH * SLOT_NUM * MAX_NNZ  # 532480
NUM_SEG = BATCH * SLOT_NUM        # 26624 rows of the sparse tensor


def setup_inputs(seed: int = 0) -> dict:
    key = jax.random.key(seed)
    k1, k2, k3 = jax.random.split(key, 3)
    # SparseTensor.values: the embedding keys
    values = jax.random.randint(k1, (NNZ,), 0, VOCAB, dtype=jnp.int32)
    # SparseTensor.indices[:, 0]: row indices in [0, batch*slot_num), sorted (CSR-like)
    row_indices = jnp.sort(jax.random.randint(k2, (NNZ,), 0, NUM_SEG, dtype=jnp.int32))
    # Embedding variable [max_vocabulary_size_per_gpu, embedding_vec_size]
    table = jax.random.normal(k3, (VOCAB, EMB_DIM), dtype=jnp.float32) * 0.01
    return {"values": values, "row_indices": row_indices, "table": table}


def reference(values, row_indices, table):
    # Gather embedding vectors for every key (embedding_executor='distributed')
    gathered = jnp.take(table, values, axis=0)  # [NNZ, EMB_DIM]
    # Combine intra-slot (per sparse-tensor row) with 'mean' combiner
    summed = jax.ops.segment_sum(gathered, row_indices, num_segments=NUM_SEG)
    counts = jax.ops.segment_sum(
        jnp.ones((values.shape[0],), dtype=jnp.float32), row_indices, num_segments=NUM_SEG
    )
    mean = summed / jnp.clip(counts, 1.0)[:, None]
    # Output shape [batchsize, slot_num, embedding_vec_size]
    return mean.reshape(BATCH, SLOT_NUM, EMB_DIM)

if __name__ == "__main__":
    import jax
    _d = setup_inputs()
    print(jax.jit(kernel)(*tuple(_d.values())))

</pallas_src>

<mosaic_0001>
#map = affine_map<(d0, d1) -> (0, 0)>
#map1 = affine_map<(d0, d1) -> (0)>
module attributes {stable_mosaic.version = 14 : i64} {
  func.func @_tr_body(%arg0: i32, %arg1: i32, %arg2: memref<32x1000000xf32, #tpu.memory_space<hbm>>, %arg3: memref<32002048xf32, #tpu.memory_space<hbm>>, %arg4: memref<32x1664xf32, #tpu.memory_space<vmem>>, %arg5: memref<53248xf32, #tpu.memory_space<vmem>>, %arg6: memref<!tpu.dma_semaphore, #tpu.memory_space<semaphore_mem>>, %arg7: memref<!tpu.dma_semaphore, #tpu.memory_space<semaphore_mem>>) attributes {dimension_semantics = [#tpu.dimension_semantics<core_parallel>, #tpu.dimension_semantics<subcore_parallel>], iteration_bounds = array<i64: 2, 16>, scalar_prefetch = 0 : i64, scratch_operands = 4 : i64, tpu.core_type = #tpu.core_type<sc_vector_subcore>, window_params = [{transform_indices = #map}, {transform_indices = #map1}]} {
    %mul3A = arith.constant 16 : i32
    %mul3A_0 = arith.muli %arg0, %mul3A : i32
    %add3A = arith.addi %mul3A_0, %arg1 : i32
    %iota3A = tpu.iota {dimensions = array<i32: 0>} : vector<16xi32>
    %mul3A_1 = arith.constant 32 : i32
    %mul3A_2 = vector.broadcast %mul3A_1 : i32 to vector<16xi32>
    %mul3A_3 = arith.muli %iota3A, %mul3A_2 : vector<16xi32>
    %scan3A = arith.constant 0 : i32
    %scan3A_4 = arith.constant 0 : i32
    %scan3A_5 = arith.constant 19 : i32
    %scan3A_6 = arith.addi %scan3A_4, %scan3A_5 : i32
    %scan3A_7 = arith.constant 1 : i32
    scf.for %scan3A_15 = %scan3A_4 to %scan3A_6 step %scan3A_7  : i32 {
      %mul3A_16 = arith.constant 19 : i32
      %mul3A_17 = arith.muli %add3A, %mul3A_16 : i32
      %add3A_18 = arith.addi %mul3A_17, %scan3A_15 : i32
      %lt3A = arith.constant 601 : i32
      %lt3A_19 = arith.cmpi slt, %add3A_18, %lt3A : i32
      %convert_element_type3A_20 = arith.extui %lt3A_19 : i1 to i32
      %cond3A_21 = arith.constant 0 : i32
      %cond3A_22 = arith.cmpi ne, %convert_element_type3A_20, %cond3A_21 : i32
      scf.if %cond3A_22 {
        %mul3A_23 = arith.constant 1664 : i32
        %mul3A_24 = arith.muli %add3A_18, %mul3A_23 : i32
        %dma_start3A = arith.constant 0 : i32
        %dma_start3A_25 = tpu.memref_slice %arg2[%dma_start3A, %mul3A_24] : memref<32x1000000xf32, #tpu.memory_space<hbm>> -> memref<32x1664xf32, #tpu.memory_space<hbm>>
        %dma_start3A_26 = arith.constant 0 : i32
        %dma_start3A_27 = tpu.memref_slice %arg2[%dma_start3A_26, %mul3A_24] : memref<32x1000000xf32, #tpu.memory_space<hbm>> -> memref<32x1664xf32, #tpu.memory_space<hbm>>
        tpu.enqueue_dma source(%dma_start3A_27 : memref<32x1664xf32, #tpu.memory_space<hbm>>) target(%arg4 : memref<32x1664xf32, #tpu.memory_space<vmem>>) target_semaphore(%arg6 : memref<!tpu.dma_semaphore, #tpu.memory_space<semaphore_mem>>)
        %gt3A_28 = arith.constant 0 : i32
        %gt3A_29 = arith.cmpi sgt, %scan3A_15, %gt3A_28 : i32
        %convert_element_type3A_30 = arith.extui %gt3A_29 : i1 to i32
        %cond3A_31 = arith.constant 0 : i32
        %cond3A_32 = arith.cmpi ne, %convert_element_type3A_30, %cond3A_31 : i32
        scf.if %cond3A_32 {
          %sub3A_42 = arith.constant 1 : i32
          %sub3A_43 = arith.subi %add3A_18, %sub3A_42 : i32
          %mul3A_44 = arith.constant 53248 : i32
          %mul3A_45 = arith.muli %sub3A_43, %mul3A_44 : i32
          %dma_wait3A_46 = tpu.memref_slice %arg3[%mul3A_45] : memref<32002048xf32, #tpu.memory_space<hbm>> -> memref<53248xf32, #tpu.memory_space<hbm>>
          %dma_wait3A_47 = tpu.memref_slice %arg3[%mul3A_45] : memref<32002048xf32, #tpu.memory_space<hbm>> -> memref<53248xf32, #tpu.memory_space<hbm>>
          tpu.wait_dma2 semaphore(%arg7 : memref<!tpu.dma_semaphore, #tpu.memory_space<semaphore_mem>>) src(%arg5 : memref<53248xf32, #tpu.memory_space<vmem>>) dst(%dma_wait3A_47 : memref<53248xf32, #tpu.memory_space<hbm>>)
        } else {
        }
        %dma_wait3A = arith.constant 0 : i32
        %dma_wait3A_33 = tpu.memref_slice %arg2[%dma_wait3A, %mul3A_24] : memref<32x1000000xf32, #tpu.memory_space<hbm>> -> memref<32x1664xf32, #tpu.memory_space<hbm>>
        %dma_wait3A_34 = arith.constant 0 : i32
        %dma_wait3A_35 = tpu.memref_slice %arg2[%dma_wait3A_34, %mul3A_24] : memref<32x1000000xf32, #tpu.memory_space<hbm>> -> memref<32x1664xf32, #tpu.memory_space<hbm>>
        tpu.wait_dma2 semaphore(%arg6 : memref<!tpu.dma_semaphore, #tpu.memory_space<semaphore_mem>>) src(%dma_wait3A_35 : memref<32x1664xf32, #tpu.memory_space<hbm>>) dst(%arg4 : memref<32x1664xf32, #tpu.memory_space<vmem>>)
        %parallel_loop3A = arith.constant 0 : i32
        %parallel_loop3A_36 = arith.constant 104 : i32
        %parallel_loop3A_37 = arith.constant 1 : i32
        scf.for %parallel_loop3A_42 = %parallel_loop3A to %parallel_loop3A_36 step %parallel_loop3A_37  : i32 {
          %parallel_loop3A_43 = arith.constant 16 : i32
          %parallel_loop3A_44 = arith.muli %parallel_loop3A_42, %parallel_loop3A_43 : i32
          %parallel_loop3A_45 = vector.broadcast %parallel_loop3A_44 : i32 to vector<16xi32>
          %parallel_loop3A_46 = arith.addi %parallel_loop3A_45, %iota3A : vector<16xi32>
          %parallel_loop3A_47 = arith.constant 512 : i32
          %parallel_loop3A_48 = arith.muli %parallel_loop3A_42, %parallel_loop3A_47 : i32
          %parallel_loop3A_49 = arith.constant 0 : i32
          %parallel_loop3A_50 = vector.broadcast %parallel_loop3A_49 : i32 to vector<16xi32>
          %parallel_loop3A_51 = arith.addi %iota3A, %parallel_loop3A_50 : vector<16xi32>
          %parallel_loop3A_52 = arith.constant 31 : i32
          %parallel_loop3A_53 = vector.broadcast %parallel_loop3A_52 : i32 to vector<16xi32>
          %parallel_loop3A_54 = arith.andi %parallel_loop3A_51, %parallel_loop3A_53 : vector<16xi32>
          %parallel_loop3A_55 = tpu.vector_load_idx %arg4[%parallel_loop3A_54, %parallel_loop3A_46] : memref<32x1664xf32, #tpu.memory_space<vmem>>[vector<16xi32>, vector<16xi32>], vector<16xf32>,
          %parallel_loop3A_56 = arith.addi %mul3A_3, %parallel_loop3A_54 : vector<16xi32>
          %parallel_loop3A_57 = vector.broadcast %parallel_loop3A_48 : i32 to vector<16xi32>
          %parallel_loop3A_58 = arith.addi %parallel_loop3A_56, %parallel_loop3A_57 : vector<16xi32>
          tpu.vector_store_idx %arg5[%parallel_loop3A_58], %parallel_loop3A_55 : memref<53248xf32, #tpu.memory_space<vmem>>[vector<16xi32>], vector<16xf32>,
          %parallel_loop3A_59 = arith.constant 1 : i32
          %parallel_loop3A_60 = vector.broadcast %parallel_loop3A_59 : i32 to vector<16xi32>
          %parallel_loop3A_61 = arith.addi %iota3A, %parallel_loop3A_60 : vector<16xi32>
          %parallel_loop3A_62 = arith.constant 31 : i32
          %parallel_loop3A_63 = vector.broadcast %parallel_loop3A_62 : i32 to vector<16xi32>
          %parallel_loop3A_64 = arith.andi %parallel_loop3A_61, %parallel_loop3A_63 : vector<16xi32>
          %parallel_loop3A_65 = tpu.vector_load_idx %arg4[%parallel_loop3A_64, %parallel_loop3A_46] : memref<32x1664xf32, #tpu.memory_space<vmem>>[vector<16xi32>, vector<16xi32>], vector<16xf32>,
          %parallel_loop3A_66 = arith.addi %mul3A_3, %parallel_loop3A_64 : vector<16xi32>
          %parallel_loop3A_67 = vector.broadcast %parallel_loop3A_48 : i32 to vector<16xi32>
          %parallel_loop3A_68 = arith.addi %parallel_loop3A_66, %parallel_loop3A_67 : vector<16xi32>
          tpu.vector_store_idx %arg5[%parallel_loop3A_68], %parallel_loop3A_65 : memref<53248xf32, #tpu.memory_space<vmem>>[vector<16xi32>], vector<16xf32>,
          %parallel_loop3A_69 = arith.constant 2 : i32
          %parallel_loop3A_70 = vector.broadcast %parallel_loop3A_69 : i32 to vector<16xi32>
          %parallel_loop3A_71 = arith.addi %iota3A, %parallel_loop3A_70 : vector<16xi32>
          %parallel_loop3A_72 = arith.constant 31 : i32
          %parallel_loop3A_73 = vector.broadcast %parallel_loop3A_72 : i32 to vector<16xi32>
          %parallel_loop3A_74 = arith.andi %parallel_loop3A_71, %parallel_loop3A_73 : vector<16xi32>
          %parallel_loop3A_75 = tpu.vector_load_idx %arg4[%parallel_loop3A_74, %parallel_loop3A_46] : memref<32x1664xf32, #tpu.memory_space<vmem>>[vector<16xi32>, vector<16xi32>], vector<16xf32>,
          %parallel_loop3A_76 = arith.addi %mul3A_3, %parallel_loop3A_74 : vector<16xi32>
          %parallel_loop3A_77 = vector.broadcast %parallel_loop3A_48 : i32 to vector<16xi32>
          %parallel_loop3A_78 = arith.addi %parallel_loop3A_76, %parallel_loop3A_77 : vector<16xi32>
          tpu.vector_store_idx %arg5[%parallel_loop3A_78], %parallel_loop3A_75 : memref<53248xf32, #tpu.memory_space<vmem>>[vector<16xi32>], vector<16xf32>,
          %parallel_loop3A_79 = arith.constant 3 : i32
          %parallel_loop3A_80 = vector.broadcast %parallel_loop3A_79 : i32 to vector<16xi32>
          %parallel_loop3A_81 = arith.addi %iota3A, %parallel_loop3A_80 : vector<16xi32>
          %parallel_loop3A_82 = arith.constant 31 : i32
          %parallel_loop3A_83 = vector.broadcast %parallel_loop3A_82 : i32 to vector<16xi32>
          %parallel_loop3A_84 = arith.andi %parallel_loop3A_81, %parallel_loop3A_83 : vector<16xi32>
          %parallel_loop3A_85 = tpu.vector_load_idx %arg4[%parallel_loop3A_84, %parallel_loop3A_46] : memref<32x1664xf32, #tpu.memory_space<vmem>>[vector<16xi32>, vector<16xi32>], vector<16xf32>,
          %parallel_loop3A_86 = arith.addi %mul3A_3, %parallel_loop3A_84 : vector<16xi32>
          %parallel_loop3A_87 = vector.broadcast %parallel_loop3A_48 : i32 to vector<16xi32>
          %parallel_loop3A_88 = arith.addi %parallel_loop3A_86, %parallel_loop3A_87 : vector<16xi32>
          tpu.vector_store_idx %arg5[%parallel_loop3A_88], %parallel_loop3A_85 : memref<53248xf32, #tpu.memory_space<vmem>>[vector<16xi32>], vector<16xf32>,
          %parallel_loop3A_89 = arith.constant 4 : i32
          %parallel_loop3A_90 = vector.broadcast %parallel_loop3A_89 : i32 to vector<16xi32>
          %parallel_loop3A_91 = arith.addi %iota3A, %parallel_loop3A_90 : vector<16xi32>
          %parallel_loop3A_92 = arith.constant 31 : i32
          %parallel_loop3A_93 = vector.broadcast %parallel_loop3A_92 : i32 to vector<16xi32>
          %parallel_loop3A_94 = arith.andi %parallel_loop3A_91, %parallel_loop3A_93 : vector<16xi32>
          %parallel_loop3A_95 = tpu.vector_load_idx %arg4[%parallel_loop3A_94, %parallel_loop3A_46] : memref<32x1664xf32, #tpu.memory_space<vmem>>[vector<16xi32>, vector<16xi32>], vector<16xf32>,
          %parallel_loop3A_96 = arith.addi %mul3A_3, %parallel_loop3A_94 : vector<16xi32>
          %parallel_loop3A_97 = vector.broadcast %parallel_loop3A_48 : i32 to vector<16xi32>
          %parallel_loop3A_98 = arith.addi %parallel_loop3A_96, %parallel_loop3A_97 : vector<16xi32>
          tpu.vector_store_idx %arg5[%parallel_loop3A_98], %parallel_loop3A_95 : memref<53248xf32, #tpu.memory_space<vmem>>[vector<16xi32>], vector<16xf32>,
          %parallel_loop3A_99 = arith.constant 5 : i32
          %parallel_loop3A_100 = vector.broadcast %parallel_loop3A_99 : i32 to vector<16xi32>
          %parallel_loop3A_101 = arith.addi %iota3A, %parallel_loop3A_100 : vector<16xi32>
          %parallel_loop3A_102 = arith.constant 31 : i32
          %parallel_loop3A_103 = vector.broadcast %parallel_loop3A_102 : i32 to vector<16xi32>
          %parallel_loop3A_104 = arith.andi %parallel_loop3A_101, %parallel_loop3A_103 : vector<16xi32>
          %parallel_loop3A_105 = tpu.vector_load_idx %arg4[%parallel_loop3A_104, %parallel_loop3A_46] : memref<32x1664xf32, #tpu.memory_space<vmem>>[vector<16xi32>, vector<16xi32>], vector<16xf32>,
          %parallel_loop3A_106 = arith.addi %mul3A_3, %parallel_loop3A_104 : vector<16xi32>
          %parallel_loop3A_107 = vector.broadcast %parallel_loop3A_48 : i32 to vector<16xi32>
          %parallel_loop3A_108 = arith.addi %parallel_loop3A_106, %parallel_loop3A_107 : vector<16xi32>
          tpu.vector_store_idx %arg5[%parallel_loop3A_108], %parallel_loop3A_105 : memref<53248xf32, #tpu.memory_space<vmem>>[vector<16xi32>], vector<16xf32>,
          %parallel_loop3A_109 = arith.constant 6 : i32
          %parallel_loop3A_110 = vector.broadcast %parallel_loop3A_109 : i32 to vector<16xi32>
          %parallel_loop3A_111 = arith.addi %iota3A, %parallel_loop3A_110 : vector<16xi32>
          %parallel_loop3A_112 = arith.constant 31 : i32
          %parallel_loop3A_113 = vector.broadcast %parallel_loop3A_112 : i32 to vector<16xi32>
          %parallel_loop3A_114 = arith.andi %parallel_loop3A_111, %parallel_loop3A_113 : vector<16xi32>
          %parallel_loop3A_115 = tpu.vector_load_idx %arg4[%parallel_loop3A_114, %parallel_loop3A_46] : memref<32x1664xf32, #tpu.memory_space<vmem>>[vector<16xi32>, vector<16xi32>], vector<16xf32>,
          %parallel_loop3A_116 = arith.addi %mul3A_3, %parallel_loop3A_114 : vector<16xi32>
          %parallel_loop3A_117 = vector.broadcast %parallel_loop3A_48 : i32 to vector<16xi32>
          %parallel_loop3A_118 = arith.addi %parallel_loop3A_116, %parallel_loop3A_117 : vector<16xi32>
          tpu.vector_store_idx %arg5[%parallel_loop3A_118], %parallel_loop3A_115 : memref<53248xf32, #tpu.memory_space<vmem>>[vector<16xi32>], vector<16xf32>,
          %parallel_loop3A_119 = arith.constant 7 : i32
          %parallel_loop3A_120 = vector.broadcast %parallel_loop3A_119 : i32 to vector<16xi32>
          %parallel_loop3A_121 = arith.addi %iota3A, %parallel_loop3A_120 : vector<16xi32>
          %parallel_loop3A_122 = arith.constant 31 : i32
          %parallel_loop3A_123 = vector.broadcast %parallel_loop3A_122 : i32 to vector<16xi32>
          %parallel_loop3A_124 = arith.andi %parallel_loop3A_121, %parallel_loop3A_123 : vector<16xi32>
          %parallel_loop3A_125 = tpu.vector_load_idx %arg4[%parallel_loop3A_124, %parallel_loop3A_46] : memref<32x1664xf32, #tpu.memory_space<vmem>>[vector<16xi32>, vector<16xi32>], vector<16xf32>,
          %parallel_loop3A_126 = arith.addi %mul3A_3, %parallel_loop3A_124 : vector<16xi32>
          %parallel_loop3A_127 = vector.broadcast %parallel_loop3A_48 : i32 to vector<16xi32>
          %parallel_loop3A_128 = arith.addi %parallel_loop3A_126, %parallel_loop3A_127 : vector<16xi32>
          tpu.vector_store_idx %arg5[%parallel_loop3A_128], %parallel_loop3A_125 : memref<53248xf32, #tpu.memory_space<vmem>>[vector<16xi32>], vector<16xf32>,
          %parallel_loop3A_129 = arith.constant 8 : i32
          %parallel_loop3A_130 = vector.broadcast %parallel_loop3A_129 : i32 to vector<16xi32>
          %parallel_loop3A_131 = arith.addi %iota3A, %parallel_loop3A_130 : vector<16xi32>
          %parallel_loop3A_132 = arith.constant 31 : i32
          %parallel_loop3A_133 = vector.broadcast %parallel_loop3A_132 : i32 to vector<16xi32>
          %parallel_loop3A_134 = arith.andi %parallel_loop3A_131, %parallel_loop3A_133 : vector<16xi32>
          %parallel_loop3A_135 = tpu.vector_load_idx %arg4[%parallel_loop3A_134, %parallel_loop3A_46] : memref<32x1664xf32, #tpu.memory_space<vmem>>[vector<16xi32>, vector<16xi32>], vector<16xf32>,
          %parallel_loop3A_136 = arith.addi %mul3A_3, %parallel_loop3A_134 : vector<16xi32>
          %parallel_loop3A_137 = vector.broadcast %parallel_loop3A_48 : i32 to vector<16xi32>
          %parallel_loop3A_138 = arith.addi %parallel_loop3A_136, %parallel_loop3A_137 : vector<16xi32>
          tpu.vector_store_idx %arg5[%parallel_loop3A_138], %parallel_loop3A_135 : memref<53248xf32, #tpu.memory_space<vmem>>[vector<16xi32>], vector<16xf32>,
          %parallel_loop3A_139 = arith.constant 9 : i32
          %parallel_loop3A_140 = vector.broadcast %parallel_loop3A_139 : i32 to vector<16xi32>
          %parallel_loop3A_141 = arith.addi %iota3A, %parallel_loop3A_140 : vector<16xi32>
          %parallel_loop3A_142 = arith.constant 31 : i32
          %parallel_loop3A_143 = vector.broadcast %parallel_loop3A_142 : i32 to vector<16xi32>
          %parallel_loop3A_144 = arith.andi %parallel_loop3A_141, %parallel_loop3A_143 : vector<16xi32>
          %parallel_loop3A_145 = tpu.vector_load_idx %arg4[%parallel_loop3A_144, %parallel_loop3A_46] : memref<32x1664xf32, #tpu.memory_space<vmem>>[vector<16xi32>, vector<16xi32>], vector<16xf32>,
          %parallel_loop3A_146 = arith.addi %mul3A_3, %parallel_loop3A_144 : vector<16xi32>
          %parallel_loop3A_147 = vector.broadcast %parallel_loop3A_48 : i32 to vector<16xi32>
          %parallel_loop3A_148 = arith.addi %parallel_loop3A_146, %parallel_loop3A_147 : vector<16xi32>
          tpu.vector_store_idx %arg5[%parallel_loop3A_148], %parallel_loop3A_145 : memref<53248xf32, #tpu.memory_space<vmem>>[vector<16xi32>], vector<16xf32>,
          %parallel_loop3A_149 = arith.constant 10 : i32
          %parallel_loop3A_150 = vector.broadcast %parallel_loop3A_149 : i32 to vector<16xi32>
          %parallel_loop3A_151 = arith.addi %iota3A, %parallel_loop3A_150 : vector<16xi32>
          %parallel_loop3A_152 = arith.constant 31 : i32
          %parallel_loop3A_153 = vector.broadcast %parallel_loop3A_152 : i32 to vector<16xi32>
          %parallel_loop3A_154 = arith.andi %parallel_loop3A_151, %parallel_loop3A_153 : vector<16xi32>
          %parallel_loop3A_155 = tpu.vector_load_idx %arg4[%parallel_loop3A_154, %parallel_loop3A_46] : memref<32x1664xf32, #tpu.memory_space<vmem>>[vector<16xi32>, vector<16xi32>], vector<16xf32>,
          %parallel_loop3A_156 = arith.addi %mul3A_3, %parallel_loop3A_154 : vector<16xi32>
          %parallel_loop3A_157 = vector.broadcast %parallel_loop3A_48 : i32 to vector<16xi32>
          %parallel_loop3A_158 = arith.addi %parallel_loop3A_156, %parallel_loop3A_157 : vector<16xi32>
          tpu.vector_store_idx %arg5[%parallel_loop3A_158], %parallel_loop3A_155 : memref<53248xf32, #tpu.memory_space<vmem>>[vector<16xi32>], vector<16xf32>,
          %parallel_loop3A_159 = arith.constant 11 : i32
          %parallel_loop3A_160 = vector.broadcast %parallel_loop3A_159 : i32 to vector<16xi32>
          %parallel_loop3A_161 = arith.addi %iota3A, %parallel_loop3A_160 : vector<16xi32>
          %parallel_loop3A_162 = arith.constant 31 : i32
          %parallel_loop3A_163 = vector.broadcast %parallel_loop3A_162 : i32 to vector<16xi32>
          %parallel_loop3A_164 = arith.andi %parallel_loop3A_161, %parallel_loop3A_163 : vector<16xi32>
          %parallel_loop3A_165 = tpu.vector_load_idx %arg4[%parallel_loop3A_164, %parallel_loop3A_46] : memref<32x1664xf32, #tpu.memory_space<vmem>>[vector<16xi32>, vector<16xi32>], vector<16xf32>,
          %parallel_loop3A_166 = arith.addi %mul3A_3, %parallel_loop3A_164 : vector<16xi32>
          %parallel_loop3A_167 = vector.broadcast %parallel_loop3A_48 : i32 to vector<16xi32>
          %parallel_loop3A_168 = arith.addi %parallel_loop3A_166, %parallel_loop3A_167 : vector<16xi32>
          tpu.vector_store_idx %arg5[%parallel_loop3A_168], %parallel_loop3A_165 : memref<53248xf32, #tpu.memory_space<vmem>>[vector<16xi32>], vector<16xf32>,
          %parallel_loop3A_169 = arith.constant 12 : i32
          %parallel_loop3A_170 = vector.broadcast %parallel_loop3A_169 : i32 to vector<16xi32>
          %parallel_loop3A_171 = arith.addi %iota3A, %parallel_loop3A_170 : vector<16xi32>
          %parallel_loop3A_172 = arith.constant 31 : i32
          %parallel_loop3A_173 = vector.broadcast %parallel_loop3A_172 : i32 to vector<16xi32>
          %parallel_loop3A_174 = arith.andi %parallel_loop3A_171, %parallel_loop3A_173 : vector<16xi32>
          %parallel_loop3A_175 = tpu.vector_load_idx %arg4[%parallel_loop3A_174, %parallel_loop3A_46] : memref<32x1664xf32, #tpu.memory_space<vmem>>[vector<16xi32>, vector<16xi32>], vector<16xf32>,
          %parallel_loop3A_176 = arith.addi %mul3A_3, %parallel_loop3A_174 : vector<16xi32>
          %parallel_loop3A_177 = vector.broadcast %parallel_loop3A_48 : i32 to vector<16xi32>
          %parallel_loop3A_178 = arith.addi %parallel_loop3A_176, %parallel_loop3A_177 : vector<16xi32>
          tpu.vector_store_idx %arg5[%parallel_loop3A_178], %parallel_loop3A_175 : memref<53248xf32, #tpu.memory_space<vmem>>[vector<16xi32>], vector<16xf32>,
          %parallel_loop3A_179 = arith.constant 13 : i32
          %parallel_loop3A_180 = vector.broadcast %parallel_loop3A_179 : i32 to vector<16xi32>
          %parallel_loop3A_181 = arith.addi %iota3A, %parallel_loop3A_180 : vector<16xi32>
          %parallel_loop3A_182 = arith.constant 31 : i32
          %parallel_loop3A_183 = vector.broadcast %parallel_loop3A_182 : i32 to vector<16xi32>
          %parallel_loop3A_184 = arith.andi %parallel_loop3A_181, %parallel_loop3A_183 : vector<16xi32>
          %parallel_loop3A_185 = tpu.vector_load_idx %arg4[%parallel_loop3A_184, %parallel_loop3A_46] : memref<32x1664xf32, #tpu.memory_space<vmem>>[vector<16xi32>, vector<16xi32>], vector<16xf32>,
          %parallel_loop3A_186 = arith.addi %mul3A_3, %parallel_loop3A_184 : vector<16xi32>
          %parallel_loop3A_187 = vector.broadcast %parallel_loop3A_48 : i32 to vector<16xi32>
          %parallel_loop3A_188 = arith.addi %parallel_loop3A_186, %parallel_loop3A_187 : vector<16xi32>
          tpu.vector_store_idx %arg5[%parallel_loop3A_188], %parallel_loop3A_185 : memref<53248xf32, #tpu.memory_space<vmem>>[vector<16xi32>], vector<16xf32>,
          %parallel_loop3A_189 = arith.constant 14 : i32
          %parallel_loop3A_190 = vector.broadcast %parallel_loop3A_189 : i32 to vector<16xi32>
          %parallel_loop3A_191 = arith.addi %iota3A, %parallel_loop3A_190 : vector<16xi32>
          %parallel_loop3A_192 = arith.constant 31 : i32
          %parallel_loop3A_193 = vector.broadcast %parallel_loop3A_192 : i32 to vector<16xi32>
          %parallel_loop3A_194 = arith.andi %parallel_loop3A_191, %parallel_loop3A_193 : vector<16xi32>
          %parallel_loop3A_195 = tpu.vector_load_idx %arg4[%parallel_loop3A_194, %parallel_loop3A_46] : memref<32x1664xf32, #tpu.memory_space<vmem>>[vector<16xi32>, vector<16xi32>], vector<16xf32>,
          %parallel_loop3A_196 = arith.addi %mul3A_3, %parallel_loop3A_194 : vector<16xi32>
          %parallel_loop3A_197 = vector.broadcast %parallel_loop3A_48 : i32 to vector<16xi32>
          %parallel_loop3A_198 = arith.addi %parallel_loop3A_196, %parallel_loop3A_197 : vector<16xi32>
          tpu.vector_store_idx %arg5[%parallel_loop3A_198], %parallel_loop3A_195 : memref<53248xf32, #tpu.memory_space<vmem>>[vector<16xi32>], vector<16xf32>,
          %parallel_loop3A_199 = arith.constant 15 : i32
          %parallel_loop3A_200 = vector.broadcast %parallel_loop3A_199 : i32 to vector<16xi32>
          %parallel_loop3A_201 = arith.addi %iota3A, %parallel_loop3A_200 : vector<16xi32>
          %parallel_loop3A_202 = arith.constant 31 : i32
          %parallel_loop3A_203 = vector.broadcast %parallel_loop3A_202 : i32 to vector<16xi32>
          %parallel_loop3A_204 = arith.andi %parallel_loop3A_201, %parallel_loop3A_203 : vector<16xi32>
          %parallel_loop3A_205 = tpu.vector_load_idx %arg4[%parallel_loop3A_204, %parallel_loop3A_46] : memref<32x1664xf32, #tpu.memory_space<vmem>>[vector<16xi32>, vector<16xi32>], vector<16xf32>,
          %parallel_loop3A_206 = arith.addi %mul3A_3, %parallel_loop3A_204 : vector<16xi32>
          %parallel_loop3A_207 = vector.broadcast %parallel_loop3A_48 : i32 to vector<16xi32>
          %parallel_loop3A_208 = arith.addi %parallel_loop3A_206, %parallel_loop3A_207 : vector<16xi32>
          tpu.vector_store_idx %arg5[%parallel_loop3A_208], %parallel_loop3A_205 : memref<53248xf32, #tpu.memory_space<vmem>>[vector<16xi32>], vector<16xf32>,
          %parallel_loop3A_209 = arith.constant 16 : i32
          %parallel_loop3A_210 = vector.broadcast %parallel_loop3A_209 : i32 to vector<16xi32>
          %parallel_loop3A_211 = arith.addi %iota3A, %parallel_loop3A_210 : vector<16xi32>
          %parallel_loop3A_212 = arith.constant 31 : i32
          %parallel_loop3A_213 = vector.broadcast %parallel_loop3A_212 : i32 to vector<16xi32>
          %parallel_loop3A_214 = arith.andi %parallel_loop3A_211, %parallel_loop3A_213 : vector<16xi32>
          %parallel_loop3A_215 = tpu.vector_load_idx %arg4[%parallel_loop3A_214, %parallel_loop3A_46] : memref<32x1664xf32, #tpu.memory_space<vmem>>[vector<16xi32>, vector<16xi32>], vector<16xf32>,
          %parallel_loop3A_216 = arith.addi %mul3A_3, %parallel_loop3A_214 : vector<16xi32>
          %parallel_loop3A_217 = vector.broadcast %parallel_loop3A_48 : i32 to vector<16xi32>
          %parallel_loop3A_218 = arith.addi %parallel_loop3A_216, %parallel_loop3A_217 : vector<16xi32>
          tpu.vector_store_idx %arg5[%parallel_loop3A_218], %parallel_loop3A_215 : memref<53248xf32, #tpu.memory_space<vmem>>[vector<16xi32>], vector<16xf32>,
          %parallel_loop3A_219 = arith.constant 17 : i32
          %parallel_loop3A_220 = vector.broadcast %parallel_loop3A_219 : i32 to vector<16xi32>
          %parallel_loop3A_221 = arith.addi %iota3A, %parallel_loop3A_220 : vector<16xi32>
          %parallel_loop3A_222 = arith.constant 31 : i32
          %parallel_loop3A_223 = vector.broadcast %parallel_loop3A_222 : i32 to vector<16xi32>
          %parallel_loop3A_224 = arith.andi %parallel_loop3A_221, %parallel_loop3A_223 : vector<16xi32>
          %parallel_loop3A_225 = tpu.vector_load_idx %arg4[%parallel_loop3A_224, %parallel_loop3A_46] : memref<32x1664xf32, #tpu.memory_space<vmem>>[vector<16xi32>, vector<16xi32>], vector<16xf32>,
          %parallel_loop3A_226 = arith.addi %mul3A_3, %parallel_loop3A_224 : vector<16xi32>
          %parallel_loop3A_227 = vector.broadcast %parallel_loop3A_48 : i32 to vector<16xi32>
          %parallel_loop3A_228 = arith.addi %parallel_loop3A_226, %parallel_loop3A_227 : vector<16xi32>
          tpu.vector_store_idx %arg5[%parallel_loop3A_228], %parallel_loop3A_225 : memref<53248xf32, #tpu.memory_space<vmem>>[vector<16xi32>], vector<16xf32>,
          %parallel_loop3A_229 = arith.constant 18 : i32
          %parallel_loop3A_230 = vector.broadcast %parallel_loop3A_229 : i32 to vector<16xi32>
          %parallel_loop3A_231 = arith.addi %iota3A, %parallel_loop3A_230 : vector<16xi32>
          %parallel_loop3A_232 = arith.constant 31 : i32
          %parallel_loop3A_233 = vector.broadcast %parallel_loop3A_232 : i32 to vector<16xi32>
          %parallel_loop3A_234 = arith.andi %parallel_loop3A_231, %parallel_loop3A_233 : vector<16xi32>
          %parallel_loop3A_235 = tpu.vector_load_idx %arg4[%parallel_loop3A_234, %parallel_loop3A_46] : memref<32x1664xf32, #tpu.memory_space<vmem>>[vector<16xi32>, vector<16xi32>], vector<16xf32>,
          %parallel_loop3A_236 = arith.addi %mul3A_3, %parallel_loop3A_234 : vector<16xi32>
          %parallel_loop3A_237 = vector.broadcast %parallel_loop3A_48 : i32 to vector<16xi32>
          %parallel_loop3A_238 = arith.addi %parallel_loop3A_236, %parallel_loop3A_237 : vector<16xi32>
          tpu.vector_store_idx %arg5[%parallel_loop3A_238], %parallel_loop3A_235 : memref<53248xf32, #tpu.memory_space<vmem>>[vector<16xi32>], vector<16xf32>,
          %parallel_loop3A_239 = arith.constant 19 : i32
          %parallel_loop3A_240 = vector.broadcast %parallel_loop3A_239 : i32 to vector<16xi32>
          %parallel_loop3A_241 = arith.addi %iota3A, %parallel_loop3A_240 : vector<16xi32>
          %parallel_loop3A_242 = arith.constant 31 : i32
          %parallel_loop3A_243 = vector.broadcast %parallel_loop3A_242 : i32 to vector<16xi32>
          %parallel_loop3A_244 = arith.andi %parallel_loop3A_241, %parallel_loop3A_243 : vector<16xi32>
          %parallel_loop3A_245 = tpu.vector_load_idx %arg4[%parallel_loop3A_244, %parallel_loop3A_46] : memref<32x1664xf32, #tpu.memory_space<vmem>>[vector<16xi32>, vector<16xi32>], vector<16xf32>,
          %parallel_loop3A_246 = arith.addi %mul3A_3, %parallel_loop3A_244 : vector<16xi32>
          %parallel_loop3A_247 = vector.broadcast %parallel_loop3A_48 : i32 to vector<16xi32>
          %parallel_loop3A_248 = arith.addi %parallel_loop3A_246, %parallel_loop3A_247 : vector<16xi32>
          tpu.vector_store_idx %arg5[%parallel_loop3A_248], %parallel_loop3A_245 : memref<53248xf32, #tpu.memory_space<vmem>>[vector<16xi32>], vector<16xf32>,
          %parallel_loop3A_249 = arith.constant 20 : i32
          %parallel_loop3A_250 = vector.broadcast %parallel_loop3A_249 : i32 to vector<16xi32>
          %parallel_loop3A_251 = arith.addi %iota3A, %parallel_loop3A_250 : vector<16xi32>
          %parallel_loop3A_252 = arith.constant 31 : i32
          %parallel_loop3A_253 = vector.broadcast %parallel_loop3A_252 : i32 to vector<16xi32>
          %parallel_loop3A_254 = arith.andi %parallel_loop3A_251, %parallel_loop3A_253 : vector<16xi32>
          %parallel_loop3A_255 = tpu.vector_load_idx %arg4[%parallel_loop3A_254, %parallel_loop3A_46] : memref<32x1664xf32, #tpu.memory_space<vmem>>[vector<16xi32>, vector<16xi32>], vector<16xf32>,
          %parallel_loop3A_256 = arith.addi %mul3A_3, %parallel_loop3A_254 : vector<16xi32>
          %parallel_loop3A_257 = vector.broadcast %parallel_loop3A_48 : i32 to vector<16xi32>
          %parallel_loop3A_258 = arith.addi %parallel_loop3A_256, %parallel_loop3A_257 : vector<16xi32>
          tpu.vector_store_idx %arg5[%parallel_loop3A_258], %parallel_loop3A_255 : memref<53248xf32, #tpu.memory_space<vmem>>[vector<16xi32>], vector<16xf32>,
          %parallel_loop3A_259 = arith.constant 21 : i32
          %parallel_loop3A_260 = vector.broadcast %parallel_loop3A_259 : i32 to vector<16xi32>
          %parallel_loop3A_261 = arith.addi %iota3A, %parallel_loop3A_260 : vector<16xi32>
          %parallel_loop3A_262 = arith.constant 31 : i32
          %parallel_loop3A_263 = vector.broadcast %parallel_loop3A_262 : i32 to vector<16xi32>
          %parallel_loop3A_264 = arith.andi %parallel_loop3A_261, %parallel_loop3A_263 : vector<16xi32>
          %parallel_loop3A_265 = tpu.vector_load_idx %arg4[%parallel_loop3A_264, %parallel_loop3A_46] : memref<32x1664xf32, #tpu.memory_space<vmem>>[vector<16xi32>, vector<16xi32>], vector<16xf32>,
          %parallel_loop3A_266 = arith.addi %mul3A_3, %parallel_loop3A_264 : vector<16xi32>
          %parallel_loop3A_267 = vector.broadcast %parallel_loop3A_48 : i32 to vector<16xi32>
          %parallel_loop3A_268 = arith.addi %parallel_loop3A_266, %parallel_loop3A_267 : vector<16xi32>
          tpu.vector_store_idx %arg5[%parallel_loop3A_268], %parallel_loop3A_265 : memref<53248xf32, #tpu.memory_space<vmem>>[vector<16xi32>], vector<16xf32>,
          %parallel_loop3A_269 = arith.constant 22 : i32
          %parallel_loop3A_270 = vector.broadcast %parallel_loop3A_269 : i32 to vector<16xi32>
          %parallel_loop3A_271 = arith.addi %iota3A, %parallel_loop3A_270 : vector<16xi32>
          %parallel_loop3A_272 = arith.constant 31 : i32
          %parallel_loop3A_273 = vector.broadcast %parallel_loop3A_272 : i32 to vector<16xi32>
          %parallel_loop3A_274 = arith.andi %parallel_loop3A_271, %parallel_loop3A_273 : vector<16xi32>
          %parallel_loop3A_275 = tpu.vector_load_idx %arg4[%parallel_loop3A_274, %parallel_loop3A_46] : memref<32x1664xf32, #tpu.memory_space<vmem>>[vector<16xi32>, vector<16xi32>], vector<16xf32>,
          %parallel_loop3A_276 = arith.addi %mul3A_3, %parallel_loop3A_274 : vector<16xi32>
          %parallel_loop3A_277 = vector.broadcast %parallel_loop3A_48 : i32 to vector<16xi32>
          %parallel_loop3A_278 = arith.addi %parallel_loop3A_276, %parallel_loop3A_277 : vector<16xi32>
          tpu.vector_store_idx %arg5[%parallel_loop3A_278], %parallel_loop3A_275 : memref<53248xf32, #tpu.memory_space<vmem>>[vector<16xi32>], vector<16xf32>,
          %parallel_loop3A_279 = arith.constant 23 : i32
          %parallel_loop3A_280 = vector.broadcast %parallel_loop3A_279 : i32 to vector<16xi32>
          %parallel_loop3A_281 = arith.addi %iota3A, %parallel_loop3A_280 : vector<16xi32>
          %parallel_loop3A_282 = arith.constant 31 : i32
          %parallel_loop3A_283 = vector.broadcast %parallel_loop3A_282 : i32 to vector<16xi32>
          %parallel_loop3A_284 = arith.andi %parallel_loop3A_281, %parallel_loop3A_283 : vector<16xi32>
          %parallel_loop3A_285 = tpu.vector_load_idx %arg4[%parallel_loop3A_284, %parallel_loop3A_46] : memref<32x1664xf32, #tpu.memory_space<vmem>>[vector<16xi32>, vector<16xi32>], vector<16xf32>,
          %parallel_loop3A_286 = arith.addi %mul3A_3, %parallel_loop3A_284 : vector<16xi32>
          %parallel_loop3A_287 = vector.broadcast %parallel_loop3A_48 : i32 to vector<16xi32>
          %parallel_loop3A_288 = arith.addi %parallel_loop3A_286, %parallel_loop3A_287 : vector<16xi32>
          tpu.vector_store_idx %arg5[%parallel_loop3A_288], %parallel_loop3A_285 : memref<53248xf32, #tpu.memory_space<vmem>>[vector<16xi32>], vector<16xf32>,
          %parallel_loop3A_289 = arith.constant 24 : i32
          %parallel_loop3A_290 = vector.broadcast %parallel_loop3A_289 : i32 to vector<16xi32>
          %parallel_loop3A_291 = arith.addi %iota3A, %parallel_loop3A_290 : vector<16xi32>
          %parallel_loop3A_292 = arith.constant 31 : i32
          %parallel_loop3A_293 = vector.broadcast %parallel_loop3A_292 : i32 to vector<16xi32>
          %parallel_loop3A_294 = arith.andi %parallel_loop3A_291, %parallel_loop3A_293 : vector<16xi32>
          %parallel_loop3A_295 = tpu.vector_load_idx %arg4[%parallel_loop3A_294, %parallel_loop3A_46] : memref<32x1664xf32, #tpu.memory_space<vmem>>[vector<16xi32>, vector<16xi32>], vector<16xf32>,
          %parallel_loop3A_296 = arith.addi %mul3A_3, %parallel_loop3A_294 : vector<16xi32>
          %parallel_loop3A_297 = vector.broadcast %parallel_loop3A_48 : i32 to vector<16xi32>
          %parallel_loop3A_298 = arith.addi %parallel_loop3A_296, %parallel_loop3A_297 : vector<16xi32>
          tpu.vector_store_idx %arg5[%parallel_loop3A_298], %parallel_loop3A_295 : memref<53248xf32, #tpu.memory_space<vmem>>[vector<16xi32>], vector<16xf32>,
          %parallel_loop3A_299 = arith.constant 25 : i32
          %parallel_loop3A_300 = vector.broadcast %parallel_loop3A_299 : i32 to vector<16xi32>
          %parallel_loop3A_301 = arith.addi %iota3A, %parallel_loop3A_300 : vector<16xi32>
          %parallel_loop3A_302 = arith.constant 31 : i32
          %parallel_loop3A_303 = vector.broadcast %parallel_loop3A_302 : i32 to vector<16xi32>
          %parallel_loop3A_304 = arith.andi %parallel_loop3A_301, %parallel_loop3A_303 : vector<16xi32>
          %parallel_loop3A_305 = tpu.vector_load_idx %arg4[%parallel_loop3A_304, %parallel_loop3A_46] : memref<32x1664xf32, #tpu.memory_space<vmem>>[vector<16xi32>, vector<16xi32>], vector<16xf32>,
          %parallel_loop3A_306 = arith.addi %mul3A_3, %parallel_loop3A_304 : vector<16xi32>
          %parallel_loop3A_307 = vector.broadcast %parallel_loop3A_48 : i32 to vector<16xi32>
          %parallel_loop3A_308 = arith.addi %parallel_loop3A_306, %parallel_loop3A_307 : vector<16xi32>
          tpu.vector_store_idx %arg5[%parallel_loop3A_308], %parallel_loop3A_305 : memref<53248xf32, #tpu.memory_space<vmem>>[vector<16xi32>], vector<16xf32>,
          %parallel_loop3A_309 = arith.constant 26 : i32
          %parallel_loop3A_310 = vector.broadcast %parallel_loop3A_309 : i32 to vector<16xi32>
          %parallel_loop3A_311 = arith.addi %iota3A, %parallel_loop3A_310 : vector<16xi32>
          %parallel_loop3A_312 = arith.constant 31 : i32
          %parallel_loop3A_313 = vector.broadcast %parallel_loop3A_312 : i32 to vector<16xi32>
          %parallel_loop3A_314 = arith.andi %parallel_loop3A_311, %parallel_loop3A_313 : vector<16xi32>
          %parallel_loop3A_315 = tpu.vector_load_idx %arg4[%parallel_loop3A_314, %parallel_loop3A_46] : memref<32x1664xf32, #tpu.memory_space<vmem>>[vector<16xi32>, vector<16xi32>], vector<16xf32>,
          %parallel_loop3A_316 = arith.addi %mul3A_3, %parallel_loop3A_314 : vector<16xi32>
          %parallel_loop3A_317 = vector.broadcast %parallel_loop3A_48 : i32 to vector<16xi32>
          %parallel_loop3A_318 = arith.addi %parallel_loop3A_316, %parallel_loop3A_317 : vector<16xi32>
          tpu.vector_store_idx %arg5[%parallel_loop3A_318], %parallel_loop3A_315 : memref<53248xf32, #tpu.memory_space<vmem>>[vector<16xi32>], vector<16xf32>,
          %parallel_loop3A_319 = arith.constant 27 : i32
          %parallel_loop3A_320 = vector.broadcast %parallel_loop3A_319 : i32 to vector<16xi32>
          %parallel_loop3A_321 = arith.addi %iota3A, %parallel_loop3A_320 : vector<16xi32>
          %parallel_loop3A_322 = arith.constant 31 : i32
          %parallel_loop3A_323 = vector.broadcast %parallel_loop3A_322 : i32 to vector<16xi32>
          %parallel_loop3A_324 = arith.andi %parallel_loop3A_321, %parallel_loop3A_323 : vector<16xi32>
          %parallel_loop3A_325 = tpu.vector_load_idx %arg4[%parallel_loop3A_324, %parallel_loop3A_46] : memref<32x1664xf32, #tpu.memory_space<vmem>>[vector<16xi32>, vector<16xi32>], vector<16xf32>,
          %parallel_loop3A_326 = arith.addi %mul3A_3, %parallel_loop3A_324 : vector<16xi32>
          %parallel_loop3A_327 = vector.broadcast %parallel_loop3A_48 : i32 to vector<16xi32>
          %parallel_loop3A_328 = arith.addi %parallel_loop3A_326, %parallel_loop3A_327 : vector<16xi32>
          tpu.vector_store_idx %arg5[%parallel_loop3A_328], %parallel_loop3A_325 : memref<53248xf32, #tpu.memory_space<vmem>>[vector<16xi32>], vector<16xf32>,
          %parallel_loop3A_329 = arith.constant 28 : i32
          %parallel_loop3A_330 = vector.broadcast %parallel_loop3A_329 : i32 to vector<16xi32>
          %parallel_loop3A_331 = arith.addi %iota3A, %parallel_loop3A_330 : vector<16xi32>
          %parallel_loop3A_332 = arith.constant 31 : i32
          %parallel_loop3A_333 = vector.broadcast %parallel_loop3A_332 : i32 to vector<16xi32>
          %parallel_loop3A_334 = arith.andi %parallel_loop3A_331, %parallel_loop3A_333 : vector<16xi32>
          %parallel_loop3A_335 = tpu.vector_load_idx %arg4[%parallel_loop3A_334, %parallel_loop3A_46] : memref<32x1664xf32, #tpu.memory_space<vmem>>[vector<16xi32>, vector<16xi32>], vector<16xf32>,
          %parallel_loop3A_336 = arith.addi %mul3A_3, %parallel_loop3A_334 : vector<16xi32>
          %parallel_loop3A_337 = vector.broadcast %parallel_loop3A_48 : i32 to vector<16xi32>
          %parallel_loop3A_338 = arith.addi %parallel_loop3A_336, %parallel_loop3A_337 : vector<16xi32>
          tpu.vector_store_idx %arg5[%parallel_loop3A_338], %parallel_loop3A_335 : memref<53248xf32, #tpu.memory_space<vmem>>[vector<16xi32>], vector<16xf32>,
          %parallel_loop3A_339 = arith.constant 29 : i32
          %parallel_loop3A_340 = vector.broadcast %parallel_loop3A_339 : i32 to vector<16xi32>
          %parallel_loop3A_341 = arith.addi %iota3A, %parallel_loop3A_340 : vector<16xi32>
          %parallel_loop3A_342 = arith.constant 31 : i32
          %parallel_loop3A_343 = vector.broadcast %parallel_loop3A_342 : i32 to vector<16xi32>
          %parallel_loop3A_344 = arith.andi %parallel_loop3A_341, %parallel_loop3A_343 : vector<16xi32>
          %parallel_loop3A_345 = tpu.vector_load_idx %arg4[%parallel_loop3A_344, %parallel_loop3A_46] : memref<32x1664xf32, #tpu.memory_space<vmem>>[vector<16xi32>, vector<16xi32>], vector<16xf32>,
          %parallel_loop3A_346 = arith.addi %mul3A_3, %parallel_loop3A_344 : vector<16xi32>
          %parallel_loop3A_347 = vector.broadcast %parallel_loop3A_48 : i32 to vector<16xi32>
          %parallel_loop3A_348 = arith.addi %parallel_loop3A_346, %parallel_loop3A_347 : vector<16xi32>
          tpu.vector_store_idx %arg5[%parallel_loop3A_348], %parallel_loop3A_345 : memref<53248xf32, #tpu.memory_space<vmem>>[vector<16xi32>], vector<16xf32>,
          %parallel_loop3A_349 = arith.constant 30 : i32
          %parallel_loop3A_350 = vector.broadcast %parallel_loop3A_349 : i32 to vector<16xi32>
          %parallel_loop3A_351 = arith.addi %iota3A, %parallel_loop3A_350 : vector<16xi32>
          %parallel_loop3A_352 = arith.constant 31 : i32
          %parallel_loop3A_353 = vector.broadcast %parallel_loop3A_352 : i32 to vector<16xi32>
          %parallel_loop3A_354 = arith.andi %parallel_loop3A_351, %parallel_loop3A_353 : vector<16xi32>
          %parallel_loop3A_355 = tpu.vector_load_idx %arg4[%parallel_loop3A_354, %parallel_loop3A_46] : memref<32x1664xf32, #tpu.memory_space<vmem>>[vector<16xi32>, vector<16xi32>], vector<16xf32>,
          %parallel_loop3A_356 = arith.addi %mul3A_3, %parallel_loop3A_354 : vector<16xi32>
          %parallel_loop3A_357 = vector.broadcast %parallel_loop3A_48 : i32 to vector<16xi32>
          %parallel_loop3A_358 = arith.addi %parallel_loop3A_356, %parallel_loop3A_357 : vector<16xi32>
          tpu.vector_store_idx %arg5[%parallel_loop3A_358], %parallel_loop3A_355 : memref<53248xf32, #tpu.memory_space<vmem>>[vector<16xi32>], vector<16xf32>,
          %parallel_loop3A_359 = arith.constant 31 : i32
          %parallel_loop3A_360 = vector.broadcast %parallel_loop3A_359 : i32 to vector<16xi32>
          %parallel_loop3A_361 = arith.addi %iota3A, %parallel_loop3A_360 : vector<16xi32>
          %parallel_loop3A_362 = arith.constant 31 : i32
          %parallel_loop3A_363 = vector.broadcast %parallel_loop3A_362 : i32 to vector<16xi32>
          %parallel_loop3A_364 = arith.andi %parallel_loop3A_361, %parallel_loop3A_363 : vector<16xi32>
          %parallel_loop3A_365 = tpu.vector_load_idx %arg4[%parallel_loop3A_364, %parallel_loop3A_46] : memref<32x1664xf32, #tpu.memory_space<vmem>>[vector<16xi32>, vector<16xi32>], vector<16xf32>,
          %parallel_loop3A_366 = arith.addi %mul3A_3, %parallel_loop3A_364 : vector<16xi32>
          %parallel_loop3A_367 = vector.broadcast %parallel_loop3A_48 : i32 to vector<16xi32>
          %parallel_loop3A_368 = arith.addi %parallel_loop3A_366, %parallel_loop3A_367 : vector<16xi32>
          tpu.vector_store_idx %arg5[%parallel_loop3A_368], %parallel_loop3A_365 : memref<53248xf32, #tpu.memory_space<vmem>>[vector<16xi32>], vector<16xf32>,
        } {sc.loop_unroll_factor = 4 : i64, sc.parallel_access}
        %mul3A_38 = arith.constant 53248 : i32
        %mul3A_39 = arith.muli %add3A_18, %mul3A_38 : i32
        %dma_start3A_40 = tpu.memref_slice %arg3[%mul3A_39] : memref<32002048xf32, #tpu.memory_space<hbm>> -> memref<53248xf32, #tpu.memory_space<hbm>>
        %dma_start3A_41 = tpu.memref_slice %arg3[%mul3A_39] : memref<32002048xf32, #tpu.memory_space<hbm>> -> memref<53248xf32, #tpu.memory_space<hbm>>
        tpu.enqueue_dma source(%arg5 : memref<53248xf32, #tpu.memory_space<vmem>>) target(%dma_start3A_41 : memref<53248xf32, #tpu.memory_space<hbm>>) target_semaphore(%arg7 : memref<!tpu.dma_semaphore, #tpu.memory_space<semaphore_mem>>)
      } else {
      }
    }
    %scan3A_8 = arith.constant 19 : i32
    %mul3A_9 = arith.constant 19 : i32
    %mul3A_10 = arith.muli %add3A, %mul3A_9 : i32
    %sub3A = arith.constant 601 : i32
    %sub3A_11 = arith.subi %sub3A, %mul3A_10 : i32
    %min3A = arith.constant 19 : i32
    %min3A_12 = arith.minsi %sub3A_11, %min3A : i32
    %gt3A = arith.constant 0 : i32
    %gt3A_13 = arith.cmpi sgt, %min3A_12, %gt3A : i32
    %convert_element_type3A = arith.extui %gt3A_13 : i1 to i32
    %cond3A = arith.constant 0 : i32
    %cond3A_14 = arith.cmpi ne, %convert_element_type3A, %cond3A : i32
    scf.if %cond3A_14 {
      %mul3A_15 = arith.constant 19 : i32
      %mul3A_16 = arith.muli %add3A, %mul3A_15 : i32
      %add3A_17 = arith.addi %mul3A_16, %min3A_12 : i32
      %sub3A_18 = arith.constant 1 : i32
      %sub3A_19 = arith.subi %add3A_17, %sub3A_18 : i32
      %mul3A_20 = arith.constant 53248 : i32
      %mul3A_21 = arith.muli %sub3A_19, %mul3A_20 : i32
      %dma_wait3A = tpu.memref_slice %arg3[%mul3A_21] : memref<32002048xf32, #tpu.memory_space<hbm>> -> memref<53248xf32, #tpu.memory_space<hbm>>
      %dma_wait3A_22 = tpu.memref_slice %arg3[%mul3A_21] : memref<32002048xf32, #tpu.memory_space<hbm>> -> memref<53248xf32, #tpu.memory_space<hbm>>
      tpu.wait_dma2 semaphore(%arg7 : memref<!tpu.dma_semaphore, #tpu.memory_space<semaphore_mem>>) src(%arg5 : memref<53248xf32, #tpu.memory_space<vmem>>) dst(%dma_wait3A_22 : memref<53248xf32, #tpu.memory_space<hbm>>)
    } else {
    }
    return
  }
}

#map = affine_map<(d0, d1) -> (0)>
#map1 = affine_map<(d0, d1) -> (0, 0)>
#map2 = affine_map<(d0, d1) -> (0, 0, 0)>
module attributes {stable_mosaic.version = 14 : i64} {
  func.func @_sc_body(%arg0: i32, %arg1: i32, %arg2: memref<532480xi32, #tpu.memory_space<hbm>>, %arg3: memref<532480xi32, #tpu.memory_space<hbm>>, %arg4: memref<1000064x32xf32, #tpu.memory_space<hbm>>, %arg5: memref<2x26624x32xf32, #tpu.memory_space<hbm>>, %arg6: memref<2x26624xf32, #tpu.memory_space<hbm>>, %arg7: memref<26624x32xf32, #tpu.memory_space<vmem_shared>>, %arg8: memref<26624xf32, #tpu.memory_space<vmem_shared>>, %arg9: memref<16640xi32, #tpu.memory_space<vmem>>, %arg10: memref<16640xi32, #tpu.memory_space<vmem>>, %arg11: memref<2x416xi32, #tpu.memory_space<vmem>>, %arg12: memref<416xf32, #tpu.memory_space<vmem>>, %arg13: memref<2x416x32xf32, #tpu.memory_space<vmem>>, %arg14: memref<1664xf32, #tpu.memory_space<vmem>>, %arg15: memref<!tpu.dma_semaphore, #tpu.memory_space<semaphore_mem>>, %arg16: memref<!tpu.dma_semaphore, #tpu.memory_space<semaphore_mem>>) attributes {dimension_semantics = [#tpu.dimension_semantics<core_parallel>, #tpu.dimension_semantics<subcore_parallel>], iteration_bounds = array<i64: 2, 16>, scalar_prefetch = 0 : i64, scratch_operands = 10 : i64, tpu.core_type = #tpu.core_type<sc_vector_subcore>, window_params = [{transform_indices = #map}, {transform_indices = #map}, {transform_indices = #map1}, {transform_indices = #map2}, {transform_indices = #map1}]} {
    %mul3A = arith.constant 16 : i32
    %mul3A_0 = arith.muli %arg0, %mul3A : i32
    %add3A = arith.addi %mul3A_0, %arg1 : i32
    %mul3A_1 = arith.constant 16640 : i32
    %mul3A_2 = arith.muli %add3A, %mul3A_1 : i32
    %broadcast_in_dim3A = arith.constant 0.000000e+00 : f32
    %broadcast_in_dim3A_3 = vector.broadcast %broadcast_in_dim3A : f32 to vector<16xf32>
    %broadcast_in_dim3A_4 = arith.constant 1.000000e+00 : f32
    %broadcast_in_dim3A_5 = vector.broadcast %broadcast_in_dim3A_4 : f32 to vector<16xf32>
    %scan3A = arith.constant 0 : i32
    %scan3A_6 = arith.constant 0 : i32
    %scan3A_7 = arith.constant 416 : i32
    %scan3A_8 = arith.addi %scan3A_6, %scan3A_7 : i32
    %scan3A_9 = arith.constant 1 : i32
    scf.for %scan3A_379 = %scan3A_6 to %scan3A_8 step %scan3A_9  : i32 {
      %swap3A_380 = arith.constant 0 : i32
      %swap3A_381 = arith.index_cast %swap3A_380 : i32 to index
      %swap3A_382 = arith.index_cast %scan3A_379 : i32 to index
      %swap3A_383 = arith.constant 0 : index
      %swap3A_384 = tpu.vector_load %arg13[%swap3A_381, %swap3A_382, %swap3A_383] {strides = array<i32>} : memref<2x416x32xf32, #tpu.memory_space<vmem>>, vector<1x1x16xf32>,
      %swap3A_385 = vector.shape_cast %swap3A_384 : vector<1x1x16xf32> to vector<16xf32>
      %swap3A_386 = vector.shape_cast %broadcast_in_dim3A_3 : vector<16xf32> to vector<1x1x16xf32>
      tpu.vector_store %arg13[%swap3A_381, %swap3A_382, %swap3A_383], %swap3A_386 {strides = array<i32>} : memref<2x416x32xf32, #tpu.memory_space<vmem>>, vector<1x1x16xf32>,
      %swap3A_387 = arith.constant 0 : i32
      %swap3A_388 = arith.index_cast %swap3A_387 : i32 to index
      %swap3A_389 = arith.index_cast %scan3A_379 : i32 to index
      %swap3A_390 = arith.constant 16 : index
      %swap3A_391 = tpu.vector_load %arg13[%swap3A_388, %swap3A_389, %swap3A_390] {strides = array<i32>} : memref<2x416x32xf32, #tpu.memory_space<vmem>>, vector<1x1x16xf32>,
      %swap3A_392 = vector.shape_cast %swap3A_391 : vector<1x1x16xf32> to vector<16xf32>
      %swap3A_393 = vector.shape_cast %broadcast_in_dim3A_3 : vector<16xf32> to vector<1x1x16xf32>
      tpu.vector_store %arg13[%swap3A_388, %swap3A_389, %swap3A_390], %swap3A_393 {strides = array<i32>} : memref<2x416x32xf32, #tpu.memory_space<vmem>>, vector<1x1x16xf32>,
    }
    %scan3A_10 = arith.constant 416 : i32
    %scan3A_11 = arith.constant 0 : i32
    %scan3A_12 = arith.constant 0 : i32
    %scan3A_13 = arith.constant 104 : i32
    %scan3A_14 = arith.addi %scan3A_12, %scan3A_13 : i32
    %scan3A_15 = arith.constant 1 : i32
    scf.for %scan3A_379 = %scan3A_12 to %scan3A_14 step %scan3A_15  : i32 {
      %mul3A_380 = arith.constant 16 : i32
      %mul3A_381 = arith.muli %scan3A_379, %mul3A_380 : i32
      %swap3A_382 = arith.index_cast %mul3A_381 : i32 to index
      %swap3A_383 = tpu.vector_load %arg14[%swap3A_382] {strides = array<i32>} : memref<1664xf32, #tpu.memory_space<vmem>>, vector<16xf32>,
      %swap3A_384 = vector.shape_cast %swap3A_383 : vector<16xf32> to vector<16xf32>
      %swap3A_385 = vector.shape_cast %broadcast_in_dim3A_3 : vector<16xf32> to vector<16xf32>
      tpu.vector_store %arg14[%swap3A_382], %swap3A_385 {strides = array<i32>} : memref<1664xf32, #tpu.memory_space<vmem>>, vector<16xf32>,
    }
    %scan3A_16 = arith.constant 104 : i32
    %swap3A = arith.constant 0 : index
    %swap3A_17 = tpu.vector_load %arg12[%swap3A] {strides = array<i32>} : memref<416xf32, #tpu.memory_space<vmem>>, vector<16xf32>,
    %swap3A_18 = vector.shape_cast %swap3A_17 : vector<16xf32> to vector<16xf32>
    %swap3A_19 = vector.shape_cast %broadcast_in_dim3A_5 : vector<16xf32> to vector<16xf32>
    tpu.vector_store %arg12[%swap3A], %swap3A_19 {strides = array<i32>} : memref<416xf32, #tpu.memory_space<vmem>>, vector<16xf32>,
    %swap3A_20 = arith.constant 16 : index
    %swap3A_21 = tpu.vector_load %arg12[%swap3A_20] {strides = array<i32>} : memref<416xf32, #tpu.memory_space<vmem>>, vector<16xf32>,
    %swap3A_22 = vector.shape_cast %swap3A_21 : vector<16xf32> to vector<16xf32>
    %swap3A_23 = vector.shape_cast %broadcast_in_dim3A_5 : vector<16xf32> to vector<16xf32>
    tpu.vector_store %arg12[%swap3A_20], %swap3A_23 {strides = array<i32>} : memref<416xf32, #tpu.memory_space<vmem>>, vector<16xf32>,
    %swap3A_24 = arith.constant 32 : index
    %swap3A_25 = tpu.vector_load %arg12[%swap3A_24] {strides = array<i32>} : memref<416xf32, #tpu.memory_space<vmem>>, vector<16xf32>,
    %swap3A_26 = vector.shape_cast %swap3A_25 : vector<16xf32> to vector<16xf32>
    %swap3A_27 = vector.shape_cast %broadcast_in_dim3A_5 : vector<16xf32> to vector<16xf32>
    tpu.vector_store %arg12[%swap3A_24], %swap3A_27 {strides = array<i32>} : memref<416xf32, #tpu.memory_space<vmem>>, vector<16xf32>,
    %swap3A_28 = arith.constant 48 : index
    %swap3A_29 = tpu.vector_load %arg12[%swap3A_28] {strides = array<i32>} : memref<416xf32, #tpu.memory_space<vmem>>, vector<16xf32>,
    %swap3A_30 = vector.shape_cast %swap3A_29 : vector<16xf32> to vector<16xf32>
    %swap3A_31 = vector.shape_cast %broadcast_in_dim3A_5 : vector<16xf32> to vector<16xf32>
    tpu.vector_store %arg12[%swap3A_28], %swap3A_31 {strides = array<i32>} : memref<416xf32, #tpu.memory_space<vmem>>, vector<16xf32>,
    %swap3A_32 = arith.constant 64 : index
    %swap3A_33 = tpu.vector_load %arg12[%swap3A_32] {strides = array<i32>} : memref<416xf32, #tpu.memory_space<vmem>>, vector<16xf32>,
    %swap3A_34 = vector.shape_cast %swap3A_33 : vector<16xf32> to vector<16xf32>
    %swap3A_35 = vector.shape_cast %broadcast_in_dim3A_5 : vector<16xf32> to vector<16xf32>
    tpu.vector_store %arg12[%swap3A_32], %swap3A_35 {strides = array<i32>} : memref<416xf32, #tpu.memory_space<vmem>>, vector<16xf32>,
    %swap3A_36 = arith.constant 80 : index
    %swap3A_37 = tpu.vector_load %arg12[%swap3A_36] {strides = array<i32>} : memref<416xf32, #tpu.memory_space<vmem>>, vector<16xf32>,
    %swap3A_38 = vector.shape_cast %swap3A_37 : vector<16xf32> to vector<16xf32>
    %swap3A_39 = vector.shape_cast %broadcast_in_dim3A_5 : vector<16xf32> to vector<16xf32>
    tpu.vector_store %arg12[%swap3A_36], %swap3A_39 {strides = array<i32>} : memref<416xf32, #tpu.memory_space<vmem>>, vector<16xf32>,
    %swap3A_40 = arith.constant 96 : index
    %swap3A_41 = tpu.vector_load %arg12[%swap3A_40] {strides = array<i32>} : memref<416xf32, #tpu.memory_space<vmem>>, vector<16xf32>,
    %swap3A_42 = vector.shape_cast %swap3A_41 : vector<16xf32> to vector<16xf32>
    %swap3A_43 = vector.shape_cast %broadcast_in_dim3A_5 : vector<16xf32> to vector<16xf32>
    tpu.vector_store %arg12[%swap3A_40], %swap3A_43 {strides = array<i32>} : memref<416xf32, #tpu.memory_space<vmem>>, vector<16xf32>,
    %swap3A_44 = arith.constant 112 : index
    %swap3A_45 = tpu.vector_load %arg12[%swap3A_44] {strides = array<i32>} : memref<416xf32, #tpu.memory_space<vmem>>, vector<16xf32>,
    %swap3A_46 = vector.shape_cast %swap3A_45 : vector<16xf32> to vector<16xf32>
    %swap3A_47 = vector.shape_cast %broadcast_in_dim3A_5 : vector<16xf32> to vector<16xf32>
    tpu.vector_store %arg12[%swap3A_44], %swap3A_47 {strides = array<i32>} : memref<416xf32, #tpu.memory_space<vmem>>, vector<16xf32>,
    %swap3A_48 = arith.constant 128 : index
    %swap3A_49 = tpu.vector_load %arg12[%swap3A_48] {strides = array<i32>} : memref<416xf32, #tpu.memory_space<vmem>>, vector<16xf32>,
    %swap3A_50 = vector.shape_cast %swap3A_49 : vector<16xf32> to vector<16xf32>
    %swap3A_51 = vector.shape_cast %broadcast_in_dim3A_5 : vector<16xf32> to vector<16xf32>
    tpu.vector_store %arg12[%swap3A_48], %swap3A_51 {strides = array<i32>} : memref<416xf32, #tpu.memory_space<vmem>>, vector<16xf32>,
    %swap3A_52 = arith.constant 144 : index
    %swap3A_53 = tpu.vector_load %arg12[%swap3A_52] {strides = array<i32>} : memref<416xf32, #tpu.memory_space<vmem>>, vector<16xf32>,
    %swap3A_54 = vector.shape_cast %swap3A_53 : vector<16xf32> to vector<16xf32>
    %swap3A_55 = vector.shape_cast %broadcast_in_dim3A_5 : vector<16xf32> to vector<16xf32>
    tpu.vector_store %arg12[%swap3A_52], %swap3A_55 {strides = array<i32>} : memref<416xf32, #tpu.memory_space<vmem>>, vector<16xf32>,
    %swap3A_56 = arith.constant 160 : index
    %swap3A_57 = tpu.vector_load %arg12[%swap3A_56] {strides = array<i32>} : memref<416xf32, #tpu.memory_space<vmem>>, vector<16xf32>,
    %swap3A_58 = vector.shape_cast %swap3A_57 : vector<16xf32> to vector<16xf32>
    %swap3A_59 = vector.shape_cast %broadcast_in_dim3A_5 : vector<16xf32> to vector<16xf32>
    tpu.vector_store %arg12[%swap3A_56], %swap3A_59 {strides = array<i32>} : memref<416xf32, #tpu.memory_space<vmem>>, vector<16xf32>,
    %swap3A_60 = arith.constant 176 : index
    %swap3A_61 = tpu.vector_load %arg12[%swap3A_60] {strides = array<i32>} : memref<416xf32, #tpu.memory_space<vmem>>, vector<16xf32>,
    %swap3A_62 = vector.shape_cast %swap3A_61 : vector<16xf32> to vector<16xf32>
    %swap3A_63 = vector.shape_cast %broadcast_in_dim3A_5 : vector<16xf32> to vector<16xf32>
    tpu.vector_store %arg12[%swap3A_60], %swap3A_63 {strides = array<i32>} : memref<416xf32, #tpu.memory_space<vmem>>, vector<16xf32>,
    %swap3A_64 = arith.constant 192 : index
    %swap3A_65 = tpu.vector_load %arg12[%swap3A_64] {strides = array<i32>} : memref<416xf32, #tpu.memory_space<vmem>>, vector<16xf32>,
    %swap3A_66 = vector.shape_cast %swap3A_65 : vector<16xf32> to vector<16xf32>
    %swap3A_67 = vector.shape_cast %broadcast_in_dim3A_5 : vector<16xf32> to vector<16xf32>
    tpu.vector_store %arg12[%swap3A_64], %swap3A_67 {strides = array<i32>} : memref<416xf32, #tpu.memory_space<vmem>>, vector<16xf32>,
    %swap3A_68 = arith.constant 208 : index
    %swap3A_69 = tpu.vector_load %arg12[%swap3A_68] {strides = array<i32>} : memref<416xf32, #tpu.memory_space<vmem>>, vector<16xf32>,
    %swap3A_70 = vector.shape_cast %swap3A_69 : vector<16xf32> to vector<16xf32>
    %swap3A_71 = vector.shape_cast %broadcast_in_dim3A_5 : vector<16xf32> to vector<16xf32>
    tpu.vector_store %arg12[%swap3A_68], %swap3A_71 {strides = array<i32>} : memref<416xf32, #tpu.memory_space<vmem>>, vector<16xf32>,
    %swap3A_72 = arith.constant 224 : index
    %swap3A_73 = tpu.vector_load %arg12[%swap3A_72] {strides = array<i32>} : memref<416xf32, #tpu.memory_space<vmem>>, vector<16xf32>,
    %swap3A_74 = vector.shape_cast %swap3A_73 : vector<16xf32> to vector<16xf32>
    %swap3A_75 = vector.shape_cast %broadcast_in_dim3A_5 : vector<16xf32> to vector<16xf32>
    tpu.vector_store %arg12[%swap3A_72], %swap3A_75 {strides = array<i32>} : memref<416xf32, #tpu.memory_space<vmem>>, vector<16xf32>,
    %swap3A_76 = arith.constant 240 : index
    %swap3A_77 = tpu.vector_load %arg12[%swap3A_76] {strides = array<i32>} : memref<416xf32, #tpu.memory_space<vmem>>, vector<16xf32>,
    %swap3A_78 = vector.shape_cast %swap3A_77 : vector<16xf32> to vector<16xf32>
    %swap3A_79 = vector.shape_cast %broadcast_in_dim3A_5 : vector<16xf32> to vector<16xf32>
    tpu.vector_store %arg12[%swap3A_76], %swap3A_79 {strides = array<i32>} : memref<416xf32, #tpu.memory_space<vmem>>, vector<16xf32>,
    %swap3A_80 = arith.constant 256 : index
    %swap3A_81 = tpu.vector_load %arg12[%swap3A_80] {strides = array<i32>} : memref<416xf32, #tpu.memory_space<vmem>>, vector<16xf32>,
    %swap3A_82 = vector.shape_cast %swap3A_81 : vector<16xf32> to vector<16xf32>
    %swap3A_83 = vector.shape_cast %broadcast_in_dim3A_5 : vector<16xf32> to vector<16xf32>
    tpu.vector_store %arg12[%swap3A_80], %swap3A_83 {strides = array<i32>} : memref<416xf32, #tpu.memory_space<vmem>>, vector<16xf32>,
    %swap3A_84 = arith.constant 272 : index
    %swap3A_85 = tpu.vector_load %arg12[%swap3A_84] {strides = array<i32>} : memref<416xf32, #tpu.memory_space<vmem>>, vector<16xf32>,
    %swap3A_86 = vector.shape_cast %swap3A_85 : vector<16xf32> to vector<16xf32>
    %swap3A_87 = vector.shape_cast %broadcast_in_dim3A_5 : vector<16xf32> to vector<16xf32>
    tpu.vector_store %arg12[%swap3A_84], %swap3A_87 {strides = array<i32>} : memref<416xf32, #tpu.memory_space<vmem>>, vector<16xf32>,
    %swap3A_88 = arith.constant 288 : index
    %swap3A_89 = tpu.vector_load %arg12[%swap3A_88] {strides = array<i32>} : memref<416xf32, #tpu.memory_space<vmem>>, vector<16xf32>,
    %swap3A_90 = vector.shape_cast %swap3A_89 : vector<16xf32> to vector<16xf32>
    %swap3A_91 = vector.shape_cast %broadcast_in_dim3A_5 : vector<16xf32> to vector<16xf32>
    tpu.vector_store %arg12[%swap3A_88], %swap3A_91 {strides = array<i32>} : memref<416xf32, #tpu.memory_space<vmem>>, vector<16xf32>,
    %swap3A_92 = arith.constant 304 : index
    %swap3A_93 = tpu.vector_load %arg12[%swap3A_92] {strides = array<i32>} : memref<416xf32, #tpu.memory_space<vmem>>, vector<16xf32>,
    %swap3A_94 = vector.shape_cast %swap3A_93 : vector<16xf32> to vector<16xf32>
    %swap3A_95 = vector.shape_cast %broadcast_in_dim3A_5 : vector<16xf32> to vector<16xf32>
    tpu.vector_store %arg12[%swap3A_92], %swap3A_95 {strides = array<i32>} : memref<416xf32, #tpu.memory_space<vmem>>, vector<16xf32>,
    %swap3A_96 = arith.constant 320 : index
    %swap3A_97 = tpu.vector_load %arg12[%swap3A_96] {strides = array<i32>} : memref<416xf32, #tpu.memory_space<vmem>>, vector<16xf32>,
    %swap3A_98 = vector.shape_cast %swap3A_97 : vector<16xf32> to vector<16xf32>
    %swap3A_99 = vector.shape_cast %broadcast_in_dim3A_5 : vector<16xf32> to vector<16xf32>
    tpu.vector_store %arg12[%swap3A_96], %swap3A_99 {strides = array<i32>} : memref<416xf32, #tpu.memory_space<vmem>>, vector<16xf32>,
    %swap3A_100 = arith.constant 336 : index
    %swap3A_101 = tpu.vector_load %arg12[%swap3A_100] {strides = array<i32>} : memref<416xf32, #tpu.memory_space<vmem>>, vector<16xf32>,
    %swap3A_102 = vector.shape_cast %swap3A_101 : vector<16xf32> to vector<16xf32>
    %swap3A_103 = vector.shape_cast %broadcast_in_dim3A_5 : vector<16xf32> to vector<16xf32>
    tpu.vector_store %arg12[%swap3A_100], %swap3A_103 {strides = array<i32>} : memref<416xf32, #tpu.memory_space<vmem>>, vector<16xf32>,
    %swap3A_104 = arith.constant 352 : index
    %swap3A_105 = tpu.vector_load %arg12[%swap3A_104] {strides = array<i32>} : memref<416xf32, #tpu.memory_space<vmem>>, vector<16xf32>,
    %swap3A_106 = vector.shape_cast %swap3A_105 : vector<16xf32> to vector<16xf32>
    %swap3A_107 = vector.shape_cast %broadcast_in_dim3A_5 : vector<16xf32> to vector<16xf32>
    tpu.vector_store %arg12[%swap3A_104], %swap3A_107 {strides = array<i32>} : memref<416xf32, #tpu.memory_space<vmem>>, vector<16xf32>,
    %swap3A_108 = arith.constant 368 : index
    %swap3A_109 = tpu.vector_load %arg12[%swap3A_108] {strides = array<i32>} : memref<416xf32, #tpu.memory_space<vmem>>, vector<16xf32>,
    %swap3A_110 = vector.shape_cast %swap3A_109 : vector<16xf32> to vector<16xf32>
    %swap3A_111 = vector.shape_cast %broadcast_in_dim3A_5 : vector<16xf32> to vector<16xf32>
    tpu.vector_store %arg12[%swap3A_108], %swap3A_111 {strides = array<i32>} : memref<416xf32, #tpu.memory_space<vmem>>, vector<16xf32>,
    %swap3A_112 = arith.constant 384 : index
    %swap3A_113 = tpu.vector_load %arg12[%swap3A_112] {strides = array<i32>} : memref<416xf32, #tpu.memory_space<vmem>>, vector<16xf32>,
    %swap3A_114 = vector.shape_cast %swap3A_113 : vector<16xf32> to vector<16xf32>
    %swap3A_115 = vector.shape_cast %broadcast_in_dim3A_5 : vector<16xf32> to vector<16xf32>
    tpu.vector_store %arg12[%swap3A_112], %swap3A_115 {strides = array<i32>} : memref<416xf32, #tpu.memory_space<vmem>>, vector<16xf32>,
    %swap3A_116 = arith.constant 400 : index
    %swap3A_117 = tpu.vector_load %arg12[%swap3A_116] {strides = array<i32>} : memref<416xf32, #tpu.memory_space<vmem>>, vector<16xf32>,
    %swap3A_118 = vector.shape_cast %swap3A_117 : vector<16xf32> to vector<16xf32>
    %swap3A_119 = vector.shape_cast %broadcast_in_dim3A_5 : vector<16xf32> to vector<16xf32>
    tpu.vector_store %arg12[%swap3A_116], %swap3A_119 {strides = array<i32>} : memref<416xf32, #tpu.memory_space<vmem>>, vector<16xf32>,
    %scan3A_120 = arith.constant 0 : i32
    %scan3A_121 = arith.constant 0 : i32
    %scan3A_122 = arith.constant 4 : i32
    %scan3A_123 = arith.addi %scan3A_121, %scan3A_122 : i32
    %scan3A_124 = arith.constant 1 : i32
    scf.for %scan3A_379 = %scan3A_121 to %scan3A_123 step %scan3A_124  : i32 {
      %mul3A_380 = arith.constant 1664 : i32
      %mul3A_381 = arith.muli %arg1, %mul3A_380 : i32
      %mul3A_382 = arith.constant 416 : i32
      %mul3A_383 = arith.muli %scan3A_379, %mul3A_382 : i32
      %add3A_384 = arith.addi %mul3A_381, %mul3A_383 : i32
      %run_scoped3A = arith.constant 0 : i32
      "tpu.region"() ({
        %run_scoped3A_385 = tpu.sem_alloc : memref<!tpu.dma_semaphore, #tpu.memory_space<semaphore_mem>>
        %dma_start3A_386 = arith.constant 0 : i32
        %dma_start3A_387 = arith.constant 0 : i32
        %dma_start3A_388 = tpu.memref_slice %arg13[%run_scoped3A, %dma_start3A_386, %dma_start3A_387] : memref<2x416x32xf32, #tpu.memory_space<vmem>> -> memref<1x416x32xf32, #tpu.memory_space<vmem>>
        %dma_start3A_389 = tpu.memref_squeeze %dma_start3A_388 : memref<1x416x32xf32, #tpu.memory_space<vmem>> -> memref<416x32xf32, #tpu.memory_space<vmem>>
        %dma_start3A_390 = arith.constant 0 : i32
        %dma_start3A_391 = tpu.memref_slice %arg7[%add3A_384, %dma_start3A_390] : memref<26624x32xf32, #tpu.memory_space<vmem_shared>> -> memref<416x32xf32, #tpu.memory_space<vmem_shared>>
        %dma_start3A_392 = arith.constant 0 : i32
        %dma_start3A_393 = tpu.memref_slice %arg7[%add3A_384, %dma_start3A_392] : memref<26624x32xf32, #tpu.memory_space<vmem_shared>> -> memref<416x32xf32, #tpu.memory_space<vmem_shared>>
        %dma_start3A_394 = arith.constant 0 : i32
        %dma_start3A_395 = arith.constant 0 : i32
        %dma_start3A_396 = tpu.memref_slice %arg13[%run_scoped3A, %dma_start3A_394, %dma_start3A_395] : memref<2x416x32xf32, #tpu.memory_space<vmem>> -> memref<1x416x32xf32, #tpu.memory_space<vmem>>
        %dma_start3A_397 = tpu.memref_squeeze %dma_start3A_396 : memref<1x416x32xf32, #tpu.memory_space<vmem>> -> memref<416x32xf32, #tpu.memory_space<vmem>>
        tpu.enqueue_dma source(%dma_start3A_397 : memref<416x32xf32, #tpu.memory_space<vmem>>) target(%dma_start3A_393 : memref<416x32xf32, #tpu.memory_space<vmem_shared>>) target_semaphore(%run_scoped3A_385 : memref<!tpu.dma_semaphore, #tpu.memory_space<semaphore_mem>>)
        %dma_wait3A = arith.constant 0 : i32
        %dma_wait3A_398 = arith.constant 0 : i32
        %dma_wait3A_399 = tpu.memref_slice %arg13[%run_scoped3A, %dma_wait3A, %dma_wait3A_398] : memref<2x416x32xf32, #tpu.memory_space<vmem>> -> memref<1x416x32xf32, #tpu.memory_space<vmem>>
        %dma_wait3A_400 = tpu.memref_squeeze %dma_wait3A_399 : memref<1x416x32xf32, #tpu.memory_space<vmem>> -> memref<416x32xf32, #tpu.memory_space<vmem>>
        %dma_wait3A_401 = arith.constant 0 : i32
        %dma_wait3A_402 = tpu.memref_slice %arg7[%add3A_384, %dma_wait3A_401] : memref<26624x32xf32, #tpu.memory_space<vmem_shared>> -> memref<416x32xf32, #tpu.memory_space<vmem_shared>>
        %dma_wait3A_403 = arith.constant 0 : i32
        %dma_wait3A_404 = tpu.memref_slice %arg7[%add3A_384, %dma_wait3A_403] : memref<26624x32xf32, #tpu.memory_space<vmem_shared>> -> memref<416x32xf32, #tpu.memory_space<vmem_shared>>
        %dma_wait3A_405 = arith.constant 0 : i32
        %dma_wait3A_406 = arith.constant 0 : i32
        %dma_wait3A_407 = tpu.memref_slice %arg13[%run_scoped3A, %dma_wait3A_405, %dma_wait3A_406] : memref<2x416x32xf32, #tpu.memory_space<vmem>> -> memref<1x416x32xf32, #tpu.memory_space<vmem>>
        %dma_wait3A_408 = tpu.memref_squeeze %dma_wait3A_407 : memref<1x416x32xf32, #tpu.memory_space<vmem>> -> memref<416x32xf32, #tpu.memory_space<vmem>>
        tpu.wait_dma2 semaphore(%run_scoped3A_385 : memref<!tpu.dma_semaphore, #tpu.memory_space<semaphore_mem>>) src(%dma_wait3A_408 : memref<416x32xf32, #tpu.memory_space<vmem>>) dst(%dma_wait3A_404 : memref<416x32xf32, #tpu.memory_space<vmem_shared>>)
        tpu.yield
      }) : () -> ()
    }
    %scan3A_125 = arith.constant 4 : i32
    %mul3A_126 = arith.constant 1664 : i32
    %mul3A_127 = arith.muli %arg1, %mul3A_126 : i32
    "tpu.region"() ({
      %run_scoped3A = tpu.sem_alloc : memref<!tpu.dma_semaphore, #tpu.memory_space<semaphore_mem>>
      %dma_start3A_379 = tpu.memref_slice %arg8[%mul3A_127] : memref<26624xf32, #tpu.memory_space<vmem_shared>> -> memref<1664xf32, #tpu.memory_space<vmem_shared>>
      %dma_start3A_380 = tpu.memref_slice %arg8[%mul3A_127] : memref<26624xf32, #tpu.memory_space<vmem_shared>> -> memref<1664xf32, #tpu.memory_space<vmem_shared>>
      tpu.enqueue_dma source(%arg14 : memref<1664xf32, #tpu.memory_space<vmem>>) target(%dma_start3A_380 : memref<1664xf32, #tpu.memory_space<vmem_shared>>) target_semaphore(%run_scoped3A : memref<!tpu.dma_semaphore, #tpu.memory_space<semaphore_mem>>)
      %dma_wait3A = tpu.memref_slice %arg8[%mul3A_127] : memref<26624xf32, #tpu.memory_space<vmem_shared>> -> memref<1664xf32, #tpu.memory_space<vmem_shared>>
      %dma_wait3A_381 = tpu.memref_slice %arg8[%mul3A_127] : memref<26624xf32, #tpu.memory_space<vmem_shared>> -> memref<1664xf32, #tpu.memory_space<vmem_shared>>
      tpu.wait_dma2 semaphore(%run_scoped3A : memref<!tpu.dma_semaphore, #tpu.memory_space<semaphore_mem>>) src(%arg14 : memref<1664xf32, #tpu.memory_space<vmem>>) dst(%dma_wait3A_381 : memref<1664xf32, #tpu.memory_space<vmem_shared>>)
      tpu.yield
    }) : () -> ()
    "tpu.region"() ({
      %run_scoped3A = tpu.sem_alloc : memref<!tpu.dma_semaphore, #tpu.memory_space<semaphore_mem>>
      %dma_start3A_379 = tpu.memref_slice %arg2[%mul3A_2] : memref<532480xi32, #tpu.memory_space<hbm>> -> memref<16640xi32, #tpu.memory_space<hbm>>
      %dma_start3A_380 = tpu.memref_slice %arg2[%mul3A_2] : memref<532480xi32, #tpu.memory_space<hbm>> -> memref<16640xi32, #tpu.memory_space<hbm>>
      tpu.enqueue_dma source(%dma_start3A_380 : memref<16640xi32, #tpu.memory_space<hbm>>) target(%arg9 : memref<16640xi32, #tpu.memory_space<vmem>>) target_semaphore(%run_scoped3A : memref<!tpu.dma_semaphore, #tpu.memory_space<semaphore_mem>>)
      %dma_wait3A = tpu.memref_slice %arg2[%mul3A_2] : memref<532480xi32, #tpu.memory_space<hbm>> -> memref<16640xi32, #tpu.memory_space<hbm>>
      %dma_wait3A_381 = tpu.memref_slice %arg2[%mul3A_2] : memref<532480xi32, #tpu.memory_space<hbm>> -> memref<16640xi32, #tpu.memory_space<hbm>>
      tpu.wait_dma2 semaphore(%run_scoped3A : memref<!tpu.dma_semaphore, #tpu.memory_space<semaphore_mem>>) src(%dma_wait3A_381 : memref<16640xi32, #tpu.memory_space<hbm>>) dst(%arg9 : memref<16640xi32, #tpu.memory_space<vmem>>)
      tpu.yield
    }) : () -> ()
    "tpu.region"() ({
      %run_scoped3A = tpu.sem_alloc : memref<!tpu.dma_semaphore, #tpu.memory_space<semaphore_mem>>
      %dma_start3A_379 = tpu.memref_slice %arg3[%mul3A_2] : memref<532480xi32, #tpu.memory_space<hbm>> -> memref<16640xi32, #tpu.memory_space<hbm>>
      %dma_start3A_380 = tpu.memref_slice %arg3[%mul3A_2] : memref<532480xi32, #tpu.memory_space<hbm>> -> memref<16640xi32, #tpu.memory_space<hbm>>
      tpu.enqueue_dma source(%dma_start3A_380 : memref<16640xi32, #tpu.memory_space<hbm>>) target(%arg10 : memref<16640xi32, #tpu.memory_space<vmem>>) target_semaphore(%run_scoped3A : memref<!tpu.dma_semaphore, #tpu.memory_space<semaphore_mem>>)
      %dma_wait3A = tpu.memref_slice %arg3[%mul3A_2] : memref<532480xi32, #tpu.memory_space<hbm>> -> memref<16640xi32, #tpu.memory_space<hbm>>
      %dma_wait3A_381 = tpu.memref_slice %arg3[%mul3A_2] : memref<532480xi32, #tpu.memory_space<hbm>> -> memref<16640xi32, #tpu.memory_space<hbm>>
      tpu.wait_dma2 semaphore(%run_scoped3A : memref<!tpu.dma_semaphore, #tpu.memory_space<semaphore_mem>>) src(%dma_wait3A_381 : memref<16640xi32, #tpu.memory_space<hbm>>) dst(%arg10 : memref<16640xi32, #tpu.memory_space<vmem>>)
      tpu.yield
    }) : () -> ()
    %barrier3A = arith.constant 0 : index
    tpu.barrier barrier_id(%barrier3A)
    %get3A = arith.constant 0 : index
    %get3A_128 = tpu.vector_load %arg10[%get3A] {strides = array<i32>} : memref<16640xi32, #tpu.memory_space<vmem>>, vector<16xi32>,
    %get3A_129 = vector.shape_cast %get3A_128 : vector<16xi32> to vector<16xi32>
    %swap3A_130 = arith.constant 0 : i32
    %swap3A_131 = arith.index_cast %swap3A_130 : i32 to index
    %swap3A_132 = arith.constant 0 : index
    %swap3A_133 = tpu.vector_load %arg11[%swap3A_131, %swap3A_132] {strides = array<i32>} : memref<2x416xi32, #tpu.memory_space<vmem>>, vector<1x16xi32>,
    %swap3A_134 = vector.shape_cast %swap3A_133 : vector<1x16xi32> to vector<16xi32>
    %swap3A_135 = vector.shape_cast %get3A_129 : vector<16xi32> to vector<1x16xi32>
    tpu.vector_store %arg11[%swap3A_131, %swap3A_132], %swap3A_135 {strides = array<i32>} : memref<2x416xi32, #tpu.memory_space<vmem>>, vector<1x16xi32>,
    %get3A_136 = arith.constant 16 : index
    %get3A_137 = tpu.vector_load %arg10[%get3A_136] {strides = array<i32>} : memref<16640xi32, #tpu.memory_space<vmem>>, vector<16xi32>,
    %get3A_138 = vector.shape_cast %get3A_137 : vector<16xi32> to vector<16xi32>
    %swap3A_139 = arith.constant 0 : i32
    %swap3A_140 = arith.index_cast %swap3A_139 : i32 to index
    %swap3A_141 = arith.constant 16 : index
    %swap3A_142 = tpu.vector_load %arg11[%swap3A_140, %swap3A_141] {strides = array<i32>} : memref<2x416xi32, #tpu.memory_space<vmem>>, vector<1x16xi32>,
    %swap3A_143 = vector.shape_cast %swap3A_142 : vector<1x16xi32> to vector<16xi32>
    %swap3A_144 = vector.shape_cast %get3A_138 : vector<16xi32> to vector<1x16xi32>
    tpu.vector_store %arg11[%swap3A_140, %swap3A_141], %swap3A_144 {strides = array<i32>} : memref<2x416xi32, #tpu.memory_space<vmem>>, vector<1x16xi32>,
    %get3A_145 = arith.constant 32 : index
    %get3A_146 = tpu.vector_load %arg10[%get3A_145] {strides = array<i32>} : memref<16640xi32, #tpu.memory_space<vmem>>, vector<16xi32>,
    %get3A_147 = vector.shape_cast %get3A_146 : vector<16xi32> to vector<16xi32>
    %swap3A_148 = arith.constant 0 : i32
    %swap3A_149 = arith.index_cast %swap3A_148 : i32 to index
    %swap3A_150 = arith.constant 32 : index
    %swap3A_151 = tpu.vector_load %arg11[%swap3A_149, %swap3A_150] {strides = array<i32>} : memref<2x416xi32, #tpu.memory_space<vmem>>, vector<1x16xi32>,
    %swap3A_152 = vector.shape_cast %swap3A_151 : vector<1x16xi32> to vector<16xi32>
    %swap3A_153 = vector.shape_cast %get3A_147 : vector<16xi32> to vector<1x16xi32>
    tpu.vector_store %arg11[%swap3A_149, %swap3A_150], %swap3A_153 {strides = array<i32>} : memref<2x416xi32, #tpu.memory_space<vmem>>, vector<1x16xi32>,
    %get3A_154 = arith.constant 48 : index
    %get3A_155 = tpu.vector_load %arg10[%get3A_154] {strides = array<i32>} : memref<16640xi32, #tpu.memory_space<vmem>>, vector<16xi32>,
    %get3A_156 = vector.shape_cast %get3A_155 : vector<16xi32> to vector<16xi32>
    %swap3A_157 = arith.constant 0 : i32
    %swap3A_158 = arith.index_cast %swap3A_157 : i32 to index
    %swap3A_159 = arith.constant 48 : index
    %swap3A_160 = tpu.vector_load %arg11[%swap3A_158, %swap3A_159] {strides = array<i32>} : memref<2x416xi32, #tpu.memory_space<vmem>>, vector<1x16xi32>,
    %swap3A_161 = vector.shape_cast %swap3A_160 : vector<1x16xi32> to vector<16xi32>
    %swap3A_162 = vector.shape_cast %get3A_156 : vector<16xi32> to vector<1x16xi32>
    tpu.vector_store %arg11[%swap3A_158, %swap3A_159], %swap3A_162 {strides = array<i32>} : memref<2x416xi32, #tpu.memory_space<vmem>>, vector<1x16xi32>,
    %get3A_163 = arith.constant 64 : index
    %get3A_164 = tpu.vector_load %arg10[%get3A_163] {strides = array<i32>} : memref<16640xi32, #tpu.memory_space<vmem>>, vector<16xi32>,
    %get3A_165 = vector.shape_cast %get3A_164 : vector<16xi32> to vector<16xi32>
    %swap3A_166 = arith.constant 0 : i32
    %swap3A_167 = arith.index_cast %swap3A_166 : i32 to index
    %swap3A_168 = arith.constant 64 : index
    %swap3A_169 = tpu.vector_load %arg11[%swap3A_167, %swap3A_168] {strides = array<i32>} : memref<2x416xi32, #tpu.memory_space<vmem>>, vector<1x16xi32>,
    %swap3A_170 = vector.shape_cast %swap3A_169 : vector<1x16xi32> to vector<16xi32>
    %swap3A_171 = vector.shape_cast %get3A_165 : vector<16xi32> to vector<1x16xi32>
    tpu.vector_store %arg11[%swap3A_167, %swap3A_168], %swap3A_171 {strides = array<i32>} : memref<2x416xi32, #tpu.memory_space<vmem>>, vector<1x16xi32>,
    %get3A_172 = arith.constant 80 : index
    %get3A_173 = tpu.vector_load %arg10[%get3A_172] {strides = array<i32>} : memref<16640xi32, #tpu.memory_space<vmem>>, vector<16xi32>,
    %get3A_174 = vector.shape_cast %get3A_173 : vector<16xi32> to vector<16xi32>
    %swap3A_175 = arith.constant 0 : i32
    %swap3A_176 = arith.index_cast %swap3A_175 : i32 to index
    %swap3A_177 = arith.constant 80 : index
    %swap3A_178 = tpu.vector_load %arg11[%swap3A_176, %swap3A_177] {strides = array<i32>} : memref<2x416xi32, #tpu.memory_space<vmem>>, vector<1x16xi32>,
    %swap3A_179 = vector.shape_cast %swap3A_178 : vector<1x16xi32> to vector<16xi32>
    %swap3A_180 = vector.shape_cast %get3A_174 : vector<16xi32> to vector<1x16xi32>
    tpu.vector_store %arg11[%swap3A_176, %swap3A_177], %swap3A_180 {strides = array<i32>} : memref<2x416xi32, #tpu.memory_space<vmem>>, vector<1x16xi32>,
    %get3A_181 = arith.constant 96 : index
    %get3A_182 = tpu.vector_load %arg10[%get3A_181] {strides = array<i32>} : memref<16640xi32, #tpu.memory_space<vmem>>, vector<16xi32>,
    %get3A_183 = vector.shape_cast %get3A_182 : vector<16xi32> to vector<16xi32>
    %swap3A_184 = arith.constant 0 : i32
    %swap3A_185 = arith.index_cast %swap3A_184 : i32 to index
    %swap3A_186 = arith.constant 96 : index
    %swap3A_187 = tpu.vector_load %arg11[%swap3A_185, %swap3A_186] {strides = array<i32>} : memref<2x416xi32, #tpu.memory_space<vmem>>, vector<1x16xi32>,
    %swap3A_188 = vector.shape_cast %swap3A_187 : vector<1x16xi32> to vector<16xi32>
    %swap3A_189 = vector.shape_cast %get3A_183 : vector<16xi32> to vector<1x16xi32>
    tpu.vector_store %arg11[%swap3A_185, %swap3A_186], %swap3A_189 {strides = array<i32>} : memref<2x416xi32, #tpu.memory_space<vmem>>, vector<1x16xi32>,
    %get3A_190 = arith.constant 112 : index
    %get3A_191 = tpu.vector_load %arg10[%get3A_190] {strides = array<i32>} : memref<16640xi32, #tpu.memory_space<vmem>>, vector<16xi32>,
    %get3A_192 = vector.shape_cast %get3A_191 : vector<16xi32> to vector<16xi32>
    %swap3A_193 = arith.constant 0 : i32
    %swap3A_194 = arith.index_cast %swap3A_193 : i32 to index
    %swap3A_195 = arith.constant 112 : index
    %swap3A_196 = tpu.vector_load %arg11[%swap3A_194, %swap3A_195] {strides = array<i32>} : memref<2x416xi32, #tpu.memory_space<vmem>>, vector<1x16xi32>,
    %swap3A_197 = vector.shape_cast %swap3A_196 : vector<1x16xi32> to vector<16xi32>
    %swap3A_198 = vector.shape_cast %get3A_192 : vector<16xi32> to vector<1x16xi32>
    tpu.vector_store %arg11[%swap3A_194, %swap3A_195], %swap3A_198 {strides = array<i32>} : memref<2x416xi32, #tpu.memory_space<vmem>>, vector<1x16xi32>,
    %get3A_199 = arith.constant 128 : index
    %get3A_200 = tpu.vector_load %arg10[%get3A_199] {strides = array<i32>} : memref<16640xi32, #tpu.memory_space<vmem>>, vector<16xi32>,
    %get3A_201 = vector.shape_cast %get3A_200 : vector<16xi32> to vector<16xi32>
    %swap3A_202 = arith.constant 0 : i32
    %swap3A_203 = arith.index_cast %swap3A_202 : i32 to index
    %swap3A_204 = arith.constant 128 : index
    %swap3A_205 = tpu.vector_load %arg11[%swap3A_203, %swap3A_204] {strides = array<i32>} : memref<2x416xi32, #tpu.memory_space<vmem>>, vector<1x16xi32>,
    %swap3A_206 = vector.shape_cast %swap3A_205 : vector<1x16xi32> to vector<16xi32>
    %swap3A_207 = vector.shape_cast %get3A_201 : vector<16xi32> to vector<1x16xi32>
    tpu.vector_store %arg11[%swap3A_203, %swap3A_204], %swap3A_207 {strides = array<i32>} : memref<2x416xi32, #tpu.memory_space<vmem>>, vector<1x16xi32>,
    %get3A_208 = arith.constant 144 : index
    %get3A_209 = tpu.vector_load %arg10[%get3A_208] {strides = array<i32>} : memref<16640xi32, #tpu.memory_space<vmem>>, vector<16xi32>,
    %get3A_210 = vector.shape_cast %get3A_209 : vector<16xi32> to vector<16xi32>
    %swap3A_211 = arith.constant 0 : i32
    %swap3A_212 = arith.index_cast %swap3A_211 : i32 to index
    %swap3A_213 = arith.constant 144 : index
    %swap3A_214 = tpu.vector_load %arg11[%swap3A_212, %swap3A_213] {strides = array<i32>} : memref<2x416xi32, #tpu.memory_space<vmem>>, vector<1x16xi32>,
    %swap3A_215 = vector.shape_cast %swap3A_214 : vector<1x16xi32> to vector<16xi32>
    %swap3A_216 = vector.shape_cast %get3A_210 : vector<16xi32> to vector<1x16xi32>
    tpu.vector_store %arg11[%swap3A_212, %swap3A_213], %swap3A_216 {strides = array<i32>} : memref<2x416xi32, #tpu.memory_space<vmem>>, vector<1x16xi32>,
    %get3A_217 = arith.constant 160 : index
    %get3A_218 = tpu.vector_load %arg10[%get3A_217] {strides = array<i32>} : memref<16640xi32, #tpu.memory_space<vmem>>, vector<16xi32>,
    %get3A_219 = vector.shape_cast %get3A_218 : vector<16xi32> to vector<16xi32>
    %swap3A_220 = arith.constant 0 : i32
    %swap3A_221 = arith.index_cast %swap3A_220 : i32 to index
    %swap3A_222 = arith.constant 160 : index
    %swap3A_223 = tpu.vector_load %arg11[%swap3A_221, %swap3A_222] {strides = array<i32>} : memref<2x416xi32, #tpu.memory_space<vmem>>, vector<1x16xi32>,
    %swap3A_224 = vector.shape_cast %swap3A_223 : vector<1x16xi32> to vector<16xi32>
    %swap3A_225 = vector.shape_cast %get3A_219 : vector<16xi32> to vector<1x16xi32>
    tpu.vector_store %arg11[%swap3A_221, %swap3A_222], %swap3A_225 {strides = array<i32>} : memref<2x416xi32, #tpu.memory_space<vmem>>, vector<1x16xi32>,
    %get3A_226 = arith.constant 176 : index
    %get3A_227 = tpu.vector_load %arg10[%get3A_226] {strides = array<i32>} : memref<16640xi32, #tpu.memory_space<vmem>>, vector<16xi32>,
    %get3A_228 = vector.shape_cast %get3A_227 : vector<16xi32> to vector<16xi32>
    %swap3A_229 = arith.constant 0 : i32
    %swap3A_230 = arith.index_cast %swap3A_229 : i32 to index
    %swap3A_231 = arith.constant 176 : index
    %swap3A_232 = tpu.vector_load %arg11[%swap3A_230, %swap3A_231] {strides = array<i32>} : memref<2x416xi32, #tpu.memory_space<vmem>>, vector<1x16xi32>,
    %swap3A_233 = vector.shape_cast %swap3A_232 : vector<1x16xi32> to vector<16xi32>
    %swap3A_234 = vector.shape_cast %get3A_228 : vector<16xi32> to vector<1x16xi32>
    tpu.vector_store %arg11[%swap3A_230, %swap3A_231], %swap3A_234 {strides = array<i32>} : memref<2x416xi32, #tpu.memory_space<vmem>>, vector<1x16xi32>,
    %get3A_235 = arith.constant 192 : index
    %get3A_236 = tpu.vector_load %arg10[%get3A_235] {strides = array<i32>} : memref<16640xi32, #tpu.memory_space<vmem>>, vector<16xi32>,
    %get3A_237 = vector.shape_cast %get3A_236 : vector<16xi32> to vector<16xi32>
    %swap3A_238 = arith.constant 0 : i32
    %swap3A_239 = arith.index_cast %swap3A_238 : i32 to index
    %swap3A_240 = arith.constant 192 : index
    %swap3A_241 = tpu.vector_load %arg11[%swap3A_239, %swap3A_240] {strides = array<i32>} : memref<2x416xi32, #tpu.memory_space<vmem>>, vector<1x16xi32>,
    %swap3A_242 = vector.shape_cast %swap3A_241 : vector<1x16xi32> to vector<16xi32>
    %swap3A_243 = vector.shape_cast %get3A_237 : vector<16xi32> to vector<1x16xi32>
    tpu.vector_store %arg11[%swap3A_239, %swap3A_240], %swap3A_243 {strides = array<i32>} : memref<2x416xi32, #tpu.memory_space<vmem>>, vector<1x16xi32>,
    %get3A_244 = arith.constant 208 : index
    %get3A_245 = tpu.vector_load %arg10[%get3A_244] {strides = array<i32>} : memref<16640xi32, #tpu.memory_space<vmem>>, vector<16xi32>,
    %get3A_246 = vector.shape_cast %get3A_245 : vector<16xi32> to vector<16xi32>
    %swap3A_247 = arith.constant 0 : i32
    %swap3A_248 = arith.index_cast %swap3A_247 : i32 to index
    %swap3A_249 = arith.constant 208 : index
    %swap3A_250 = tpu.vector_load %arg11[%swap3A_248, %swap3A_249] {strides = array<i32>} : memref<2x416xi32, #tpu.memory_space<vmem>>, vector<1x16xi32>,
    %swap3A_251 = vector.shape_cast %swap3A_250 : vector<1x16xi32> to vector<16xi32>
    %swap3A_252 = vector.shape_cast %get3A_246 : vector<16xi32> to vector<1x16xi32>
    tpu.vector_store %arg11[%swap3A_248, %swap3A_249], %swap3A_252 {strides = array<i32>} : memref<2x416xi32, #tpu.memory_space<vmem>>, vector<1x16xi32>,
    %get3A_253 = arith.constant 224 : index
    %get3A_254 = tpu.vector_load %arg10[%get3A_253] {strides = array<i32>} : memref<16640xi32, #tpu.memory_space<vmem>>, vector<16xi32>,
    %get3A_255 = vector.shape_cast %get3A_254 : vector<16xi32> to vector<16xi32>
    %swap3A_256 = arith.constant 0 : i32
    %swap3A_257 = arith.index_cast %swap3A_256 : i32 to index
    %swap3A_258 = arith.constant 224 : index
    %swap3A_259 = tpu.vector_load %arg11[%swap3A_257, %swap3A_258] {strides = array<i32>} : memref<2x416xi32, #tpu.memory_space<vmem>>, vector<1x16xi32>,
    %swap3A_260 = vector.shape_cast %swap3A_259 : vector<1x16xi32> to vector<16xi32>
    %swap3A_261 = vector.shape_cast %get3A_255 : vector<16xi32> to vector<1x16xi32>
    tpu.vector_store %arg11[%swap3A_257, %swap3A_258], %swap3A_261 {strides = array<i32>} : memref<2x416xi32, #tpu.memory_space<vmem>>, vector<1x16xi32>,
    %get3A_262 = arith.constant 240 : index
    %get3A_263 = tpu.vector_load %arg10[%get3A_262] {strides = array<i32>} : memref<16640xi32, #tpu.memory_space<vmem>>, vector<16xi32>,
    %get3A_264 = vector.shape_cast %get3A_263 : vector<16xi32> to vector<16xi32>
    %swap3A_265 = arith.constant 0 : i32
    %swap3A_266 = arith.index_cast %swap3A_265 : i32 to index
    %swap3A_267 = arith.constant 240 : index
    %swap3A_268 = tpu.vector_load %arg11[%swap3A_266, %swap3A_267] {strides = array<i32>} : memref<2x416xi32, #tpu.memory_space<vmem>>, vector<1x16xi32>,
    %swap3A_269 = vector.shape_cast %swap3A_268 : vector<1x16xi32> to vector<16xi32>
    %swap3A_270 = vector.shape_cast %get3A_264 : vector<16xi32> to vector<1x16xi32>
    tpu.vector_store %arg11[%swap3A_266, %swap3A_267], %swap3A_270 {strides = array<i32>} : memref<2x416xi32, #tpu.memory_space<vmem>>, vector<1x16xi32>,
    %get3A_271 = arith.constant 256 : index
    %get3A_272 = tpu.vector_load %arg10[%get3A_271] {strides = array<i32>} : memref<16640xi32, #tpu.memory_space<vmem>>, vector<16xi32>,
    %get3A_273 = vector.shape_cast %get3A_272 : vector<16xi32> to vector<16xi32>
    %swap3A_274 = arith.constant 0 : i32
    %swap3A_275 = arith.index_cast %swap3A_274 : i32 to index
    %swap3A_276 = arith.constant 256 : index
    %swap3A_277 = tpu.vector_load %arg11[%swap3A_275, %swap3A_276] {strides = array<i32>} : memref<2x416xi32, #tpu.memory_space<vmem>>, vector<1x16xi32>,
    %swap3A_278 = vector.shape_cast %swap3A_277 : vector<1x16xi32> to vector<16xi32>
    %swap3A_279 = vector.shape_cast %get3A_273 : vector<16xi32> to vector<1x16xi32>
    tpu.vector_store %arg11[%swap3A_275, %swap3A_276], %swap3A_279 {strides = array<i32>} : memref<2x416xi32, #tpu.memory_space<vmem>>, vector<1x16xi32>,
    %get3A_280 = arith.constant 272 : index
    %get3A_281 = tpu.vector_load %arg10[%get3A_280] {strides = array<i32>} : memref<16640xi32, #tpu.memory_space<vmem>>, vector<16xi32>,
    %get3A_282 = vector.shape_cast %get3A_281 : vector<16xi32> to vector<16xi32>
    %swap3A_283 = arith.constant 0 : i32
    %swap3A_284 = arith.index_cast %swap3A_283 : i32 to index
    %swap3A_285 = arith.constant 272 : index
    %swap3A_286 = tpu.vector_load %arg11[%swap3A_284, %swap3A_285] {strides = array<i32>} : memref<2x416xi32, #tpu.memory_space<vmem>>, vector<1x16xi32>,
    %swap3A_287 = vector.shape_cast %swap3A_286 : vector<1x16xi32> to vector<16xi32>
    %swap3A_288 = vector.shape_cast %get3A_282 : vector<16xi32> to vector<1x16xi32>
    tpu.vector_store %arg11[%swap3A_284, %swap3A_285], %swap3A_288 {strides = array<i32>} : memref<2x416xi32, #tpu.memory_space<vmem>>, vector<1x16xi32>,
    %get3A_289 = arith.constant 288 : index
    %get3A_290 = tpu.vector_load %arg10[%get3A_289] {strides = array<i32>} : memref<16640xi32, #tpu.memory_space<vmem>>, vector<16xi32>,
    %get3A_291 = vector.shape_cast %get3A_290 : vector<16xi32> to vector<16xi32>
    %swap3A_292 = arith.constant 0 : i32
    %swap3A_293 = arith.index_cast %swap3A_292 : i32 to index
    %swap3A_294 = arith.constant 288 : index
    %swap3A_295 = tpu.vector_load %arg11[%swap3A_293, %swap3A_294] {strides = array<i32>} : memref<2x416xi32, #tpu.memory_space<vmem>>, vector<1x16xi32>,
    %swap3A_296 = vector.shape_cast %swap3A_295 : vector<1x16xi32> to vector<16xi32>
    %swap3A_297 = vector.shape_cast %get3A_291 : vector<16xi32> to vector<1x16xi32>
    tpu.vector_store %arg11[%swap3A_293, %swap3A_294], %swap3A_297 {strides = array<i32>} : memref<2x416xi32, #tpu.memory_space<vmem>>, vector<1x16xi32>,
    %get3A_298 = arith.constant 304 : index
    %get3A_299 = tpu.vector_load %arg10[%get3A_298] {strides = array<i32>} : memref<16640xi32, #tpu.memory_space<vmem>>, vector<16xi32>,
    %get3A_300 = vector.shape_cast %get3A_299 : vector<16xi32> to vector<16xi32>
    %swap3A_301 = arith.constant 0 : i32
    %swap3A_302 = arith.index_cast %swap3A_301 : i32 to index
    %swap3A_303 = arith.constant 304 : index
    %swap3A_304 = tpu.vector_load %arg11[%swap3A_302, %swap3A_303] {strides = array<i32>} : memref<2x416xi32, #tpu.memory_space<vmem>>, vector<1x16xi32>,
    %swap3A_305 = vector.shape_cast %swap3A_304 : vector<1x16xi32> to vector<16xi32>
    %swap3A_306 = vector.shape_cast %get3A_300 : vector<16xi32> to vector<1x16xi32>
    tpu.vector_store %arg11[%swap3A_302, %swap3A_303], %swap3A_306 {strides = array<i32>} : memref<2x416xi32, #tpu.memory_space<vmem>>, vector<1x16xi32>,
    %get3A_307 = arith.constant 320 : index
    %get3A_308 = tpu.vector_load %arg10[%get3A_307] {strides = array<i32>} : memref<16640xi32, #tpu.memory_space<vmem>>, vector<16xi32>,
    %get3A_309 = vector.shape_cast %get3A_308 : vector<16xi32> to vector<16xi32>
    %swap3A_310 = arith.constant 0 : i32
    %swap3A_311 = arith.index_cast %swap3A_310 : i32 to index
    %swap3A_312 = arith.constant 320 : index
    %swap3A_313 = tpu.vector_load %arg11[%swap3A_311, %swap3A_312] {strides = array<i32>} : memref<2x416xi32, #tpu.memory_space<vmem>>, vector<1x16xi32>,
    %swap3A_314 = vector.shape_cast %swap3A_313 : vector<1x16xi32> to vector<16xi32>
    %swap3A_315 = vector.shape_cast %get3A_309 : vector<16xi32> to vector<1x16xi32>
    tpu.vector_store %arg11[%swap3A_311, %swap3A_312], %swap3A_315 {strides = array<i32>} : memref<2x416xi32, #tpu.memory_space<vmem>>, vector<1x16xi32>,
    %get3A_316 = arith.constant 336 : index
    %get3A_317 = tpu.vector_load %arg10[%get3A_316] {strides = array<i32>} : memref<16640xi32, #tpu.memory_space<vmem>>, vector<16xi32>,
    %get3A_318 = vector.shape_cast %get3A_317 : vector<16xi32> to vector<16xi32>
    %swap3A_319 = arith.constant 0 : i32
    %swap3A_320 = arith.index_cast %swap3A_319 : i32 to index
    %swap3A_321 = arith.constant 336 : index
    %swap3A_322 = tpu.vector_load %arg11[%swap3A_320, %swap3A_321] {strides = array<i32>} : memref<2x416xi32, #tpu.memory_space<vmem>>, vector<1x16xi32>,
    %swap3A_323 = vector.shape_cast %swap3A_322 : vector<1x16xi32> to vector<16xi32>
    %swap3A_324 = vector.shape_cast %get3A_318 : vector<16xi32> to vector<1x16xi32>
    tpu.vector_store %arg11[%swap3A_320, %swap3A_321], %swap3A_324 {strides = array<i32>} : memref<2x416xi32, #tpu.memory_space<vmem>>, vector<1x16xi32>,
    %get3A_325 = arith.constant 352 : index
    %get3A_326 = tpu.vector_load %arg10[%get3A_325] {strides = array<i32>} : memref<16640xi32, #tpu.memory_space<vmem>>, vector<16xi32>,
    %get3A_327 = vector.shape_cast %get3A_326 : vector<16xi32> to vector<16xi32>
    %swap3A_328 = arith.constant 0 : i32
    %swap3A_329 = arith.index_cast %swap3A_328 : i32 to index
    %swap3A_330 = arith.constant 352 : index
    %swap3A_331 = tpu.vector_load %arg11[%swap3A_329, %swap3A_330] {strides = array<i32>} : memref<2x416xi32, #tpu.memory_space<vmem>>, vector<1x16xi32>,
    %swap3A_332 = vector.shape_cast %swap3A_331 : vector<1x16xi32> to vector<16xi32>
    %swap3A_333 = vector.shape_cast %get3A_327 : vector<16xi32> to vector<1x16xi32>
    tpu.vector_store %arg11[%swap3A_329, %swap3A_330], %swap3A_333 {strides = array<i32>} : memref<2x416xi32, #tpu.memory_space<vmem>>, vector<1x16xi32>,
    %get3A_334 = arith.constant 368 : index
    %get3A_335 = tpu.vector_load %arg10[%get3A_334] {strides = array<i32>} : memref<16640xi32, #tpu.memory_space<vmem>>, vector<16xi32>,
    %get3A_336 = vector.shape_cast %get3A_335 : vector<16xi32> to vector<16xi32>
    %swap3A_337 = arith.constant 0 : i32
    %swap3A_338 = arith.index_cast %swap3A_337 : i32 to index
    %swap3A_339 = arith.constant 368 : index
    %swap3A_340 = tpu.vector_load %arg11[%swap3A_338, %swap3A_339] {strides = array<i32>} : memref<2x416xi32, #tpu.memory_space<vmem>>, vector<1x16xi32>,
    %swap3A_341 = vector.shape_cast %swap3A_340 : vector<1x16xi32> to vector<16xi32>
    %swap3A_342 = vector.shape_cast %get3A_336 : vector<16xi32> to vector<1x16xi32>
    tpu.vector_store %arg11[%swap3A_338, %swap3A_339], %swap3A_342 {strides = array<i32>} : memref<2x416xi32, #tpu.memory_space<vmem>>, vector<1x16xi32>,
    %get3A_343 = arith.constant 384 : index
    %get3A_344 = tpu.vector_load %arg10[%get3A_343] {strides = array<i32>} : memref<16640xi32, #tpu.memory_space<vmem>>, vector<16xi32>,
    %get3A_345 = vector.shape_cast %get3A_344 : vector<16xi32> to vector<16xi32>
    %swap3A_346 = arith.constant 0 : i32
    %swap3A_347 = arith.index_cast %swap3A_346 : i32 to index
    %swap3A_348 = arith.constant 384 : index
    %swap3A_349 = tpu.vector_load %arg11[%swap3A_347, %swap3A_348] {strides = array<i32>} : memref<2x416xi32, #tpu.memory_space<vmem>>, vector<1x16xi32>,
    %swap3A_350 = vector.shape_cast %swap3A_349 : vector<1x16xi32> to vector<16xi32>
    %swap3A_351 = vector.shape_cast %get3A_345 : vector<16xi32> to vector<1x16xi32>
    tpu.vector_store %arg11[%swap3A_347, %swap3A_348], %swap3A_351 {strides = array<i32>} : memref<2x416xi32, #tpu.memory_space<vmem>>, vector<1x16xi32>,
    %get3A_352 = arith.constant 400 : index
    %get3A_353 = tpu.vector_load %arg10[%get3A_352] {strides = array<i32>} : memref<16640xi32, #tpu.memory_space<vmem>>, vector<16xi32>,
    %get3A_354 = vector.shape_cast %get3A_353 : vector<16xi32> to vector<16xi32>
    %swap3A_355 = arith.constant 0 : i32
    %swap3A_356 = arith.index_cast %swap3A_355 : i32 to index
    %swap3A_357 = arith.constant 400 : index
    %swap3A_358 = tpu.vector_load %arg11[%swap3A_356, %swap3A_357] {strides = array<i32>} : memref<2x416xi32, #tpu.memory_space<vmem>>, vector<1x16xi32>,
    %swap3A_359 = vector.shape_cast %swap3A_358 : vector<1x16xi32> to vector<16xi32>
    %swap3A_360 = vector.shape_cast %get3A_354 : vector<16xi32> to vector<1x16xi32>
    tpu.vector_store %arg11[%swap3A_356, %swap3A_357], %swap3A_360 {strides = array<i32>} : memref<2x416xi32, #tpu.memory_space<vmem>>, vector<1x16xi32>,
    %dma_start3A = arith.constant 0 : i32
    %dma_start3A_361 = arith.constant 0 : i32
    %dma_start3A_362 = arith.constant 0 : i32
    %dma_start3A_363 = tpu.memref_slice %arg13[%dma_start3A, %dma_start3A_361, %dma_start3A_362] : memref<2x416x32xf32, #tpu.memory_space<vmem>> -> memref<1x416x32xf32, #tpu.memory_space<vmem>>
    %dma_start3A_364 = tpu.memref_squeeze %dma_start3A_363 : memref<1x416x32xf32, #tpu.memory_space<vmem>> -> memref<416x32xf32, #tpu.memory_space<vmem>>
    %dma_start3A_365 = arith.constant 0 : i32
    %dma_start3A_366 = tpu.memref_slice %arg9[%dma_start3A_365] : memref<16640xi32, #tpu.memory_space<vmem>> -> memref<416xi32, #tpu.memory_space<vmem>>
    %dma_start3A_367 = arith.constant 0 : i32
    %dma_start3A_368 = arith.constant 0 : i32
    %dma_start3A_369 = tpu.memref_slice %arg4[%dma_start3A_367, %dma_start3A_368] : memref<1000064x32xf32, #tpu.memory_space<hbm>> -> memref<1000064x32xf32, #tpu.memory_space<hbm>>
    tpu.enqueue_indirect_dma source(%dma_start3A_369 : memref<1000064x32xf32, #tpu.memory_space<hbm>>) target(%dma_start3A_364 : memref<416x32xf32, #tpu.memory_space<vmem>>) offsets(%dma_start3A_366 : memref<416xi32, #tpu.memory_space<vmem>>) semaphore(%arg15 : memref<!tpu.dma_semaphore, #tpu.memory_space<semaphore_mem>>)
    %scan3A_370 = arith.constant 0 : i32
    %scan3A_371 = arith.constant 0 : i32
    %scan3A_372 = arith.constant 20 : i32
    %scan3A_373 = arith.addi %scan3A_371, %scan3A_372 : i32
    %scan3A_374 = arith.constant 1 : i32
    scf.for %scan3A_379 = %scan3A_371 to %scan3A_373 step %scan3A_374  : i32 {
      %mul3A_380 = arith.constant 2 : i32
      %mul3A_381 = arith.muli %mul3A_380, %scan3A_379 : i32
      %add3A_382 = arith.constant 1 : i32
      %add3A_383 = arith.addi %mul3A_381, %add3A_382 : i32
      %mul3A_384 = arith.constant 416 : i32
      %mul3A_385 = arith.muli %add3A_383, %mul3A_384 : i32
      %add3A_386 = arith.constant 0 : i32
      %add3A_387 = arith.addi %mul3A_385, %add3A_386 : i32
      %get3A_388 = arith.index_cast %add3A_387 : i32 to index
      %get3A_389 = tpu.vector_load %arg10[%get3A_388] {strides = array<i32>} : memref<16640xi32, #tpu.memory_space<vmem>>, vector<16xi32>,
      %get3A_390 = vector.shape_cast %get3A_389 : vector<16xi32> to vector<16xi32>
      %swap3A_391 = arith.constant 1 : i32
      %swap3A_392 = arith.index_cast %swap3A_391 : i32 to index
      %swap3A_393 = arith.constant 0 : index
      %swap3A_394 = tpu.vector_load %arg11[%swap3A_392, %swap3A_393] {strides = array<i32>} : memref<2x416xi32, #tpu.memory_space<vmem>>, vector<1x16xi32>,
      %swap3A_395 = vector.shape_cast %swap3A_394 : vector<1x16xi32> to vector<16xi32>
      %swap3A_396 = vector.shape_cast %get3A_390 : vector<16xi32> to vector<1x16xi32>
      tpu.vector_store %arg11[%swap3A_392, %swap3A_393], %swap3A_396 {strides = array<i32>} : memref<2x416xi32, #tpu.memory_space<vmem>>, vector<1x16xi32>,
      %add3A_397 = arith.constant 16 : i32
      %add3A_398 = arith.addi %mul3A_385, %add3A_397 : i32
      %get3A_399 = arith.index_cast %add3A_398 : i32 to index
      %get3A_400 = tpu.vector_load %arg10[%get3A_399] {strides = array<i32>} : memref<16640xi32, #tpu.memory_space<vmem>>, vector<16xi32>,
      %get3A_401 = vector.shape_cast %get3A_400 : vector<16xi32> to vector<16xi32>
      %swap3A_402 = arith.constant 1 : i32
      %swap3A_403 = arith.index_cast %swap3A_402 : i32 to index
      %swap3A_404 = arith.constant 16 : index
      %swap3A_405 = tpu.vector_load %arg11[%swap3A_403, %swap3A_404] {strides = array<i32>} : memref<2x416xi32, #tpu.memory_space<vmem>>, vector<1x16xi32>,
      %swap3A_406 = vector.shape_cast %swap3A_405 : vector<1x16xi32> to vector<16xi32>
      %swap3A_407 = vector.shape_cast %get3A_401 : vector<16xi32> to vector<1x16xi32>
      tpu.vector_store %arg11[%swap3A_403, %swap3A_404], %swap3A_407 {strides = array<i32>} : memref<2x416xi32, #tpu.memory_space<vmem>>, vector<1x16xi32>,
      %add3A_408 = arith.constant 32 : i32
      %add3A_409 = arith.addi %mul3A_385, %add3A_408 : i32
      %get3A_410 = arith.index_cast %add3A_409 : i32 to index
      %get3A_411 = tpu.vector_load %arg10[%get3A_410] {strides = array<i32>} : memref<16640xi32, #tpu.memory_space<vmem>>, vector<16xi32>,
      %get3A_412 = vector.shape_cast %get3A_411 : vector<16xi32> to vector<16xi32>
      %swap3A_413 = arith.constant 1 : i32
      %swap3A_414 = arith.index_cast %swap3A_413 : i32 to index
      %swap3A_415 = arith.constant 32 : index
      %swap3A_416 = tpu.vector_load %arg11[%swap3A_414, %swap3A_415] {strides = array<i32>} : memref<2x416xi32, #tpu.memory_space<vmem>>, vector<1x16xi32>,
      %swap3A_417 = vector.shape_cast %swap3A_416 : vector<1x16xi32> to vector<16xi32>
      %swap3A_418 = vector.shape_cast %get3A_412 : vector<16xi32> to vector<1x16xi32>
      tpu.vector_store %arg11[%swap3A_414, %swap3A_415], %swap3A_418 {strides = array<i32>} : memref<2x416xi32, #tpu.memory_space<vmem>>, vector<1x16xi32>,
      %add3A_419 = arith.constant 48 : i32
      %add3A_420 = arith.addi %mul3A_385, %add3A_419 : i32
      %get3A_421 = arith.index_cast %add3A_420 : i32 to index
      %get3A_422 = tpu.vector_load %arg10[%get3A_421] {strides = array<i32>} : memref<16640xi32, #tpu.memory_space<vmem>>, vector<16xi32>,
      %get3A_423 = vector.shape_cast %get3A_422 : vector<16xi32> to vector<16xi32>
      %swap3A_424 = arith.constant 1 : i32
      %swap3A_425 = arith.index_cast %swap3A_424 : i32 to index
      %swap3A_426 = arith.constant 48 : index
      %swap3A_427 = tpu.vector_load %arg11[%swap3A_425, %swap3A_426] {strides = array<i32>} : memref<2x416xi32, #tpu.memory_space<vmem>>, vector<1x16xi32>,
      %swap3A_428 = vector.shape_cast %swap3A_427 : vector<1x16xi32> to vector<16xi32>
      %swap3A_429 = vector.shape_cast %get3A_423 : vector<16xi32> to vector<1x16xi32>
      tpu.vector_store %arg11[%swap3A_425, %swap3A_426], %swap3A_429 {strides = array<i32>} : memref<2x416xi32, #tpu.memory_space<vmem>>, vector<1x16xi32>,
      %add3A_430 = arith.constant 64 : i32
      %add3A_431 = arith.addi %mul3A_385, %add3A_430 : i32
      %get3A_432 = arith.index_cast %add3A_431 : i32 to index
      %get3A_433 = tpu.vector_load %arg10[%get3A_432] {strides = array<i32>} : memref<16640xi32, #tpu.memory_space<vmem>>, vector<16xi32>,
      %get3A_434 = vector.shape_cast %get3A_433 : vector<16xi32> to vector<16xi32>
      %swap3A_435 = arith.constant 1 : i32
      %swap3A_436 = arith.index_cast %swap3A_435 : i32 to index
      %swap3A_437 = arith.constant 64 : index
      %swap3A_438 = tpu.vector_load %arg11[%swap3A_436, %swap3A_437] {strides = array<i32>} : memref<2x416xi32, #tpu.memory_space<vmem>>, vector<1x16xi32>,
      %swap3A_439 = vector.shape_cast %swap3A_438 : vector<1x16xi32> to vector<16xi32>
      %swap3A_440 = vector.shape_cast %get3A_434 : vector<16xi32> to vector<1x16xi32>
      tpu.vector_store %arg11[%swap3A_436, %swap3A_437], %swap3A_440 {strides = array<i32>} : memref<2x416xi32, #tpu.memory_space<vmem>>, vector<1x16xi32>,
      %add3A_441 = arith.constant 80 : i32
      %add3A_442 = arith.addi %mul3A_385, %add3A_441 : i32
      %get3A_443 = arith.index_cast %add3A_442 : i32 to index
      %get3A_444 = tpu.vector_load %arg10[%get3A_443] {strides = array<i32>} : memref<16640xi32, #tpu.memory_space<vmem>>, vector<16xi32>,
      %get3A_445 = vector.shape_cast %get3A_444 : vector<16xi32> to vector<16xi32>
      %swap3A_446 = arith.constant 1 : i32
      %swap3A_447 = arith.index_cast %swap3A_446 : i32 to index
      %swap3A_448 = arith.constant 80 : index
      %swap3A_449 = tpu.vector_load %arg11[%swap3A_447, %swap3A_448] {strides = array<i32>} : memref<2x416xi32, #tpu.memory_space<vmem>>, vector<1x16xi32>,
      %swap3A_450 = vector.shape_cast %swap3A_449 : vector<1x16xi32> to vector<16xi32>
      %swap3A_451 = vector.shape_cast %get3A_445 : vector<16xi32> to vector<1x16xi32>
      tpu.vector_store %arg11[%swap3A_447, %swap3A_448], %swap3A_451 {strides = array<i32>} : memref<2x416xi32, #tpu.memory_space<vmem>>, vector<1x16xi32>,
      %add3A_452 = arith.constant 96 : i32
      %add3A_453 = arith.addi %mul3A_385, %add3A_452 : i32
      %get3A_454 = arith.index_cast %add3A_453 : i32 to index
      %get3A_455 = tpu.vector_load %arg10[%get3A_454] {strides = array<i32>} : memref<16640xi32, #tpu.memory_space<vmem>>, vector<16xi32>,
      %get3A_456 = vector.shape_cast %get3A_455 : vector<16xi32> to vector<16xi32>
      %swap3A_457 = arith.constant 1 : i32
      %swap3A_458 = arith.index_cast %swap3A_457 : i32 to index
      %swap3A_459 = arith.constant 96 : index
      %swap3A_460 = tpu.vector_load %arg11[%swap3A_458, %swap3A_459] {strides = array<i32>} : memref<2x416xi32, #tpu.memory_space<vmem>>, vector<1x16xi32>,
      %swap3A_461 = vector.shape_cast %swap3A_460 : vector<1x16xi32> to vector<16xi32>
      %swap3A_462 = vector.shape_cast %get3A_456 : vector<16xi32> to vector<1x16xi32>
      tpu.vector_store %arg11[%swap3A_458, %swap3A_459], %swap3A_462 {strides = array<i32>} : memref<2x416xi32, #tpu.memory_space<vmem>>, vector<1x16xi32>,
      %add3A_463 = arith.constant 112 : i32
      %add3A_464 = arith.addi %mul3A_385, %add3A_463 : i32
      %get3A_465 = arith.index_cast %add3A_464 : i32 to index
      %get3A_466 = tpu.vector_load %arg10[%get3A_465] {strides = array<i32>} : memref<16640xi32, #tpu.memory_space<vmem>>, vector<16xi32>,
      %get3A_467 = vector.shape_cast %get3A_466 : vector<16xi32> to vector<16xi32>
      %swap3A_468 = arith.constant 1 : i32
      %swap3A_469 = arith.index_cast %swap3A_468 : i32 to index
      %swap3A_470 = arith.constant 112 : index
      %swap3A_471 = tpu.vector_load %arg11[%swap3A_469, %swap3A_470] {strides = array<i32>} : memref<2x416xi32, #tpu.memory_space<vmem>>, vector<1x16xi32>,
      %swap3A_472 = vector.shape_cast %swap3A_471 : vector<1x16xi32> to vector<16xi32>
      %swap3A_473 = vector.shape_cast %get3A_467 : vector<16xi32> to vector<1x16xi32>
      tpu.vector_store %arg11[%swap3A_469, %swap3A_470], %swap3A_473 {strides = array<i32>} : memref<2x416xi32, #tpu.memory_space<vmem>>, vector<1x16xi32>,
      %add3A_474 = arith.constant 128 : i32
      %add3A_475 = arith.addi %mul3A_385, %add3A_474 : i32
      %get3A_476 = arith.index_cast %add3A_475 : i32 to index
      %get3A_477 = tpu.vector_load %arg10[%get3A_476] {strides = array<i32>} : memref<16640xi32, #tpu.memory_space<vmem>>, vector<16xi32>,
      %get3A_478 = vector.shape_cast %get3A_477 : vector<16xi32> to vector<16xi32>
      %swap3A_479 = arith.constant 1 : i32
      %swap3A_480 = arith.index_cast %swap3A_479 : i32 to index
      %swap3A_481 = arith.constant 128 : index
      %swap3A_482 = tpu.vector_load %arg11[%swap3A_480, %swap3A_481] {strides = array<i32>} : memref<2x416xi32, #tpu.memory_space<vmem>>, vector<1x16xi32>,
      %swap3A_483 = vector.shape_cast %swap3A_482 : vector<1x16xi32> to vector<16xi32>
      %swap3A_484 = vector.shape_cast %get3A_478 : vector<16xi32> to vector<1x16xi32>
      tpu.vector_store %arg11[%swap3A_480, %swap3A_481], %swap3A_484 {strides = array<i32>} : memref<2x416xi32, #tpu.memory_space<vmem>>, vector<1x16xi32>,
      %add3A_485 = arith.constant 144 : i32
      %add3A_486 = arith.addi %mul3A_385, %add3A_485 : i32
      %get3A_487 = arith.index_cast %add3A_486 : i32 to index
      %get3A_488 = tpu.vector_load %arg10[%get3A_487] {strides = array<i32>} : memref<16640xi32, #tpu.memory_space<vmem>>, vector<16xi32>,
      %get3A_489 = vector.shape_cast %get3A_488 : vector<16xi32> to vector<16xi32>
      %swap3A_490 = arith.constant 1 : i32
      %swap3A_491 = arith.index_cast %swap3A_490 : i32 to index
      %swap3A_492 = arith.constant 144 : index
      %swap3A_493 = tpu.vector_load %arg11[%swap3A_491, %swap3A_492] {strides = array<i32>} : memref<2x416xi32, #tpu.memory_space<vmem>>, vector<1x16xi32>,
      %swap3A_494 = vector.shape_cast %swap3A_493 : vector<1x16xi32> to vector<16xi32>
      %swap3A_495 = vector.shape_cast %get3A_489 : vector<16xi32> to vector<1x16xi32>
      tpu.vector_store %arg11[%swap3A_491, %swap3A_492], %swap3A_495 {strides = array<i32>} : memref<2x416xi32, #tpu.memory_space<vmem>>, vector<1x16xi32>,
      %add3A_496 = arith.constant 160 : i32
      %add3A_497 = arith.addi %mul3A_385, %add3A_496 : i32
      %get3A_498 = arith.index_cast %add3A_497 : i32 to index
      %get3A_499 = tpu.vector_load %arg10[%get3A_498] {strides = array<i32>} : memref<16640xi32, #tpu.memory_space<vmem>>, vector<16xi32>,
      %get3A_500 = vector.shape_cast %get3A_499 : vector<16xi32> to vector<16xi32>
      %swap3A_501 = arith.constant 1 : i32
      %swap3A_502 = arith.index_cast %swap3A_501 : i32 to index
      %swap3A_503 = arith.constant 160 : index
      %swap3A_504 = tpu.vector_load %arg11[%swap3A_502, %swap3A_503] {strides = array<i32>} : memref<2x416xi32, #tpu.memory_space<vmem>>, vector<1x16xi32>,
      %swap3A_505 = vector.shape_cast %swap3A_504 : vector<1x16xi32> to vector<16xi32>
      %swap3A_506 = vector.shape_cast %get3A_500 : vector<16xi32> to vector<1x16xi32>
      tpu.vector_store %arg11[%swap3A_502, %swap3A_503], %swap3A_506 {strides = array<i32>} : memref<2x416xi32, #tpu.memory_space<vmem>>, vector<1x16xi32>,
      %add3A_507 = arith.constant 176 : i32
      %add3A_508 = arith.addi %mul3A_385, %add3A_507 : i32
      %get3A_509 = arith.index_cast %add3A_508 : i32 to index
      %get3A_510 = tpu.vector_load %arg10[%get3A_509] {strides = array<i32>} : memref<16640xi32, #tpu.memory_space<vmem>>, vector<16xi32>,
      %get3A_511 = vector.shape_cast %get3A_510 : vector<16xi32> to vector<16xi32>
      %swap3A_512 = arith.constant 1 : i32
      %swap3A_513 = arith.index_cast %swap3A_512 : i32 to index
      %swap3A_514 = arith.constant 176 : index
      %swap3A_515 = tpu.vector_load %arg11[%swap3A_513, %swap3A_514] {strides = array<i32>} : memref<2x416xi32, #tpu.memory_space<vmem>>, vector<1x16xi32>,
      %swap3A_516 = vector.shape_cast %swap3A_515 : vector<1x16xi32> to vector<16xi32>
      %swap3A_517 = vector.shape_cast %get3A_511 : vector<16xi32> to vector<1x16xi32>
      tpu.vector_store %arg11[%swap3A_513, %swap3A_514], %swap3A_517 {strides = array<i32>} : memref<2x416xi32, #tpu.memory_space<vmem>>, vector<1x16xi32>,
      %add3A_518 = arith.constant 192 : i32
      %add3A_519 = arith.addi %mul3A_385, %add3A_518 : i32
      %get3A_520 = arith.index_cast %add3A_519 : i32 to index
      %get3A_521 = tpu.vector_load %arg10[%get3A_520] {strides = array<i32>} : memref<16640xi32, #tpu.memory_space<vmem>>, vector<16xi32>,
      %get3A_522 = vector.shape_cast %get3A_521 : vector<16xi32> to vector<16xi32>
      %swap3A_523 = arith.constant 1 : i32
      %swap3A_524 = arith.index_cast %swap3A_523 : i32 to index
      %swap3A_525 = arith.constant 192 : index
      %swap3A_526 = tpu.vector_load %arg11[%swap3A_524, %swap3A_525] {strides = array<i32>} : memref<2x416xi32, #tpu.memory_space<vmem>>, vector<1x16xi32>,
      %swap3A_527 = vector.shape_cast %swap3A_526 : vector<1x16xi32> to vector<16xi32>
      %swap3A_528 = vector.shape_cast %get3A_522 : vector<16xi32> to vector<1x16xi32>
      tpu.vector_store %arg11[%swap3A_524, %swap3A_525], %swap3A_528 {strides = array<i32>} : memref<2x416xi32, #tpu.memory_space<vmem>>, vector<1x16xi32>,
      %add3A_529 = arith.constant 208 : i32
      %add3A_530 = arith.addi %mul3A_385, %add3A_529 : i32
      %get3A_531 = arith.index_cast %add3A_530 : i32 to index
      %get3A_532 = tpu.vector_load %arg10[%get3A_531] {strides = array<i32>} : memref<16640xi32, #tpu.memory_space<vmem>>, vector<16xi32>,
      %get3A_533 = vector.shape_cast %get3A_532 : vector<16xi32> to vector<16xi32>
      %swap3A_534 = arith.constant 1 : i32
      %swap3A_535 = arith.index_cast %swap3A_534 : i32 to index
      %swap3A_536 = arith.constant 208 : index
      %swap3A_537 = tpu.vector_load %arg11[%swap3A_535, %swap3A_536] {strides = array<i32>} : memref<2x416xi32, #tpu.memory_space<vmem>>, vector<1x16xi32>,
      %swap3A_538 = vector.shape_cast %swap3A_537 : vector<1x16xi32> to vector<16xi32>
      %swap3A_539 = vector.shape_cast %get3A_533 : vector<16xi32> to vector<1x16xi32>
      tpu.vector_store %arg11[%swap3A_535, %swap3A_536], %swap3A_539 {strides = array<i32>} : memref<2x416xi32, #tpu.memory_space<vmem>>, vector<1x16xi32>,
      %add3A_540 = arith.constant 224 : i32
      %add3A_541 = arith.addi %mul3A_385, %add3A_540 : i32
      %get3A_542 = arith.index_cast %add3A_541 : i32 to index
      %get3A_543 = tpu.vector_load %arg10[%get3A_542] {strides = array<i32>} : memref<16640xi32, #tpu.memory_space<vmem>>, vector<16xi32>,
      %get3A_544 = vector.shape_cast %get3A_543 : vector<16xi32> to vector<16xi32>
      %swap3A_545 = arith.constant 1 : i32
      %swap3A_546 = arith.index_cast %swap3A_545 : i32 to index
      %swap3A_547 = arith.constant 224 : index
      %swap3A_548 = tpu.vector_load %arg11[%swap3A_546, %swap3A_547] {strides = array<i32>} : memref<2x416xi32, #tpu.memory_space<vmem>>, vector<1x16xi32>,
      %swap3A_549 = vector.shape_cast %swap3A_548 : vector<1x16xi32> to vector<16xi32>
      %swap3A_550 = vector.shape_cast %get3A_544 : vector<16xi32> to vector<1x16xi32>
      tpu.vector_store %arg11[%swap3A_546, %swap3A_547], %swap3A_550 {strides = array<i32>} : memref<2x416xi32, #tpu.memory_space<vmem>>, vector<1x16xi32>,
      %add3A_551 = arith.constant 240 : i32
      %add3A_552 = arith.addi %mul3A_385, %add3A_551 : i32
      %get3A_553 = arith.index_cast %add3A_552 : i32 to index
      %get3A_554 = tpu.vector_load %arg10[%get3A_553] {strides = array<i32>} : memref<16640xi32, #tpu.memory_space<vmem>>, vector<16xi32>,
      %get3A_555 = vector.shape_cast %get3A_554 : vector<16xi32> to vector<16xi32>
      %swap3A_556 = arith.constant 1 : i32
      %swap3A_557 = arith.index_cast %swap3A_556 : i32 to index
      %swap3A_558 = arith.constant 240 : index
      %swap3A_559 = tpu.vector_load %arg11[%swap3A_557, %swap3A_558] {strides = array<i32>} : memref<2x416xi32, #tpu.memory_space<vmem>>, vector<1x16xi32>,
      %swap3A_560 = vector.shape_cast %swap3A_559 : vector<1x16xi32> to vector<16xi32>
      %swap3A_561 = vector.shape_cast %get3A_555 : vector<16xi32> to vector<1x16xi32>
      tpu.vector_store %arg11[%swap3A_557, %swap3A_558], %swap3A_561 {strides = array<i32>} : memref<2x416xi32, #tpu.memory_space<vmem>>, vector<1x16xi32>,
      %add3A_562 = arith.constant 256 : i32
      %add3A_563 = arith.addi %mul3A_385, %add3A_562 : i32
      %get3A_564 = arith.index_cast %add3A_563 : i32 to index
      %get3A_565 = tpu.vector_load %arg10[%get3A_564] {strides = array<i32>} : memref<16640xi32, #tpu.memory_space<vmem>>, vector<16xi32>,
      %get3A_566 = vector.shape_cast %get3A_565 : vector<16xi32> to vector<16xi32>
      %swap3A_567 = arith.constant 1 : i32
      %swap3A_568 = arith.index_cast %swap3A_567 : i32 to index
      %swap3A_569 = arith.constant 256 : index
      %swap3A_570 = tpu.vector_load %arg11[%swap3A_568, %swap3A_569] {strides = array<i32>} : memref<2x416xi32, #tpu.memory_space<vmem>>, vector<1x16xi32>,
      %swap3A_571 = vector.shape_cast %swap3A_570 : vector<1x16xi32> to vector<16xi32>
      %swap3A_572 = vector.shape_cast %get3A_566 : vector<16xi32> to vector<1x16xi32>
      tpu.vector_store %arg11[%swap3A_568, %swap3A_569], %swap3A_572 {strides = array<i32>} : memref<2x416xi32, #tpu.memory_space<vmem>>, vector<1x16xi32>,
      %add3A_573 = arith.constant 272 : i32
      %add3A_574 = arith.addi %mul3A_385, %add3A_573 : i32
      %get3A_575 = arith.index_cast %add3A_574 : i32 to index
      %get3A_576 = tpu.vector_load %arg10[%get3A_575] {strides = array<i32>} : memref<16640xi32, #tpu.memory_space<vmem>>, vector<16xi32>,
      %get3A_577 = vector.shape_cast %get3A_576 : vector<16xi32> to vector<16xi32>
      %swap3A_578 = arith.constant 1 : i32
      %swap3A_579 = arith.index_cast %swap3A_578 : i32 to index
      %swap3A_580 = arith.constant 272 : index
      %swap3A_581 = tpu.vector_load %arg11[%swap3A_579, %swap3A_580] {strides = array<i32>} : memref<2x416xi32, #tpu.memory_space<vmem>>, vector<1x16xi32>,
      %swap3A_582 = vector.shape_cast %swap3A_581 : vector<1x16xi32> to vector<16xi32>
      %swap3A_583 = vector.shape_cast %get3A_577 : vector<16xi32> to vector<1x16xi32>
      tpu.vector_store %arg11[%swap3A_579, %swap3A_580], %swap3A_583 {strides = array<i32>} : memref<2x416xi32, #tpu.memory_space<vmem>>, vector<1x16xi32>,
      %add3A_584 = arith.constant 288 : i32
      %add3A_585 = arith.addi %mul3A_385, %add3A_584 : i32
      %get3A_586 = arith.index_cast %add3A_585 : i32 to index
      %get3A_587 = tpu.vector_load %arg10[%get3A_586] {strides = array<i32>} : memref<16640xi32, #tpu.memory_space<vmem>>, vector<16xi32>,
      %get3A_588 = vector.shape_cast %get3A_587 : vector<16xi32> to vector<16xi32>
      %swap3A_589 = arith.constant 1 : i32
      %swap3A_590 = arith.index_cast %swap3A_589 : i32 to index
      %swap3A_591 = arith.constant 288 : index
      %swap3A_592 = tpu.vector_load %arg11[%swap3A_590, %swap3A_591] {strides = array<i32>} : memref<2x416xi32, #tpu.memory_space<vmem>>, vector<1x16xi32>,
      %swap3A_593 = vector.shape_cast %swap3A_592 : vector<1x16xi32> to vector<16xi32>
      %swap3A_594 = vector.shape_cast %get3A_588 : vector<16xi32> to vector<1x16xi32>
      tpu.vector_store %arg11[%swap3A_590, %swap3A_591], %swap3A_594 {strides = array<i32>} : memref<2x416xi32, #tpu.memory_space<vmem>>, vector<1x16xi32>,
      %add3A_595 = arith.constant 304 : i32
      %add3A_596 = arith.addi %mul3A_385, %add3A_595 : i32
      %get3A_597 = arith.index_cast %add3A_596 : i32 to index
      %get3A_598 = tpu.vector_load %arg10[%get3A_597] {strides = array<i32>} : memref<16640xi32, #tpu.memory_space<vmem>>, vector<16xi32>,
      %get3A_599 = vector.shape_cast %get3A_598 : vector<16xi32> to vector<16xi32>
      %swap3A_600 = arith.constant 1 : i32
      %swap3A_601 = arith.index_cast %swap3A_600 : i32 to index
      %swap3A_602 = arith.constant 304 : index
      %swap3A_603 = tpu.vector_load %arg11[%swap3A_601, %swap3A_602] {strides = array<i32>} : memref<2x416xi32, #tpu.memory_space<vmem>>, vector<1x16xi32>,
      %swap3A_604 = vector.shape_cast %swap3A_603 : vector<1x16xi32> to vector<16xi32>
      %swap3A_605 = vector.shape_cast %get3A_599 : vector<16xi32> to vector<1x16xi32>
      tpu.vector_store %arg11[%swap3A_601, %swap3A_602], %swap3A_605 {strides = array<i32>} : memref<2x416xi32, #tpu.memory_space<vmem>>, vector<1x16xi32>,
      %add3A_606 = arith.constant 320 : i32
      %add3A_607 = arith.addi %mul3A_385, %add3A_606 : i32
      %get3A_608 = arith.index_cast %add3A_607 : i32 to index
      %get3A_609 = tpu.vector_load %arg10[%get3A_608] {strides = array<i32>} : memref<16640xi32, #tpu.memory_space<vmem>>, vector<16xi32>,
      %get3A_610 = vector.shape_cast %get3A_609 : vector<16xi32> to vector<16xi32>
      %swap3A_611 = arith.constant 1 : i32
      %swap3A_612 = arith.index_cast %swap3A_611 : i32 to index
      %swap3A_613 = arith.constant 320 : index
      %swap3A_614 = tpu.vector_load %arg11[%swap3A_612, %swap3A_613] {strides = array<i32>} : memref<2x416xi32, #tpu.memory_space<vmem>>, vector<1x16xi32>,
      %swap3A_615 = vector.shape_cast %swap3A_614 : vector<1x16xi32> to vector<16xi32>
      %swap3A_616 = vector.shape_cast %get3A_610 : vector<16xi32> to vector<1x16xi32>
      tpu.vector_store %arg11[%swap3A_612, %swap3A_613], %swap3A_616 {strides = array<i32>} : memref<2x416xi32, #tpu.memory_space<vmem>>, vector<1x16xi32>,
      %add3A_617 = arith.constant 336 : i32
      %add3A_618 = arith.addi %mul3A_385, %add3A_617 : i32
      %get3A_619 = arith.index_cast %add3A_618 : i32 to index
      %get3A_620 = tpu.vector_load %arg10[%get3A_619] {strides = array<i32>} : memref<16640xi32, #tpu.memory_space<vmem>>, vector<16xi32>,
      %get3A_621 = vector.shape_cast %get3A_620 : vector<16xi32> to vector<16xi32>
      %swap3A_622 = arith.constant 1 : i32
      %swap3A_623 = arith.index_cast %swap3A_622 : i32 to index
      %swap3A_624 = arith.constant 336 : index
      %swap3A_625 = tpu.vector_load %arg11[%swap3A_623, %swap3A_624] {strides = array<i32>} : memref<2x416xi32, #tpu.memory_space<vmem>>, vector<1x16xi32>,
      %swap3A_626 = vector.shape_cast %swap3A_625 : vector<1x16xi32> to vector<16xi32>
      %swap3A_627 = vector.shape_cast %get3A_621 : vector<16xi32> to vector<1x16xi32>
      tpu.vector_store %arg11[%swap3A_623, %swap3A_624], %swap3A_627 {strides = array<i32>} : memref<2x416xi32, #tpu.memory_space<vmem>>, vector<1x16xi32>,
      %add3A_628 = arith.constant 352 : i32
      %add3A_629 = arith.addi %mul3A_385, %add3A_628 : i32
      %get3A_630 = arith.index_cast %add3A_629 : i32 to index
      %get3A_631 = tpu.vector_load %arg10[%get3A_630] {strides = array<i32>} : memref<16640xi32, #tpu.memory_space<vmem>>, vector<16xi32>,
      %get3A_632 = vector.shape_cast %get3A_631 : vector<16xi32> to vector<16xi32>
      %swap3A_633 = arith.constant 1 : i32
      %swap3A_634 = arith.index_cast %swap3A_633 : i32 to index
      %swap3A_635 = arith.constant 352 : index
      %swap3A_636 = tpu.vector_load %arg11[%swap3A_634, %swap3A_635] {strides = array<i32>} : memref<2x416xi32, #tpu.memory_space<vmem>>, vector<1x16xi32>,
      %swap3A_637 = vector.shape_cast %swap3A_636 : vector<1x16xi32> to vector<16xi32>
      %swap3A_638 = vector.shape_cast %get3A_632 : vector<16xi32> to vector<1x16xi32>
      tpu.vector_store %arg11[%swap3A_634, %swap3A_635], %swap3A_638 {strides = array<i32>} : memref<2x416xi32, #tpu.memory_space<vmem>>, vector<1x16xi32>,
      %add3A_639 = arith.constant 368 : i32
      %add3A_640 = arith.addi %mul3A_385, %add3A_639 : i32
      %get3A_641 = arith.index_cast %add3A_640 : i32 to index
      %get3A_642 = tpu.vector_load %arg10[%get3A_641] {strides = array<i32>} : memref<16640xi32, #tpu.memory_space<vmem>>, vector<16xi32>,
      %get3A_643 = vector.shape_cast %get3A_642 : vector<16xi32> to vector<16xi32>
      %swap3A_644 = arith.constant 1 : i32
      %swap3A_645 = arith.index_cast %swap3A_644 : i32 to index
      %swap3A_646 = arith.constant 368 : index
      %swap3A_647 = tpu.vector_load %arg11[%swap3A_645, %swap3A_646] {strides = array<i32>} : memref<2x416xi32, #tpu.memory_space<vmem>>, vector<1x16xi32>,
      %swap3A_648 = vector.shape_cast %swap3A_647 : vector<1x16xi32> to vector<16xi32>
      %swap3A_649 = vector.shape_cast %get3A_643 : vector<16xi32> to vector<1x16xi32>
      tpu.vector_store %arg11[%swap3A_645, %swap3A_646], %swap3A_649 {strides = array<i32>} : memref<2x416xi32, #tpu.memory_space<vmem>>, vector<1x16xi32>,
      %add3A_650 = arith.constant 384 : i32
      %add3A_651 = arith.addi %mul3A_385, %add3A_650 : i32
      %get3A_652 = arith.index_cast %add3A_651 : i32 to index
      %get3A_653 = tpu.vector_load %arg10[%get3A_652] {strides = array<i32>} : memref<16640xi32, #tpu.memory_space<vmem>>, vector<16xi32>,
      %get3A_654 = vector.shape_cast %get3A_653 : vector<16xi32> to vector<16xi32>
      %swap3A_655 = arith.constant 1 : i32
      %swap3A_656 = arith.index_cast %swap3A_655 : i32 to index
      %swap3A_657 = arith.constant 384 : index
      %swap3A_658 = tpu.vector_load %arg11[%swap3A_656, %swap3A_657] {strides = array<i32>} : memref<2x416xi32, #tpu.memory_space<vmem>>, vector<1x16xi32>,
      %swap3A_659 = vector.shape_cast %swap3A_658 : vector<1x16xi32> to vector<16xi32>
      %swap3A_660 = vector.shape_cast %get3A_654 : vector<16xi32> to vector<1x16xi32>
      tpu.vector_store %arg11[%swap3A_656, %swap3A_657], %swap3A_660 {strides = array<i32>} : memref<2x416xi32, #tpu.memory_space<vmem>>, vector<1x16xi32>,
      %add3A_661 = arith.constant 400 : i32
      %add3A_662 = arith.addi %mul3A_385, %add3A_661 : i32
      %get3A_663 = arith.index_cast %add3A_662 : i32 to index
      %get3A_664 = tpu.vector_load %arg10[%get3A_663] {strides = array<i32>} : memref<16640xi32, #tpu.memory_space<vmem>>, vector<16xi32>,
      %get3A_665 = vector.shape_cast %get3A_664 : vector<16xi32> to vector<16xi32>
      %swap3A_666 = arith.constant 1 : i32
      %swap3A_667 = arith.index_cast %swap3A_666 : i32 to index
      %swap3A_668 = arith.constant 400 : index
      %swap3A_669 = tpu.vector_load %arg11[%swap3A_667, %swap3A_668] {strides = array<i32>} : memref<2x416xi32, #tpu.memory_space<vmem>>, vector<1x16xi32>,
      %swap3A_670 = vector.shape_cast %swap3A_669 : vector<1x16xi32> to vector<16xi32>
      %swap3A_671 = vector.shape_cast %get3A_665 : vector<16xi32> to vector<1x16xi32>
      tpu.vector_store %arg11[%swap3A_667, %swap3A_668], %swap3A_671 {strides = array<i32>} : memref<2x416xi32, #tpu.memory_space<vmem>>, vector<1x16xi32>,
      %add3A_672 = arith.constant 1 : i32
      %add3A_673 = arith.addi %mul3A_381, %add3A_672 : i32
      %mul3A_674 = arith.constant 416 : i32
      %mul3A_675 = arith.muli %add3A_673, %mul3A_674 : i32
      %dma_start3A_676 = arith.constant 1 : i32
      %dma_start3A_677 = arith.constant 0 : i32
      %dma_start3A_678 = arith.constant 0 : i32
      %dma_start3A_679 = tpu.memref_slice %arg13[%dma_start3A_676, %dma_start3A_677, %dma_start3A_678] : memref<2x416x32xf32, #tpu.memory_space<vmem>> -> memref<1x416x32xf32, #tpu.memory_space<vmem>>
      %dma_start3A_680 = tpu.memref_squeeze %dma_start3A_679 : memref<1x416x32xf32, #tpu.memory_space<vmem>> -> memref<416x32xf32, #tpu.memory_space<vmem>>
      %dma_start3A_681 = tpu.memref_slice %arg9[%mul3A_675] : memref<16640xi32, #tpu.memory_space<vmem>> -> memref<416xi32, #tpu.memory_space<vmem>>
      %dma_start3A_682 = arith.constant 0 : i32
      %dma_start3A_683 = arith.constant 0 : i32
      %dma_start3A_684 = tpu.memref_slice %arg4[%dma_start3A_682, %dma_start3A_683] : memref<1000064x32xf32, #tpu.memory_space<hbm>> -> memref<1000064x32xf32, #tpu.memory_space<hbm>>
      tpu.enqueue_indirect_dma source(%dma_start3A_684 : memref<1000064x32xf32, #tpu.memory_space<hbm>>) target(%dma_start3A_680 : memref<416x32xf32, #tpu.memory_space<vmem>>) offsets(%dma_start3A_681 : memref<416xi32, #tpu.memory_space<vmem>>) semaphore(%arg16 : memref<!tpu.dma_semaphore, #tpu.memory_space<semaphore_mem>>)
      %mul3A_685 = arith.constant 416 : i32
      %mul3A_686 = arith.muli %mul3A_381, %mul3A_685 : i32
      %dma_wait3A = arith.constant 0 : i32
      %dma_wait3A_687 = arith.constant 0 : i32
      %dma_wait3A_688 = arith.constant 0 : i32
      %dma_wait3A_689 = tpu.memref_slice %arg13[%dma_wait3A, %dma_wait3A_687, %dma_wait3A_688] : memref<2x416x32xf32, #tpu.memory_space<vmem>> -> memref<1x416x32xf32, #tpu.memory_space<vmem>>
      %dma_wait3A_690 = tpu.memref_squeeze %dma_wait3A_689 : memref<1x416x32xf32, #tpu.memory_space<vmem>> -> memref<416x32xf32, #tpu.memory_space<vmem>>
      %dma_wait3A_691 = tpu.memref_slice %arg9[%mul3A_686] : memref<16640xi32, #tpu.memory_space<vmem>> -> memref<416xi32, #tpu.memory_space<vmem>>
      %dma_wait3A_692 = arith.constant 0 : i32
      %dma_wait3A_693 = arith.constant 0 : i32
      %dma_wait3A_694 = tpu.memref_slice %arg4[%dma_wait3A_692, %dma_wait3A_693] : memref<1000064x32xf32, #tpu.memory_space<hbm>> -> memref<1000064x32xf32, #tpu.memory_space<hbm>>
      tpu.wait_indirect_dma semaphore(%arg15 : memref<!tpu.dma_semaphore, #tpu.memory_space<semaphore_mem>>) src(%dma_wait3A_694 : memref<1000064x32xf32, #tpu.memory_space<hbm>>) dst(%dma_wait3A_690 : memref<416x32xf32, #tpu.memory_space<vmem>>)
      %run_scoped3A = arith.constant 0 : i32
      %run_scoped3A_695 = arith.constant 0 : i32
      "tpu.region"() ({
        %run_scoped3A_717 = tpu.sem_alloc : memref<!tpu.dma_semaphore, #tpu.memory_space<semaphore_mem>>
        %dma_start3A_718 = arith.constant 0 : i32
        %dma_start3A_719 = arith.constant 0 : i32
        %dma_start3A_720 = tpu.memref_slice %arg13[%run_scoped3A, %dma_start3A_718, %dma_start3A_719] : memref<2x416x32xf32, #tpu.memory_space<vmem>> -> memref<1x416x32xf32, #tpu.memory_space<vmem>>
        %dma_start3A_721 = tpu.memref_squeeze %dma_start3A_720 : memref<1x416x32xf32, #tpu.memory_space<vmem>> -> memref<416x32xf32, #tpu.memory_space<vmem>>
        %dma_start3A_722 = arith.constant 0 : i32
        %dma_start3A_723 = tpu.memref_slice %arg11[%run_scoped3A_695, %dma_start3A_722] : memref<2x416xi32, #tpu.memory_space<vmem>> -> memref<1x416xi32, #tpu.memory_space<vmem>>
        %dma_start3A_724 = tpu.memref_squeeze %dma_start3A_723 : memref<1x416xi32, #tpu.memory_space<vmem>> -> memref<416xi32, #tpu.memory_space<vmem>>
        %dma_start3A_725 = arith.constant 0 : i32
        %dma_start3A_726 = arith.constant 0 : i32
        %dma_start3A_727 = tpu.memref_slice %arg7[%dma_start3A_725, %dma_start3A_726] : memref<26624x32xf32, #tpu.memory_space<vmem_shared>> -> memref<26624x32xf32, #tpu.memory_space<vmem_shared>>
        tpu.enqueue_indirect_dma source(%dma_start3A_721 : memref<416x32xf32, #tpu.memory_space<vmem>>) target(%dma_start3A_727 : memref<26624x32xf32, #tpu.memory_space<vmem_shared>>) offsets(%dma_start3A_724 : memref<416xi32, #tpu.memory_space<vmem>>) semaphore(%run_scoped3A_717 : memref<!tpu.dma_semaphore, #tpu.memory_space<semaphore_mem>>) {add = true}
        %dma_wait3A_728 = arith.constant 0 : i32
        %dma_wait3A_729 = arith.constant 0 : i32
        %dma_wait3A_730 = tpu.memref_slice %arg13[%run_scoped3A, %dma_wait3A_728, %dma_wait3A_729] : memref<2x416x32xf32, #tpu.memory_space<vmem>> -> memref<1x416x32xf32, #tpu.memory_space<vmem>>
        %dma_wait3A_731 = tpu.memref_squeeze %dma_wait3A_730 : memref<1x416x32xf32, #tpu.memory_space<vmem>> -> memref<416x32xf32, #tpu.memory_space<vmem>>
        %dma_wait3A_732 = arith.constant 0 : i32
        %dma_wait3A_733 = tpu.memref_slice %arg11[%run_scoped3A_695, %dma_wait3A_732] : memref<2x416xi32, #tpu.memory_space<vmem>> -> memref<1x416xi32, #tpu.memory_space<vmem>>
        %dma_wait3A_734 = tpu.memref_squeeze %dma_wait3A_733 : memref<1x416xi32, #tpu.memory_space<vmem>> -> memref<416xi32, #tpu.memory_space<vmem>>
        %dma_wait3A_735 = arith.constant 0 : i32
        %dma_wait3A_736 = arith.constant 0 : i32
        %dma_wait3A_737 = tpu.memref_slice %arg7[%dma_wait3A_735, %dma_wait3A_736] : memref<26624x32xf32, #tpu.memory_space<vmem_shared>> -> memref<26624x32xf32, #tpu.memory_space<vmem_shared>>
        tpu.wait_indirect_dma semaphore(%run_scoped3A_717 : memref<!tpu.dma_semaphore, #tpu.memory_space<semaphore_mem>>) src(%dma_wait3A_731 : memref<416x32xf32, #tpu.memory_space<vmem>>) dst(%dma_wait3A_737 : memref<26624x32xf32, #tpu.memory_space<vmem_shared>>)
        tpu.yield
      }) : () -> ()
      %run_scoped3A_696 = arith.constant 0 : i32
      "tpu.region"() ({
        %run_scoped3A_717 = tpu.sem_alloc : memref<!tpu.dma_semaphore, #tpu.memory_space<semaphore_mem>>
        %dma_start3A_718 = arith.constant 0 : i32
        %dma_start3A_719 = tpu.memref_slice %arg11[%run_scoped3A_696, %dma_start3A_718] : memref<2x416xi32, #tpu.memory_space<vmem>> -> memref<1x416xi32, #tpu.memory_space<vmem>>
        %dma_start3A_720 = tpu.memref_squeeze %dma_start3A_719 : memref<1x416xi32, #tpu.memory_space<vmem>> -> memref<416xi32, #tpu.memory_space<vmem>>
        %dma_start3A_721 = arith.constant 0 : i32
        %dma_start3A_722 = tpu.memref_slice %arg8[%dma_start3A_721] : memref<26624xf32, #tpu.memory_space<vmem_shared>> -> memref<26624xf32, #tpu.memory_space<vmem_shared>>
        tpu.enqueue_indirect_dma source(%arg12 : memref<416xf32, #tpu.memory_space<vmem>>) target(%dma_start3A_722 : memref<26624xf32, #tpu.memory_space<vmem_shared>>) offsets(%dma_start3A_720 : memref<416xi32, #tpu.memory_space<vmem>>) semaphore(%run_scoped3A_717 : memref<!tpu.dma_semaphore, #tpu.memory_space<semaphore_mem>>) {add = true}
        %dma_wait3A_723 = arith.constant 0 : i32
        %dma_wait3A_724 = tpu.memref_slice %arg11[%run_scoped3A_696, %dma_wait3A_723] : memref<2x416xi32, #tpu.memory_space<vmem>> -> memref<1x416xi32, #tpu.memory_space<vmem>>
        %dma_wait3A_725 = tpu.memref_squeeze %dma_wait3A_724 : memref<1x416xi32, #tpu.memory_space<vmem>> -> memref<416xi32, #tpu.memory_space<vmem>>
        %dma_wait3A_726 = arith.constant 0 : i32
        %dma_wait3A_727 = tpu.memref_slice %arg8[%dma_wait3A_726] : memref<26624xf32, #tpu.memory_space<vmem_shared>> -> memref<26624xf32, #tpu.memory_space<vmem_shared>>
        tpu.wait_indirect_dma semaphore(%run_scoped3A_717 : memref<!tpu.dma_semaphore, #tpu.memory_space<semaphore_mem>>) src(%arg12 : memref<416xf32, #tpu.memory_space<vmem>>) dst(%dma_wait3A_727 : memref<26624xf32, #tpu.memory_space<vmem_shared>>)
        tpu.yield
      }) : () -> ()
      %add3A_697 = arith.constant 1 : i32
      %add3A_698 = arith.addi %scan3A_379, %add3A_697 : i32
      %lt3A = arith.constant 20 : i32
      %lt3A_699 = arith.cmpi slt, %add3A_698, %lt3A : i32
      %convert_element_type3A = arith.extui %lt3A_699 : i1 to i32
      %cond3A = arith.constant 0 : i32
      %cond3A_700 = arith.cmpi ne, %convert_element_type3A, %cond3A : i32
      scf.if %cond3A_700 {
        %add3A_717 = arith.constant 2 : i32
        %add3A_718 = arith.addi %mul3A_381, %add3A_717 : i32
        %mul3A_719 = arith.constant 416 : i32
        %mul3A_720 = arith.muli %add3A_718, %mul3A_719 : i32
        %add3A_721 = arith.constant 0 : i32
        %add3A_722 = arith.addi %mul3A_720, %add3A_721 : i32
        %get3A_723 = arith.index_cast %add3A_722 : i32 to index
        %get3A_724 = tpu.vector_load %arg10[%get3A_723] {strides = array<i32>} : memref<16640xi32, #tpu.memory_space<vmem>>, vector<16xi32>,
        %get3A_725 = vector.shape_cast %get3A_724 : vector<16xi32> to vector<16xi32>
        %swap3A_726 = arith.constant 0 : i32
        %swap3A_727 = arith.index_cast %swap3A_726 : i32 to index
        %swap3A_728 = arith.constant 0 : index
        %swap3A_729 = tpu.vector_load %arg11[%swap3A_727, %swap3A_728] {strides = array<i32>} : memref<2x416xi32, #tpu.memory_space<vmem>>, vector<1x16xi32>,
        %swap3A_730 = vector.shape_cast %swap3A_729 : vector<1x16xi32> to vector<16xi32>
        %swap3A_731 = vector.shape_cast %get3A_725 : vector<16xi32> to vector<1x16xi32>
        tpu.vector_store %arg11[%swap3A_727, %swap3A_728], %swap3A_731 {strides = array<i32>} : memref<2x416xi32, #tpu.memory_space<vmem>>, vector<1x16xi32>,
        %add3A_732 = arith.constant 16 : i32
        %add3A_733 = arith.addi %mul3A_720, %add3A_732 : i32
        %get3A_734 = arith.index_cast %add3A_733 : i32 to index
        %get3A_735 = tpu.vector_load %arg10[%get3A_734] {strides = array<i32>} : memref<16640xi32, #tpu.memory_space<vmem>>, vector<16xi32>,
        %get3A_736 = vector.shape_cast %get3A_735 : vector<16xi32> to vector<16xi32>
        %swap3A_737 = arith.constant 0 : i32
        %swap3A_738 = arith.index_cast %swap3A_737 : i32 to index
        %swap3A_739 = arith.constant 16 : index
        %swap3A_740 = tpu.vector_load %arg11[%swap3A_738, %swap3A_739] {strides = array<i32>} : memref<2x416xi32, #tpu.memory_space<vmem>>, vector<1x16xi32>,
        %swap3A_741 = vector.shape_cast %swap3A_740 : vector<1x16xi32> to vector<16xi32>
        %swap3A_742 = vector.shape_cast %get3A_736 : vector<16xi32> to vector<1x16xi32>
        tpu.vector_store %arg11[%swap3A_738, %swap3A_739], %swap3A_742 {strides = array<i32>} : memref<2x416xi32, #tpu.memory_space<vmem>>, vector<1x16xi32>,
        %add3A_743 = arith.constant 32 : i32
        %add3A_744 = arith.addi %mul3A_720, %add3A_743 : i32
        %get3A_745 = arith.index_cast %add3A_744 : i32 to index
        %get3A_746 = tpu.vector_load %arg10[%get3A_745] {strides = array<i32>} : memref<16640xi32, #tpu.memory_space<vmem>>, vector<16xi32>,
        %get3A_747 = vector.shape_cast %get3A_746 : vector<16xi32> to vector<16xi32>
        %swap3A_748 = arith.constant 0 : i32
        %swap3A_749 = arith.index_cast %swap3A_748 : i32 to index
        %swap3A_750 = arith.constant 32 : index
        %swap3A_751 = tpu.vector_load %arg11[%swap3A_749, %swap3A_750] {strides = array<i32>} : memref<2x416xi32, #tpu.memory_space<vmem>>, vector<1x16xi32>,
        %swap3A_752 = vector.shape_cast %swap3A_751 : vector<1x16xi32> to vector<16xi32>
        %swap3A_753 = vector.shape_cast %get3A_747 : vector<16xi32> to vector<1x16xi32>
        tpu.vector_store %arg11[%swap3A_749, %swap3A_750], %swap3A_753 {strides = array<i32>} : memref<2x416xi32, #tpu.memory_space<vmem>>, vector<1x16xi32>,
        %add3A_754 = arith.constant 48 : i32
        %add3A_755 = arith.addi %mul3A_720, %add3A_754 : i32
        %get3A_756 = arith.index_cast %add3A_755 : i32 to index
        %get3A_757 = tpu.vector_load %arg10[%get3A_756] {strides = array<i32>} : memref<16640xi32, #tpu.memory_space<vmem>>, vector<16xi32>,
        %get3A_758 = vector.shape_cast %get3A_757 : vector<16xi32> to vector<16xi32>
        %swap3A_759 = arith.constant 0 : i32
        %swap3A_760 = arith.index_cast %swap3A_759 : i32 to index
        %swap3A_761 = arith.constant 48 : index
        %swap3A_762 = tpu.vector_load %arg11[%swap3A_760, %swap3A_761] {strides = array<i32>} : memref<2x416xi32, #tpu.memory_space<vmem>>, vector<1x16xi32>,
        %swap3A_763 = vector.shape_cast %swap3A_762 : vector<1x16xi32> to vector<16xi32>
        %swap3A_764 = vector.shape_cast %get3A_758 : vector<16xi32> to vector<1x16xi32>
        tpu.vector_store %arg11[%swap3A_760, %swap3A_761], %swap3A_764 {strides = array<i32>} : memref<2x416xi32, #tpu.memory_space<vmem>>, vector<1x16xi32>,
        %add3A_765 = arith.constant 64 : i32
        %add3A_766 = arith.addi %mul3A_720, %add3A_765 : i32
        %get3A_767 = arith.index_cast %add3A_766 : i32 to index
        %get3A_768 = tpu.vector_load %arg10[%get3A_767] {strides = array<i32>} : memref<16640xi32, #tpu.memory_space<vmem>>, vector<16xi32>,
        %get3A_769 = vector.shape_cast %get3A_768 : vector<16xi32> to vector<16xi32>
        %swap3A_770 = arith.constant 0 : i32
        %swap3A_771 = arith.index_cast %swap3A_770 : i32 to index
        %swap3A_772 = arith.constant 64 : index
        %swap3A_773 = tpu.vector_load %arg11[%swap3A_771, %swap3A_772] {strides = array<i32>} : memref<2x416xi32, #tpu.memory_space<vmem>>, vector<1x16xi32>,
        %swap3A_774 = vector.shape_cast %swap3A_773 : vector<1x16xi32> to vector<16xi32>
        %swap3A_775 = vector.shape_cast %get3A_769 : vector<16xi32> to vector<1x16xi32>
        tpu.vector_store %arg11[%swap3A_771, %swap3A_772], %swap3A_775 {strides = array<i32>} : memref<2x416xi32, #tpu.memory_space<vmem>>, vector<1x16xi32>,
        %add3A_776 = arith.constant 80 : i32
        %add3A_777 = arith.addi %mul3A_720, %add3A_776 : i32
        %get3A_778 = arith.index_cast %add3A_777 : i32 to index
        %get3A_779 = tpu.vector_load %arg10[%get3A_778] {strides = array<i32>} : memref<16640xi32, #tpu.memory_space<vmem>>, vector<16xi32>,
        %get3A_780 = vector.shape_cast %get3A_779 : vector<16xi32> to vector<16xi32>
        %swap3A_781 = arith.constant 0 : i32
        %swap3A_782 = arith.index_cast %swap3A_781 : i32 to index
        %swap3A_783 = arith.constant 80 : index
        %swap3A_784 = tpu.vector_load %arg11[%swap3A_782, %swap3A_783] {strides = array<i32>} : memref<2x416xi32, #tpu.memory_space<vmem>>, vector<1x16xi32>,
        %swap3A_785 = vector.shape_cast %swap3A_784 : vector<1x16xi32> to vector<16xi32>
        %swap3A_786 = vector.shape_cast %get3A_780 : vector<16xi32> to vector<1x16xi32>
        tpu.vector_store %arg11[%swap3A_782, %swap3A_783], %swap3A_786 {strides = array<i32>} : memref<2x416xi32, #tpu.memory_space<vmem>>, vector<1x16xi32>,
        %add3A_787 = arith.constant 96 : i32
        %add3A_788 = arith.addi %mul3A_720, %add3A_787 : i32
        %get3A_789 = arith.index_cast %add3A_788 : i32 to index
        %get3A_790 = tpu.vector_load %arg10[%get3A_789] {strides = array<i32>} : memref<16640xi32, #tpu.memory_space<vmem>>, vector<16xi32>,
        %get3A_791 = vector.shape_cast %get3A_790 : vector<16xi32> to vector<16xi32>
        %swap3A_792 = arith.constant 0 : i32
        %swap3A_793 = arith.index_cast %swap3A_792 : i32 to index
        %swap3A_794 = arith.constant 96 : index
        %swap3A_795 = tpu.vector_load %arg11[%swap3A_793, %swap3A_794] {strides = array<i32>} : memref<2x416xi32, #tpu.memory_space<vmem>>, vector<1x16xi32>,
        %swap3A_796 = vector.shape_cast %swap3A_795 : vector<1x16xi32> to vector<16xi32>
        %swap3A_797 = vector.shape_cast %get3A_791 : vector<16xi32> to vector<1x16xi32>
        tpu.vector_store %arg11[%swap3A_793, %swap3A_794], %swap3A_797 {strides = array<i32>} : memref<2x416xi32, #tpu.memory_space<vmem>>, vector<1x16xi32>,
        %add3A_798 = arith.constant 112 : i32
        %add3A_799 = arith.addi %mul3A_720, %add3A_798 : i32
        %get3A_800 = arith.index_cast %add3A_799 : i32 to index
        %get3A_801 = tpu.vector_load %arg10[%get3A_800] {strides = array<i32>} : memref<16640xi32, #tpu.memory_space<vmem>>, vector<16xi32>,
        %get3A_802 = vector.shape_cast %get3A_801 : vector<16xi32> to vector<16xi32>
        %swap3A_803 = arith.constant 0 : i32
        %swap3A_804 = arith.index_cast %swap3A_803 : i32 to index
        %swap3A_805 = arith.constant 112 : index
        %swap3A_806 = tpu.vector_load %arg11[%swap3A_804, %swap3A_805] {strides = array<i32>} : memref<2x416xi32, #tpu.memory_space<vmem>>, vector<1x16xi32>,
        %swap3A_807 = vector.shape_cast %swap3A_806 : vector<1x16xi32> to vector<16xi32>
        %swap3A_808 = vector.shape_cast %get3A_802 : vector<16xi32> to vector<1x16xi32>
        tpu.vector_store %arg11[%swap3A_804, %swap3A_805], %swap3A_808 {strides = array<i32>} : memref<2x416xi32, #tpu.memory_space<vmem>>, vector<1x16xi32>,
        %add3A_809 = arith.constant 128 : i32
        %add3A_810 = arith.addi %mul3A_720, %add3A_809 : i32
        %get3A_811 = arith.index_cast %add3A_810 : i32 to index
        %get3A_812 = tpu.vector_load %arg10[%get3A_811] {strides = array<i32>} : memref<16640xi32, #tpu.memory_space<vmem>>, vector<16xi32>,
        %get3A_813 = vector.shape_cast %get3A_812 : vector<16xi32> to vector<16xi32>
        %swap3A_814 = arith.constant 0 : i32
        %swap3A_815 = arith.index_cast %swap3A_814 : i32 to index
        %swap3A_816 = arith.constant 128 : index
        %swap3A_817 = tpu.vector_load %arg11[%swap3A_815, %swap3A_816] {strides = array<i32>} : memref<2x416xi32, #tpu.memory_space<vmem>>, vector<1x16xi32>,
        %swap3A_818 = vector.shape_cast %swap3A_817 : vector<1x16xi32> to vector<16xi32>
        %swap3A_819 = vector.shape_cast %get3A_813 : vector<16xi32> to vector<1x16xi32>
        tpu.vector_store %arg11[%swap3A_815, %swap3A_816], %swap3A_819 {strides = array<i32>} : memref<2x416xi32, #tpu.memory_space<vmem>>, vector<1x16xi32>,
        %add3A_820 = arith.constant 144 : i32
        %add3A_821 = arith.addi %mul3A_720, %add3A_820 : i32
        %get3A_822 = arith.index_cast %add3A_821 : i32 to index
        %get3A_823 = tpu.vector_load %arg10[%get3A_822] {strides = array<i32>} : memref<16640xi32, #tpu.memory_space<vmem>>, vector<16xi32>,
        %get3A_824 = vector.shape_cast %get3A_823 : vector<16xi32> to vector<16xi32>
        %swap3A_825 = arith.constant 0 : i32
        %swap3A_826 = arith.index_cast %swap3A_825 : i32 to index
        %swap3A_827 = arith.constant 144 : index
        %swap3A_828 = tpu.vector_load %arg11[%swap3A_826, %swap3A_827] {strides = array<i32>} : memref<2x416xi32, #tpu.memory_space<vmem>>, vector<1x16xi32>,
        %swap3A_829 = vector.shape_cast %swap3A_828 : vector<1x16xi32> to vector<16xi32>
        %swap3A_830 = vector.shape_cast %get3A_824 : vector<16xi32> to vector<1x16xi32>
        tpu.vector_store %arg11[%swap3A_826, %swap3A_827], %swap3A_830 {strides = array<i32>} : memref<2x416xi32, #tpu.memory_space<vmem>>, vector<1x16xi32>,
        %add3A_831 = arith.constant 160 : i32
        %add3A_832 = arith.addi %mul3A_720, %add3A_831 : i32
        %get3A_833 = arith.index_cast %add3A_832 : i32 to index
        %get3A_834 = tpu.vector_load %arg10[%get3A_833] {strides = array<i32>} : memref<16640xi32, #tpu.memory_space<vmem>>, vector<16xi32>,
        %get3A_835 = vector.shape_cast %get3A_834 : vector<16xi32> to vector<16xi32>
        %swap3A_836 = arith.constant 0 : i32
        %swap3A_837 = arith.index_cast %swap3A_836 : i32 to index
        %swap3A_838 = arith.constant 160 : index
        %swap3A_839 = tpu.vector_load %arg11[%swap3A_837, %swap3A_838] {strides = array<i32>} : memref<2x416xi32, #tpu.memory_space<vmem>>, vector<1x16xi32>,
        %swap3A_840 = vector.shape_cast %swap3A_839 : vector<1x16xi32> to vector<16xi32>
        %swap3A_841 = vector.shape_cast %get3A_835 : vector<16xi32> to vector<1x16xi32>
        tpu.vector_store %arg11[%swap3A_837, %swap3A_838], %swap3A_841 {strides = array<i32>} : memref<2x416xi32, #tpu.memory_space<vmem>>, vector<1x16xi32>,
        %add3A_842 = arith.constant 176 : i32
        %add3A_843 = arith.addi %mul3A_720, %add3A_842 : i32
        %get3A_844 = arith.index_cast %add3A_843 : i32 to index
        %get3A_845 = tpu.vector_load %arg10[%get3A_844] {strides = array<i32>} : memref<16640xi32, #tpu.memory_space<vmem>>, vector<16xi32>,
        %get3A_846 = vector.shape_cast %get3A_845 : vector<16xi32> to vector<16xi32>
        %swap3A_847 = arith.constant 0 : i32
        %swap3A_848 = arith.index_cast %swap3A_847 : i32 to index
        %swap3A_849 = arith.constant 176 : index
        %swap3A_850 = tpu.vector_load %arg11[%swap3A_848, %swap3A_849] {strides = array<i32>} : memref<2x416xi32, #tpu.memory_space<vmem>>, vector<1x16xi32>,
        %swap3A_851 = vector.shape_cast %swap3A_850 : vector<1x16xi32> to vector<16xi32>
        %swap3A_852 = vector.shape_cast %get3A_846 : vector<16xi32> to vector<1x16xi32>
        tpu.vector_store %arg11[%swap3A_848, %swap3A_849], %swap3A_852 {strides = array<i32>} : memref<2x416xi32, #tpu.memory_space<vmem>>, vector<1x16xi32>,
        %add3A_853 = arith.constant 192 : i32
        %add3A_854 = arith.addi %mul3A_720, %add3A_853 : i32
        %get3A_855 = arith.index_cast %add3A_854 : i32 to index
        %get3A_856 = tpu.vector_load %arg10[%get3A_855] {strides = array<i32>} : memref<16640xi32, #tpu.memory_space<vmem>>, vector<16xi32>,
        %get3A_857 = vector.shape_cast %get3A_856 : vector<16xi32> to vector<16xi32>
        %swap3A_858 = arith.constant 0 : i32
        %swap3A_859 = arith.index_cast %swap3A_858 : i32 to index
        %swap3A_860 = arith.constant 192 : index
        %swap3A_861 = tpu.vector_load %arg11[%swap3A_859, %swap3A_860] {strides = array<i32>} : memref<2x416xi32, #tpu.memory_space<vmem>>, vector<1x16xi32>,
        %swap3A_862 = vector.shape_cast %swap3A_861 : vector<1x16xi32> to vector<16xi32>
        %swap3A_863 = vector.shape_cast %get3A_857 : vector<16xi32> to vector<1x16xi32>
        tpu.vector_store %arg11[%swap3A_859, %swap3A_860], %swap3A_863 {strides = array<i32>} : memref<2x416xi32, #tpu.memory_space<vmem>>, vector<1x16xi32>,
        %add3A_864 = arith.constant 208 : i32
        %add3A_865 = arith.addi %mul3A_720, %add3A_864 : i32
        %get3A_866 = arith.index_cast %add3A_865 : i32 to index
        %get3A_867 = tpu.vector_load %arg10[%get3A_866] {strides = array<i32>} : memref<16640xi32, #tpu.memory_space<vmem>>, vector<16xi32>,
        %get3A_868 = vector.shape_cast %get3A_867 : vector<16xi32> to vector<16xi32>
        %swap3A_869 = arith.constant 0 : i32
        %swap3A_870 = arith.index_cast %swap3A_869 : i32 to index
        %swap3A_871 = arith.constant 208 : index
        %swap3A_872 = tpu.vector_load %arg11[%swap3A_870, %swap3A_871] {strides = array<i32>} : memref<2x416xi32, #tpu.memory_space<vmem>>, vector<1x16xi32>,
        %swap3A_873 = vector.shape_cast %swap3A_872 : vector<1x16xi32> to vector<16xi32>
        %swap3A_874 = vector.shape_cast %get3A_868 : vector<16xi32> to vector<1x16xi32>
        tpu.vector_store %arg11[%swap3A_870, %swap3A_871], %swap3A_874 {strides = array<i32>} : memref<2x416xi32, #tpu.memory_space<vmem>>, vector<1x16xi32>,
        %add3A_875 = arith.constant 224 : i32
        %add3A_876 = arith.addi %mul3A_720, %add3A_875 : i32
        %get3A_877 = arith.index_cast %add3A_876 : i32 to index
        %get3A_878 = tpu.vector_load %arg10[%get3A_877] {strides = array<i32>} : memref<16640xi32, #tpu.memory_space<vmem>>, vector<16xi32>,
        %get3A_879 = vector.shape_cast %get3A_878 : vector<16xi32> to vector<16xi32>
        %swap3A_880 = arith.constant 0 : i32
        %swap3A_881 = arith.index_cast %swap3A_880 : i32 to index
        %swap3A_882 = arith.constant 224 : index
        %swap3A_883 = tpu.vector_load %arg11[%swap3A_881, %swap3A_882] {strides = array<i32>} : memref<2x416xi32, #tpu.memory_space<vmem>>, vector<1x16xi32>,
        %swap3A_884 = vector.shape_cast %swap3A_883 : vector<1x16xi32> to vector<16xi32>
        %swap3A_885 = vector.shape_cast %get3A_879 : vector<16xi32> to vector<1x16xi32>
        tpu.vector_store %arg11[%swap3A_881, %swap3A_882], %swap3A_885 {strides = array<i32>} : memref<2x416xi32, #tpu.memory_space<vmem>>, vector<1x16xi32>,
        %add3A_886 = arith.constant 240 : i32
        %add3A_887 = arith.addi %mul3A_720, %add3A_886 : i32
        %get3A_888 = arith.index_cast %add3A_887 : i32 to index
        %get3A_889 = tpu.vector_load %arg10[%get3A_888] {strides = array<i32>} : memref<16640xi32, #tpu.memory_space<vmem>>, vector<16xi32>,
        %get3A_890 = vector.shape_cast %get3A_889 : vector<16xi32> to vector<16xi32>
        %swap3A_891 = arith.constant 0 : i32
        %swap3A_892 = arith.index_cast %swap3A_891 : i32 to index
        %swap3A_893 = arith.constant 240 : index
        %swap3A_894 = tpu.vector_load %arg11[%swap3A_892, %swap3A_893] {strides = array<i32>} : memref<2x416xi32, #tpu.memory_space<vmem>>, vector<1x16xi32>,
        %swap3A_895 = vector.shape_cast %swap3A_894 : vector<1x16xi32> to vector<16xi32>
        %swap3A_896 = vector.shape_cast %get3A_890 : vector<16xi32> to vector<1x16xi32>
        tpu.vector_store %arg11[%swap3A_892, %swap3A_893], %swap3A_896 {strides = array<i32>} : memref<2x416xi32, #tpu.memory_space<vmem>>, vector<1x16xi32>,
        %add3A_897 = arith.constant 256 : i32
        %add3A_898 = arith.addi %mul3A_720, %add3A_897 : i32
        %get3A_899 = arith.index_cast %add3A_898 : i32 to index
        %get3A_900 = tpu.vector_load %arg10[%get3A_899] {strides = array<i32>} : memref<16640xi32, #tpu.memory_space<vmem>>, vector<16xi32>,
        %get3A_901 = vector.shape_cast %get3A_900 : vector<16xi32> to vector<16xi32>
        %swap3A_902 = arith.constant 0 : i32
        %swap3A_903 = arith.index_cast %swap3A_902 : i32 to index
        %swap3A_904 = arith.constant 256 : index
        %swap3A_905 = tpu.vector_load %arg11[%swap3A_903, %swap3A_904] {strides = array<i32>} : memref<2x416xi32, #tpu.memory_space<vmem>>, vector<1x16xi32>,
        %swap3A_906 = vector.shape_cast %swap3A_905 : vector<1x16xi32> to vector<16xi32>
        %swap3A_907 = vector.shape_cast %get3A_901 : vector<16xi32> to vector<1x16xi32>
        tpu.vector_store %arg11[%swap3A_903, %swap3A_904], %swap3A_907 {strides = array<i32>} : memref<2x416xi32, #tpu.memory_space<vmem>>, vector<1x16xi32>,
        %add3A_908 = arith.constant 272 : i32
        %add3A_909 = arith.addi %mul3A_720, %add3A_908 : i32
        %get3A_910 = arith.index_cast %add3A_909 : i32 to index
        %get3A_911 = tpu.vector_load %arg10[%get3A_910] {strides = array<i32>} : memref<16640xi32, #tpu.memory_space<vmem>>, vector<16xi32>,
        %get3A_912 = vector.shape_cast %get3A_911 : vector<16xi32> to vector<16xi32>
        %swap3A_913 = arith.constant 0 : i32
        %swap3A_914 = arith.index_cast %swap3A_913 : i32 to index
        %swap3A_915 = arith.constant 272 : index
        %swap3A_916 = tpu.vector_load %arg11[%swap3A_914, %swap3A_915] {strides = array<i32>} : memref<2x416xi32, #tpu.memory_space<vmem>>, vector<1x16xi32>,
        %swap3A_917 = vector.shape_cast %swap3A_916 : vector<1x16xi32> to vector<16xi32>
        %swap3A_918 = vector.shape_cast %get3A_912 : vector<16xi32> to vector<1x16xi32>
        tpu.vector_store %arg11[%swap3A_914, %swap3A_915], %swap3A_918 {strides = array<i32>} : memref<2x416xi32, #tpu.memory_space<vmem>>, vector<1x16xi32>,
        %add3A_919 = arith.constant 288 : i32
        %add3A_920 = arith.addi %mul3A_720, %add3A_919 : i32
        %get3A_921 = arith.index_cast %add3A_920 : i32 to index
        %get3A_922 = tpu.vector_load %arg10[%get3A_921] {strides = array<i32>} : memref<16640xi32, #tpu.memory_space<vmem>>, vector<16xi32>,
        %get3A_923 = vector.shape_cast %get3A_922 : vector<16xi32> to vector<16xi32>
        %swap3A_924 = arith.constant 0 : i32
        %swap3A_925 = arith.index_cast %swap3A_924 : i32 to index
        %swap3A_926 = arith.constant 288 : index
        %swap3A_927 = tpu.vector_load %arg11[%swap3A_925, %swap3A_926] {strides = array<i32>} : memref<2x416xi32, #tpu.memory_space<vmem>>, vector<1x16xi32>,
        %swap3A_928 = vector.shape_cast %swap3A_927 : vector<1x16xi32> to vector<16xi32>
        %swap3A_929 = vector.shape_cast %get3A_923 : vector<16xi32> to vector<1x16xi32>
        tpu.vector_store %arg11[%swap3A_925, %swap3A_926], %swap3A_929 {strides = array<i32>} : memref<2x416xi32, #tpu.memory_space<vmem>>, vector<1x16xi32>,
        %add3A_930 = arith.constant 304 : i32
        %add3A_931 = arith.addi %mul3A_720, %add3A_930 : i32
        %get3A_932 = arith.index_cast %add3A_931 : i32 to index
        %get3A_933 = tpu.vector_load %arg10[%get3A_932] {strides = array<i32>} : memref<16640xi32, #tpu.memory_space<vmem>>, vector<16xi32>,
        %get3A_934 = vector.shape_cast %get3A_933 : vector<16xi32> to vector<16xi32>
        %swap3A_935 = arith.constant 0 : i32
        %swap3A_936 = arith.index_cast %swap3A_935 : i32 to index
        %swap3A_937 = arith.constant 304 : index
        %swap3A_938 = tpu.vector_load %arg11[%swap3A_936, %swap3A_937] {strides = array<i32>} : memref<2x416xi32, #tpu.memory_space<vmem>>, vector<1x16xi32>,
        %swap3A_939 = vector.shape_cast %swap3A_938 : vector<1x16xi32> to vector<16xi32>
        %swap3A_940 = vector.shape_cast %get3A_934 : vector<16xi32> to vector<1x16xi32>
        tpu.vector_store %arg11[%swap3A_936, %swap3A_937], %swap3A_940 {strides = array<i32>} : memref<2x416xi32, #tpu.memory_space<vmem>>, vector<1x16xi32>,
        %add3A_941 = arith.constant 320 : i32
        %add3A_942 = arith.addi %mul3A_720, %add3A_941 : i32
        %get3A_943 = arith.index_cast %add3A_942 : i32 to index
        %get3A_944 = tpu.vector_load %arg10[%get3A_943] {strides = array<i32>} : memref<16640xi32, #tpu.memory_space<vmem>>, vector<16xi32>,
        %get3A_945 = vector.shape_cast %get3A_944 : vector<16xi32> to vector<16xi32>
        %swap3A_946 = arith.constant 0 : i32
        %swap3A_947 = arith.index_cast %swap3A_946 : i32 to index
        %swap3A_948 = arith.constant 320 : index
        %swap3A_949 = tpu.vector_load %arg11[%swap3A_947, %swap3A_948] {strides = array<i32>} : memref<2x416xi32, #tpu.memory_space<vmem>>, vector<1x16xi32>,
        %swap3A_950 = vector.shape_cast %swap3A_949 : vector<1x16xi32> to vector<16xi32>
        %swap3A_951 = vector.shape_cast %get3A_945 : vector<16xi32> to vector<1x16xi32>
        tpu.vector_store %arg11[%swap3A_947, %swap3A_948], %swap3A_951 {strides = array<i32>} : memref<2x416xi32, #tpu.memory_space<vmem>>, vector<1x16xi32>,
        %add3A_952 = arith.constant 336 : i32
        %add3A_953 = arith.addi %mul3A_720, %add3A_952 : i32
        %get3A_954 = arith.index_cast %add3A_953 : i32 to index
        %get3A_955 = tpu.vector_load %arg10[%get3A_954] {strides = array<i32>} : memref<16640xi32, #tpu.memory_space<vmem>>, vector<16xi32>,
        %get3A_956 = vector.shape_cast %get3A_955 : vector<16xi32> to vector<16xi32>
        %swap3A_957 = arith.constant 0 : i32
        %swap3A_958 = arith.index_cast %swap3A_957 : i32 to index
        %swap3A_959 = arith.constant 336 : index
        %swap3A_960 = tpu.vector_load %arg11[%swap3A_958, %swap3A_959] {strides = array<i32>} : memref<2x416xi32, #tpu.memory_space<vmem>>, vector<1x16xi32>,
        %swap3A_961 = vector.shape_cast %swap3A_960 : vector<1x16xi32> to vector<16xi32>
        %swap3A_962 = vector.shape_cast %get3A_956 : vector<16xi32> to vector<1x16xi32>
        tpu.vector_store %arg11[%swap3A_958, %swap3A_959], %swap3A_962 {strides = array<i32>} : memref<2x416xi32, #tpu.memory_space<vmem>>, vector<1x16xi32>,
        %add3A_963 = arith.constant 352 : i32
        %add3A_964 = arith.addi %mul3A_720, %add3A_963 : i32
        %get3A_965 = arith.index_cast %add3A_964 : i32 to index
        %get3A_966 = tpu.vector_load %arg10[%get3A_965] {strides = array<i32>} : memref<16640xi32, #tpu.memory_space<vmem>>, vector<16xi32>,
        %get3A_967 = vector.shape_cast %get3A_966 : vector<16xi32> to vector<16xi32>
        %swap3A_968 = arith.constant 0 : i32
        %swap3A_969 = arith.index_cast %swap3A_968 : i32 to index
        %swap3A_970 = arith.constant 352 : index
        %swap3A_971 = tpu.vector_load %arg11[%swap3A_969, %swap3A_970] {strides = array<i32>} : memref<2x416xi32, #tpu.memory_space<vmem>>, vector<1x16xi32>,
        %swap3A_972 = vector.shape_cast %swap3A_971 : vector<1x16xi32> to vector<16xi32>
        %swap3A_973 = vector.shape_cast %get3A_967 : vector<16xi32> to vector<1x16xi32>
        tpu.vector_store %arg11[%swap3A_969, %swap3A_970], %swap3A_973 {strides = array<i32>} : memref<2x416xi32, #tpu.memory_space<vmem>>, vector<1x16xi32>,
        %add3A_974 = arith.constant 368 : i32
        %add3A_975 = arith.addi %mul3A_720, %add3A_974 : i32
        %get3A_976 = arith.index_cast %add3A_975 : i32 to index
        %get3A_977 = tpu.vector_load %arg10[%get3A_976] {strides = array<i32>} : memref<16640xi32, #tpu.memory_space<vmem>>, vector<16xi32>,
        %get3A_978 = vector.shape_cast %get3A_977 : vector<16xi32> to vector<16xi32>
        %swap3A_979 = arith.constant 0 : i32
        %swap3A_980 = arith.index_cast %swap3A_979 : i32 to index
        %swap3A_981 = arith.constant 368 : index
        %swap3A_982 = tpu.vector_load %arg11[%swap3A_980, %swap3A_981] {strides = array<i32>} : memref<2x416xi32, #tpu.memory_space<vmem>>, vector<1x16xi32>,
        %swap3A_983 = vector.shape_cast %swap3A_982 : vector<1x16xi32> to vector<16xi32>
        %swap3A_984 = vector.shape_cast %get3A_978 : vector<16xi32> to vector<1x16xi32>
        tpu.vector_store %arg11[%swap3A_980, %swap3A_981], %swap3A_984 {strides = array<i32>} : memref<2x416xi32, #tpu.memory_space<vmem>>, vector<1x16xi32>,
        %add3A_985 = arith.constant 384 : i32
        %add3A_986 = arith.addi %mul3A_720, %add3A_985 : i32
        %get3A_987 = arith.index_cast %add3A_986 : i32 to index
        %get3A_988 = tpu.vector_load %arg10[%get3A_987] {strides = array<i32>} : memref<16640xi32, #tpu.memory_space<vmem>>, vector<16xi32>,
        %get3A_989 = vector.shape_cast %get3A_988 : vector<16xi32> to vector<16xi32>
        %swap3A_990 = arith.constant 0 : i32
        %swap3A_991 = arith.index_cast %swap3A_990 : i32 to index
        %swap3A_992 = arith.constant 384 : index
        %swap3A_993 = tpu.vector_load %arg11[%swap3A_991, %swap3A_992] {strides = array<i32>} : memref<2x416xi32, #tpu.memory_space<vmem>>, vector<1x16xi32>,
        %swap3A_994 = vector.shape_cast %swap3A_993 : vector<1x16xi32> to vector<16xi32>
        %swap3A_995 = vector.shape_cast %get3A_989 : vector<16xi32> to vector<1x16xi32>
        tpu.vector_store %arg11[%swap3A_991, %swap3A_992], %swap3A_995 {strides = array<i32>} : memref<2x416xi32, #tpu.memory_space<vmem>>, vector<1x16xi32>,
        %add3A_996 = arith.constant 400 : i32
        %add3A_997 = arith.addi %mul3A_720, %add3A_996 : i32
        %get3A_998 = arith.index_cast %add3A_997 : i32 to index
        %get3A_999 = tpu.vector_load %arg10[%get3A_998] {strides = array<i32>} : memref<16640xi32, #tpu.memory_space<vmem>>, vector<16xi32>,
        %get3A_1000 = vector.shape_cast %get3A_999 : vector<16xi32> to vector<16xi32>
        %swap3A_1001 = arith.constant 0 : i32
        %swap3A_1002 = arith.index_cast %swap3A_1001 : i32 to index
        %swap3A_1003 = arith.constant 400 : index
        %swap3A_1004 = tpu.vector_load %arg11[%swap3A_1002, %swap3A_1003] {strides = array<i32>} : memref<2x416xi32, #tpu.memory_space<vmem>>, vector<1x16xi32>,
        %swap3A_1005 = vector.shape_cast %swap3A_1004 : vector<1x16xi32> to vector<16xi32>
        %swap3A_1006 = vector.shape_cast %get3A_1000 : vector<16xi32> to vector<1x16xi32>
        tpu.vector_store %arg11[%swap3A_1002, %swap3A_1003], %swap3A_1006 {strides = array<i32>} : memref<2x416xi32, #tpu.memory_space<vmem>>, vector<1x16xi32>,
        %add3A_1007 = arith.constant 2 : i32
        %add3A_1008 = arith.addi %mul3A_381, %add3A_1007 : i32
        %mul3A_1009 = arith.constant 416 : i32
        %mul3A_1010 = arith.muli %add3A_1008, %mul3A_1009 : i32
        %dma_start3A_1011 = arith.constant 0 : i32
        %dma_start3A_1012 = arith.constant 0 : i32
        %dma_start3A_1013 = arith.constant 0 : i32
        %dma_start3A_1014 = tpu.memref_slice %arg13[%dma_start3A_1011, %dma_start3A_1012, %dma_start3A_1013] : memref<2x416x32xf32, #tpu.memory_space<vmem>> -> memref<1x416x32xf32, #tpu.memory_space<vmem>>
        %dma_start3A_1015 = tpu.memref_squeeze %dma_start3A_1014 : memref<1x416x32xf32, #tpu.memory_space<vmem>> -> memref<416x32xf32, #tpu.memory_space<vmem>>
        %dma_start3A_1016 = tpu.memref_slice %arg9[%mul3A_1010] : memref<16640xi32, #tpu.memory_space<vmem>> -> memref<416xi32, #tpu.memory_space<vmem>>
        %dma_start3A_1017 = arith.constant 0 : i32
        %dma_start3A_1018 = arith.constant 0 : i32
        %dma_start3A_1019 = tpu.memref_slice %arg4[%dma_start3A_1017, %dma_start3A_1018] : memref<1000064x32xf32, #tpu.memory_space<hbm>> -> memref<1000064x32xf32, #tpu.memory_space<hbm>>
        tpu.enqueue_indirect_dma source(%dma_start3A_1019 : memref<1000064x32xf32, #tpu.memory_space<hbm>>) target(%dma_start3A_1015 : memref<416x32xf32, #tpu.memory_space<vmem>>) offsets(%dma_start3A_1016 : memref<416xi32, #tpu.memory_space<vmem>>) semaphore(%arg15 : memref<!tpu.dma_semaphore, #tpu.memory_space<semaphore_mem>>)
      } else {
      }
      %add3A_701 = arith.constant 1 : i32
      %add3A_702 = arith.addi %mul3A_381, %add3A_701 : i32
      %mul3A_703 = arith.constant 416 : i32
      %mul3A_704 = arith.muli %add3A_702, %mul3A_703 : i32
      %dma_wait3A_705 = arith.constant 1 : i32
      %dma_wait3A_706 = arith.constant 0 : i32
      %dma_wait3A_707 = arith.constant 0 : i32
      %dma_wait3A_708 = tpu.memref_slice %arg13[%dma_wait3A_705, %dma_wait3A_706, %dma_wait3A_707] : memref<2x416x32xf32, #tpu.memory_space<vmem>> -> memref<1x416x32xf32, #tpu.memory_space<vmem>>
      %dma_wait3A_709 = tpu.memref_squeeze %dma_wait3A_708 : memref<1x416x32xf32, #tpu.memory_space<vmem>> -> memref<416x32xf32, #tpu.memory_space<vmem>>
      %dma_wait3A_710 = tpu.memref_slice %arg9[%mul3A_704] : memref<16640xi32, #tpu.memory_space<vmem>> -> memref<416xi32, #tpu.memory_space<vmem>>
      %dma_wait3A_711 = arith.constant 0 : i32
      %dma_wait3A_712 = arith.constant 0 : i32
      %dma_wait3A_713 = tpu.memref_slice %arg4[%dma_wait3A_711, %dma_wait3A_712] : memref<1000064x32xf32, #tpu.memory_space<hbm>> -> memref<1000064x32xf32, #tpu.memory_space<hbm>>
      tpu.wait_indirect_dma semaphore(%arg16 : memref<!tpu.dma_semaphore, #tpu.memory_space<semaphore_mem>>) src(%dma_wait3A_713 : memref<1000064x32xf32, #tpu.memory_space<hbm>>) dst(%dma_wait3A_709 : memref<416x32xf32, #tpu.memory_space<vmem>>)
      %run_scoped3A_714 = arith.constant 1 : i32
      %run_scoped3A_715 = arith.constant 1 : i32
      "tpu.region"() ({
        %run_scoped3A_717 = tpu.sem_alloc : memref<!tpu.dma_semaphore, #tpu.memory_space<semaphore_mem>>
        %dma_start3A_718 = arith.constant 0 : i32
        %dma_start3A_719 = arith.constant 0 : i32
        %dma_start3A_720 = tpu.memref_slice %arg13[%run_scoped3A_714, %dma_start3A_718, %dma_start3A_719] : memref<2x416x32xf32, #tpu.memory_space<vmem>> -> memref<1x416x32xf32, #tpu.memory_space<vmem>>
        %dma_start3A_721 = tpu.memref_squeeze %dma_start3A_720 : memref<1x416x32xf32, #tpu.memory_space<vmem>> -> memref<416x32xf32, #tpu.memory_space<vmem>>
        %dma_start3A_722 = arith.constant 0 : i32
        %dma_start3A_723 = tpu.memref_slice %arg11[%run_scoped3A_715, %dma_start3A_722] : memref<2x416xi32, #tpu.memory_space<vmem>> -> memref<1x416xi32, #tpu.memory_space<vmem>>
        %dma_start3A_724 = tpu.memref_squeeze %dma_start3A_723 : memref<1x416xi32, #tpu.memory_space<vmem>> -> memref<416xi32, #tpu.memory_space<vmem>>
        %dma_start3A_725 = arith.constant 0 : i32
        %dma_start3A_726 = arith.constant 0 : i32
        %dma_start3A_727 = tpu.memref_slice %arg7[%dma_start3A_725, %dma_start3A_726] : memref<26624x32xf32, #tpu.memory_space<vmem_shared>> -> memref<26624x32xf32, #tpu.memory_space<vmem_shared>>
        tpu.enqueue_indirect_dma source(%dma_start3A_721 : memref<416x32xf32, #tpu.memory_space<vmem>>) target(%dma_start3A_727 : memref<26624x32xf32, #tpu.memory_space<vmem_shared>>) offsets(%dma_start3A_724 : memref<416xi32, #tpu.memory_space<vmem>>) semaphore(%run_scoped3A_717 : memref<!tpu.dma_semaphore, #tpu.memory_space<semaphore_mem>>) {add = true}
        %dma_wait3A_728 = arith.constant 0 : i32
        %dma_wait3A_729 = arith.constant 0 : i32
        %dma_wait3A_730 = tpu.memref_slice %arg13[%run_scoped3A_714, %dma_wait3A_728, %dma_wait3A_729] : memref<2x416x32xf32, #tpu.memory_space<vmem>> -> memref<1x416x32xf32, #tpu.memory_space<vmem>>
        %dma_wait3A_731 = tpu.memref_squeeze %dma_wait3A_730 : memref<1x416x32xf32, #tpu.memory_space<vmem>> -> memref<416x32xf32, #tpu.memory_space<vmem>>
        %dma_wait3A_732 = arith.constant 0 : i32
        %dma_wait3A_733 = tpu.memref_slice %arg11[%run_scoped3A_715, %dma_wait3A_732] : memref<2x416xi32, #tpu.memory_space<vmem>> -> memref<1x416xi32, #tpu.memory_space<vmem>>
        %dma_wait3A_734 = tpu.memref_squeeze %dma_wait3A_733 : memref<1x416xi32, #tpu.memory_space<vmem>> -> memref<416xi32, #tpu.memory_space<vmem>>
        %dma_wait3A_735 = arith.constant 0 : i32
        %dma_wait3A_736 = arith.constant 0 : i32
        %dma_wait3A_737 = tpu.memref_slice %arg7[%dma_wait3A_735, %dma_wait3A_736] : memref<26624x32xf32, #tpu.memory_space<vmem_shared>> -> memref<26624x32xf32, #tpu.memory_space<vmem_shared>>
        tpu.wait_indirect_dma semaphore(%run_scoped3A_717 : memref<!tpu.dma_semaphore, #tpu.memory_space<semaphore_mem>>) src(%dma_wait3A_731 : memref<416x32xf32, #tpu.memory_space<vmem>>) dst(%dma_wait3A_737 : memref<26624x32xf32, #tpu.memory_space<vmem_shared>>)
        tpu.yield
      }) : () -> ()
      %run_scoped3A_716 = arith.constant 1 : i32
      "tpu.region"() ({
        %run_scoped3A_717 = tpu.sem_alloc : memref<!tpu.dma_semaphore, #tpu.memory_space<semaphore_mem>>
        %dma_start3A_718 = arith.constant 0 : i32
        %dma_start3A_719 = tpu.memref_slice %arg11[%run_scoped3A_716, %dma_start3A_718] : memref<2x416xi32, #tpu.memory_space<vmem>> -> memref<1x416xi32, #tpu.memory_space<vmem>>
        %dma_start3A_720 = tpu.memref_squeeze %dma_start3A_719 : memref<1x416xi32, #tpu.memory_space<vmem>> -> memref<416xi32, #tpu.memory_space<vmem>>
        %dma_start3A_721 = arith.constant 0 : i32
        %dma_start3A_722 = tpu.memref_slice %arg8[%dma_start3A_721] : memref<26624xf32, #tpu.memory_space<vmem_shared>> -> memref<26624xf32, #tpu.memory_space<vmem_shared>>
        tpu.enqueue_indirect_dma source(%arg12 : memref<416xf32, #tpu.memory_space<vmem>>) target(%dma_start3A_722 : memref<26624xf32, #tpu.memory_space<vmem_shared>>) offsets(%dma_start3A_720 : memref<416xi32, #tpu.memory_space<vmem>>) semaphore(%run_scoped3A_717 : memref<!tpu.dma_semaphore, #tpu.memory_space<semaphore_mem>>) {add = true}
        %dma_wait3A_723 = arith.constant 0 : i32
        %dma_wait3A_724 = tpu.memref_slice %arg11[%run_scoped3A_716, %dma_wait3A_723] : memref<2x416xi32, #tpu.memory_space<vmem>> -> memref<1x416xi32, #tpu.memory_space<vmem>>
        %dma_wait3A_725 = tpu.memref_squeeze %dma_wait3A_724 : memref<1x416xi32, #tpu.memory_space<vmem>> -> memref<416xi32, #tpu.memory_space<vmem>>
        %dma_wait3A_726 = arith.constant 0 : i32
        %dma_wait3A_727 = tpu.memref_slice %arg8[%dma_wait3A_726] : memref<26624xf32, #tpu.memory_space<vmem_shared>> -> memref<26624xf32, #tpu.memory_space<vmem_shared>>
        tpu.wait_indirect_dma semaphore(%run_scoped3A_717 : memref<!tpu.dma_semaphore, #tpu.memory_space<semaphore_mem>>) src(%arg12 : memref<416xf32, #tpu.memory_space<vmem>>) dst(%dma_wait3A_727 : memref<26624xf32, #tpu.memory_space<vmem_shared>>)
        tpu.yield
      }) : () -> ()
    }
    %scan3A_375 = arith.constant 20 : i32
    %barrier3A_376 = arith.constant 0 : index
    tpu.barrier barrier_id(%barrier3A_376)
    %mul3A_377 = arith.constant 1664 : i32
    %mul3A_378 = arith.muli %arg1, %mul3A_377 : i32
    "tpu.region"() ({
      %run_scoped3A = tpu.sem_alloc : memref<!tpu.dma_semaphore, #tpu.memory_space<semaphore_mem>>
      %dma_start3A_379 = arith.constant 0 : i32
      %dma_start3A_380 = tpu.memref_slice %arg5[%arg0, %mul3A_378, %dma_start3A_379] : memref<2x26624x32xf32, #tpu.memory_space<hbm>> -> memref<1x1664x32xf32, #tpu.memory_space<hbm>>
      %dma_start3A_381 = tpu.memref_squeeze %dma_start3A_380 : memref<1x1664x32xf32, #tpu.memory_space<hbm>> -> memref<1664x32xf32, #tpu.memory_space<hbm>>
      %dma_start3A_382 = arith.constant 0 : i32
      %dma_start3A_383 = tpu.memref_slice %arg7[%mul3A_378, %dma_start3A_382] : memref<26624x32xf32, #tpu.memory_space<vmem_shared>> -> memref<1664x32xf32, #tpu.memory_space<vmem_shared>>
      tpu.enqueue_dma source(%dma_start3A_383 : memref<1664x32xf32, #tpu.memory_space<vmem_shared>>) target(%dma_start3A_381 : memref<1664x32xf32, #tpu.memory_space<hbm>>) target_semaphore(%run_scoped3A : memref<!tpu.dma_semaphore, #tpu.memory_space<semaphore_mem>>)
      %dma_wait3A = arith.constant 0 : i32
      %dma_wait3A_384 = tpu.memref_slice %arg5[%arg0, %mul3A_378, %dma_wait3A] : memref<2x26624x32xf32, #tpu.memory_space<hbm>> -> memref<1x1664x32xf32, #tpu.memory_space<hbm>>
      %dma_wait3A_385 = tpu.memref_squeeze %dma_wait3A_384 : memref<1x1664x32xf32, #tpu.memory_space<hbm>> -> memref<1664x32xf32, #tpu.memory_space<hbm>>
      %dma_wait3A_386 = arith.constant 0 : i32
      %dma_wait3A_387 = tpu.memref_slice %arg7[%mul3A_378, %dma_wait3A_386] : memref<26624x32xf32, #tpu.memory_space<vmem_shared>> -> memref<1664x32xf32, #tpu.memory_space<vmem_shared>>
      tpu.wait_dma2 semaphore(%run_scoped3A : memref<!tpu.dma_semaphore, #tpu.memory_space<semaphore_mem>>) src(%dma_wait3A_387 : memref<1664x32xf32, #tpu.memory_space<vmem_shared>>) dst(%dma_wait3A_385 : memref<1664x32xf32, #tpu.memory_space<hbm>>)
      tpu.yield
    }) : () -> ()
    "tpu.region"() ({
      %run_scoped3A = tpu.sem_alloc : memref<!tpu.dma_semaphore, #tpu.memory_space<semaphore_mem>>
      %dma_start3A_379 = tpu.memref_slice %arg6[%arg0, %mul3A_378] : memref<2x26624xf32, #tpu.memory_space<hbm>> -> memref<1x1664xf32, #tpu.memory_space<hbm>>
      %dma_start3A_380 = tpu.memref_squeeze %dma_start3A_379 : memref<1x1664xf32, #tpu.memory_space<hbm>> -> memref<1664xf32, #tpu.memory_space<hbm>>
      %dma_start3A_381 = tpu.memref_slice %arg8[%mul3A_378] : memref<26624xf32, #tpu.memory_space<vmem_shared>> -> memref<1664xf32, #tpu.memory_space<vmem_shared>>
      tpu.enqueue_dma source(%dma_start3A_381 : memref<1664xf32, #tpu.memory_space<vmem_shared>>) target(%dma_start3A_380 : memref<1664xf32, #tpu.memory_space<hbm>>) target_semaphore(%run_scoped3A : memref<!tpu.dma_semaphore, #tpu.memory_space<semaphore_mem>>)
      %dma_wait3A = tpu.memref_slice %arg6[%arg0, %mul3A_378] : memref<2x26624xf32, #tpu.memory_space<hbm>> -> memref<1x1664xf32, #tpu.memory_space<hbm>>
      %dma_wait3A_382 = tpu.memref_squeeze %dma_wait3A : memref<1x1664xf32, #tpu.memory_space<hbm>> -> memref<1664xf32, #tpu.memory_space<hbm>>
      %dma_wait3A_383 = tpu.memref_slice %arg8[%mul3A_378] : memref<26624xf32, #tpu.memory_space<vmem_shared>> -> memref<1664xf32, #tpu.memory_space<vmem_shared>>
      tpu.wait_dma2 semaphore(%run_scoped3A : memref<!tpu.dma_semaphore, #tpu.memory_space<semaphore_mem>>) src(%dma_wait3A_383 : memref<1664xf32, #tpu.memory_space<vmem_shared>>) dst(%dma_wait3A_382 : memref<1664xf32, #tpu.memory_space<hbm>>)
      tpu.yield
    }) : () -> ()
    return
  }
}

module attributes {stable_mosaic.version = 14 : i64} {
  func.func @_combine_body(%arg0: i32, %arg1: memref<2x2048x32xf32, #tpu.memory_space<vmem>>, %arg2: memref<2x2048x1xf32, #tpu.memory_space<vmem>>, %arg3: memref<2048x32xf32, #tpu.memory_space<vmem>>) attributes {dimension_semantics = [#tpu.dimension_semantics<arbitrary>], iteration_bounds = array<i64: 13>, scalar_prefetch = 0 : i64, scratch_operands = 0 : i64, tpu.core_type = #tpu.core_type<tc>, window_params = [{transform_indices = @transform_0, window_bounds = array<i64: 2, 2048, 32>}, {transform_indices = @transform_1, window_bounds = array<i64: 2, 2048, 1>}, {transform_indices = @transform_2, window_bounds = array<i64: 2048, 32>}]} {
    %get3A = arith.constant 0 : index
    %get3A_0 = arith.constant 0 : index
    %get3A_1 = arith.constant 0 : index
    %get3A_2 = vector.load %arg1[%get3A, %get3A_0, %get3A_1] : memref<2x2048x32xf32, #tpu.memory_space<vmem>>, vector<1x2048x32xf32>
    %get3A_3 = vector.shape_cast %get3A_2 : vector<1x2048x32xf32> to vector<2048x32xf32>
    %get3A_4 = arith.constant 1 : index
    %get3A_5 = arith.constant 0 : index
    %get3A_6 = arith.constant 0 : index
    %get3A_7 = vector.load %arg1[%get3A_4, %get3A_5, %get3A_6] : memref<2x2048x32xf32, #tpu.memory_space<vmem>>, vector<1x2048x32xf32>
    %get3A_8 = vector.shape_cast %get3A_7 : vector<1x2048x32xf32> to vector<2048x32xf32>
    %add3A = arith.addf %get3A_3, %get3A_8 : vector<2048x32xf32>
    %get3A_9 = arith.constant 0 : index
    %get3A_10 = arith.constant 0 : index
    %get3A_11 = arith.constant 0 : index
    %get3A_12 = vector.load %arg2[%get3A_9, %get3A_10, %get3A_11] : memref<2x2048x1xf32, #tpu.memory_space<vmem>>, vector<1x2048x1xf32>
    %get3A_13 = vector.shape_cast %get3A_12 : vector<1x2048x1xf32> to vector<2048x1xf32>
    %get3A_14 = arith.constant 1 : index
    %get3A_15 = arith.constant 0 : index
    %get3A_16 = arith.constant 0 : index
    %get3A_17 = vector.load %arg2[%get3A_14, %get3A_15, %get3A_16] : memref<2x2048x1xf32, #tpu.memory_space<vmem>>, vector<1x2048x1xf32>
    %get3A_18 = vector.shape_cast %get3A_17 : vector<1x2048x1xf32> to vector<2048x1xf32>
    %add3A_19 = arith.addf %get3A_13, %get3A_18 : vector<2048x1xf32>
    %max3A = arith.constant 1.000000e+00 : f32
    %max3A_20 = vector.broadcast %max3A : f32 to vector<2048x1xf32>
    %max3A_21 = arith.maximumf %add3A_19, %max3A_20 : vector<2048x1xf32>
    %div3A = vector.broadcast %max3A_21 : vector<2048x1xf32> to vector<2048x32xf32>
    %div3A_22 = arith.divf %add3A, %div3A : vector<2048x32xf32>
    %swap3A = arith.constant 0 : index
    %swap3A_23 = arith.constant 0 : index
    %swap3A_24 = vector.load %arg3[%swap3A, %swap3A_23] : memref<2048x32xf32, #tpu.memory_space<vmem>>, vector<2048x32xf32>
    tpu.vector_store %arg3[%swap3A, %swap3A_23], %div3A_22 {strides = array<i32>} : memref<2048x32xf32, #tpu.memory_space<vmem>>, vector<2048x32xf32>,
    return
  }
  func.func @transform_0(%arg0: i32) -> (i32, i32, i32) {
    %c0_i32 = arith.constant 0 : i32
    %c0_i32_0 = arith.constant 0 : i32
    %c0_i32_1 = arith.constant 0 : i32
    return %c0_i32, %arg0, %c0_i32_0 : i32, i32, i32
  }
  func.func @transform_1(%arg0: i32) -> (i32, i32, i32) {
    %c0_i32 = arith.constant 0 : i32
    %c0_i32_0 = arith.constant 0 : i32
    %c0_i32_1 = arith.constant 0 : i32
    return %c0_i32, %arg0, %c0_i32_0 : i32, i32, i32
  }
  func.func @transform_2(%arg0: i32) -> (i32, i32) {
    %c0_i32 = arith.constant 0 : i32
    %c0_i32_0 = arith.constant 0 : i32
    return %arg0, %c0_i32 : i32, i32
  }
}

</mosaic_0001>

<sc_bundles>
// kernel: kernel.5.cloned.1.call-start
scs
__scs_entry_jumppad:
0x0: {  	(pc) =	sbr.rel $0x88, $3  }
0x1: {  	(tag) =	ssettag $0x0;
	lr =	simm.s32 $0x1  }
0x2: {  	[smem:$0x3F9E] =	sst lr;
	_ =	strace $0xD0000000  }
0x3: {  	_ = 	snop  }
0x4: {  	_ = 	snop  }
0x5: {  	_ = 	snop  }
0x6: {  	_ = 	snop  }
0x7: {  	_ = 	snop  }
__scs_overlays_trampoline_lowered:
0x8: {  	[smem:$0x3FAD] =	sst s0  }
0x9: {  	[smem:$0x3FAE] =	sst s1  }
0xa: {  	[smem:$0x3FAF] =	sst s2  }
0xb: {  	[smem:$0x3FB0] =	sst s3  }
0xc: {  	[smem:$0x3FB1] =	sst s4  }
0xd: {  	[smem:$0x3FB2] =	sst s5  }
0xe: {  	[smem:$0x3FB3] =	sst s6  }
0xf: {  	[smem:$0x3FB4] =	sst s7  }
0x10: {  	[smem:$0x3FB5] =	sst s8  }
0x11: {  	[smem:$0x3FB6] =	sst s9;
	s0 =	simm.s32 @!p0 $0x0  }
0x12: {  	s1 =	sld [smem:$0x3F9C];
	s0 =	simm.s32 @p0 $0x1  }
0x13: {  	[smem:$0x3FB7] =	sst s0;
	s0 =	simm.s32 @!p1 $0x0  }
0x14: {  	s2 =	sld [smem:$0x3F9B];
	s0 =	simm.s32 @p1 $0x1  }
0x15: {  	[smem:$0x3FB8] =	sst s0;
	s0 =	simm.s32 @!p2 $0x0  }
0x16: {  	s3 =	sld [smem:$0x3FDB];
	s0 =	simm.s32 @p2 $0x1  }
0x17: {  	s4 =	simm.s32 $0x1BF5;
	[smem:$0x3FBA] =	sst s0  }
0x18: {  	s0 =	sld [smem:$0x3F9D];
	_ =	swait.ge [sflag:s4], $0x0  }
0x19: {  	s7 =	sld [smem:$0x3F9E]  }
0x1a: {  	s8 =	sadd.s32 $0xFFFFE003, lr  }
0x1b: {  	s9 =	sadd.s32 $0xFFFFFEF7, lr;
	s5 =	simm.s32 $0xFFFFFFFF;
	p2 =	slt.u32 s8, $0xFFFFF086  }
0x1c: {  	p1 =	slt.u32 s9, $0xF7A;
	s5 =	simm.s32 @!p2 $0x0  }
0x1d: {  	s5 =	simm.s32 @p1 $0x1;
	p0 =	seq.s32 s7, s2  }
0x1e: {  	s7 =	smul.u32 @!p0 $0xF7A, s2;
	p2 =	seq.s32 @!p0 s5, $0x0  }
0x1f: {  	s9 =	smul.u32 $0xF7A, s1;
	s8 =	simm.s32 @!p0 $0x1BF5;
	p2 =	por !p2, p0  }
0x20: {  	[sflag:s8] =	ssyncset.s32 @!p0 $0xFFFFF086;
	s6 =	sadd.s32 @!p0 s3, s7;
	s7 =	simm.s32 @!p0 $0x108  }
0x21: {  	s3 =	sadd.s32 s3, s9;
	s6 =	sadd.s32 @!p0 $0x88, s6;
	s7 =	simm.s32 @p2 $0x1082  }
0x22: {  	[simem:s7], [sflag:s8] =	dma.local @!p0 [hbm:s6], $0xF7A  }
0x23: {  	s9 =	sor.u32 $0xD0000000, s2;
	s6 =	simm.s32 $0x108;
	_ =	swait.ge @!p0 [sflag:s8], $0x0  }
0x24: {  	s3 =	sadd.s32 $0x88, s3;
	s6 =	simm.s32 @!p1 $0x1082;
	[sflag:s4] =	ssyncset.s32 $0xFFFFF086  }
0x25: {  	[simem:s6], [sflag:s4] =	dma.local [hbm:s3], $0xF7A  }
0x26: {  	[smem:$0x3F9E] =	sst s1;
	(tag) =	ssettag s2;
	_ =	strace s9  }
0x27: {  	s1 =	sld [smem:$0x3FAE]  }
0x28: {  	s2 =	sld [smem:$0x3FAF]  }
0x29: {  	s4 =	sld [smem:$0x3FB1]  }
0x2a: {  	p0 =	seq.s32 s5, $0x0;
	s5 =	sld [smem:$0x3FB2]  }
0x2b: {  	s6 =	sld [smem:$0x3FB3]  }
0x2c: {  	s7 =	sld [smem:$0x3FB4]  }
0x2d: {  	s3 =	simm.s32 $0x108;
	s8 =	sld [smem:$0x3FB5]  }
0x2e: {  	s3 =	simm.s32 @!p0 $0x1082;
	s9 =	sld [smem:$0x3FB6]  }
0x2f: {  	lr =	sadd.s32 s0, s3;
	s0 =	sld [smem:$0x3FAD]  }
0x30: {  	s3 =	sld [smem:$0x3FB0]  }
0x31: {  	[smem:$0x3FB9] =	sst s10  }
0x32: {  	s10 =	sld [smem:$0x3FB7];
	_ =	sdelay $0x3  }
0x33: {  	p0 =	seq.s32 s10, $0x1;
	s10 =	sld [smem:$0x3FB9];
	_ =	sdelay $0x3  }
0x34: {  	[smem:$0x3FB9] =	sst s10  }
0x35: {  	s10 =	sld [smem:$0x3FB8];
	_ =	sdelay $0x3  }
0x36: {  	p1 =	seq.s32 s10, $0x1;
	s10 =	sld [smem:$0x3FB9];
	_ =	sdelay $0x3  }
0x37: {  	[smem:$0x3FB9] =	sst s10  }
0x38: {  	s10 =	sld [smem:$0x3FBA]  }
0x39: {  	_ = 	snop;
	(pc) =	sbr.ind lr, $3  }
0x3a: {  	_ = 	snop  }
0x3b: {  	_ = 	snop  }
0x3c: {  	p2 =	seq.s32 s10, $0x1;
	s10 =	sld [smem:$0x3FB9]  }
0x3d: {  	_ =	shalt  }
0x3e: {  	_ =	shalt  }
0x3f: {  	_ =	shalt  }
0x40: {  	_ =	shalt  }
0x41: {  	_ =	shalt  }
0x42: {  	_ =	shalt  }
0x43: {  	_ =	shalt  }
0x44: {  	_ =	shalt  }
0x45: {  	_ =	shalt  }
0x46: {  	_ =	shalt  }
0x47: {  	_ =	shalt  }
0x48: {  	_ =	shalt  }
0x49: {  	_ =	shalt  }
0x4a: {  	_ =	shalt  }
0x4b: {  	_ =	shalt  }
0x4c: {  	_ =	shalt  }
0x4d: {  	_ =	shalt  }
0x4e: {  	_ =	shalt  }
0x4f: {  	_ =	shalt  }
0x50: {  	_ =	shalt  }
0x51: {  	_ =	shalt  }
0x52: {  	_ =	shalt  }
0x53: {  	_ =	shalt  }
0x54: {  	_ =	shalt  }
0x55: {  	_ =	shalt  }
0x56: {  	_ =	shalt  }
0x57: {  	_ =	shalt  }
0x58: {  	_ =	shalt  }
0x59: {  	_ =	shalt  }
0x5a: {  	_ =	shalt  }
0x5b: {  	_ =	shalt  }
0x5c: {  	_ =	shalt  }
0x5d: {  	_ =	shalt  }
0x5e: {  	_ =	shalt  }
0x5f: {  	_ =	shalt  }
0x60: {  	_ =	shalt  }
0x61: {  	_ =	shalt  }
0x62: {  	_ =	shalt  }
0x63: {  	_ =	shalt  }
0x64: {  	_ =	shalt  }
0x65: {  	_ =	shalt  }
0x66: {  	_ =	shalt  }
0x67: {  	_ =	shalt  }
0x68: {  	_ =	shalt  }
0x69: {  	_ =	shalt  }
0x6a: {  	_ =	shalt  }
0x6b: {  	_ =	shalt  }
0x6c: {  	_ =	shalt  }
0x6d: {  	_ =	shalt  }
0x6e: {  	_ =	shalt  }
0x6f: {  	_ =	shalt  }
0x70: {  	_ =	shalt  }
0x71: {  	_ =	shalt  }
0x72: {  	_ =	shalt  }
0x73: {  	_ =	shalt  }
0x74: {  	_ =	shalt  }
0x75: {  	_ =	shalt  }
0x76: {  	_ =	shalt  }
0x77: {  	_ =	shalt  }
0x78: {  	_ =	shalt  }
0x79: {  	_ =	shalt  }
0x7a: {  	_ =	shalt  }
0x7b: {  	_ =	shalt  }
0x7c: {  	_ =	shalt  }
0x7d: {  	_ =	shalt  }
0x7e: {  	_ =	shalt  }
0x7f: {  	_ =	shalt  }
0x80: {  	_ =	shalt  }
0x81: {  	_ =	shalt  }
0x82: {  	_ =	shalt  }
0x83: {  	_ =	shalt  }
0x84: {  	_ =	shalt  }
0x85: {  	_ =	shalt  }
0x86: {  	_ =	shalt  }
0x87: {  	_ =	shalt  }
.Lfunc_end0:
.L_simem_size_0:
called_computation_lowered:
.L_overlay_start_0:
0x88: {  	s2 =	sld [smem:$0x3FD9]  }
0x89: {  	s3 =	sld [smem:$0x3FFE];
	_ =	sdelay $0x1  }
0x8a: {  	s1 =	srdreg.scid  }
0x8b: {  	s0 =	sand.u32 $0x1, s1  }
0x8c: {  	s17 =	sshll.u32 s0, $0xA;
	s2 =	sadd.s32 s3, s2  }
0x8d: {  	s2 =	sadd.s32 s2, s17  }
0x8e: {  	[smem:$0x3FC5] =	sst s2  }
0x8f: {  	_ = 	snop  }
0x90: {  	s2 =	sld [smem:$0x3FC7];
	(tm) =	ssettm $0x1  }
0x91: {  	s18 =	sld [smem:$0x3FFB];
	_ =	sdelay $0x3  }
0x92: {  	_ =	strace s18  }
0x93: {  	s3 =	sld [smem:$0x3FFC];
	_ =	sdelay $0x3  }
0x94: {  	_ =	strace s3  }
0x95: {  	s3 =	sld [smem:$0x3FFD];
	_ =	sdelay $0x3  }
0x96: {  	_ =	strace s3  }
0x97: {  	_ =	strace $0x8FFFFFFF  }
0x98: {  	s19 =	sld [smem:$0x3FDB];
	_ =	sdelay $0x1  }
0x99: {  	s4 =	simm.s32 $_scs_section_size  }
0x9a: {  	s5 =	simm.s32 $_size__tile_overlayer_lowered;
	s6 =	simm.s32 $_tile_overlayer_lowered  }
0x9b: {  	s22 =	simm.s32 $0x1BFF;
	s21 =	sshll.u32 s6, $0x1;
	s3 =	sadd.s32 s4, s19  }
0x9c: {  	s7 =	simm.s32 $0x0;
	s20 =	sshll.u32 s5, $0x1;
	s5 =	sadd.s32 s21, s3  }
0x9d: {  	[timem:s7], [sflag:s22] =	dma.local [hbm:s5], s20  }
0x9e: {  	_ =	swait.ge [sflag:s22], s20  }
0x9f: {  	s4 =	ssub.s32 $0x0, s20;
	[sflag:s22] =	ssyncset.done $0x0  }
0xa0: {  	[sflag:s22] =	ssyncadd.s32 s4;
	_ =	sdelay $0x1  }
0xa1: {  	s23 =	simm.s32 $0x1B8B  }
0xa2: {  	_ =	swait.ge [sflag:s23], $0x1  }
0xa3: {  	[sflag:s23] =	ssyncset.done $0x0  }
0xa4: {  	s25 =	simm.s32 $0x1B8E;
	s24 =	sld [smem:$0x3FFE];
	[sflag:s23] =	ssyncadd.s32 $0xFFFFFFFF  }
0xa5: {  	s26 =	simm.s32 $execute0_lowered;
	[smem:$0x3FD2] =	sst s25  }
0xa6: {  	s5 =	sshll.u32 s26, $0x1;
	_ =	strace $0x80000046;
	[dreg:$0x1] =	wrdreg $0xFFFFFFFF  }
0xa7: {  	s28 =	simm.s32 $_size_execute0_lowered;
	s3 =	sadd.s32 s3, s5;
	[dreg:$0x0] =	wrdreg $0x0  }
0xa8: {  	s5 =	sshll.u32 s28, $0x1;
	[dreg:$0x2] =	wrdreg s3  }
0xa9: {  	[dreg:$0x3] =	wrdreg s5  }
0xaa: {  	[dreg:$0x4] =	wrdreg $0xC0  }
0xab: {  	_ =	task [dreg:s7], $0x5FFFF  }
0xac: {  	[dreg:$0x1] =	wrdreg $0xFFFFFFFF  }
0xad: {  	[dreg:$0x0] =	wrdreg $0x60  }
0xae: {  	[dreg:$0x2] =	wrdreg s2  }
0xaf: {  	[dreg:$0x3] =	wrdreg s24  }
0xb0: {  	[dreg:$0x4] =	wrdreg $0x9  }
0xb1: {  	_ =	task.clear_ibuf [dreg:s7], $0x5FFFF;
	_ =	strace $0x90000046  }
0xb2: {  	s29 =	simm.s32 $0x9;
	_ =	strace $0x80000048  }
0xb3: {  	_ =	swait.ge [sflag:s29], $0x1  }
0xb4: {  	[sflag:s29] =	ssyncadd.s32 $0xFFFFFFFF  }
0xb5: {  	_ =	strace $0x90000048  }
0xb6: {  	_ =	sfence  }
0xb7: {  	s30 =	sld [smem:$0x0];
	_ =	sdelay $0x2  }
0xb8: {  	s31 =	sshll.u32 s1, $0xD;
	s1 =	sshrl.u32 s1, $0x2  }
0xb9: {  	s3 =	sand.u32 $0x4000, s31;
	s1 =	sadd.s32 s1, s30  }
0xba: {  	s0 =	sor.u32 s3, s0;
	s1 =	sshll.u32 s1, $0x11  }
0xbb: {  	s0 =	sor.u32 s1, s0  }
0xbc: {  	s0 =	sadd.s32 $0x8F2B, s0  }
0xbd: {  	[sflag:s0] =	ssyncadd.remote.s32 $0x1  }
0xbe: {  	_ =	sfence.sel $0xFFFF  }
0xbf: {  	[dreg:$0x0] =	wrdreg $0xFFFFFFFF;
	(pc) =	sbr.abs _section_cstart, $3  }
0xc0: {  	[dreg:$0x1] =	wrdreg $0xFFFFFFFF  }
0xc1: {  	_ =	task.clear_ibuf [dreg:s7], $0x2FFFF;
	_ =	strace $0x9FFFFFFF  }
0xc2: {  	(tm) =	ssettm $0x7FFFFFFF  }
0xc3: {  	_ =	shalt  }
tec
execute0_lowered:
.L_overlay_start_1:
0x0: {  	(tag) =	ssettag $0x1  }
0x1: {  	vm2 =	vcmask $0x300  }
0x2: {  	v0 =	vimm.s32 $0x3780;
	vm1 =	vcmask $0x704;
	vm0 =	vcmask $0xB08  }
0x3: {  	v1 =	vimm.s32 $0x6800;
	v2 =	vimm.s32 $0x6880;
	v3 =	vimm.s32 $0x6900  }
0x4: {  	v4 =	vimm.s32 $0x6980;
	v5 =	vimm.s32 $0x6A00;
	v6 =	vimm.s32 $0x6A80  }
0x5: {  	v7 =	vimm.s32 $0x6B00;
	v8 =	vimm.s32 $0x6B80;
	v9 =	vimm.s32 $0x9C00  }
0x6: {  	v10 =	vimm.s32 $0x9C80;
	v11 =	vimm.s32 $0x9D00;
	v12 =	vimm.s32 $0x9D80  }
0x7: {  	v13 =	vimm.s32 $0x9E00;
	v14 =	vimm.s32 $0x9E80;
	v15 =	vimm.s32 $0x9F00  }
0x8: {  	v16 =	vimm.s32 $0x9F80;
	v17 =	vimm.s32 $0x0;
	v18 =	vimm.s32 $0x80  }
0x9: {  	v19 =	vimm.s32 $0x100;
	v20 =	vimm.s32 $0x180;
	v21 =	vimm.s32 $0x200  }
0xa: {  	v22 =	vimm.s32 $0x280;
	v23 =	vimm.s32 $0x300;
	v24 =	vimm.s32 $0x380  }
0xb: {  	v25 =	vimm.s32 $0x3400;
	v26 =	vimm.s32 $0x3480;
	v27 =	vimm.s32 $0x3500  }
0xc: {  	v28 =	vimm.s32 $0x3580;
	v29 =	vimm.s32 $0x3600;
	v30 =	vimm.s32 $0x3680  }
0xd: {  	v31 =	vimm.s32 $0x3700;
	vm14 =	vcmask $0xF0C;
	vm15 =	vcmask $0x1310  }
0xe: {  	vm3 =	vcmask $0x1714;
	vm5 =	vcmask $0x1B18;
	vm6 =	vcmask $0x1F1C  }
0xf: {  	vm7 =	vcmask $0xF00;
	vm8 =	vcmask $0x2320;
	v54 =	vimm.s32 $0x76553413  }
0x10: {  	v55 =	vimm.s32 $0xF9D8B796;
	v56 =	vimm.s32 $0x77563514;
	v57 =	vimm.s32 $0x78573615  }
0x11: {  	v58 =	vimm.s32 $0x79583716;
	v59 =	vimm.s32 $0x7A593817;
	v60 =	vimm.s32 $0x7B5A3918  }
0x12: {  	v42 =	vimm.s32 $0x7C5B3A19;
	v43 =	vimm.s32 $0x7D5C3B1A;
	v44 =	vimm.s32 $0x7E5D3C1B  }
0x13: {  	v45 =	vimm.s32 $0x7F5E3D1C;
	v46 =	vimm.s32 $0x605F3E1D;
	v47 =	vimm.s32 $0x61403F1E  }
0x14: {  	v48 =	vimm.s32 $0x6241201F;
	vm9 =	vcmask $0x1F10;
	v61 =	vimm.s32 $0xFAD9B897  }
0x15: {  	v49 =	vimm.s32 $0xFBDAB998;
	v50 =	vimm.s32 $0xFDDCBB9A;
	vm10 =	vcmask $0x2724  }
0x16: {  	vm11 =	vcmask $0x2B28;
	vm12 =	vcmask $0x2F2C;
	vm13 =	vcmask $0x3330  }
0x17: {  	v0 =	vsel vm2, $0x0, v0;
	v1 =	vsel vm2, $0x80, v1;
	v2 =	vsel vm2, $0x100, v2  }
0x18: {  	v3 =	vsel vm2, $0x180, v3;
	v4 =	vsel vm2, $0x200, v4;
	v5 =	vsel vm2, $0x280, v5  }
0x19: {  	v6 =	vsel vm2, $0x300, v6;
	v7 =	vsel vm2, $0x380, v7;
	v8 =	vsel vm2, $0x3400, v8  }
0x1a: {  	v9 =	vsel vm2, $0x3480, v9;
	v10 =	vsel vm2, $0x3500, v10;
	v11 =	vsel vm2, $0x3580, v11  }
0x1b: {  	v12 =	vsel vm2, $0x3600, v12;
	v13 =	vsel vm2, $0x3680, v13;
	v14 =	vsel vm2, $0x3700, v14  }
0x1c: {  	v15 =	vsel vm2, $0x3780, v15;
	v16 =	vsel vm2, $0x6800, v16;
	v17 =	vsel vm2, $0x6880, v17  }
0x1d: {  	v18 =	vsel vm2, $0x6900, v18;
	v19 =	vsel vm2, $0x6980, v19;
	v20 =	vsel vm2, $0x6A00, v20  }
0x1e: {  	v21 =	vsel vm2, $0x6A80, v21;
	v22 =	vsel vm2, $0x6B00, v22;
	v23 =	vsel vm2, $0x6B80, v23  }
0x1f: {  	v24 =	vsel vm2, $0x9C00, v24;
	v25 =	vsel vm2, $0x9C80, v25;
	v26 =	vsel vm2, $0x9D00, v26  }
0x20: {  	v27 =	vsel vm2, $0x9D80, v27;
	v28 =	vsel vm2, $0x9E00, v28;
	v29 =	vsel vm2, $0x9E80, v29  }
0x21: {  	v30 =	vsel vm2, $0x9F00, v30;
	v31 =	vsel vm2, $0x9F80, v31;
	v42 =	vunpack.c.0.s8.s32 v42  }
0x22: {  	v43 =	vunpack.c.0.s8.s32 v43;
	v44 =	vunpack.c.0.s8.s32 v44;
	v45 =	vunpack.c.0.s8.s32 v45  }
0x23: {  	v46 =	vunpack.c.0.s8.s32 v46;
	v47 =	vunpack.c.0.s8.s32 v47;
	v48 =	vunpack.c.0.s8.s32 v48  }
0x24: {  	v62 =	vunpack.c.0.s8.s32 v49;
	v0 =	vsel vm1, $0x80, v0;
	v1 =	vsel vm1, $0x100, v1  }
0x25: {  	v2 =	vsel vm1, $0x180, v2;
	v3 =	vsel vm1, $0x200, v3;
	v4 =	vsel vm1, $0x280, v4  }
0x26: {  	v5 =	vsel vm1, $0x300, v5;
	v6 =	vsel vm1, $0x380, v6;
	v7 =	vsel vm1, $0x3400, v7  }
0x27: {  	v8 =	vsel vm1, $0x3480, v8;
	v9 =	vsel vm1, $0x3500, v9;
	v10 =	vsel vm1, $0x3580, v10  }
0x28: {  	v11 =	vsel vm1, $0x3600, v11;
	v12 =	vsel vm1, $0x3680, v12;
	v13 =	vsel vm1, $0x3700, v13  }
0x29: {  	v14 =	vsel vm1, $0x3780, v14;
	v15 =	vsel vm1, $0x6800, v15;
	v16 =	vsel vm1, $0x6880, v16  }
0x2a: {  	v17 =	vsel vm1, $0x6900, v17;
	v18 =	vsel vm1, $0x6980, v18;
	v19 =	vsel vm1, $0x6A00, v19  }
0x2b: {  	v20 =	vsel vm1, $0x6A80, v20;
	v21 =	vsel vm1, $0x6B00, v21;
	v22 =	vsel vm1, $0x6B80, v22  }
0x2c: {  	v23 =	vsel vm1, $0x9C00, v23;
	v24 =	vsel vm1, $0x9C80, v24;
	v25 =	vsel vm1, $0x9D00, v25  }
0x2d: {  	v26 =	vsel vm1, $0x9D80, v26;
	v27 =	vsel vm1, $0x9E00, v27;
	v28 =	vsel vm1, $0x9E80, v28  }
0x2e: {  	v29 =	vsel vm1, $0x9F00, v29;
	v30 =	vsel vm1, $0x9F80, v30;
	v31 =	vsel vm1, $0x0, v31  }
0x2f: {  	v0 =	vsel vm0, $0x100, v0;
	v1 =	vsel vm0, $0x180, v1;
	v2 =	vsel vm0, $0x200, v2  }
0x30: {  	v3 =	vsel vm0, $0x280, v3;
	v4 =	vsel vm0, $0x300, v4;
	v5 =	vsel vm0, $0x380, v5  }
0x31: {  	v6 =	vsel vm0, $0x3400, v6;
	v7 =	vsel vm0, $0x3480, v7;
	v8 =	vsel vm0, $0x3500, v8  }
0x32: {  	v9 =	vsel vm0, $0x3580, v9;
	v10 =	vsel vm0, $0x3600, v10;
	v11 =	vsel vm0, $0x3680, v11  }
0x33: {  	v12 =	vsel vm0, $0x3700, v12;
	v13 =	vsel vm0, $0x3780, v13;
	v14 =	vsel vm0, $0x6800, v14  }
0x34: {  	v15 =	vsel vm0, $0x6880, v15;
	v16 =	vsel vm0, $0x6900, v16;
	v17 =	vsel vm0, $0x6980, v17  }
0x35: {  	v18 =	vsel vm0, $0x6A00, v18;
	v19 =	vsel vm0, $0x6A80, v19;
	v20 =	vsel vm0, $0x6B00, v20  }
0x36: {  	v21 =	vsel vm0, $0x6B80, v21;
	v22 =	vsel vm0, $0x9C00, v22;
	v23 =	vsel vm0, $0x9C80, v23  }
0x37: {  	v24 =	vsel vm0, $0x9D00, v24;
	v25 =	vsel vm0, $0x9D80, v25;
	v26 =	vsel vm0, $0x9E00, v26  }
0x38: {  	v27 =	vsel vm0, $0x9E80, v27;
	v28 =	vsel vm0, $0x9F00, v28;
	v29 =	vsel vm0, $0x9F80, v29  }
0x39: {  	v30 =	vsel vm0, $0x0, v30;
	v31 =	vsel vm0, $0x80, v31;
	v42 =	vand.u32 $0xFF, v42  }
0x3a: {  	v43 =	vand.u32 $0xFF, v43;
	v44 =	vand.u32 $0xFF, v44;
	v45 =	vand.u32 $0xFF, v45  }
0x3b: {  	v46 =	vand.u32 $0xFF, v46;
	v47 =	vand.u32 $0xFF, v47;
	v48 =	vand.u32 $0xFF, v48  }
0x3c: {  	v51 =	vand.u32 $0xFF, v62;
	v0 =	vsel vm14, $0x180, v0;
	v1 =	vsel vm14, $0x200, v1  }
0x3d: {  	v2 =	vsel vm14, $0x280, v2;
	v3 =	vsel vm14, $0x300, v3;
	v4 =	vsel vm14, $0x380, v4  }
0x3e: {  	v5 =	vsel vm14, $0x3400, v5;
	v6 =	vsel vm14, $0x3480, v6;
	v7 =	vsel vm14, $0x3500, v7  }
0x3f: {  	v8 =	vsel vm14, $0x3580, v8;
	v9 =	vsel vm14, $0x3600, v9;
	v10 =	vsel vm14, $0x3680, v10  }
0x40: {  	v11 =	vsel vm14, $0x3700, v11;
	v12 =	vsel vm14, $0x3780, v12;
	v13 =	vsel vm14, $0x6800, v13  }
0x41: {  	v14 =	vsel vm14, $0x6880, v14;
	v15 =	vsel vm14, $0x6900, v15;
	v16 =	vsel vm14, $0x6980, v16  }
0x42: {  	v17 =	vsel vm14, $0x6A00, v17;
	v18 =	vsel vm14, $0x6A80, v18;
	v19 =	vsel vm14, $0x6B00, v19  }
0x43: {  	v20 =	vsel vm14, $0x6B80, v20;
	v21 =	vsel vm14, $0x9C00, v21;
	v22 =	vsel vm14, $0x9C80, v22  }
0x44: {  	v23 =	vsel vm14, $0x9D00, v23;
	v24 =	vsel vm14, $0x9D80, v24;
	v25 =	vsel vm14, $0x9E00, v25  }
0x45: {  	v26 =	vsel vm14, $0x9E80, v26;
	v27 =	vsel vm14, $0x9F00, v27;
	v28 =	vsel vm14, $0x9F80, v28  }
0x46: {  	v29 =	vsel vm14, $0x0, v29;
	v30 =	vsel vm14, $0x80, v30;
	v31 =	vsel vm14, $0x100, v31  }
0x47: {  	v42 =	vnsel vm7, $0x1E8, v42;
	v43 =	vnsel vm7, $0x1E9, v43;
	v44 =	vnsel vm7, $0x1EA, v44  }
0x48: {  	v45 =	vnsel vm7, $0x1EB, v45;
	v46 =	vnsel vm7, $0x1EC, v46;
	v47 =	vnsel vm7, $0x1ED, v47  }
0x49: {  	v48 =	vnsel vm7, $0x1EE, v48;
	vm14 =	vcmask $0x3734;
	v0 =	vsel vm15, $0x200, v0  }
0x4a: {  	v1 =	vsel vm15, $0x280, v1;
	v2 =	vsel vm15, $0x300, v2;
	v3 =	vsel vm15, $0x380, v3  }
0x4b: {  	v4 =	vsel vm15, $0x3400, v4;
	v5 =	vsel vm15, $0x3480, v5;
	v6 =	vsel vm15, $0x3500, v6  }
0x4c: {  	v7 =	vsel vm15, $0x3580, v7;
	v8 =	vsel vm15, $0x3600, v8;
	v9 =	vsel vm15, $0x3680, v9  }
0x4d: {  	v10 =	vsel vm15, $0x3700, v10;
	v11 =	vsel vm15, $0x3780, v11;
	v12 =	vsel vm15, $0x6800, v12  }
0x4e: {  	v13 =	vsel vm15, $0x6880, v13;
	v14 =	vsel vm15, $0x6900, v14;
	v15 =	vsel vm15, $0x6980, v15  }
0x4f: {  	v16 =	vsel vm15, $0x6A00, v16;
	v17 =	vsel vm15, $0x6A80, v17;
	v18 =	vsel vm15, $0x6B00, v18  }
0x50: {  	v19 =	vsel vm15, $0x6B80, v19;
	v20 =	vsel vm15, $0x9C00, v20;
	v21 =	vsel vm15, $0x9C80, v21  }
0x51: {  	v22 =	vsel vm15, $0x9D00, v22;
	v23 =	vsel vm15, $0x9D80, v23;
	v24 =	vsel vm15, $0x9E00, v24  }
0x52: {  	v25 =	vsel vm15, $0x9E80, v25;
	v26 =	vsel vm15, $0x9F00, v26;
	v27 =	vsel vm15, $0x9F80, v27  }
0x53: {  	v28 =	vsel vm15, $0x0, v28;
	v29 =	vsel vm15, $0x80, v29;
	v30 =	vsel vm15, $0x100, v30  }
0x54: {  	v31 =	vsel vm15, $0x180, v31;
	vm15 =	vcmask $0x3B38;
	v0 =	vsel vm3, $0x280, v0  }
0x55: {  	v1 =	vsel vm3, $0x300, v1;
	v2 =	vsel vm3, $0x380, v2;
	v3 =	vsel vm3, $0x3400, v3  }
0x56: {  	v4 =	vsel vm3, $0x3480, v4;
	v5 =	vsel vm3, $0x3500, v5;
	v6 =	vsel vm3, $0x3580, v6  }
0x57: {  	v7 =	vsel vm3, $0x3600, v7;
	v8 =	vsel vm3, $0x3680, v8;
	v9 =	vsel vm3, $0x3700, v9  }
0x58: {  	v10 =	vsel vm3, $0x3780, v10;
	v11 =	vsel vm3, $0x6800, v11;
	v12 =	vsel vm3, $0x6880, v12  }
0x59: {  	v13 =	vsel vm3, $0x6900, v13;
	v14 =	vsel vm3, $0x6980, v14;
	v15 =	vsel vm3, $0x6A00, v15  }
0x5a: {  	v16 =	vsel vm3, $0x6A80, v16;
	v17 =	vsel vm3, $0x6B00, v17;
	v18 =	vsel vm3, $0x6B80, v18  }
0x5b: {  	v19 =	vsel vm3, $0x9C00, v19;
	v20 =	vsel vm3, $0x9C80, v20;
	v21 =	vsel vm3, $0x9D00, v21  }
0x5c: {  	v22 =	vsel vm3, $0x9D80, v22;
	v23 =	vsel vm3, $0x9E00, v23;
	v24 =	vsel vm3, $0x9E80, v24  }
0x5d: {  	v25 =	vsel vm3, $0x9F00, v25;
	v26 =	vsel vm3, $0x9F80, v26;
	v27 =	vsel vm3, $0x0, v27  }
0x5e: {  	v28 =	vsel vm3, $0x80, v28;
	v29 =	vsel vm3, $0x100, v29;
	v30 =	vsel vm3, $0x180, v30  }
0x5f: {  	v32 =	vsel vm3, $0x200, v31;
	v0 =	vsel vm5, $0x300, v0;
	v15 =	vsel vm5, $0x6A80, v15  }
0x60: {  	v18 =	vsel vm5, $0x9C00, v18;
	v19 =	vsel vm5, $0x9C80, v19;
	v20 =	vsel vm5, $0x9D00, v20  }
0x61: {  	v21 =	vsel vm5, $0x9D80, v21;
	v22 =	vsel vm5, $0x9E00, v22;
	v23 =	vsel vm5, $0x9E80, v23  }
0x62: {  	v24 =	vsel vm5, $0x9F00, v24;
	v34 =	vsel vm5, $0x9F80, v25;
	v35 =	vsel vm5, $0x0, v26  }
0x63: {  	v36 =	vsel vm5, $0x80, v27;
	v37 =	vsel vm5, $0x100, v28;
	v38 =	vsel vm5, $0x180, v29  }
0x64: {  	v39 =	vsel vm5, $0x200, v30;
	v32 =	vsel vm5, $0x280, v32;
	v31 =	vsel vm6, $0x380, v0  }
0x65: {  	v0 =	vsel vm5, $0x380, v1;
	v1 =	vsel vm5, $0x3400, v2;
	v2 =	vsel vm5, $0x3480, v3  }
0x66: {  	v3 =	vsel vm5, $0x3500, v4;
	v4 =	vsel vm5, $0x3580, v5;
	v5 =	vsel vm5, $0x3600, v6  }
0x67: {  	v6 =	vsel vm5, $0x3680, v7;
	v7 =	vsel vm5, $0x3700, v8;
	v8 =	vsel vm5, $0x3780, v9  }
0x68: {  	v9 =	vsel vm5, $0x6800, v10;
	v10 =	vsel vm5, $0x6880, v11;
	v11 =	vsel vm5, $0x6900, v12  }
0x69: {  	v12 =	vsel vm5, $0x6980, v13;
	v13 =	vsel vm5, $0x6A00, v14;
	v14 =	vimm.s32 $0x74533211  }
0x6a: {  	v29 =	vsel vm6, $0x9C80, v18;
	v30 =	vsel vm6, $0x9D00, v19;
	v28 =	vsel vm6, $0x9D80, v20  }
0x6b: {  	v27 =	vsel vm6, $0x9E00, v21;
	v26 =	vsel vm6, $0x9E80, v22;
	v25 =	vsel vm6, $0x9F00, v23  }
0x6c: {  	v24 =	vsel vm6, $0x9F80, v24;
	v23 =	vsel vm6, $0x0, v34;
	v22 =	vsel vm6, $0x80, v35  }
0x6d: {  	v21 =	vsel vm6, $0x100, v36;
	v20 =	vsel vm6, $0x180, v37;
	v19 =	vsel vm6, $0x200, v38  }
0x6e: {  	v18 =	vsel vm6, $0x280, v39;
	v35 =	vunpack.c.0.s8.s32 v54;
	v37 =	vunpack.c.0.s8.s32 v56  }
0x6f: {  	v38 =	vunpack.c.0.s8.s32 v57;
	v39 =	vunpack.c.0.s8.s32 v58;
	v36 =	vunpack.c.0.s8.s32 v55  }
0x70: {  	v34 =	vunpack.c.0.s8.s32 v61;
	v54 =	vimm.s32 $0xFEDDBC9B;
	v55 =	vimm.s32 $0xFFDEBD9C  }
0x71: {  	v58 =	vimm.s32 $0xE0DFBE9D;
	v0 =	vsel vm6, $0x3400, v0;
	v1 =	vsel vm6, $0x3480, v1  }
0x72: {  	v2 =	vsel vm6, $0x3500, v2;
	v3 =	vsel vm6, $0x3580, v3;
	v4 =	vsel vm6, $0x3600, v4  }
0x73: {  	v5 =	vsel vm6, $0x3680, v5;
	v6 =	vsel vm6, $0x3700, v6;
	v7 =	vsel vm6, $0x3780, v7  }
0x74: {  	v8 =	vsel vm6, $0x6800, v8;
	v9 =	vsel vm6, $0x6880, v9;
	v10 =	vsel vm6, $0x6900, v10  }
0x75: {  	v11 =	vsel vm6, $0x6980, v11;
	v12 =	vsel vm6, $0x6A00, v12;
	v13 =	vsel vm6, $0x6A80, v13  }
0x76: {  	v33 =	vunpack.c.0.s8.s32 v14;
	v14 =	vsel vm6, $0x6B00, v15;
	v15 =	vsel vm5, $0x6B00, v16  }
0x77: {  	v16 =	vsel vm5, $0x6B80, v17;
	v17 =	vimm.s32 $0xF8D7B695;
	v31 =	vsel vm8, $0x3400, v31  }
0x78: {  	v56 =	vunpack.c.0.s8.s32 v55;
	v55 =	vimm.s32 $0xE5C4A382;
	v29 =	vsel vm8, $0x9D00, v29  }
0x79: {  	v30 =	vsel vm8, $0x9D80, v30;
	v28 =	vsel vm8, $0x9E00, v28;
	v27 =	vsel vm8, $0x9E80, v27  }
0x7a: {  	v26 =	vsel vm8, $0x9F00, v26;
	v25 =	vsel vm8, $0x9F80, v25;
	v24 =	vsel vm8, $0x0, v24  }
0x7b: {  	v23 =	vsel vm8, $0x80, v23;
	v22 =	vsel vm8, $0x100, v22;
	v21 =	vsel vm8, $0x180, v21  }
0x7c: {  	v20 =	vsel vm8, $0x200, v20;
	v19 =	vsel vm8, $0x280, v19;
	v18 =	vsel vm8, $0x300, v18  }
0x7d: {  	v15 =	vsel vm6, $0x6B80, v15;
	v16 =	vsel vm6, $0x9C00, v16;
	v40 =	vunpack.c.0.s8.s32 v17  }
0x7e: {  	v17 =	vimm.s32 $0x75543312;
	v35 =	vand.u32 $0xFF, v35;
	v37 =	vand.u32 $0xFF, v37  }
0x7f: {  	v38 =	vand.u32 $0xFF, v38;
	v39 =	vand.u32 $0xFF, v39;
	v36 =	vand.u32 $0xFF, v36  }
0x80: {  	v34 =	vand.u32 $0xFF, v34;
	v31 =	vsel vm10, $0x3480, v31;
	v0 =	vsel vm8, $0x3480, v0  }
0x81: {  	v1 =	vsel vm8, $0x3500, v1;
	v2 =	vsel vm8, $0x3580, v2;
	v3 =	vsel vm8, $0x3600, v3  }
0x82: {  	v4 =	vsel vm8, $0x3680, v4;
	v5 =	vsel vm8, $0x3700, v5;
	v6 =	vsel vm8, $0x3780, v6  }
0x83: {  	v7 =	vsel vm8, $0x6800, v7;
	v8 =	vsel vm8, $0x6880, v8;
	v9 =	vsel vm8, $0x6900, v9  }
0x84: {  	v10 =	vsel vm8, $0x6980, v10;
	v11 =	vsel vm8, $0x6A00, v11;
	v12 =	vsel vm8, $0x6A80, v12  }
0x85: {  	v13 =	vsel vm8, $0x6B00, v13;
	v14 =	vsel vm8, $0x6B80, v14;
	v29 =	vsel vm10, $0x9D80, v29  }
0x86: {  	v30 =	vsel vm10, $0x9E00, v30;
	v28 =	vsel vm10, $0x9E80, v28;
	v27 =	vsel vm10, $0x9F00, v27  }
0x87: {  	v26 =	vsel vm10, $0x9F80, v26;
	v25 =	vsel vm10, $0x0, v25;
	v24 =	vsel vm10, $0x80, v24  }
0x88: {  	v23 =	vsel vm10, $0x100, v23;
	v22 =	vsel vm10, $0x180, v22;
	v21 =	vsel vm10, $0x200, v21  }
0x89: {  	v20 =	vsel vm10, $0x280, v20;
	v19 =	vsel vm10, $0x300, v19;
	v18 =	vsel vm10, $0x380, v18  }
0x8a: {  	v33 =	vand.u32 $0xFF, v33;
	v41 =	vunpack.c.0.s8.s32 v17;
	v17 =	vsel vm6, $0x300, v32  }
0x8b: {  	v35 =	vnsel vm7, $0x1E2, v35;
	v37 =	vnsel vm7, $0x1E3, v37;
	v38 =	vnsel vm7, $0x1E4, v38  }
0x8c: {  	v39 =	vnsel vm7, $0x1E5, v39;
	v15 =	vsel vm8, $0x9C00, v15;
	v16 =	vsel vm8, $0x9C80, v16  }
0x8d: {  	v31 =	vsel vm11, $0x3500, v31;
	v0 =	vsel vm10, $0x3500, v0;
	v1 =	vsel vm10, $0x3580, v1  }
0x8e: {  	v2 =	vsel vm10, $0x3600, v2;
	v3 =	vsel vm10, $0x3680, v3;
	v4 =	vsel vm10, $0x3700, v4  }
0x8f: {  	v5 =	vsel vm10, $0x3780, v5;
	v6 =	vsel vm10, $0x6800, v6;
	v7 =	vsel vm10, $0x6880, v7  }
0x90: {  	v8 =	vsel vm10, $0x6900, v8;
	v9 =	vsel vm10, $0x6980, v9;
	v10 =	vsel vm10, $0x6A00, v10  }
0x91: {  	v11 =	vsel vm10, $0x6A80, v11;
	v12 =	vsel vm10, $0x6B00, v12;
	v13 =	vsel vm10, $0x6B80, v13  }
0x92: {  	v14 =	vsel vm10, $0x9C00, v14;
	v29 =	vsel vm11, $0x9E00, v29;
	v30 =	vsel vm11, $0x9E80, v30  }
0x93: {  	v28 =	vsel vm11, $0x9F00, v28;
	v27 =	vsel vm11, $0x9F80, v27;
	v26 =	vsel vm11, $0x0, v26  }
0x94: {  	v25 =	vsel vm11, $0x80, v25;
	v24 =	vsel vm11, $0x100, v24;
	v23 =	vsel vm11, $0x180, v23  }
0x95: {  	v22 =	vsel vm11, $0x200, v22;
	v21 =	vsel vm11, $0x280, v21;
	v20 =	vsel vm11, $0x300, v20  }
0x96: {  	v19 =	vsel vm11, $0x380, v19;
	v18 =	vsel vm11, $0x3400, v18;
	v63 =	vnsel vm7, $0x1E0, v33  }
0x97: {  	v53 =	vand.u32 $0xFF, v40;
	v40 =	vunpack.c.0.s8.s32 v59;
	v34 =	vsel vm9, v34, v35  }
0x98: {  	v35 =	vsel vm9, v51, v37;
	v59 =	vimm.s32 $0xE1C0BF9E;
	v51 =	vimm.s32 $0xE6C5A483  }
0x99: {  	v17 =	vsel vm8, $0x380, v17;
	v15 =	vsel vm10, $0x9C80, v15;
	v16 =	vsel vm10, $0x9D00, v16  }
0x9a: {  	v31 =	vsel vm12, $0x3580, v31;
	v0 =	vsel vm11, $0x3580, v0;
	v1 =	vsel vm11, $0x3600, v1  }
0x9b: {  	v2 =	vsel vm11, $0x3680, v2;
	v3 =	vsel vm11, $0x3700, v3;
	v4 =	vsel vm11, $0x3780, v4  }
0x9c: {  	v5 =	vsel vm11, $0x6800, v5;
	v6 =	vsel vm11, $0x6880, v6;
	v7 =	vsel vm11, $0x6900, v7  }
0x9d: {  	v8 =	vsel vm11, $0x6980, v8;
	v9 =	vsel vm11, $0x6A00, v9;
	v10 =	vsel vm11, $0x6A80, v10  }
0x9e: {  	v11 =	vsel vm11, $0x6B00, v11;
	v12 =	vsel vm11, $0x6B80, v12;
	v13 =	vsel vm11, $0x9C00, v13  }
0x9f: {  	v14 =	vsel vm11, $0x9C80, v14;
	v29 =	vsel vm12, $0x9E80, v29;
	v30 =	vsel vm12, $0x9F00, v30  }
0xa0: {  	v28 =	vsel vm12, $0x9F80, v28;
	v27 =	vsel vm12, $0x0, v27;
	v26 =	vsel vm12, $0x80, v26  }
0xa1: {  	v25 =	vsel vm12, $0x100, v25;
	v24 =	vsel vm12, $0x180, v24;
	v23 =	vsel vm12, $0x200, v23  }
0xa2: {  	v22 =	vsel vm12, $0x280, v22;
	v21 =	vsel vm12, $0x300, v21;
	v20 =	vsel vm12, $0x380, v20  }
0xa3: {  	v19 =	vsel vm12, $0x3400, v19;
	v18 =	vsel vm12, $0x3480, v18;
	v52 =	vand.u32 $0xFF, v41  }
0xa4: {  	v41 =	vunpack.c.0.s8.s32 v60;
	v32 =	vsel vm9, v53, v63;
	v63 =	vimm.s32 $0xFCDBBA99  }
0xa5: {  	v60 =	vimm.s32 $0xE2C1A09F;
	v51 =	vunpack.c.0.s8.s32 v51;
	v34 =	vsel vm8, $0x11B, v34  }
0xa6: {  	v35 =	vsel vm8, $0x11C, v35;
	v17 =	vsel vm10, $0x3400, v17;
	v15 =	vsel vm11, $0x9D00, v15  }
0xa7: {  	v16 =	vsel vm11, $0x9D80, v16;
	v31 =	vsel vm13, $0x3600, v31;
	v0 =	vsel vm12, $0x3600, v0  }
0xa8: {  	v1 =	vsel vm12, $0x3680, v1;
	v2 =	vsel vm12, $0x3700, v2;
	v3 =	vsel vm12, $0x3780, v3  }
0xa9: {  	v4 =	vsel vm12, $0x6800, v4;
	v5 =	vsel vm12, $0x6880, v5;
	v6 =	vsel vm12, $0x6900, v6  }
0xaa: {  	v7 =	vsel vm12, $0x6980, v7;
	v8 =	vsel vm12, $0x6A00, v8;
	v9 =	vsel vm12, $0x6A80, v9  }
0xab: {  	v10 =	vsel vm12, $0x6B00, v10;
	v11 =	vsel vm12, $0x6B80, v11;
	v12 =	vsel vm12, $0x9C00, v12  }
0xac: {  	v13 =	vsel vm12, $0x9C80, v13;
	v14 =	vsel vm12, $0x9D00, v14;
	v29 =	vsel vm13, $0x9F00, v29  }
0xad: {  	v30 =	vsel vm13, $0x9F80, v30;
	v28 =	vsel vm13, $0x0, v28;
	v27 =	vsel vm13, $0x80, v27  }
0xae: {  	v26 =	vsel vm13, $0x100, v26;
	v25 =	vsel vm13, $0x180, v25;
	v24 =	vsel vm13, $0x200, v24  }
0xaf: {  	v22 =	vsel vm13, $0x300, v22;
	v21 =	vsel vm13, $0x380, v21;
	v20 =	vsel vm13, $0x3400, v20  }
0xb0: {  	v19 =	vsel vm13, $0x3480, v19;
	v18 =	vsel vm13, $0x3500, v18;
	v33 =	vnsel vm7, $0x1E1, v52  }
0xb1: {  	v40 =	vand.u32 $0xFF, v40;
	v49 =	vunpack.c.0.s8.s32 v63;
	v52 =	vunpack.c.0.s8.s32 v50  }
0xb2: {  	v50 =	vunpack.c.0.s8.s32 v59;
	v32 =	vsel vm8, $0x119, v32;
	v34 =	vsel vm10, $0x13C, v34  }
0xb3: {  	v35 =	vsel vm10, $0x13D, v35;
	v17 =	vsel vm11, $0x3480, v17;
	v15 =	vsel vm12, $0x9D80, v15  }
0xb4: {  	v16 =	vsel vm12, $0x9E00, v16;
	v31 =	vsel vm14, $0x3680, v31;
	v0 =	vsel vm13, $0x3680, v0  }
0xb5: {  	v1 =	vsel vm13, $0x3700, v1;
	v2 =	vsel vm13, $0x3780, v2;
	v3 =	vsel vm13, $0x6800, v3  }
0xb6: {  	v4 =	vsel vm13, $0x6880, v4;
	v5 =	vsel vm13, $0x6900, v5;
	v6 =	vsel vm13, $0x6980, v6  }
0xb7: {  	v7 =	vsel vm13, $0x6A00, v7;
	v8 =	vsel vm13, $0x6A80, v8;
	v9 =	vsel vm13, $0x6B00, v9  }
0xb8: {  	v10 =	vsel vm13, $0x6B80, v10;
	v11 =	vsel vm13, $0x9C00, v11;
	v12 =	vsel vm13, $0x9C80, v12  }
0xb9: {  	v13 =	vsel vm13, $0x9D00, v13;
	v14 =	vsel vm13, $0x9D80, v14;
	v29 =	vsel vm14, $0x9F80, v29  }
0xba: {  	v30 =	vsel vm14, $0x0, v30;
	v28 =	vsel vm14, $0x80, v28;
	v27 =	vsel vm14, $0x100, v27  }
0xbb: {  	v59 =	vsel vm14, $0x180, v26;
	v24 =	vsel vm14, $0x280, v24;
	v22 =	vsel vm14, $0x380, v22  }
0xbc: {  	v21 =	vsel vm14, $0x3400, v21;
	v20 =	vsel vm14, $0x3480, v20;
	v40 =	vnsel vm7, $0x1E6, v40  }
0xbd: {  	v41 =	vand.u32 $0xFF, v41;
	v33 =	vsel vm9, v36, v33;
	v32 =	vsel vm10, $0x13A, v32  }
0xbe: {  	v34 =	vsel vm11, $0x15D, v34;
	v35 =	vsel vm11, $0x15E, v35;
	v17 =	vsel vm12, $0x3500, v17  }
0xbf: {  	v15 =	vsel vm13, $0x9E00, v15;
	v0 =	vsel vm14, $0x3700, v0;
	v1 =	vsel vm14, $0x3780, v1  }
0xc0: {  	v2 =	vsel vm14, $0x6800, v2;
	v3 =	vsel vm14, $0x6880, v3;
	v4 =	vsel vm14, $0x6900, v4  }
0xc1: {  	v5 =	vsel vm14, $0x6980, v5;
	v6 =	vsel vm14, $0x6A00, v6;
	v7 =	vsel vm14, $0x6A80, v7  }
0xc2: {  	v8 =	vsel vm14, $0x6B00, v8;
	v9 =	vsel vm14, $0x6B80, v9;
	v10 =	vsel vm14, $0x9C00, v10  }
0xc3: {  	v11 =	vsel vm14, $0x9C80, v11;
	v12 =	vsel vm14, $0x9D00, v12;
	v13 =	vsel vm14, $0x9D80, v13  }
0xc4: {  	v14 =	vsel vm14, $0x9E00, v14;
	v41 =	vnsel vm7, $0x1E7, v41;
	v53 =	vand.u32 $0xFF, v49  }
0xc5: {  	v36 =	vand.u32 $0xFF, v52;
	v49 =	vunpack.c.0.s8.s32 v54;
	v62 =	vand.u32 $0xFF, v50  }
0xc6: {  	v54 =	vimm.s32 $0xE4C3A281;
	v50 =	vunpack.c.0.s8.s32 v55;
	v33 =	vsel vm8, $0x11A, v33  }
0xc7: {  	v32 =	vsel vm11, $0x15B, v32;
	v34 =	vsel vm12, $0x17E, v34;
	v35 =	vsel vm12, $0x17F, v35  }
0xc8: {  	v17 =	vsel vm13, $0x3580, v17;
	v15 =	vsel vm14, $0x9E80, v15;
	v52 =	vsel vm14, $0x3580, v18  }
0xc9: {  	v26 =	vsel vm15, $0x9C00, v9;
	v18 =	vsel vm15, $0x100, v28;
	v37 =	vsel vm9, v53, v38  }
0xca: {  	v36 =	vsel vm9, v36, v39;
	v38 =	vand.u32 $0xFF, v56;
	v63 =	vsel vm9, v62, v43  }
0xcb: {  	v53 =	vimm.s32 $0xE3C2A180;
	v33 =	vsel vm10, $0x13B, v33;
	v32 =	vsel vm12, $0x17C, v32  }
0xcc: {  	v34 =	vsel vm13, $0x19F, v34;
	v35 =	vsel vm13, $0x180, v35;
	v57 =	vand.u32 $0xFF, v49  }
0xcd: {  	v49 =	vunpack.c.0.s8.s32 v58;
	v38 =	vsel vm9, v38, v41;
	v43 =	vunpack.c.0.s8.s32 v53  }
0xce: {  	v58 =	vand.u32 $0xFF, v51;
	v37 =	vsel vm8, $0x11D, v37;
	v36 =	vsel vm8, $0x11E, v36  }
0xcf: {  	v33 =	vsel vm11, $0x15C, v33;
	v32 =	vsel vm13, $0x19D, v32;
	v34 =	vsel vm14, $0x1A0, v34  }
0xd0: {  	v35 =	vsel vm14, $0x1A1, v35;
	v39 =	vsel vm9, v57, v40;
	v40 =	vunpack.c.0.s8.s32 v60  }
0xd1: {  	v57 =	vand.u32 $0xFF, v50;
	v37 =	vsel vm10, $0x13E, v37;
	v36 =	vsel vm10, $0x13F, v36  }
0xd2: {  	v33 =	vsel vm12, $0x17D, v33;
	v32 =	vsel vm14, $0x1BE, v32;
	v60 =	vsel vm14, $0x3600, v17  }
0xd3: {  	v17 =	vsel vm15, $0x3700, v31;
	v31 =	vsel vm15, $0x3780, v0;
	v0 =	vsel vm15, $0x6800, v1  }
0xd4: {  	v1 =	vsel vm15, $0x6880, v2;
	v9 =	vsel vm15, $0x1C1, v34;
	v61 =	vand.u32 $0xFF, v49  }
0xd5: {  	v49 =	vunpack.c.0.s8.s32 v54;
	v43 =	vand.u32 $0xFF, v43;
	v39 =	vsel vm8, $0x11F, v39  }
0xd6: {  	v37 =	vsel vm11, $0x15F, v37;
	v36 =	vsel vm11, $0x140, v36;
	v33 =	vsel vm13, $0x19E, v33  }
0xd7: {  	v41 =	vsel vm9, v61, v42;
	v40 =	vand.u32 $0xFF, v40;
	v43 =	vsel vm9, v43, v45  }
0xd8: {  	v45 =	vsel vm9, v57, v47;
	v42 =	vsel vm8, $0x102, v63;
	v39 =	vsel vm10, $0x120, v39  }
0xd9: {  	v37 =	vsel vm12, $0x160, v37;
	v36 =	vsel vm12, $0x161, v36;
	v33 =	vsel vm14, $0x1BF, v33  }
0xda: {  	v63 =	vsel vm15, $0x6900, v3;
	v3 =	vsel vm15, $0x6980, v4;
	v4 =	vsel vm15, $0x6A00, v5  }
0xdb: {  	v5 =	vsel vm15, $0x6A80, v6;
	v6 =	vsel vm15, $0x6B00, v7;
	v40 =	vsel vm9, v40, v44  }
0xdc: {  	v56 =	vand.u32 $0xFF, v49;
	v43 =	vsel vm8, $0x104, v43;
	v42 =	vsel vm10, $0x123, v42  }
0xdd: {  	v39 =	vsel vm11, $0x141, v39;
	v37 =	vsel vm13, $0x181, v37;
	v44 =	vsel vm9, v56, v46  }
0xde: {  	v46 =	vsel vm9, v58, v48;
	v39 =	vsel vm12, $0x162, v39;
	v48 =	vsel vm14, $0x200, v25  }
0xdf: {  	v25 =	vlaneseq.u32;
	v46 =	vsel vm8, $0x107, v46;
	v39 =	vsel vm13, $0x183, v39  }
0xe0: {  	v54 =	vmul.u32 $0x21, v25;
	v25 =	vsel vm15, $0x9C80, v10;
	v10 =	vsel vm15, $0x9D00, v11  }
0xe1: {  	v11 =	vsel vm15, $0x9D80, v12;
	v46 =	vsel vm10, $0x128, v46;
	v39 =	vsel vm14, $0x1A4, v39  }
0xe2: {  	v36 =	vsel vm13, $0x182, v36;
	v49 =	vsel vm15, $0x6B80, v8;
	v46 =	vsel vm11, $0x149, v46  }
0xe3: {  	v8 =	vsel vm15, $0x1C0, v33;
	v56 =	vsel vm15, $0x200, v59;
	v46 =	vsel vm12, $0x16A, v46  }
0xe4: {  	[tilespmem:$0x1FC30] =	vst v8;
	v59 =	vsel vm15, $0x1C5, v39;
	v46 =	vsel vm13, $0x18B, v46;
	v39 =	vmovc v11;
	v11 =	vmovc v1;
	v1 =	vsel vm15, $0x3600, v52  }
0xe5: {  	s0 =	rddreg [dreg:$0x0];
	v50 =	vsel vm14, $0x1AC, v46;
	v46 =	vsel vm15, $0x9F00, v15;
	v15 =	vsel vm15, $0x0, v29;
	[tilespmem:$0x1FC40] =	vst v1  }
0xe6: {  	s4 =	rddreg [dreg:$0x1];
	s2 =	simm.s32 $0x0;
	v40 =	vsel vm8, $0x103, v40;
	v43 =	vsel vm10, $0x125, v43;
	[tilespmem:$0x1FC20] =	vst v15;
	v1 =	vsel vm15, $0x1CD, v50  }
0xe7: {  	[smem:$0x7FF] =	sst s2;
	v42 =	vsel vm11, $0x144, v42;
	v36 =	vsel vm14, $0x1A3, v36;
	[tilespmem:$0x1FC50] =	vst v1;
	v1 =	vadd.s32 $0xD, v54  }
0xe8: {  	s1 =	rddreg [dreg:$0x2];
	v37 =	vsel vm14, $0x1A2, v37;
	v58 =	vsel vm15, $0x300, v24;
	v2 =	vadd.s32 $0xE, v54;
	_ =	strace $0x80000047;
	[tilespmem:$0x1FC60] =	vst v1  }
0xe9: {  	v24 =	vsel vm15, $0x3400, v22;
	v15 =	vsel vm15, $0x1C2, v35;
	v35 =	vmovc v3;
	v3 =	vadd.s32 $0xF, v54;
	[tilespmem:$0x1FC70] =	vst v2  }
0xea: {  	v44 =	vsel vm8, $0x105, v44;
	v57 =	vsel vm15, $0x1C4, v36;
	v36 =	vmovc v4;
	v4 =	vadd.s32 $0x10, v54;
	[tilespmem:$0x1FC80] =	vst v3  }
0xeb: {  	v43 =	vsel vm11, $0x146, v43;
	v42 =	vsel vm12, $0x165, v42;
	v7 =	vsel vm15, $0x1C3, v37;
	[tilespmem:$0x1FC90] =	vst v4  }
0xec: {  	v12 =	vsel vm15, $0x9E00, v13;
	v13 =	vsel vm15, $0x9E80, v14;
	v43 =	vsel vm12, $0x167, v43;
	[tilespmem:$0x1FCA0] =	vst v7  }
0xed: {  	v14 =	vsel vm15, $0x1DF, v32;
	v44 =	vsel vm10, $0x126, v44;
	v43 =	vsel vm13, $0x188, v43;
	[tilespmem:$0x1FCB0] =	vst v9  }
0xee: {  	v42 =	vsel vm13, $0x186, v42;
	v44 =	vsel vm11, $0x147, v44;
	v43 =	vsel vm14, $0x1A9, v43;
	[tilespmem:$0x1FCC0] =	vst v18  }
0xef: {  	v42 =	vsel vm14, $0x1A7, v42;
	v44 =	vsel vm12, $0x168, v44;
	v29 =	vmovc v17;
	v17 =	vsel vm15, $0x180, v27;
	[tilespmem:$0x1FCD0] =	vst v15  }
0xf0: {  	v37 =	vmovc v5;
	v5 =	vmovc v13;
	v13 =	vadd.s32 $0xA, v54;
	v22 =	vsel vm15, $0x1C8, v42;
	v44 =	vsel vm13, $0x189, v44;
	[tilespmem:$0x1FCE0] =	vst v17  }
0xf1: {  	v42 =	vsel vm15, $0x1CA, v43;
	v44 =	vsel vm14, $0x1AA, v44;
	v43 =	vmovc v14;
	v14 =	vadd.s32 $0xB, v54;
	[tilespmem:$0x1FCF0] =	vst v13  }
0xf2: {  	v47 =	vsel vm15, $0x280, v48;
	v48 =	vsel vm15, $0x1CB, v44;
	v44 =	vadd.s32 $0xC, v54;
	[tilespmem:$0x1FD00] =	vst v14  }
0xf3: {  	v19 =	vsel vm14, $0x3500, v19;
	v16 =	vsel vm13, $0x9E80, v16;
	v40 =	vsel vm10, $0x124, v40;
	[tilespmem:$0x1FD10] =	vst v44  }
0xf4: {  	v20 =	vsel vm15, $0x3500, v20;
	v28 =	vsel vm15, $0x3580, v19;
	v40 =	vsel vm11, $0x145, v40;
	[tilespmem:$0x1FD20] =	vst v42  }
0xf5: {  	v41 =	vsel vm8, $0x101, v41;
	v45 =	vsel vm8, $0x106, v45;
	v40 =	vsel vm12, $0x166, v40;
	[tilespmem:$0x1FD30] =	vst v20  }
0xf6: {  	v41 =	vsel vm10, $0x122, v41;
	v45 =	vsel vm10, $0x127, v45;
	v40 =	vsel vm13, $0x187, v40;
	[tilespmem:$0x1FD40] =	vst v28  }
0xf7: {  	v8 =	vsel vm15, $0x80, v30;
	v30 =	vsel vm15, $0x3480, v21;
	v40 =	vsel vm14, $0x1A8, v40;
	[tilespmem:$0x1FD50] =	vst v48  }
0xf8: {  	v41 =	vsel vm11, $0x143, v41;
	v45 =	vsel vm11, $0x148, v45;
	v21 =	vsel vm15, $0x1C9, v40;
	[tilespmem:$0x1FD60] =	vst v30  }
0xf9: {  	v16 =	vsel vm14, $0x9F00, v16;
	v19 =	vmovc v8;
	v41 =	vsel vm12, $0x164, v41;
	v45 =	vsel vm12, $0x169, v45;
	[tilespmem:$0x1FD70] =	vst v21  }
0xfa: {  	v23 =	vsel vm13, $0x280, v23;
	v41 =	vsel vm13, $0x185, v41;
	v45 =	vsel vm13, $0x18A, v45;
	[tilespmem:$0x1FD80] =	vst v19  }
0xfb: {  	v23 =	vsel vm14, $0x300, v23;
	v41 =	vsel vm14, $0x1A6, v41;
	v51 =	vsel vm14, $0x1AB, v45;
	[tilespmem:$0x1FD90] =	vst v24  }
0xfc: {  	v45 =	vsel vm15, $0x9F80, v16;
	v16 =	vmovc v0;
	v0 =	vsel vm15, $0x380, v23;
	v23 =	vsel vm15, $0x1C7, v41;
	[tilespmem:$0x1FDA0] =	vst v22  }
0xfd: {  	[tilespmem:$0x1FDB0] =	vst v23  }
0xfe: {  	v41 =	vmov v25;
	v25 =	vadd.s32 $0x1, v54;
	[tilespmem:$0x1FDC0] =	vst v0  }
0xff: {  	v38 =	vsel vm8, $0x100, v38;
	v40 =	vmov v26;
	v26 =	vadd.s32 $0x2, v54;
	[tilespmem:$0x1FDD0] =	vst v25  }
0x100: {  	v38 =	vsel vm10, $0x121, v38;
	v27 =	vadd.s32 $0x3, v54;
	[tilespmem:$0x1FDE0] =	vst v26  }
0x101: {  	v38 =	vsel vm11, $0x142, v38;
	v8 =	vmov v31;
	v31 =	vadd.s32 $0x4, v54;
	[tilespmem:$0x1FDF0] =	vst v27  }
0x102: {  	v38 =	vsel vm12, $0x163, v38;
	v32 =	vadd.s32 $0x5, v54;
	[tilespmem:$0x1FE00] =	vst v31  }
0x103: {  	v38 =	vsel vm13, $0x184, v38;
	v62 =	vadd.s32 $0x6, v54;
	[tilespmem:$0x1FE10] =	vst v32  }
0x104: {  	v38 =	vsel vm14, $0x1A5, v38;
	v52 =	vadd.s32 $0x7, v54;
	[tilespmem:$0x1FE20] =	vst v62  }
0x105: {  	v61 =	vsel vm15, $0x1C6, v38;
	v38 =	vadd.s32 $0x8, v54;
	[tilespmem:$0x1FE30] =	vst v52  }
0x106: {  	v33 =	vmov v12;
	v12 =	vsel vm15, $0x1CC, v51;
	[tilespmem:$0x1FE40] =	vst v38  }
0x107: {  	v53 =	vsel vm15, $0x3680, v60;
	[tilespmem:$0x1FE50] =	vst v12  }
0x108: {  	[tilespmem:$0x1FE60] =	vst v53  }
0x109: {  	[tilespmem:$0x1FE70] =	vst v8  }
0x10a: {  	[tilespmem:$0x1FE80] =	vst v16  }
0x10b: {  	[tilespmem:$0x1FE90] =	vst v11  }
0x10c: {  	[tilespmem:$0x1FEA0] =	vst v63  }
0x10d: {  	[tilespmem:$0x1FEB0] =	vst v10  }
0x10e: {  	[tilespmem:$0x1FEC0] =	vst v6  }
0x10f: {  	[tilespmem:$0x1FED0] =	vst v43  }
0x110: {  	[tilespmem:$0x1FEE0] =	vst v45  }
0x111: {  	[tilespmem:$0x1FEF0] =	vst v61  }
0x112: {  	[tilespmem:$0x1FF00] =	vst v29  }
0x113: {  	[tilespmem:$0x1FF10] =	vst v5  }
0x114: {  	[tilespmem:$0x1FF20] =	vst v46  }
0x115: {  	[tilespmem:$0x1FF30] =	vst v33  }
0x116: {  	[tilespmem:$0x1FF40] =	vst v54  }
0x117: {  	[tilespmem:$0x1FF50] =	vst v47  }
0x118: {  	[tilespmem:$0x1FF60] =	vst v58  }
0x119: {  	[tilespmem:$0x1FF70] =	vst v59  }
0x11a: {  	[tilespmem:$0x1FF80] =	vst v57  }
0x11b: {  	[tilespmem:$0x1FF90] =	vst v56  }
0x11c: {  	s3 =	srdreg.scid;
	s8 =	simm.s32 $0x7A1400;
	s9 =	simm.s32 $0x1;
	[tilespmem:$0x1FFA0] =	vst v39  }
.Ltmp0:
0x11d: {  	s10 =	simm.s32 $0xD000;
	s5 =	sand.u32 $0x1, s3;
	[tilespmem:$0x1FFB0] =	vst v36;
	(pc) =	sbr.rel .LBB2_1-.Ltmp0, $4  }
0x11e: {  	s11 =	simm.s32 $0x2;
	s12 =	simm.s32 $0x0;
	s6 =	ssub.s32 $0x2, s5;
	[tilespmem:$0x1FFC0] =	vst v41  }
0x11f: {  	s3 =	stileid.u32;
	s5 =	sshll.u32 s5, $0x4;
	s7 =	sshrl.u32 s6, $0x1;
	v34 =	vadd.s32 $0x9, v54;
	[tilespmem:$0x1FFD0] =	vst v40  }
0x120: {  	s4 =	sadd.s32 $0xE00, s4;
	s5 =	sor.u32 s3, s5;
	s6 =	ssub.s32 s6, s7;
	[tilespmem:$0x1FFE0] =	vst v34  }
0x121: {  	s5 =	smul.u32 $0x13, s5;
	s7 =	simm.s32 $0x3400;
	s6 =	smax.u32 s6, $0x1;
	[tilespmem:$0x1FFF0] =	vst v49  }
.LBB2_7:
0x122: {  	s12 =	sadd.s32 $0x1, s12  }
0x123: {  	p0 =	sne.s32 s12, s6  }
.Ltmp1:
0x124: {  	_ = 	snop;
	(pc) =	sbr.rel @!p0 .LBB2_8-.Ltmp1, $4  }
0x125: {  	_ = 	snop  }
0x126: {  	_ =	swait.ge [sflag:s11], $0xD000  }
0x127: {  	[sflag:s11] =	ssyncset.done $0x0  }
0x128: {  	[sflag:s11] =	ssyncadd.s32 $0xFFFF3000  }
.LBB2_1:
.Ltmp2:
0x129: {  	(pc) =	sbr.rel .LBB2_2-.Ltmp2, $2  }
0x12a: {  	_ =	sdelay $0x2  }
0x12b: {  	s13 =	simm.s32 $0x0  }
.LBB2_6:
0x12c: {  	s13 =	sadd.s32 $0x1, s13  }
0x12d: {  	p0 =	sne.s32 s13, $0x13  }
.Ltmp3:
0x12e: {  	_ = 	snop;
	(pc) =	sbr.rel @!p0 .LBB2_7-.Ltmp3, $1  }
0x12f: {  	_ =	sdelay $0x3  }
.LBB2_2:
0x130: {  	s14 =	sadd.s32 s5, s13  }
0x131: {  	p0 =	sgt.u32 s14, $0x258  }
.Ltmp4:
0x132: {  	_ = 	snop;
	(pc) =	sbr.rel @p0 .LBB2_6-.Ltmp4, $1  }
0x133: {  	_ =	sdelay $0x3  }
0x134: {  	s15 =	smul.u32 $0x680, s14;
	s25 =	simm.s32 $0x30;
	s16 =	simm.s32 $0x0;
	v61 =	vmov v1;
	v22 =	vmov v2;
	v51 =	vlaneseq.u32  }
0x135: {  	s17 =	simm.s32 $0x20;
	v21 =	vmovc v3;
	v20 =	vmovc v4;
	v1 =	vmov s25;
	v2 =	vor.u32 s25, v51;
	v3 =	vmov s16  }
0x136: {  	p0 =	seq.s32 s13, $0x0;
	v24 =	vmovc v5;
	v48 =	vmovc v6;
	v4 =	vmov s17;
	v5 =	vor.u32 s16, v51;
	v6 =	vor.u32 s17, v51;
	s15 =	sadd.s32 s0, s15  }
0x137: {  	v4 =	vshll.u32 v4, $0x3;
	v3 =	vshll.u32 v3, $0x3;
	v6 =	vand.u32 $0x6F, v6;
	[tilespmem:s2], [sflag:$0x1] =	stream.strided.gather [hbm4b:s15+s7], $0xD000, s8, s7, $0x38;
	[tilespmem:$0x1A000] =	vst v63  }
0x138: {  	v7 =	vand.u32 $0x4F, v5;
	v1 =	vshll.u32 v1, $0x3;
	s15 =	simm.s32 @!p0 $0x2;
	v4 =	vand.u32 $0x3C00, v4  }
0x139: {  	v2 =	vand.u32 $0x7F, v2;
	v3 =	vand.u32 $0x3C00, v3;
	_ =	swait.ge @!p0 [sflag:s15], $0xD000;
	v5 =	vor.u32 v6, v4  }
0x13a: {  	v1 =	vand.u32 $0x3C00, v1;
	v0 =	vor.u32 v7, v3;
	[sflag:s15] =	ssyncset.done @!p0 $0x0;
	v3 =	vadd.s32 v29, v5  }
0x13b: {  	v23 =	vor.u32 v2, v1;
	v4 =	vadd.s32 v29, v0;
	[sflag:s15] =	ssyncadd.s32 @!p0 $0xFFFF3000  }
0x13c: {  	v1 =	vadd.s32 v29, v23;
	_ =	swait.ge [sflag:s9], $0xD000  }
0x13d: {  	[sflag:s9] =	ssyncset.done $0x0  }
0x13e: {  	s22 =	simm.s32 $0x400;
	s26 =	simm.s32 $0x10;
	[sflag:s9] =	ssyncadd.s32 $0xFFFF3000  }
0x13f: {  	s19 =	simm.s32 $0x0;
	v50 =	vmovc v42;
	v42 =	vmovc v17;
	v17 =	vmov v10;
	v10 =	vor.u32 s26, v51;
	v2 =	vld.idx.msk [tilespmem:v3+s2+$0x0], $0xffff;
	v3 =	vor.u32 s22, v54  }
0x140: {  	s20 =	simm.s32 $0x600;
	v28 =	vmovc v8;
	v6 =	vor.u32 s19, v54;
	v7 =	vadd.s32 v8, v5;
	v8 =	vmov s26;
	v4 =	vld.idx.msk [tilespmem:v4+s2+$0x0], $0xffff  }
0x141: {  	v59 =	vmovc v9;
	v55 =	vmovc v11;
	v11 =	vor.u32 s20, v54;
	v9 =	vadd.s32 v28, v0;
	v8 =	vshll.u32 v8, $0x3;
	v1 =	vld.idx.msk [tilespmem:v1+s2+$0x0], $0xffff  }
0x142: {  	v10 =	vand.u32 $0x5F, v10;
	v12 =	vadd.s32 v28, v23;
	v8 =	vand.u32 $0x3C00, v8  }
0x143: {  	v60 =	vmov v15;
	v15 =	vor.u32 v10, v8  }
0x144: {  	[tilespmem:v3+s10+$0x0] =	vst.idx.msk $0xffff, v2;
	v2 =	vadd.s32 v29, v15  }
0x145: {  	[tilespmem:v6+s10+$0x0] =	vst.idx.msk $0xffff, v4;
	v4 =	vor.u32 s22, v25;
	v3 =	vld.idx.msk [tilespmem:v7+s2+$0x0], $0xffff  }
0x146: {  	v8 =	vadd.s32 v16, v5;
	v6 =	vor.u32 s19, v25;
	[tilespmem:v11+s10+$0x0] =	vst.idx.msk $0xffff, v1;
	v7 =	vld.idx.msk [tilespmem:v9+s2+$0x0], $0xffff  }
0x147: {  	v10 =	vor.u32 s20, v25;
	v1 =	vadd.s32 v16, v0;
	v9 =	vld.idx.msk [tilespmem:v12+s2+$0x0], $0xffff  }
0x148: {  	s21 =	simm.s32 $0x200;
	v11 =	vadd.s32 v16, v23  }
0x149: {  	v12 =	vor.u32 s21, v54;
	v2 =	vld.idx.msk [tilespmem:v2+s2+$0x0], $0xffff  }
0x14a: {  	[tilespmem:v4+s10+$0x0] =	vst.idx.msk $0xffff, v3;
	v3 =	vadd.s32 v28, v15  }
0x14b: {  	[tilespmem:v6+s10+$0x0] =	vst.idx.msk $0xffff, v7;
	v6 =	vor.u32 s22, v26;
	v4 =	vld.idx.msk [tilespmem:v8+s2+$0x0], $0xffff  }
0x14c: {  	v7 =	vor.u32 s19, v26;
	[tilespmem:v10+s10+$0x0] =	vst.idx.msk $0xffff, v9;
	v1 =	vld.idx.msk [tilespmem:v1+s2+$0x0], $0xffff;
	v8 =	vadd.s32 v55, v5  }
0x14d: {  	v9 =	vadd.s32 v55, v0;
	v10 =	vld.idx.msk [tilespmem:v11+s2+$0x0], $0xffff;
	v11 =	vor.u32 s20, v26  }
0x14e: {  	[tilespmem:v12+s10+$0x0] =	vst.idx.msk $0xffff, v2;
	v2 =	vadd.s32 v55, v23  }
0x14f: {  	v12 =	vor.u32 s21, v25;
	v3 =	vld.idx.msk [tilespmem:v3+s2+$0x0], $0xffff  }
0x150: {  	[tilespmem:v6+s10+$0x0] =	vst.idx.msk $0xffff, v4;
	v4 =	vadd.s32 v16, v15  }
0x151: {  	[tilespmem:v7+s10+$0x0] =	vst.idx.msk $0xffff, v1;
	v6 =	vor.u32 s22, v27;
	v1 =	vld.idx.msk [tilespmem:v8+s2+$0x0], $0xffff  }
0x152: {  	[tilespmem:v11+s10+$0x0] =	vst.idx.msk $0xffff, v10;
	v7 =	vld.idx.msk [tilespmem:v9+s2+$0x0], $0xffff;
	v8 =	vor.u32 s19, v27;
	v9 =	vadd.s32 v63, v5  }
0x153: {  	v10 =	vadd.s32 v63, v0;
	v11 =	vor.u32 s20, v27;
	v2 =	vld.idx.msk [tilespmem:v2+s2+$0x0], $0xffff  }
0x154: {  	[tilespmem:v12+s10+$0x0] =	vst.idx.msk $0xffff, v3;
	v3 =	vadd.s32 v63, v23  }
0x155: {  	v12 =	vor.u32 s21, v26;
	v4 =	vld.idx.msk [tilespmem:v4+s2+$0x0], $0xffff  }
0x156: {  	[tilespmem:v6+s10+$0x0] =	vst.idx.msk $0xffff, v1;
	v1 =	vadd.s32 v55, v15  }
0x157: {  	[tilespmem:v8+s10+$0x0] =	vst.idx.msk $0xffff, v7;
	v7 =	vor.u32 s22, v31;
	v6 =	vld.idx.msk [tilespmem:v9+s2+$0x0], $0xffff  }
0x158: {  	v8 =	vld.idx.msk [tilespmem:v10+s2+$0x0], $0xffff;
	v9 =	vor.u32 s19, v31;
	v10 =	vadd.s32 v35, v5;
	[tilespmem:v11+s10+$0x0] =	vst.idx.msk $0xffff, v2  }
0x159: {  	v2 =	vadd.s32 v35, v0;
	v11 =	vor.u32 s20, v31;
	v3 =	vld.idx.msk [tilespmem:v3+s2+$0x0], $0xffff  }
0x15a: {  	[tilespmem:v12+s10+$0x0] =	vst.idx.msk $0xffff, v4;
	v4 =	vadd.s32 v35, v23  }
0x15b: {  	v12 =	vor.u32 s21, v27;
	v1 =	vld.idx.msk [tilespmem:v1+s2+$0x0], $0xffff  }
0x15c: {  	[tilespmem:v7+s10+$0x0] =	vst.idx.msk $0xffff, v6;
	v6 =	vadd.s32 v63, v15  }
0x15d: {  	[tilespmem:v9+s10+$0x0] =	vst.idx.msk $0xffff, v8;
	v8 =	vor.u32 s22, v32;
	v7 =	vld.idx.msk [tilespmem:v10+s2+$0x0], $0xffff  }
0x15e: {  	v9 =	vor.u32 s19, v32;
	v2 =	vld.idx.msk [tilespmem:v2+s2+$0x0], $0xffff;
	v10 =	vadd.s32 v36, v5;
	[tilespmem:v11+s10+$0x0] =	vst.idx.msk $0xffff, v3  }
0x15f: {  	v3 =	vadd.s32 v36, v0;
	v11 =	vor.u32 s20, v32;
	v4 =	vld.idx.msk [tilespmem:v4+s2+$0x0], $0xffff  }
0x160: {  	[tilespmem:v12+s10+$0x0] =	vst.idx.msk $0xffff, v1;
	v1 =	vadd.s32 v36, v23  }
0x161: {  	v12 =	vor.u32 s21, v31;
	v6 =	vld.idx.msk [tilespmem:v6+s2+$0x0], $0xffff  }
0x162: {  	[tilespmem:v8+s10+$0x0] =	vst.idx.msk $0xffff, v7;
	v7 =	vadd.s32 v35, v15  }
0x163: {  	[tilespmem:v9+s10+$0x0] =	vst.idx.msk $0xffff, v2;
	v8 =	vor.u32 s22, v62;
	v2 =	vld.idx.msk [tilespmem:v10+s2+$0x0], $0xffff  }
0x164: {  	v9 =	vor.u32 s19, v62;
	v3 =	vld.idx.msk [tilespmem:v3+s2+$0x0], $0xffff;
	v10 =	vadd.s32 v37, v5;
	[tilespmem:v11+s10+$0x0] =	vst.idx.msk $0xffff, v4  }
0x165: {  	v4 =	vadd.s32 v37, v0;
	v11 =	vor.u32 s20, v62;
	v1 =	vld.idx.msk [tilespmem:v1+s2+$0x0], $0xffff  }
0x166: {  	[tilespmem:v12+s10+$0x0] =	vst.idx.msk $0xffff, v6;
	v6 =	vadd.s32 v37, v23  }
0x167: {  	v12 =	vor.u32 s21, v32;
	v7 =	vld.idx.msk [tilespmem:v7+s2+$0x0], $0xffff  }
0x168: {  	[tilespmem:v8+s10+$0x0] =	vst.idx.msk $0xffff, v2;
	v2 =	vadd.s32 v36, v15  }
0x169: {  	[tilespmem:v9+s10+$0x0] =	vst.idx.msk $0xffff, v3;
	v8 =	vor.u32 s22, v52;
	v3 =	vld.idx.msk [tilespmem:v10+s2+$0x0], $0xffff  }
0x16a: {  	v9 =	vor.u32 s19, v52;
	v4 =	vld.idx.msk [tilespmem:v4+s2+$0x0], $0xffff;
	v10 =	vadd.s32 v48, v5;
	[tilespmem:v11+s10+$0x0] =	vst.idx.msk $0xffff, v1  }
0x16b: {  	v1 =	vadd.s32 v48, v0;
	v11 =	vor.u32 s20, v52;
	v6 =	vld.idx.msk [tilespmem:v6+s2+$0x0], $0xffff  }
0x16c: {  	[tilespmem:v12+s10+$0x0] =	vst.idx.msk $0xffff, v7;
	v7 =	vadd.s32 v48, v23  }
0x16d: {  	v12 =	vor.u32 s21, v62;
	v2 =	vld.idx.msk [tilespmem:v2+s2+$0x0], $0xffff  }
0x16e: {  	[tilespmem:v8+s10+$0x0] =	vst.idx.msk $0xffff, v3;
	v3 =	vadd.s32 v37, v15  }
0x16f: {  	[tilespmem:v9+s10+$0x0] =	vst.idx.msk $0xffff, v4;
	v8 =	vor.u32 s22, v38;
	v4 =	vld.idx.msk [tilespmem:v10+s2+$0x0], $0xffff  }
0x170: {  	v9 =	vor.u32 s19, v38;
	v1 =	vld.idx.msk [tilespmem:v1+s2+$0x0], $0xffff;
	v10 =	vadd.s32 v49, v5;
	[tilespmem:v11+s10+$0x0] =	vst.idx.msk $0xffff, v6  }
0x171: {  	v6 =	vadd.s32 v49, v0;
	v11 =	vor.u32 s20, v38;
	v7 =	vld.idx.msk [tilespmem:v7+s2+$0x0], $0xffff  }
0x172: {  	[tilespmem:v12+s10+$0x0] =	vst.idx.msk $0xffff, v2;
	v2 =	vadd.s32 v49, v23  }
0x173: {  	v12 =	vor.u32 s21, v52;
	v3 =	vld.idx.msk [tilespmem:v3+s2+$0x0], $0xffff  }
0x174: {  	[tilespmem:v8+s10+$0x0] =	vst.idx.msk $0xffff, v4;
	v4 =	vadd.s32 v48, v15  }
0x175: {  	[tilespmem:v9+s10+$0x0] =	vst.idx.msk $0xffff, v1;
	v8 =	vor.u32 s22, v34;
	v1 =	vld.idx.msk [tilespmem:v10+s2+$0x0], $0xffff  }
0x176: {  	v9 =	vor.u32 s19, v34;
	v6 =	vld.idx.msk [tilespmem:v6+s2+$0x0], $0xffff;
	v10 =	vadd.s32 v40, v5;
	[tilespmem:v11+s10+$0x0] =	vst.idx.msk $0xffff, v7  }
0x177: {  	v7 =	vadd.s32 v40, v0;
	v11 =	vor.u32 s20, v34;
	v2 =	vld.idx.msk [tilespmem:v2+s2+$0x0], $0xffff  }
0x178: {  	[tilespmem:v12+s10+$0x0] =	vst.idx.msk $0xffff, v3;
	v3 =	vadd.s32 v40, v23  }
0x179: {  	v12 =	vor.u32 s21, v38;
	v4 =	vld.idx.msk [tilespmem:v4+s2+$0x0], $0xffff  }
0x17a: {  	[tilespmem:v8+s10+$0x0] =	vst.idx.msk $0xffff, v1;
	v1 =	vadd.s32 v49, v15  }
0x17b: {  	[tilespmem:v9+s10+$0x0] =	vst.idx.msk $0xffff, v6;
	v8 =	vor.u32 s22, v13;
	v6 =	vld.idx.msk [tilespmem:v10+s2+$0x0], $0xffff  }
0x17c: {  	v9 =	vor.u32 s19, v13;
	v7 =	vld.idx.msk [tilespmem:v7+s2+$0x0], $0xffff;
	v10 =	vadd.s32 v41, v5;
	[tilespmem:v11+s10+$0x0] =	vst.idx.msk $0xffff, v2  }
0x17d: {  	v2 =	vadd.s32 v41, v0;
	v11 =	vor.u32 s20, v13;
	v3 =	vld.idx.msk [tilespmem:v3+s2+$0x0], $0xffff  }
0x17e: {  	[tilespmem:v12+s10+$0x0] =	vst.idx.msk $0xffff, v4;
	v4 =	vadd.s32 v41, v23  }
0x17f: {  	v12 =	vor.u32 s21, v34;
	v1 =	vld.idx.msk [tilespmem:v1+s2+$0x0], $0xffff  }
0x180: {  	[tilespmem:v8+s10+$0x0] =	vst.idx.msk $0xffff, v6;
	v6 =	vadd.s32 v40, v15  }
0x181: {  	[tilespmem:v9+s10+$0x0] =	vst.idx.msk $0xffff, v7;
	v8 =	vor.u32 s22, v14;
	v7 =	vld.idx.msk [tilespmem:v10+s2+$0x0], $0xffff  }
0x182: {  	v9 =	vor.u32 s19, v14;
	v2 =	vld.idx.msk [tilespmem:v2+s2+$0x0], $0xffff;
	v10 =	vadd.s32 v17, v5;
	[tilespmem:v11+s10+$0x0] =	vst.idx.msk $0xffff, v3  }
0x183: {  	v3 =	vadd.s32 v17, v0;
	v11 =	vor.u32 s20, v14;
	v4 =	vld.idx.msk [tilespmem:v4+s2+$0x0], $0xffff  }
0x184: {  	[tilespmem:v12+s10+$0x0] =	vst.idx.msk $0xffff, v1;
	v1 =	vadd.s32 v17, v23  }
0x185: {  	v12 =	vor.u32 s21, v13;
	v6 =	vld.idx.msk [tilespmem:v6+s2+$0x0], $0xffff  }
0x186: {  	[tilespmem:v8+s10+$0x0] =	vst.idx.msk $0xffff, v7;
	v7 =	vadd.s32 v41, v15  }
0x187: {  	[tilespmem:v9+s10+$0x0] =	vst.idx.msk $0xffff, v2;
	v8 =	vor.u32 s22, v44;
	v2 =	vld.idx.msk [tilespmem:v10+s2+$0x0], $0xffff  }
0x188: {  	v9 =	vor.u32 s19, v44;
	v3 =	vld.idx.msk [tilespmem:v3+s2+$0x0], $0xffff;
	v10 =	vadd.s32 v39, v5;
	[tilespmem:v11+s10+$0x0] =	vst.idx.msk $0xffff, v4  }
0x189: {  	v4 =	vadd.s32 v39, v0;
	v11 =	vor.u32 s20, v44;
	v1 =	vld.idx.msk [tilespmem:v1+s2+$0x0], $0xffff  }
0x18a: {  	[tilespmem:v12+s10+$0x0] =	vst.idx.msk $0xffff, v6;
	v6 =	vadd.s32 v39, v23  }
0x18b: {  	v12 =	vor.u32 s21, v14;
	v7 =	vld.idx.msk [tilespmem:v7+s2+$0x0], $0xffff  }
0x18c: {  	[tilespmem:v8+s10+$0x0] =	vst.idx.msk $0xffff, v2;
	v2 =	vadd.s32 v17, v15  }
0x18d: {  	[tilespmem:v9+s10+$0x0] =	vst.idx.msk $0xffff, v3;
	v8 =	vor.u32 s22, v61;
	v3 =	vld.idx.msk [tilespmem:v10+s2+$0x0], $0xffff  }
0x18e: {  	v9 =	vor.u32 s19, v61;
	v4 =	vld.idx.msk [tilespmem:v4+s2+$0x0], $0xffff;
	v10 =	vadd.s32 v33, v5;
	[tilespmem:v11+s10+$0x0] =	vst.idx.msk $0xffff, v1  }
0x18f: {  	v1 =	vadd.s32 v33, v0;
	v11 =	vor.u32 s20, v61;
	v6 =	vld.idx.msk [tilespmem:v6+s2+$0x0], $0xffff  }
0x190: {  	[tilespmem:v12+s10+$0x0] =	vst.idx.msk $0xffff, v7;
	v7 =	vadd.s32 v33, v23  }
0x191: {  	v12 =	vor.u32 s21, v44;
	v2 =	vld.idx.msk [tilespmem:v2+s2+$0x0], $0xffff  }
0x192: {  	[tilespmem:v8+s10+$0x0] =	vst.idx.msk $0xffff, v3;
	v3 =	vadd.s32 v39, v15  }
0x193: {  	[tilespmem:v9+s10+$0x0] =	vst.idx.msk $0xffff, v4;
	v8 =	vor.u32 s22, v22;
	v4 =	vld.idx.msk [tilespmem:v10+s2+$0x0], $0xffff  }
0x194: {  	v9 =	vor.u32 s19, v22;
	v1 =	vld.idx.msk [tilespmem:v1+s2+$0x0], $0xffff;
	v10 =	vadd.s32 v24, v5;
	[tilespmem:v11+s10+$0x0] =	vst.idx.msk $0xffff, v6  }
0x195: {  	v6 =	vadd.s32 v24, v0;
	v11 =	vor.u32 s20, v22;
	v7 =	vld.idx.msk [tilespmem:v7+s2+$0x0], $0xffff  }
0x196: {  	[tilespmem:v12+s10+$0x0] =	vst.idx.msk $0xffff, v2;
	v2 =	vadd.s32 v24, v23  }
0x197: {  	v12 =	vor.u32 s21, v61;
	v3 =	vld.idx.msk [tilespmem:v3+s2+$0x0], $0xffff  }
0x198: {  	[tilespmem:v8+s10+$0x0] =	vst.idx.msk $0xffff, v4  }
0x199: {  	v4 =	vadd.s32 v33, v15;
	[tilespmem:v9+s10+$0x0] =	vst.idx.msk $0xffff, v1;
	v8 =	vor.u32 s22, v21;
	v1 =	vld.idx.msk [tilespmem:v10+s2+$0x0], $0xffff  }
0x19a: {  	v9 =	vor.u32 s19, v21;
	v6 =	vld.idx.msk [tilespmem:v6+s2+$0x0], $0xffff;
	v10 =	vadd.s32 v46, v5;
	[tilespmem:v11+s10+$0x0] =	vst.idx.msk $0xffff, v7  }
0x19b: {  	v7 =	vadd.s32 v46, v0;
	v11 =	vor.u32 s20, v21;
	v2 =	vld.idx.msk [tilespmem:v2+s2+$0x0], $0xffff  }
0x19c: {  	[tilespmem:v12+s10+$0x0] =	vst.idx.msk $0xffff, v3;
	v3 =	vadd.s32 v46, v23;
	_ =	sdelay $0x1  }
0x19d: {  	v12 =	vor.u32 s21, v22;
	v4 =	vld.idx.msk [tilespmem:v4+s2+$0x0], $0xffff;
	[tilespmem:v8+s10+$0x0] =	vst.idx.msk $0xffff, v1  }
0x19e: {  	v1 =	vadd.s32 v24, v15;
	[tilespmem:v9+s10+$0x0] =	vst.idx.msk $0xffff, v6;
	v8 =	vor.u32 s22, v20;
	v6 =	vld.idx.msk [tilespmem:v10+s2+$0x0], $0xffff  }
0x19f: {  	v9 =	vor.u32 s19, v20;
	v7 =	vld.idx.msk [tilespmem:v7+s2+$0x0], $0xffff;
	v10 =	vadd.s32 v45, v5;
	[tilespmem:v11+s10+$0x0] =	vst.idx.msk $0xffff, v2  }
0x1a0: {  	v2 =	vadd.s32 v45, v0;
	v11 =	vor.u32 s20, v20;
	v3 =	vld.idx.msk [tilespmem:v3+s2+$0x0], $0xffff;
	_ =	sdelay $0x1  }
0x1a1: {  	[tilespmem:v12+s10+$0x0] =	vst.idx.msk $0xffff, v4  }
0x1a2: {  	v4 =	vadd.s32 v45, v23;
	v1 =	vld.idx.msk [tilespmem:v1+s2+$0x0], $0xffff;
	[tilespmem:v8+s10+$0x0] =	vst.idx.msk $0xffff, v6  }
0x1a3: {  	[tilespmem:v9+s10+$0x0] =	vst.idx.msk $0xffff, v7;
	v7 =	vld.idx.msk [tilespmem:v10+s2+$0x0], $0xffff  }
0x1a4: {  	v2 =	vld.idx.msk [tilespmem:v2+s2+$0x0], $0xffff;
	[tilespmem:v11+s10+$0x0] =	vst.idx.msk $0xffff, v3  }
0x1a5: {  	v27 =	vld [tilespmem:$0x1FC20]  }
0x1a6: {  	v33 =	vmov v13;
	v13 =	vadd.s32 v45, v15;
	v45 =	vld [tilespmem:$0x1FC30]  }
0x1a7: {  	v4 =	vld.idx.msk [tilespmem:v4+s2+$0x0], $0xffff  }
0x1a8: {  	v56 =	vmov v35;
	v12 =	vor.u32 s21, v21;
	v35 =	vld [tilespmem:$0x1FD30]  }
0x1a9: {  	v49 =	vld [tilespmem:$0x1FD40]  }
0x1aa: {  	v57 =	vmovc v37;
	v58 =	vmov v18;
	v53 =	vmov v16;
	v40 =	vmov v54;
	v54 =	vld [tilespmem:$0x1FD70]  }
0x1ab: {  	v47 =	vmovc v22;
	v18 =	vor.u32 s20, v43;
	v37 =	vmovc v26;
	v26 =	vadd.s32 v19, v23;
	v9 =	vor.u32 s22, v43;
	v39 =	vld [tilespmem:$0x1FD50]  }
0x1ac: {  	s28 =	simm.s32 $0x70;
	v36 =	vmovc v14;
	v14 =	vadd.s32 v46, v15;
	v17 =	vor.u32 s21, v43;
	v24 =	vmovc v15;
	v15 =	vor.u32 s19, v43;
	v34 =	vld [tilespmem:$0x1FD90]  }
0x1ad: {  	s29 =	simm.s32 $0x40;
	v62 =	vmovc v52;
	v48 =	vmovc v21;
	v22 =	vmov s28;
	v20 =	vor.u32 s21, v20;
	v8 =	vadd.s32 v19, v0;
	v38 =	vld [tilespmem:$0x1FDA0];
	[tilespmem:v12+s10+$0x0] =	vst.idx.msk $0xffff, v1  }
0x1ae: {  	v46 =	vmovc v50;
	v21 =	vmovc v30;
	v10 =	vadd.s32 v19, v5;
	v1 =	vmov s29;
	v50 =	vld [tilespmem:$0x1FDC0];
	v3 =	vadd.s32 v27, v5  }
0x1af: {  	v52 =	vmovc v32;
	v41 =	vmovc v21;
	v12 =	vor.u32 s28, v51;
	v32 =	vld [tilespmem:$0x1FDB0];
	v1 =	vshll.u32 v1, $0x3;
	v16 =	vadd.s32 v27, v0  }
0x1b0: {  	s30 =	simm.s32 $0x60;
	v43 =	vmovc v31;
	v31 =	vld [tilespmem:$0x1FC40];
	[tilespmem:v9+s10+$0x0] =	vst.idx.msk $0xffff, v7;
	v7 =	vor.u32 s29, v51;
	v9 =	vshll.u32 v22, $0x3;
	v21 =	vadd.s32 v27, v23  }
0x1b1: {  	v14 =	vld.idx.msk [tilespmem:v14+s2+$0x0], $0xffff;
	v22 =	vmov s30;
	[tilespmem:v15+s10+$0x0] =	vst.idx.msk $0xffff, v2;
	v1 =	vand.u32 $0x3C00, v1;
	v2 =	vand.u32 $0x4F, v7  }
0x1b2: {  	s31 =	simm.s32 $0x50;
	v30 =	vmovc v25;
	v25 =	vmovc v19;
	v15 =	vshll.u32 v22, $0x3;
	v11 =	vor.u32 s20, v45;
	v19 =	vor.u32 s19, v45  }
0x1b3: {  	v9 =	vand.u32 $0x3C00, v9;
	v6 =	vor.u32 s22, v45;
	[tilespmem:v18+s10+$0x0] =	vst.idx.msk $0xffff, v4;
	v4 =	vmov s31;
	v7 =	vld.idx.msk [tilespmem:v3+s2+$0x0], $0xffff  }
0x1b4: {  	v15 =	vand.u32 $0x3C00, v15;
	v1 =	vor.u32 v2, v1;
	v3 =	vor.u32 s30, v51;
	v16 =	vld.idx.msk [tilespmem:v16+s2+$0x0], $0xffff  }
0x1b5: {  	v2 =	vand.u32 $0x7F, v12;
	v4 =	vshll.u32 v4, $0x3;
	v18 =	vld.idx.msk [tilespmem:v21+s2+$0x0], $0xffff;
	v3 =	vand.u32 $0x6F, v3  }
0x1b6: {  	v2 =	vor.u32 v2, v9;
	[tilespmem:v20+s10+$0x0] =	vst.idx.msk $0xffff, v14;
	v3 =	vor.u32 v3, v15;
	v15 =	vor.u32 s31, v51  }
0x1b7: {  	v4 =	vand.u32 $0x3C00, v4;
	v12 =	vld.idx.msk [tilespmem:v13+s2+$0x0], $0xffff;
	v13 =	vadd.s32 v29, v1;
	v15 =	vand.u32 $0x5F, v15  }
0x1b8: {  	v14 =	vadd.s32 v29, v3;
	v4 =	vor.u32 v15, v4;
	[tilespmem:v6+s10+$0x0] =	vst.idx.msk $0xffff, v7  }
0x1b9: {  	v7 =	vadd.s32 v29, v2;
	[tilespmem:v19+s10+$0x0] =	vst.idx.msk $0xffff, v16;
	v9 =	vld.idx.msk [tilespmem:v10+s2+$0x0], $0xffff;
	v10 =	vor.u32 s22, v59  }
0x1ba: {  	v16 =	vadd.s32 v27, v24;
	[tilespmem:v11+s10+$0x0] =	vst.idx.msk $0xffff, v18;
	v11 =	vor.u32 s19, v59;
	v6 =	vld.idx.msk [tilespmem:v8+s2+$0x0], $0xffff  }
0x1bb: {  	s15 =	simm.s32 $0x800;
	v19 =	vor.u32 s20, v59;
	v15 =	vadd.s32 v29, v4;
	v8 =	vld.idx.msk [tilespmem:v26+s2+$0x0], $0xffff  }
0x1bc: {  	s16 =	simm.s32 $0xC00;
	v21 =	vor.u32 s15, v40;
	[tilespmem:v17+s10+$0x0] =	vst.idx.msk $0xffff, v12;
	v12 =	vld.idx.msk [tilespmem:v13+s2+$0x0], $0xffff;
	v18 =	vadd.s32 v58, v5  }
0x1bd: {  	s18 =	simm.s32 $0xE00;
	v20 =	vor.u32 s16, v40;
	v13 =	vadd.s32 v58, v23;
	v14 =	vld.idx.msk [tilespmem:v14+s2+$0x0], $0xffff  }
0x1be: {  	v7 =	vld.idx.msk [tilespmem:v7+s2+$0x0], $0xffff;
	[tilespmem:v10+s10+$0x0] =	vst.idx.msk $0xffff, v9;
	v9 =	vor.u32 s18, v40  }
0x1bf: {  	s17 =	simm.s32 $0xA00;
	v16 =	vld.idx.msk [tilespmem:v16+s2+$0x0], $0xffff;
	[tilespmem:v11+s10+$0x0] =	vst.idx.msk $0xffff, v6;
	v6 =	vor.u32 s21, v45  }
0x1c0: {  	v15 =	vld.idx.msk [tilespmem:v15+s2+$0x0], $0xffff;
	[tilespmem:v19+s10+$0x0] =	vst.idx.msk $0xffff, v8;
	v19 =	vor.u32 s17, v40  }
0x1c1: {  	v17 =	vadd.s32 v28, v3;
	[tilespmem:v21+s10+$0x0] =	vst.idx.msk $0xffff, v12;
	v8 =	vor.u32 s22, v60;
	v18 =	vld.idx.msk [tilespmem:v18+s2+$0x0], $0xffff  }
0x1c2: {  	v12 =	vor.u32 s20, v60;
	v10 =	vadd.s32 v28, v1;
	v13 =	vld.idx.msk [tilespmem:v13+s2+$0x0], $0xffff;
	[tilespmem:v20+s10+$0x0] =	vst.idx.msk $0xffff, v14  }
0x1c3: {  	[tilespmem:v9+s10+$0x0] =	vst.idx.msk $0xffff, v7  }
0x1c4: {  	v11 =	vadd.s32 v28, v2;
	[tilespmem:v6+s10+$0x0] =	vst.idx.msk $0xffff, v16  }
0x1c5: {  	v21 =	vadd.s32 v28, v4;
	[tilespmem:v19+s10+$0x0] =	vst.idx.msk $0xffff, v15  }
0x1c6: {  	v14 =	vadd.s32 v58, v0;
	v17 =	vld.idx.msk [tilespmem:v17+s2+$0x0], $0xffff;
	[tilespmem:v8+s10+$0x0] =	vst.idx.msk $0xffff, v18  }
0x1c7: {  	v20 =	vadd.s32 v42, v5;
	v10 =	vld.idx.msk [tilespmem:v10+s2+$0x0], $0xffff;
	[tilespmem:v12+s10+$0x0] =	vst.idx.msk $0xffff, v13  }
0x1c8: {  	v7 =	vor.u32 s16, v30;
	v6 =	vadd.s32 v42, v23;
	v26 =	vld [tilespmem:$0x1FCA0]  }
0x1c9: {  	v9 =	vor.u32 s15, v30;
	v11 =	vld.idx.msk [tilespmem:v11+s2+$0x0], $0xffff  }
0x1ca: {  	v8 =	vor.u32 s18, v30;
	v21 =	vld.idx.msk [tilespmem:v21+s2+$0x0], $0xffff  }
0x1cb: {  	v13 =	vor.u32 s17, v30;
	v14 =	vld.idx.msk [tilespmem:v14+s2+$0x0], $0xffff  }
0x1cc: {  	v16 =	vadd.s32 v53, v3;
	v15 =	vor.u32 s19, v60;
	v20 =	vld.idx.msk [tilespmem:v20+s2+$0x0], $0xffff  }
0x1cd: {  	v18 =	vadd.s32 v53, v1;
	[tilespmem:v7+s10+$0x0] =	vst.idx.msk $0xffff, v17;
	v6 =	vld.idx.msk [tilespmem:v6+s2+$0x0], $0xffff;
	v12 =	vor.u32 s22, v26  }
0x1ce: {  	v19 =	vadd.s32 v53, v2;
	v7 =	vadd.s32 v25, v24;
	v25 =	vld [tilespmem:$0x1FF90];
	[tilespmem:v9+s10+$0x0] =	vst.idx.msk $0xffff, v10;
	v9 =	vor.u32 s20, v26  }
0x1cf: {  	[tilespmem:v8+s10+$0x0] =	vst.idx.msk $0xffff, v11  }
0x1d0: {  	[tilespmem:v13+s10+$0x0] =	vst.idx.msk $0xffff, v21  }
0x1d1: {  	v10 =	vadd.s32 v53, v4;
	v16 =	vld.idx.msk [tilespmem:v16+s2+$0x0], $0xffff;
	v8 =	vor.u32 s16, v37;
	[tilespmem:v15+s10+$0x0] =	vst.idx.msk $0xffff, v14  }
0x1d2: {  	v18 =	vld.idx.msk [tilespmem:v18+s2+$0x0], $0xffff;
	[tilespmem:v12+s10+$0x0] =	vst.idx.msk $0xffff, v20  }
0x1d3: {  	v11 =	vor.u32 s15, v37;
	v19 =	vld.idx.msk [tilespmem:v19+s2+$0x0], $0xffff;
	v17 =	vadd.s32 v25, v5;
	[tilespmem:v9+s10+$0x0] =	vst.idx.msk $0xffff, v6  }
0x1d4: {  	v14 =	vadd.s32 v25, v23;
	v12 =	vor.u32 s18, v37;
	v30 =	vld [tilespmem:$0x1FF80]  }
0x1d5: {  	v7 =	vld.idx.msk [tilespmem:v7+s2+$0x0], $0xffff  }
0x1d6: {  	v10 =	vld.idx.msk [tilespmem:v10+s2+$0x0], $0xffff;
	[tilespmem:v8+s10+$0x0] =	vst.idx.msk $0xffff, v16  }
0x1d7: {  	v13 =	vor.u32 s21, v59;
	v28 =	vld [tilespmem:$0x1FF50]  }
0x1d8: {  	v9 =	vor.u32 s17, v37;
	[tilespmem:v11+s10+$0x0] =	vst.idx.msk $0xffff, v18;
	v17 =	vld.idx.msk [tilespmem:v17+s2+$0x0], $0xffff  }
0x1d9: {  	v15 =	vadd.s32 v55, v3;
	v14 =	vld.idx.msk [tilespmem:v14+s2+$0x0], $0xffff;
	[tilespmem:v12+s10+$0x0] =	vst.idx.msk $0xffff, v19;
	v6 =	vor.u32 s22, v30  }
0x1da: {  	v20 =	vadd.s32 v55, v1;
	v11 =	vor.u32 s20, v30;
	v29 =	vld [tilespmem:$0x1FDF0];
	_ =	sdelay $0x1  }
0x1db: {  	v21 =	vadd.s32 v55, v2;
	[tilespmem:v13+s10+$0x0] =	vst.idx.msk $0xffff, v7  }
0x1dc: {  	v8 =	vadd.s32 v58, v24;
	[tilespmem:v9+s10+$0x0] =	vst.idx.msk $0xffff, v10  }
0x1dd: {  	v18 =	vadd.s32 v55, v4;
	v15 =	vld.idx.msk [tilespmem:v15+s2+$0x0], $0xffff;
	[tilespmem:v6+s10+$0x0] =	vst.idx.msk $0xffff, v17  }
0x1de: {  	v19 =	vld.idx.msk [tilespmem:v20+s2+$0x0], $0xffff;
	v16 =	vadd.s32 v28, v5;
	v12 =	vor.u32 s16, v29;
	[tilespmem:v11+s10+$0x0] =	vst.idx.msk $0xffff, v14  }
0x1df: {  	v20 =	vadd.s32 v28, v23;
	v59 =	vld [tilespmem:$0x1FF70]  }
0x1e0: {  	v21 =	vld.idx.msk [tilespmem:v21+s2+$0x0], $0xffff;
	v7 =	vor.u32 s15, v29  }
0x1e1: {  	v8 =	vld.idx.msk [tilespmem:v8+s2+$0x0], $0xffff;
	v6 =	vor.u32 s18, v29  }
0x1e2: {  	v9 =	vor.u32 s21, v60;
	v14 =	vld.idx.msk [tilespmem:v18+s2+$0x0], $0xffff  }
0x1e3: {  	v16 =	vld.idx.msk [tilespmem:v16+s2+$0x0], $0xffff;
	[tilespmem:v12+s10+$0x0] =	vst.idx.msk $0xffff, v15;
	v12 =	vor.u32 s17, v29  }
0x1e4: {  	v20 =	vld.idx.msk [tilespmem:v20+s2+$0x0], $0xffff;
	v11 =	vor.u32 s22, v59  }
0x1e5: {  	v13 =	vadd.s32 v63, v3;
	v60 =	vld [tilespmem:$0x1FF60];
	[tilespmem:v7+s10+$0x0] =	vst.idx.msk $0xffff, v19;
	v7 =	vor.u32 s20, v59  }
0x1e6: {  	[tilespmem:v6+s10+$0x0] =	vst.idx.msk $0xffff, v21  }
0x1e7: {  	v17 =	vadd.s32 v63, v1;
	[tilespmem:v9+s10+$0x0] =	vst.idx.msk $0xffff, v8  }
0x1e8: {  	v18 =	vadd.s32 v42, v24;
	[tilespmem:v12+s10+$0x0] =	vst.idx.msk $0xffff, v14  }
0x1e9: {  	v10 =	vadd.s32 v63, v2;
	[tilespmem:v11+s10+$0x0] =	vst.idx.msk $0xffff, v16  }
0x1ea: {  	v13 =	vld.idx.msk [tilespmem:v13+s2+$0x0], $0xffff;
	v19 =	vadd.s32 v42, v0;
	[tilespmem:v7+s10+$0x0] =	vst.idx.msk $0xffff, v20  }
0x1eb: {  	v6 =	vor.u32 s16, v43;
	v15 =	vadd.s32 v60, v5;
	v58 =	vld [tilespmem:$0x1FEF0]  }
0x1ec: {  	v21 =	vadd.s32 v63, v4;
	v8 =	vor.u32 s15, v43;
	v17 =	vld.idx.msk [tilespmem:v17+s2+$0x0], $0xffff  }
0x1ed: {  	v9 =	vadd.s32 v56, v3;
	v18 =	vld.idx.msk [tilespmem:v18+s2+$0x0], $0xffff;
	v12 =	vor.u32 s21, v26  }
0x1ee: {  	v10 =	vld.idx.msk [tilespmem:v10+s2+$0x0], $0xffff;
	v11 =	vor.u32 s18, v43;
	v16 =	vadd.s32 v56, v1  }
0x1ef: {  	v19 =	vld.idx.msk [tilespmem:v19+s2+$0x0], $0xffff  }
0x1f0: {  	v14 =	vadd.s32 v56, v2;
	[tilespmem:v6+s10+$0x0] =	vst.idx.msk $0xffff, v13;
	v15 =	vld.idx.msk [tilespmem:v15+s2+$0x0], $0xffff;
	v7 =	vor.u32 s22, v58  }
0x1f1: {  	v6 =	vor.u32 s19, v26;
	v13 =	vld.idx.msk [tilespmem:v21+s2+$0x0], $0xffff;
	[tilespmem:v8+s10+$0x0] =	vst.idx.msk $0xffff, v17  }
0x1f2: {  	v8 =	vor.u32 s17, v43;
	v9 =	vld.idx.msk [tilespmem:v9+s2+$0x0], $0xffff;
	[tilespmem:v12+s10+$0x0] =	vst.idx.msk $0xffff, v18  }
0x1f3: {  	[tilespmem:v11+s10+$0x0] =	vst.idx.msk $0xffff, v10;
	v10 =	vor.u32 s16, v52;
	v11 =	vld.idx.msk [tilespmem:v16+s2+$0x0], $0xffff  }
0x1f4: {  	v20 =	vadd.s32 v25, v24;
	v12 =	vor.u32 s15, v52;
	v37 =	vld [tilespmem:$0x1FFB0]  }
0x1f5: {  	v17 =	vadd.s32 v25, v0;
	v14 =	vld.idx.msk [tilespmem:v14+s2+$0x0], $0xffff;
	[tilespmem:v7+s10+$0x0] =	vst.idx.msk $0xffff, v15;
	v7 =	vor.u32 s18, v52  }
0x1f6: {  	[tilespmem:v6+s10+$0x0] =	vst.idx.msk $0xffff, v19  }
0x1f7: {  	v16 =	vadd.s32 v56, v4;
	[tilespmem:v8+s10+$0x0] =	vst.idx.msk $0xffff, v13  }
0x1f8: {  	v21 =	vadd.s32 v50, v5;
	[tilespmem:v10+s10+$0x0] =	vst.idx.msk $0xffff, v9  }
0x1f9: {  	v20 =	vld.idx.msk [tilespmem:v20+s2+$0x0], $0xffff;
	v6 =	vor.u32 s21, v30;
	[tilespmem:v12+s10+$0x0] =	vst.idx.msk $0xffff, v11;
	v18 =	vadd.s32 v37, v3  }
0x1fa: {  	v13 =	vld.idx.msk [tilespmem:v17+s2+$0x0], $0xffff;
	v17 =	vadd.s32 v28, v24;
	v9 =	vor.u32 s19, v30;
	[tilespmem:v7+s10+$0x0] =	vst.idx.msk $0xffff, v14  }
0x1fb: {  	v15 =	vadd.s32 v37, v1;
	v22 =	vld [tilespmem:$0x1FE20]  }
0x1fc: {  	v10 =	vld.idx.msk [tilespmem:v16+s2+$0x0], $0xffff  }
0x1fd: {  	v8 =	vor.u32 s22, v32;
	v19 =	vadd.s32 v37, v2;
	v21 =	vld.idx.msk [tilespmem:v21+s2+$0x0], $0xffff  }
0x1fe: {  	v16 =	vadd.s32 v34, v5;
	v11 =	vor.u32 s17, v52;
	v12 =	vld.idx.msk [tilespmem:v18+s2+$0x0], $0xffff;
	[tilespmem:v6+s10+$0x0] =	vst.idx.msk $0xffff, v20  }
0x1ff: {  	v18 =	vadd.s32 v28, v0;
	[tilespmem:v9+s10+$0x0] =	vst.idx.msk $0xffff, v13;
	v9 =	vor.u32 s21, v59;
	v17 =	vld.idx.msk [tilespmem:v17+s2+$0x0], $0xffff  }
0x200: {  	v14 =	vld.idx.msk [tilespmem:v15+s2+$0x0], $0xffff;
	v15 =	vadd.s32 v37, v4;
	v7 =	vor.u32 s16, v22  }
0x201: {  	v20 =	vadd.s32 v57, v3;
	v6 =	vor.u32 s15, v22  }
0x202: {  	v19 =	vld.idx.msk [tilespmem:v19+s2+$0x0], $0xffff;
	[tilespmem:v8+s10+$0x0] =	vst.idx.msk $0xffff, v21;
	v21 =	vadd.s32 v57, v1;
	v8 =	vor.u32 s18, v22  }
0x203: {  	[tilespmem:v11+s10+$0x0] =	vst.idx.msk $0xffff, v10;
	v16 =	vld.idx.msk [tilespmem:v16+s2+$0x0], $0xffff  }
0x204: {  	v13 =	vadd.s32 v57, v2;
	v10 =	vor.u32 s22, v38;
	v11 =	vld.idx.msk [tilespmem:v18+s2+$0x0], $0xffff;
	[tilespmem:v9+s10+$0x0] =	vst.idx.msk $0xffff, v17  }
0x205: {  	[tilespmem:v7+s10+$0x0] =	vst.idx.msk $0xffff, v12;
	v7 =	vor.u32 s19, v59;
	v12 =	vld.idx.msk [tilespmem:v15+s2+$0x0], $0xffff  }
0x206: {  	[tilespmem:v6+s10+$0x0] =	vst.idx.msk $0xffff, v14;
	v6 =	vor.u32 s17, v22;
	v14 =	vld.idx.msk [tilespmem:v20+s2+$0x0], $0xffff  }
0x207: {  	[tilespmem:v8+s10+$0x0] =	vst.idx.msk $0xffff, v19;
	v8 =	vor.u32 s16, v62;
	v19 =	vld.idx.msk [tilespmem:v21+s2+$0x0], $0xffff  }
0x208: {  	v9 =	vor.u32 s15, v62;
	v55 =	vld [tilespmem:$0x1FEC0]  }
0x209: {  	v18 =	vadd.s32 v60, v24;
	v13 =	vld.idx.msk [tilespmem:v13+s2+$0x0], $0xffff;
	[tilespmem:v10+s10+$0x0] =	vst.idx.msk $0xffff, v16;
	v10 =	vor.u32 s18, v62  }
0x20a: {  	[tilespmem:v7+s10+$0x0] =	vst.idx.msk $0xffff, v11  }
0x20b: {  	v15 =	vadd.s32 v41, v5;
	[tilespmem:v6+s10+$0x0] =	vst.idx.msk $0xffff, v12  }
0x20c: {  	v20 =	vadd.s32 v60, v0;
	[tilespmem:v8+s10+$0x0] =	vst.idx.msk $0xffff, v14  }
0x20d: {  	v21 =	vadd.s32 v57, v4;
	[tilespmem:v9+s10+$0x0] =	vst.idx.msk $0xffff, v19  }
0x20e: {  	v18 =	vld.idx.msk [tilespmem:v18+s2+$0x0], $0xffff;
	v17 =	vadd.s32 v55, v3;
	[tilespmem:v10+s10+$0x0] =	vst.idx.msk $0xffff, v13  }
0x20f: {  	v7 =	vor.u32 s21, v58;
	v16 =	vadd.s32 v55, v1;
	v29 =	vld [tilespmem:$0x1FE40]  }
0x210: {  	v15 =	vld.idx.msk [tilespmem:v15+s2+$0x0], $0xffff  }
0x211: {  	v6 =	vor.u32 s22, v54;
	v11 =	vadd.s32 v55, v2;
	v12 =	vld.idx.msk [tilespmem:v20+s2+$0x0], $0xffff  }
0x212: {  	v8 =	vor.u32 s19, v58;
	v14 =	vld.idx.msk [tilespmem:v21+s2+$0x0], $0xffff  }
0x213: {  	v9 =	vor.u32 s17, v62;
	v17 =	vld.idx.msk [tilespmem:v17+s2+$0x0], $0xffff  }
0x214: {  	v20 =	vadd.s32 v50, v24;
	[tilespmem:v7+s10+$0x0] =	vst.idx.msk $0xffff, v18;
	v13 =	vld.idx.msk [tilespmem:v16+s2+$0x0], $0xffff;
	v10 =	vor.u32 s16, v29  }
0x215: {  	v28 =	vld [tilespmem:$0x1FFF0];
	v7 =	vor.u32 s15, v29  }
0x216: {  	v19 =	vadd.s32 v50, v0;
	v11 =	vld.idx.msk [tilespmem:v11+s2+$0x0], $0xffff;
	[tilespmem:v6+s10+$0x0] =	vst.idx.msk $0xffff, v15;
	v6 =	vor.u32 s18, v29  }
0x217: {  	[tilespmem:v8+s10+$0x0] =	vst.idx.msk $0xffff, v12  }
0x218: {  	v21 =	vadd.s32 v35, v5;
	[tilespmem:v9+s10+$0x0] =	vst.idx.msk $0xffff, v14  }
0x219: {  	v16 =	vadd.s32 v55, v4;
	v20 =	vld.idx.msk [tilespmem:v20+s2+$0x0], $0xffff;
	v8 =	vor.u32 s21, v32;
	[tilespmem:v10+s10+$0x0] =	vst.idx.msk $0xffff, v17  }
0x21a: {  	[tilespmem:v7+s10+$0x0] =	vst.idx.msk $0xffff, v13  }
0x21b: {  	v14 =	vld.idx.msk [tilespmem:v19+s2+$0x0], $0xffff;
	v19 =	vadd.s32 v34, v24;
	v10 =	vor.u32 s19, v32;
	[tilespmem:v6+s10+$0x0] =	vst.idx.msk $0xffff, v11  }
0x21c: {  	v18 =	vadd.s32 v28, v3;
	v42 =	vld [tilespmem:$0x1FFE0]  }
0x21d: {  	v21 =	vld.idx.msk [tilespmem:v21+s2+$0x0], $0xffff;
	v15 =	vadd.s32 v28, v1  }
0x21e: {  	v9 =	vor.u32 s22, v46;
	v12 =	vadd.s32 v28, v2;
	v16 =	vld.idx.msk [tilespmem:v16+s2+$0x0], $0xffff;
	[tilespmem:v8+s10+$0x0] =	vst.idx.msk $0xffff, v20  }
0x21f: {  	v7 =	vor.u32 s17, v29;
	v40 =	vld [tilespmem:$0x1FFD0]  }
0x220: {  	v17 =	vadd.s32 v49, v5;
	v19 =	vld.idx.msk [tilespmem:v19+s2+$0x0], $0xffff;
	[tilespmem:v10+s10+$0x0] =	vst.idx.msk $0xffff, v14;
	v10 =	vor.u32 s21, v38  }
0x221: {  	v13 =	vld.idx.msk [tilespmem:v18+s2+$0x0], $0xffff;
	v18 =	vadd.s32 v60, v23;
	v6 =	vor.u32 s16, v42  }
0x222: {  	v11 =	vld.idx.msk [tilespmem:v15+s2+$0x0], $0xffff;
	v15 =	vadd.s32 v34, v0;
	v8 =	vor.u32 s15, v42  }
0x223: {  	[tilespmem:v9+s10+$0x0] =	vst.idx.msk $0xffff, v21;
	v12 =	vld.idx.msk [tilespmem:v12+s2+$0x0], $0xffff;
	v9 =	vor.u32 s18, v42  }
0x224: {  	[tilespmem:v7+s10+$0x0] =	vst.idx.msk $0xffff, v16  }
0x225: {  	v17 =	vld.idx.msk [tilespmem:v17+s2+$0x0], $0xffff;
	v7 =	vor.u32 s22, v39;
	v16 =	vadd.s32 v28, v4;
	[tilespmem:v10+s10+$0x0] =	vst.idx.msk $0xffff, v19  }
0x226: {  	v20 =	vadd.s32 v40, v3;
	v18 =	vld.idx.msk [tilespmem:v18+s2+$0x0], $0xffff;
	[tilespmem:v6+s10+$0x0] =	vst.idx.msk $0xffff, v13;
	v6 =	vor.u32 s20, v58  }
0x227: {  	v21 =	vadd.s32 v40, v1;
	v13 =	vld.idx.msk [tilespmem:v15+s2+$0x0], $0xffff;
	[tilespmem:v8+s10+$0x0] =	vst.idx.msk $0xffff, v11;
	v8 =	vor.u32 s19, v38  }
0x228: {  	[tilespmem:v9+s10+$0x0] =	vst.idx.msk $0xffff, v12  }
0x229: {  	v14 =	vadd.s32 v40, v2;
	v28 =	vld [tilespmem:$0x1FFC0]  }
0x22a: {  	v16 =	vld.idx.msk [tilespmem:v16+s2+$0x0], $0xffff;
	v15 =	vadd.s32 v31, v5;
	[tilespmem:v7+s10+$0x0] =	vst.idx.msk $0xffff, v17  }
0x22b: {  	v11 =	vld.idx.msk [tilespmem:v20+s2+$0x0], $0xffff;
	v20 =	vadd.s32 v41, v24;
	[tilespmem:v6+s10+$0x0] =	vst.idx.msk $0xffff, v18  }
0x22c: {  	v9 =	vor.u32 s16, v33;
	v12 =	vld.idx.msk [tilespmem:v21+s2+$0x0], $0xffff;
	v21 =	vadd.s32 v50, v23;
	[tilespmem:v8+s10+$0x0] =	vst.idx.msk $0xffff, v13  }
0x22d: {  	v10 =	vor.u32 s15, v33;
	v63 =	vld [tilespmem:$0x1FE50]  }
0x22e: {  	v14 =	vld.idx.msk [tilespmem:v14+s2+$0x0], $0xffff;
	v7 =	vor.u32 s18, v33;
	v19 =	vadd.s32 v28, v3  }
0x22f: {  	v6 =	vor.u32 s17, v42;
	v15 =	vld.idx.msk [tilespmem:v15+s2+$0x0], $0xffff;
	v17 =	vadd.s32 v28, v1  }
0x230: {  	v20 =	vld.idx.msk [tilespmem:v20+s2+$0x0], $0xffff  }
0x231: {  	v18 =	vadd.s32 v28, v2;
	[tilespmem:v9+s10+$0x0] =	vst.idx.msk $0xffff, v11;
	v9 =	vor.u32 s21, v54;
	v11 =	vld.idx.msk [tilespmem:v21+s2+$0x0], $0xffff  }
0x232: {  	v13 =	vadd.s32 v40, v4;
	v22 =	vld [tilespmem:$0x1FE60];
	[tilespmem:v10+s10+$0x0] =	vst.idx.msk $0xffff, v12;
	v8 =	vor.u32 s22, v63  }
0x233: {  	v10 =	vor.u32 s20, v32;
	[tilespmem:v7+s10+$0x0] =	vst.idx.msk $0xffff, v14;
	v12 =	vld.idx.msk [tilespmem:v19+s2+$0x0], $0xffff  }
0x234: {  	v21 =	vor.u32 s16, v36;
	[tilespmem:v6+s10+$0x0] =	vst.idx.msk $0xffff, v16;
	v7 =	vld.idx.msk [tilespmem:v17+s2+$0x0], $0xffff  }
0x235: {  	v17 =	vor.u32 s15, v36;
	v51 =	vld [tilespmem:$0x1FEB0]  }
0x236: {  	v16 =	vld.idx.msk [tilespmem:v18+s2+$0x0], $0xffff;
	v18 =	vor.u32 s18, v36;
	[tilespmem:v9+s10+$0x0] =	vst.idx.msk $0xffff, v20  }
0x237: {  	v13 =	vld.idx.msk [tilespmem:v13+s2+$0x0], $0xffff;
	v5 =	vadd.s32 v22, v5;
	[tilespmem:v8+s10+$0x0] =	vst.idx.msk $0xffff, v15;
	v15 =	vor.u32 s17, v33  }
0x238: {  	v52 =	vld [tilespmem:$0x1FC50];
	[tilespmem:v10+s10+$0x0] =	vst.idx.msk $0xffff, v11  }
0x239: {  	v19 =	vadd.s32 v35, v24;
	[tilespmem:v21+s10+$0x0] =	vst.idx.msk $0xffff, v12  }
0x23a: {  	v14 =	vadd.s32 v34, v23;
	[tilespmem:v17+s10+$0x0] =	vst.idx.msk $0xffff, v7  }
0x23b: {  	v6 =	vadd.s32 v51, v3;
	[tilespmem:v18+s10+$0x0] =	vst.idx.msk $0xffff, v16  }
0x23c: {  	v8 =	vadd.s32 v51, v1;
	v5 =	vld.idx.msk [tilespmem:v5+s2+$0x0], $0xffff;
	[tilespmem:v15+s10+$0x0] =	vst.idx.msk $0xffff, v13  }
0x23d: {  	v9 =	vadd.s32 v51, v2;
	v53 =	vld [tilespmem:$0x1FFA0]  }
0x23e: {  	v10 =	vadd.s32 v28, v4;
	v11 =	vld.idx.msk [tilespmem:v19+s2+$0x0], $0xffff;
	v20 =	vor.u32 s22, v52  }
0x23f: {  	v12 =	vor.u32 s21, v46;
	v19 =	vadd.s32 v41, v0;
	v14 =	vld.idx.msk [tilespmem:v14+s2+$0x0], $0xffff  }
0x240: {  	v7 =	vor.u32 s20, v38;
	v17 =	vadd.s32 v49, v24;
	v6 =	vld.idx.msk [tilespmem:v6+s2+$0x0], $0xffff  }
0x241: {  	v21 =	vor.u32 s16, v44;
	v16 =	vadd.s32 v41, v23;
	v8 =	vld.idx.msk [tilespmem:v8+s2+$0x0], $0xffff  }
0x242: {  	v18 =	vor.u32 s15, v44;
	v9 =	vld.idx.msk [tilespmem:v9+s2+$0x0], $0xffff;
	v13 =	vadd.s32 v53, v3  }
0x243: {  	v15 =	vor.u32 s18, v44;
	v10 =	vld.idx.msk [tilespmem:v10+s2+$0x0], $0xffff;
	[tilespmem:v20+s10+$0x0] =	vst.idx.msk $0xffff, v5;
	v5 =	vadd.s32 v53, v1  }
0x244: {  	[tilespmem:v12+s10+$0x0] =	vst.idx.msk $0xffff, v11;
	v12 =	vld.idx.msk [tilespmem:v19+s2+$0x0], $0xffff;
	v20 =	vor.u32 s17, v36;
	v11 =	vadd.s32 v53, v2  }
0x245: {  	v19 =	vor.u32 s19, v54;
	[tilespmem:v7+s10+$0x0] =	vst.idx.msk $0xffff, v14;
	v14 =	vld.idx.msk [tilespmem:v17+s2+$0x0], $0xffff  }
0x246: {  	v7 =	vadd.s32 v51, v4;
	v16 =	vld.idx.msk [tilespmem:v16+s2+$0x0], $0xffff;
	[tilespmem:v21+s10+$0x0] =	vst.idx.msk $0xffff, v6;
	v6 =	vor.u32 s21, v39  }
0x247: {  	[tilespmem:v18+s10+$0x0] =	vst.idx.msk $0xffff, v8;
	v8 =	vor.u32 s20, v54;
	v13 =	vld.idx.msk [tilespmem:v13+s2+$0x0], $0xffff  }
0x248: {  	v21 =	vor.u32 s16, v61;
	[tilespmem:v15+s10+$0x0] =	vst.idx.msk $0xffff, v9;
	v5 =	vld.idx.msk [tilespmem:v5+s2+$0x0], $0xffff  }
0x249: {  	v15 =	vor.u32 s15, v61;
	[tilespmem:v20+s10+$0x0] =	vst.idx.msk $0xffff, v10;
	v11 =	vld.idx.msk [tilespmem:v11+s2+$0x0], $0xffff  }
0x24a: {  	v20 =	vor.u32 s18, v61;
	v25 =	vld [tilespmem:$0x1FF30];
	[tilespmem:v19+s10+$0x0] =	vst.idx.msk $0xffff, v12  }
0x24b: {  	v17 =	vadd.s32 v35, v0;
	v7 =	vld.idx.msk [tilespmem:v7+s2+$0x0], $0xffff;
	v19 =	vor.u32 s17, v44;
	[tilespmem:v6+s10+$0x0] =	vst.idx.msk $0xffff, v14  }
0x24c: {  	[tilespmem:v8+s10+$0x0] =	vst.idx.msk $0xffff, v16  }
0x24d: {  	v18 =	vadd.s32 v31, v24;
	[tilespmem:v21+s10+$0x0] =	vst.idx.msk $0xffff, v13  }
0x24e: {  	v9 =	vadd.s32 v35, v23;
	[tilespmem:v15+s10+$0x0] =	vst.idx.msk $0xffff, v5  }
0x24f: {  	[tilespmem:v20+s10+$0x0] =	vst.idx.msk $0xffff, v11;
	v10 =	vadd.s32 v25, v3  }
0x250: {  	v14 =	vld.idx.msk [tilespmem:v17+s2+$0x0], $0xffff;
	v12 =	vadd.s32 v25, v1;
	[tilespmem:v19+s10+$0x0] =	vst.idx.msk $0xffff, v7  }
0x251: {  	v8 =	vadd.s32 v53, v4;
	v17 =	vor.u32 s19, v46;
	v6 =	vadd.s32 v25, v2;
	v44 =	vmovc v25;
	v25 =	vld [tilespmem:$0x1FF10]  }
0x252: {  	v16 =	vld.idx.msk [tilespmem:v18+s2+$0x0], $0xffff;
	v13 =	vor.u32 s21, v63  }
0x253: {  	v18 =	vadd.s32 v49, v0;
	v9 =	vld.idx.msk [tilespmem:v9+s2+$0x0], $0xffff;
	v5 =	vor.u32 s20, v46  }
0x254: {  	v15 =	vadd.s32 v22, v24;
	v21 =	vor.u32 s16, v47;
	v10 =	vld.idx.msk [tilespmem:v10+s2+$0x0], $0xffff  }
0x255: {  	v20 =	vor.u32 s15, v47;
	v11 =	vld.idx.msk [tilespmem:v12+s2+$0x0], $0xffff;
	v12 =	vadd.s32 v49, v23  }
0x256: {  	[tilespmem:v17+s10+$0x0] =	vst.idx.msk $0xffff, v14;
	v8 =	vld.idx.msk [tilespmem:v8+s2+$0x0], $0xffff;
	v17 =	vor.u32 s17, v61;
	v7 =	vadd.s32 v25, v3  }
0x257: {  	v19 =	vor.u32 s18, v47;
	[tilespmem:v13+s10+$0x0] =	vst.idx.msk $0xffff, v16;
	v6 =	vld.idx.msk [tilespmem:v6+s2+$0x0], $0xffff;
	v14 =	vadd.s32 v25, v1  }
0x258: {  	v16 =	vld.idx.msk [tilespmem:v18+s2+$0x0], $0xffff;
	v18 =	vor.u32 s19, v39;
	[tilespmem:v5+s10+$0x0] =	vst.idx.msk $0xffff, v9  }
0x259: {  	v9 =	vld.idx.msk [tilespmem:v15+s2+$0x0], $0xffff;
	[tilespmem:v21+s10+$0x0] =	vst.idx.msk $0xffff, v10;
	v10 =	vor.u32 s21, v52  }
0x25a: {  	v13 =	vadd.s32 v25, v2;
	v12 =	vld.idx.msk [tilespmem:v12+s2+$0x0], $0xffff;
	[tilespmem:v20+s10+$0x0] =	vst.idx.msk $0xffff, v11;
	v11 =	vor.u32 s20, v39  }
0x25b: {  	[tilespmem:v17+s10+$0x0] =	vst.idx.msk $0xffff, v8;
	v20 =	vor.u32 s16, v48;
	v7 =	vld.idx.msk [tilespmem:v7+s2+$0x0], $0xffff  }
0x25c: {  	[tilespmem:v19+s10+$0x0] =	vst.idx.msk $0xffff, v6;
	v19 =	vor.u32 s15, v48;
	v14 =	vld.idx.msk [tilespmem:v14+s2+$0x0], $0xffff  }
0x25d: {  	v46 =	vld [tilespmem:$0x1FF20];
	[tilespmem:v18+s10+$0x0] =	vst.idx.msk $0xffff, v16  }
0x25e: {  	v5 =	vadd.s32 v44, v4;
	[tilespmem:v10+s10+$0x0] =	vst.idx.msk $0xffff, v9  }
0x25f: {  	v15 =	vadd.s32 v31, v0;
	v21 =	vor.u32 s18, v48;
	v13 =	vld.idx.msk [tilespmem:v13+s2+$0x0], $0xffff;
	[tilespmem:v11+s10+$0x0] =	vst.idx.msk $0xffff, v12  }
0x260: {  	[tilespmem:v20+s10+$0x0] =	vst.idx.msk $0xffff, v7  }
0x261: {  	v6 =	vadd.s32 v31, v23;
	[tilespmem:v19+s10+$0x0] =	vst.idx.msk $0xffff, v14  }
0x262: {  	v8 =	vadd.s32 v46, v3;
	v30 =	vld [tilespmem:$0x1FC90]  }
0x263: {  	v16 =	vld.idx.msk [tilespmem:v5+s2+$0x0], $0xffff;
	v17 =	vadd.s32 v46, v1  }
0x264: {  	v18 =	vor.u32 s17, v47;
	v10 =	vld.idx.msk [tilespmem:v15+s2+$0x0], $0xffff;
	[tilespmem:v21+s10+$0x0] =	vst.idx.msk $0xffff, v13  }
0x265: {  	v15 =	vor.u32 s19, v63;
	v11 =	vadd.s32 v25, v4;
	v47 =	vld [tilespmem:$0x1FEE0]  }
0x266: {  	v9 =	vadd.s32 v46, v2;
	v6 =	vld.idx.msk [tilespmem:v6+s2+$0x0], $0xffff;
	v7 =	vor.u32 s20, v63  }
0x267: {  	v12 =	vadd.s32 v22, v0;
	v8 =	vld.idx.msk [tilespmem:v8+s2+$0x0], $0xffff;
	v14 =	vor.u32 s16, v30  }
0x268: {  	v13 =	vadd.s32 v22, v23;
	v17 =	vld.idx.msk [tilespmem:v17+s2+$0x0], $0xffff;
	v19 =	vor.u32 s15, v30  }
0x269: {  	[tilespmem:v18+s10+$0x0] =	vst.idx.msk $0xffff, v16  }
0x26a: {  	[tilespmem:v15+s10+$0x0] =	vst.idx.msk $0xffff, v10;
	v22 =	vld.idx.msk [tilespmem:v11+s2+$0x0], $0xffff;
	v16 =	vadd.s32 v47, v3  }
0x26b: {  	v20 =	vld.idx.msk [tilespmem:v9+s2+$0x0], $0xffff;
	[tilespmem:v7+s10+$0x0] =	vst.idx.msk $0xffff, v6  }
0x26c: {  	v29 =	vld.idx.msk [tilespmem:v12+s2+$0x0], $0xffff;
	v21 =	vor.u32 s18, v30;
	v9 =	vadd.s32 v47, v1;
	[tilespmem:v14+s10+$0x0] =	vst.idx.msk $0xffff, v8  }
0x26d: {  	v23 =	vor.u32 s17, v48;
	v6 =	vld.idx.msk [tilespmem:v13+s2+$0x0], $0xffff;
	v24 =	vadd.s32 v47, v2;
	[tilespmem:v19+s10+$0x0] =	vst.idx.msk $0xffff, v17  }
0x26e: {  	v33 =	vor.u32 s19, v52;
	v31 =	vadd.s32 v46, v4;
	v0 =	vld [tilespmem:$0x1FD80]  }
0x26f: {  	v15 =	vld.idx.msk [tilespmem:v16+s2+$0x0], $0xffff  }
0x270: {  	v43 =	vld [tilespmem:$0x1FED0]  }
0x271: {  	v9 =	vld.idx.msk [tilespmem:v9+s2+$0x0], $0xffff;
	[tilespmem:v21+s10+$0x0] =	vst.idx.msk $0xffff, v20  }
0x272: {  	[tilespmem:v23+s10+$0x0] =	vst.idx.msk $0xffff, v22;
	v16 =	vld.idx.msk [tilespmem:v24+s2+$0x0], $0xffff  }
0x273: {  	[tilespmem:v33+s10+$0x0] =	vst.idx.msk $0xffff, v29;
	v23 =	vld.idx.msk [tilespmem:v31+s2+$0x0], $0xffff  }
0x274: {  	v50 =	vmov v52;
	v29 =	vld [tilespmem:$0x1FF00]  }
0x275: {  	v36 =	vmovc v37;
	v37 =	vmovc v57;
	v11 =	vor.u32 s18, v45;
	v7 =	vor.u32 s20, v50;
	v5 =	vadd.s32 v47, v4;
	v57 =	vld [tilespmem:$0x1FF80]  }
0x276: {  	v35 =	vmovc v56;
	v19 =	vadd.s32 v27, v1;
	v14 =	vor.u32 s15, v45;
	v20 =	vadd.s32 v27, v3;
	v56 =	vld [tilespmem:$0x1FF90]  }
0x277: {  	v34 =	vmovc v42;
	v41 =	vmovc v28;
	v22 =	vadd.s32 v27, v2;
	v24 =	vor.u32 s17, v30;
	v30 =	vld [tilespmem:$0x1FF40];
	v8 =	vadd.s32 v0, v1  }
0x278: {  	v61 =	vmovc v58;
	v58 =	vmovc v60;
	v60 =	vld [tilespmem:$0x1FF50];
	v10 =	vadd.s32 v0, v2;
	v18 =	vor.u32 s16, v43;
	v12 =	vadd.s32 v0, v3  }
0x279: {  	s21 =	simm.s32 $0xB0;
	s19 =	simm.s32 $0xE00;
	v48 =	vmovc v53;
	s20 =	simm.s32 $0x4;
	v45 =	vmovc v25;
	v39 =	vld [tilespmem:$0x1FFF0];
	v17 =	vor.u32 s15, v43;
	v13 =	vor.u32 s17, v43;
	v21 =	vor.u32 s18, v43  }
.LBB2_4:
0x27a: {  	v27 =	vld [tilespmem:$0x1FC30]  }
0x27b: {  	v51 =	vld [tilespmem:$0x1FCC0]  }
0x27c: {  	v62 =	vld [tilespmem:$0x1FC20]  }
0x27d: {  	v49 =	vld [tilespmem:$0x1FCB0]  }
0x27e: {  	v31 =	vld [tilespmem:$0x1FE70]  }
0x27f: {  	v53 =	vld [tilespmem:$0x1FCD0]  }
0x280: {  	v0 =	vld [tilespmem:$0x1FDD0]  }
0x281: {  	v55 =	vld [tilespmem:$0x1FCE0]  }
0x282: {  	v32 =	vld [tilespmem:$0x1FE80]  }
0x283: {  	v28 =	vlaneseq.u32;
	v42 =	vld [tilespmem:$0x1FD80]  }
0x284: {  	s22 =	sadd.s32 $0xFFFFFFD0, s21;
	v25 =	vmov s21;
	v63 =	vld [tilespmem:$0x1FE90];
	v26 =	vor.u32 s21, v28;
	[tilespmem:v7+s10+$0x0] =	vst.idx.msk $0xffff, v6  }
0x285: {  	s23 =	sadd.s32 $0xFFFFFFE0, s21;
	v38 =	vld [tilespmem:$0x1FD90];
	v25 =	vshll.u32 v25, $0x3;
	v6 =	vmov s22;
	v7 =	vor.u32 s22, v28;
	[tilespmem:v18+s10+$0x0] =	vst.idx.msk $0xffff, v15  }
0x286: {  	s29 =	sadd.s32 $0xFFFFFFF0, s21;
	v52 =	vld [tilespmem:$0x1FDA0];
	v7 =	vand.u32 $0x4F, v7;
	v15 =	vmov s23;
	v18 =	vand.u32 $0x3C00, v25;
	[tilespmem:v17+s10+$0x0] =	vst.idx.msk $0xffff, v9  }
0x287: {  	v6 =	vshll.u32 v6, $0x3;
	v9 =	vor.u32 s23, v28;
	[tilespmem:v21+s10+$0x0] =	vst.idx.msk $0xffff, v16;
	v16 =	vor.u32 s29, v28;
	v19 =	vld.idx.msk [tilespmem:v19+s2+$0x0], $0xffff  }
0x288: {  	v27 =	vor.u32 s16, v27;
	v17 =	vld.idx.msk [tilespmem:v20+s2+$0x0], $0xffff;
	v20 =	vmov s29;
	v15 =	vshll.u32 v15, $0x3  }
0x289: {  	v21 =	vld.idx.msk [tilespmem:v22+s2+$0x0], $0xffff;
	v16 =	vand.u32 $0x6F, v16;
	v6 =	vand.u32 $0x3C00, v6;
	v20 =	vshll.u32 v20, $0x3  }
0x28a: {  	v54 =	vld [tilespmem:$0x1FD70];
	[tilespmem:v24+s10+$0x0] =	vst.idx.msk $0xffff, v23;
	v22 =	vand.u32 $0x5F, v9;
	v7 =	vor.u32 v7, v6;
	v20 =	vand.u32 $0x3C00, v20  }
0x28b: {  	v5 =	vld.idx.msk [tilespmem:v5+s2+$0x0], $0xffff;
	v6 =	vand.u32 $0x7F, v26;
	v9 =	vor.u32 v16, v20;
	v20 =	vadd.s32 v29, v7  }
0x28c: {  	v33 =	vld [tilespmem:$0x1FE60];
	v15 =	vand.u32 $0x3C00, v15;
	v6 =	vor.u32 v6, v18;
	v16 =	vadd.s32 v29, v9;
	[tilespmem:v14+s10+$0x0] =	vst.idx.msk $0xffff, v19  }
0x28d: {  	[tilespmem:v27+s10+$0x0] =	vst.idx.msk $0xffff, v17;
	v18 =	vld.idx.msk [tilespmem:v8+s2+$0x0], $0xffff;
	v8 =	vor.u32 v22, v15;
	v15 =	vor.u32 s15, v49  }
0x28e: {  	v17 =	vadd.s32 v29, v6;
	[tilespmem:v11+s10+$0x0] =	vst.idx.msk $0xffff, v21;
	v12 =	vld.idx.msk [tilespmem:v12+s2+$0x0], $0xffff  }
0x28f: {  	v23 =	vor.u32 s16, v49;
	v19 =	vadd.s32 v62, v4;
	v10 =	vld.idx.msk [tilespmem:v10+s2+$0x0], $0xffff  }
0x290: {  	s18 =	sadd.s32 $0x800, s18;
	v14 =	vadd.s32 v51, v3;
	v20 =	vld.idx.msk [tilespmem:v20+s2+$0x0], $0xffff  }
0x291: {  	s30 =	sadd.s32 $0xFFFFFA00, s18;
	v11 =	vor.u32 s19, v49;
	[tilespmem:v13+s10+$0x0] =	vst.idx.msk $0xffff, v5;
	v13 =	vadd.s32 v29, v8;
	v16 =	vld.idx.msk [tilespmem:v16+s2+$0x0], $0xffff  }
0x292: {  	s24 =	sadd.s32 $0xFFFFFE00, s18;
	v21 =	vor.u32 s30, v30;
	[tilespmem:v15+s10+$0x0] =	vst.idx.msk $0xffff, v18;
	v15 =	vld [tilespmem:$0x1FC30]  }
0x293: {  	v24 =	vor.u32 s24, v30;
	v25 =	vadd.s32 v51, v2;
	v17 =	vld.idx.msk [tilespmem:v17+s2+$0x0], $0xffff  }
0x294: {  	v26 =	vadd.s32 v31, v9;
	v19 =	vld.idx.msk [tilespmem:v19+s2+$0x0], $0xffff;
	[tilespmem:v23+s10+$0x0] =	vst.idx.msk $0xffff, v12  }
0x295: {  	v28 =	vor.u32 s18, v30;
	v27 =	vadd.s32 v31, v7;
	v14 =	vld.idx.msk [tilespmem:v14+s2+$0x0], $0xffff  }
0x296: {  	v12 =	vadd.s32 v31, v6;
	[tilespmem:v11+s10+$0x0] =	vst.idx.msk $0xffff, v10;
	v13 =	vld.idx.msk [tilespmem:v13+s2+$0x0], $0xffff  }
0x297: {  	[tilespmem:v21+s10+$0x0] =	vst.idx.msk $0xffff, v20;
	v20 =	vadd.s32 v31, v8;
	v31 =	vld [tilespmem:$0x1FDE0];
	v15 =	vor.u32 s17, v15  }
0x298: {  	v18 =	vadd.s32 v51, v1;
	v23 =	vor.u32 s16, v53;
	[tilespmem:v24+s10+$0x0] =	vst.idx.msk $0xffff, v16;
	v16 =	vld.idx.msk [tilespmem:v25+s2+$0x0], $0xffff  }
0x299: {  	s31 =	sadd.s32 $0xFFFFFC00, s18;
	v11 =	vadd.s32 v55, v3;
	v25 =	vor.u32 s19, v53;
	v24 =	vld.idx.msk [tilespmem:v26+s2+$0x0], $0xffff  }
0x29a: {  	v22 =	vor.u32 s31, v30;
	v26 =	vld.idx.msk [tilespmem:v27+s2+$0x0], $0xffff;
	[tilespmem:v28+s10+$0x0] =	vst.idx.msk $0xffff, v17;
	v17 =	vadd.s32 v55, v2  }
0x29b: {  	v10 =	vor.u32 s30, v0;
	v27 =	vor.u32 s24, v0;
	v12 =	vld.idx.msk [tilespmem:v12+s2+$0x0], $0xffff  }
0x29c: {  	v21 =	vor.u32 s31, v0;
	v28 =	vadd.s32 v32, v9;
	[tilespmem:v15+s10+$0x0] =	vst.idx.msk $0xffff, v19;
	v19 =	vor.u32 s18, v0;
	v0 =	vld [tilespmem:$0x1FCA0]  }
0x29d: {  	v18 =	vld.idx.msk [tilespmem:v18+s2+$0x0], $0xffff;
	[tilespmem:v23+s10+$0x0] =	vst.idx.msk $0xffff, v14;
	v15 =	vadd.s32 v32, v7  }
0x29e: {  	v14 =	vor.u32 s15, v53;
	v11 =	vld.idx.msk [tilespmem:v11+s2+$0x0], $0xffff;
	[tilespmem:v25+s10+$0x0] =	vst.idx.msk $0xffff, v16  }
0x29f: {  	v17 =	vld.idx.msk [tilespmem:v17+s2+$0x0], $0xffff;
	[tilespmem:v22+s10+$0x0] =	vst.idx.msk $0xffff, v13;
	v13 =	vadd.s32 v32, v6  }
0x2a0: {  	[tilespmem:v27+s10+$0x0] =	vst.idx.msk $0xffff, v24;
	v22 =	vadd.s32 v42, v4;
	v20 =	vld.idx.msk [tilespmem:v20+s2+$0x0], $0xffff  }
0x2a1: {  	[tilespmem:v10+s10+$0x0] =	vst.idx.msk $0xffff, v26;
	v24 =	vadd.s32 v32, v8;
	v25 =	vld.idx.msk [tilespmem:v28+s2+$0x0], $0xffff;
	v23 =	vor.u32 s16, v0  }
0x2a2: {  	v16 =	vadd.s32 v56, v3;
	v10 =	vor.u32 s30, v31;
	v27 =	vor.u32 s24, v31;
	v15 =	vld.idx.msk [tilespmem:v15+s2+$0x0], $0xffff;
	[tilespmem:v19+s10+$0x0] =	vst.idx.msk $0xffff, v12  }
0x2a3: {  	v28 =	vadd.s32 v63, v9;
	v19 =	vor.u32 s31, v31;
	[tilespmem:v14+s10+$0x0] =	vst.idx.msk $0xffff, v18;
	v18 =	vor.u32 s18, v31;
	v31 =	vld [tilespmem:$0x1FEA0]  }
0x2a4: {  	v26 =	vor.u32 s19, v0;
	v13 =	vld.idx.msk [tilespmem:v13+s2+$0x0], $0xffff  }
0x2a5: {  	v12 =	vadd.s32 v56, v2;
	v22 =	vld.idx.msk [tilespmem:v22+s2+$0x0], $0xffff;
	[tilespmem:v21+s10+$0x0] =	vst.idx.msk $0xffff, v20  }
0x2a6: {  	v21 =	vld.idx.msk [tilespmem:v24+s2+$0x0], $0xffff;
	[tilespmem:v23+s10+$0x0] =	vst.idx.msk $0xffff, v11  }
0x2a7: {  	v14 =	vadd.s32 v63, v7;
	v20 =	vor.u32 s17, v49;
	v16 =	vld.idx.msk [tilespmem:v16+s2+$0x0], $0xffff;
	[tilespmem:v27+s10+$0x0] =	vst.idx.msk $0xffff, v25  }
0x2a8: {  	v23 =	vadd.s32 v51, v4;
	[tilespmem:v10+s10+$0x0] =	vst.idx.msk $0xffff, v15;
	v15 =	vld.idx.msk [tilespmem:v28+s2+$0x0], $0xffff  }
0x2a9: {  	v11 =	vadd.s32 v63, v6;
	[tilespmem:v26+s10+$0x0] =	vst.idx.msk $0xffff, v17;
	v28 =	vld [tilespmem:$0x1FDF0]  }
0x2aa: {  	v12 =	vld.idx.msk [tilespmem:v12+s2+$0x0], $0xffff;
	v25 =	vor.u32 s19, v57  }
0x2ab: {  	v32 =	vld [tilespmem:$0x1FDC0];
	[tilespmem:v18+s10+$0x0] =	vst.idx.msk $0xffff, v13  }
0x2ac: {  	v24 =	vor.u32 s16, v57;
	v10 =	vadd.s32 v63, v8;
	v14 =	vld.idx.msk [tilespmem:v14+s2+$0x0], $0xffff;
	[tilespmem:v20+s10+$0x0] =	vst.idx.msk $0xffff, v22  }
0x2ad: {  	v17 =	vadd.s32 v60, v3;
	v23 =	vld.idx.msk [tilespmem:v23+s2+$0x0], $0xffff;
	[tilespmem:v19+s10+$0x0] =	vst.idx.msk $0xffff, v21;
	v19 =	vor.u32 s17, v53  }
0x2ae: {  	v13 =	vadd.s32 v60, v2;
	v27 =	vadd.s32 v31, v9;
	v11 =	vld.idx.msk [tilespmem:v11+s2+$0x0], $0xffff;
	v26 =	vor.u32 s24, v28  }
0x2af: {  	[tilespmem:v25+s10+$0x0] =	vst.idx.msk $0xffff, v12;
	v18 =	vor.u32 s30, v28;
	v22 =	vor.u32 s18, v28;
	v12 =	vor.u32 s31, v28;
	v28 =	vld [tilespmem:$0x1FE00]  }
0x2b0: {  	v49 =	vld [tilespmem:$0x1FD20];
	v21 =	vadd.s32 v55, v4  }
0x2b1: {  	v20 =	vadd.s32 v31, v7;
	[tilespmem:v24+s10+$0x0] =	vst.idx.msk $0xffff, v16;
	v10 =	vld.idx.msk [tilespmem:v10+s2+$0x0], $0xffff  }
0x2b2: {  	v16 =	vadd.s32 v31, v6;
	v24 =	vor.u32 s16, v59;
	v17 =	vld.idx.msk [tilespmem:v17+s2+$0x0], $0xffff;
	[tilespmem:v19+s10+$0x0] =	vst.idx.msk $0xffff, v23  }
0x2b3: {  	v13 =	vld.idx.msk [tilespmem:v13+s2+$0x0], $0xffff;
	[tilespmem:v26+s10+$0x0] =	vst.idx.msk $0xffff, v15;
	v15 =	vadd.s32 v58, v3  }
0x2b4: {  	[tilespmem:v18+s10+$0x0] =	vst.idx.msk $0xffff, v14;
	v14 =	vld.idx.msk [tilespmem:v27+s2+$0x0], $0xffff;
	v27 =	vor.u32 s24, v28  }
0x2b5: {  	v21 =	vld.idx.msk [tilespmem:v21+s2+$0x0], $0xffff  }
0x2b6: {  	v25 =	vor.u32 s19, v59;
	v18 =	vadd.s32 v55, v1;
	[tilespmem:v22+s10+$0x0] =	vst.idx.msk $0xffff, v11;
	v20 =	vld.idx.msk [tilespmem:v20+s2+$0x0], $0xffff  }
0x2b7: {  	v19 =	vadd.s32 v35, v7;
	v26 =	vadd.s32 v31, v8;
	v16 =	vld.idx.msk [tilespmem:v16+s2+$0x0], $0xffff;
	[tilespmem:v24+s10+$0x0] =	vst.idx.msk $0xffff, v17  }
0x2b8: {  	v11 =	vor.u32 s30, v28;
	v22 =	vadd.s32 v35, v9;
	[tilespmem:v12+s10+$0x0] =	vst.idx.msk $0xffff, v10;
	v15 =	vld.idx.msk [tilespmem:v15+s2+$0x0], $0xffff  }
0x2b9: {  	v23 =	vor.u32 s18, v28;
	v12 =	vor.u32 s17, v0;
	[tilespmem:v27+s10+$0x0] =	vst.idx.msk $0xffff, v14;
	v14 =	vor.u32 s15, v0;
	v0 =	vld [tilespmem:$0x1FE10]  }
0x2ba: {  	v63 =	vld [tilespmem:$0x1FD60]  }
0x2bb: {  	v10 =	vadd.s32 v35, v6;
	v17 =	vld.idx.msk [tilespmem:v18+s2+$0x0], $0xffff  }
0x2bc: {  	[tilespmem:v25+s10+$0x0] =	vst.idx.msk $0xffff, v13;
	v18 =	vadd.s32 v56, v4;
	v13 =	vld.idx.msk [tilespmem:v26+s2+$0x0], $0xffff  }
0x2bd: {  	[tilespmem:v11+s10+$0x0] =	vst.idx.msk $0xffff, v20;
	v11 =	vor.u32 s31, v28;
	v20 =	vld.idx.msk [tilespmem:v22+s2+$0x0], $0xffff;
	v22 =	vadd.s32 v56, v1  }
0x2be: {  	[tilespmem:v23+s10+$0x0] =	vst.idx.msk $0xffff, v16;
	v19 =	vld.idx.msk [tilespmem:v19+s2+$0x0], $0xffff;
	v16 =	vor.u32 s30, v0  }
0x2bf: {  	v51 =	vld [tilespmem:$0x1FD30];
	v24 =	vor.u32 s16, v61  }
0x2c0: {  	v25 =	vadd.s32 v32, v3;
	[tilespmem:v12+s10+$0x0] =	vst.idx.msk $0xffff, v21;
	v10 =	vld.idx.msk [tilespmem:v10+s2+$0x0], $0xffff  }
0x2c1: {  	v26 =	vadd.s32 v35, v8;
	v18 =	vld.idx.msk [tilespmem:v18+s2+$0x0], $0xffff;
	v27 =	vor.u32 s24, v0;
	[tilespmem:v14+s10+$0x0] =	vst.idx.msk $0xffff, v17  }
0x2c2: {  	v23 =	vadd.s32 v36, v9;
	[tilespmem:v11+s10+$0x0] =	vst.idx.msk $0xffff, v13;
	v11 =	vld.idx.msk [tilespmem:v22+s2+$0x0], $0xffff  }
0x2c3: {  	v12 =	vadd.s32 v36, v7;
	v21 =	vor.u32 s18, v0;
	[tilespmem:v16+s10+$0x0] =	vst.idx.msk $0xffff, v19;
	v16 =	vor.u32 s31, v0;
	v0 =	vld [tilespmem:$0x1FE20]  }
0x2c4: {  	v28 =	vld [tilespmem:$0x1FDB0];
	[tilespmem:v24+s10+$0x0] =	vst.idx.msk $0xffff, v15  }
0x2c5: {  	v15 =	vadd.s32 v36, v6;
	v14 =	vor.u32 s17, v57;
	v17 =	vld.idx.msk [tilespmem:v25+s2+$0x0], $0xffff  }
0x2c6: {  	v13 =	vadd.s32 v60, v4;
	v24 =	vld.idx.msk [tilespmem:v26+s2+$0x0], $0xffff;
	[tilespmem:v27+s10+$0x0] =	vst.idx.msk $0xffff, v20;
	v20 =	vor.u32 s15, v57  }
0x2c7: {  	v19 =	vld.idx.msk [tilespmem:v23+s2+$0x0], $0xffff;
	v23 =	vadd.s32 v60, v1  }
0x2c8: {  	[tilespmem:v21+s10+$0x0] =	vst.idx.msk $0xffff, v10;
	v12 =	vld.idx.msk [tilespmem:v12+s2+$0x0], $0xffff;
	v10 =	vor.u32 s30, v0  }
0x2c9: {  	v53 =	vld [tilespmem:$0x1FD40];
	v22 =	vor.u32 s16, v28  }
0x2ca: {  	v25 =	vadd.s32 v38, v3;
	[tilespmem:v14+s10+$0x0] =	vst.idx.msk $0xffff, v18;
	v15 =	vld.idx.msk [tilespmem:v15+s2+$0x0], $0xffff  }
0x2cb: {  	v26 =	vadd.s32 v36, v8;
	v13 =	vld.idx.msk [tilespmem:v13+s2+$0x0], $0xffff;
	v27 =	vor.u32 s24, v0;
	[tilespmem:v20+s10+$0x0] =	vst.idx.msk $0xffff, v11  }
0x2cc: {  	v21 =	vadd.s32 v37, v9;
	[tilespmem:v16+s10+$0x0] =	vst.idx.msk $0xffff, v24;
	v16 =	vld.idx.msk [tilespmem:v23+s2+$0x0], $0xffff  }
0x2cd: {  	v14 =	vadd.s32 v37, v7;
	v18 =	vor.u32 s18, v0;
	[tilespmem:v10+s10+$0x0] =	vst.idx.msk $0xffff, v12;
	v10 =	vor.u32 s31, v0;
	v0 =	vld [tilespmem:$0x1FE30]  }
0x2ce: {  	v31 =	vld [tilespmem:$0x1FEC0];
	[tilespmem:v22+s10+$0x0] =	vst.idx.msk $0xffff, v17;
	v11 =	vor.u32 s17, v59  }
0x2cf: {  	v17 =	vadd.s32 v37, v6;
	v20 =	vld.idx.msk [tilespmem:v25+s2+$0x0], $0xffff;
	v23 =	vor.u32 s16, v52  }
0x2d0: {  	v22 =	vadd.s32 v58, v4;
	v24 =	vld.idx.msk [tilespmem:v26+s2+$0x0], $0xffff;
	[tilespmem:v27+s10+$0x0] =	vst.idx.msk $0xffff, v19;
	v19 =	vor.u32 s15, v59  }
0x2d1: {  	v12 =	vld.idx.msk [tilespmem:v21+s2+$0x0], $0xffff;
	v21 =	vadd.s32 v58, v1  }
0x2d2: {  	[tilespmem:v18+s10+$0x0] =	vst.idx.msk $0xffff, v15;
	v14 =	vld.idx.msk [tilespmem:v14+s2+$0x0], $0xffff;
	v15 =	vor.u32 s30, v0  }
0x2d3: {  	v55 =	vld [tilespmem:$0x1FD50];
	v25 =	vadd.s32 v63, v3;
	[tilespmem:v11+s10+$0x0] =	vst.idx.msk $0xffff, v13  }
0x2d4: {  	v26 =	vadd.s32 v37, v8;
	v17 =	vld.idx.msk [tilespmem:v17+s2+$0x0], $0xffff;
	[tilespmem:v23+s10+$0x0] =	vst.idx.msk $0xffff, v20  }
0x2d5: {  	v22 =	vld.idx.msk [tilespmem:v22+s2+$0x0], $0xffff;
	v27 =	vor.u32 s24, v0;
	[tilespmem:v19+s10+$0x0] =	vst.idx.msk $0xffff, v16  }
0x2d6: {  	v18 =	vadd.s32 v31, v9;
	[tilespmem:v10+s10+$0x0] =	vst.idx.msk $0xffff, v24;
	v10 =	vld.idx.msk [tilespmem:v21+s2+$0x0], $0xffff  }
0x2d7: {  	v11 =	vadd.s32 v31, v7;
	v13 =	vor.u32 s18, v0;
	[tilespmem:v15+s10+$0x0] =	vst.idx.msk $0xffff, v14;
	v14 =	vor.u32 s31, v0;
	v0 =	vld [tilespmem:$0x1FE40]  }
0x2d8: {  	v20 =	vadd.s32 v31, v6;
	v16 =	vor.u32 s17, v61;
	v19 =	vld.idx.msk [tilespmem:v25+s2+$0x0], $0xffff  }
0x2d9: {  	v23 =	vor.u32 s16, v54;
	v21 =	vadd.s32 v32, v4;
	v24 =	vld.idx.msk [tilespmem:v26+s2+$0x0], $0xffff  }
0x2da: {  	v25 =	vadd.s32 v51, v3;
	v26 =	vadd.s32 v31, v8;
	v31 =	vld [tilespmem:$0x1FC40];
	[tilespmem:v27+s10+$0x0] =	vst.idx.msk $0xffff, v12;
	v12 =	vor.u32 s15, v61  }
0x2db: {  	v15 =	vld.idx.msk [tilespmem:v18+s2+$0x0], $0xffff;
	v18 =	vadd.s32 v32, v1  }
0x2dc: {  	[tilespmem:v13+s10+$0x0] =	vst.idx.msk $0xffff, v17;
	v11 =	vld.idx.msk [tilespmem:v11+s2+$0x0], $0xffff;
	v27 =	vor.u32 s24, v0  }
0x2dd: {  	[tilespmem:v16+s10+$0x0] =	vst.idx.msk $0xffff, v22;
	v20 =	vld.idx.msk [tilespmem:v20+s2+$0x0], $0xffff;
	v13 =	vor.u32 s30, v0  }
0x2de: {  	v17 =	vadd.s32 v39, v9;
	v21 =	vld.idx.msk [tilespmem:v21+s2+$0x0], $0xffff;
	[tilespmem:v23+s10+$0x0] =	vst.idx.msk $0xffff, v19  }
0x2df: {  	v16 =	vadd.s32 v39, v7;
	v22 =	vor.u32 s18, v0;
	[tilespmem:v12+s10+$0x0] =	vst.idx.msk $0xffff, v10;
	v12 =	vld.idx.msk [tilespmem:v25+s2+$0x0], $0xffff  }
0x2e0: {  	v19 =	vadd.s32 v39, v6;
	v10 =	vor.u32 s17, v28;
	[tilespmem:v14+s10+$0x0] =	vst.idx.msk $0xffff, v24;
	v14 =	vld.idx.msk [tilespmem:v18+s2+$0x0], $0xffff  }
0x2e1: {  	v23 =	vor.u32 s16, v49;
	v18 =	vadd.s32 v38, v4;
	v24 =	vld.idx.msk [tilespmem:v26+s2+$0x0], $0xffff;
	[tilespmem:v27+s10+$0x0] =	vst.idx.msk $0xffff, v15  }
0x2e2: {  	v25 =	vadd.s32 v53, v3;
	v15 =	vor.u32 s15, v28;
	[tilespmem:v13+s10+$0x0] =	vst.idx.msk $0xffff, v11;
	v11 =	vor.u32 s31, v0;
	v0 =	vld [tilespmem:$0x1FCF0]  }
0x2e3: {  	v13 =	vld.idx.msk [tilespmem:v17+s2+$0x0], $0xffff;
	v17 =	vadd.s32 v58, v2  }
0x2e4: {  	v26 =	vor.u32 s24, v34;
	[tilespmem:v22+s10+$0x0] =	vst.idx.msk $0xffff, v20;
	v20 =	vadd.s32 v38, v1;
	v16 =	vld.idx.msk [tilespmem:v16+s2+$0x0], $0xffff  }
0x2e5: {  	[tilespmem:v10+s10+$0x0] =	vst.idx.msk $0xffff, v21;
	v21 =	vor.u32 s18, v34;
	v19 =	vld.idx.msk [tilespmem:v19+s2+$0x0], $0xffff  }
0x2e6: {  	v22 =	vor.u32 s30, v34;
	v27 =	vadd.s32 v40, v9;
	v18 =	vld.idx.msk [tilespmem:v18+s2+$0x0], $0xffff;
	[tilespmem:v23+s10+$0x0] =	vst.idx.msk $0xffff, v12  }
0x2e7: {  	v10 =	vadd.s32 v40, v7;
	[tilespmem:v15+s10+$0x0] =	vst.idx.msk $0xffff, v14;
	v15 =	vld.idx.msk [tilespmem:v25+s2+$0x0], $0xffff  }
0x2e8: {  	v12 =	vadd.s32 v40, v6;
	v14 =	vor.u32 s17, v52;
	[tilespmem:v11+s10+$0x0] =	vst.idx.msk $0xffff, v24;
	v17 =	vld.idx.msk [tilespmem:v17+s2+$0x0], $0xffff  }
0x2e9: {  	v23 =	vor.u32 s16, v55;
	v11 =	vadd.s32 v39, v8;
	[tilespmem:v26+s10+$0x0] =	vst.idx.msk $0xffff, v13;
	v13 =	vld.idx.msk [tilespmem:v20+s2+$0x0], $0xffff  }
0x2ea: {  	v24 =	vor.u32 s19, v61;
	v20 =	vadd.s32 v31, v3;
	[tilespmem:v21+s10+$0x0] =	vst.idx.msk $0xffff, v19;
	v19 =	vadd.s32 v32, v2;
	v32 =	vld [tilespmem:$0x1FE50]  }
0x2eb: {  	v25 =	vadd.s32 v63, v4;
	[tilespmem:v22+s10+$0x0] =	vst.idx.msk $0xffff, v16;
	v22 =	vor.u32 s15, v52;
	v16 =	vld.idx.msk [tilespmem:v27+s2+$0x0], $0xffff  }
0x2ec: {  	v26 =	vor.u32 s24, v0;
	v10 =	vld.idx.msk [tilespmem:v10+s2+$0x0], $0xffff  }
0x2ed: {  	v21 =	vor.u32 s30, v0;
	v12 =	vld.idx.msk [tilespmem:v12+s2+$0x0], $0xffff;
	[tilespmem:v14+s10+$0x0] =	vst.idx.msk $0xffff, v18  }
0x2ee: {  	v27 =	vadd.s32 v41, v9;
	[tilespmem:v23+s10+$0x0] =	vst.idx.msk $0xffff, v15;
	v11 =	vld.idx.msk [tilespmem:v11+s2+$0x0], $0xffff  }
0x2ef: {  	v18 =	vor.u32 s18, v0;
	v20 =	vld.idx.msk [tilespmem:v20+s2+$0x0], $0xffff;
	[tilespmem:v24+s10+$0x0] =	vst.idx.msk $0xffff, v17  }
0x2f0: {  	[tilespmem:v22+s10+$0x0] =	vst.idx.msk $0xffff, v13;
	v13 =	vld.idx.msk [tilespmem:v25+s2+$0x0], $0xffff  }
0x2f1: {  	v14 =	vadd.s32 v41, v7;
	v15 =	vor.u32 s31, v34;
	[tilespmem:v26+s10+$0x0] =	vst.idx.msk $0xffff, v16;
	v19 =	vld.idx.msk [tilespmem:v19+s2+$0x0], $0xffff  }
0x2f2: {  	v17 =	vadd.s32 v40, v8;
	v22 =	vor.u32 s16, v32;
	[tilespmem:v21+s10+$0x0] =	vst.idx.msk $0xffff, v10;
	v21 =	vor.u32 s19, v28;
	v28 =	vld [tilespmem:$0x1FD00]  }
0x2f3: {  	v23 =	vadd.s32 v41, v6;
	v24 =	vadd.s32 v33, v3;
	v3 =	vmovc v9;
	v16 =	vor.u32 s17, v54;
	v9 =	vld.idx.msk [tilespmem:v27+s2+$0x0], $0xffff  }
0x2f4: {  	[tilespmem:v18+s10+$0x0] =	vst.idx.msk $0xffff, v12;
	v12 =	vadd.s32 v38, v2;
	v38 =	vld [tilespmem:$0x1FEB0]  }
0x2f5: {  	v27 =	vld [tilespmem:$0x1FC30]  }
0x2f6: {  	v10 =	vadd.s32 v51, v4;
	v14 =	vld.idx.msk [tilespmem:v14+s2+$0x0], $0xffff;
	[tilespmem:v15+s10+$0x0] =	vst.idx.msk $0xffff, v11  }
0x2f7: {  	[tilespmem:v22+s10+$0x0] =	vst.idx.msk $0xffff, v20;
	v20 =	vor.u32 s31, v0;
	v17 =	vld.idx.msk [tilespmem:v17+s2+$0x0], $0xffff  }
0x2f8: {  	v15 =	vld.idx.msk [tilespmem:v23+s2+$0x0], $0xffff;
	v25 =	vor.u32 s24, v28;
	[tilespmem:v16+s10+$0x0] =	vst.idx.msk $0xffff, v13;
	v16 =	vadd.s32 v41, v8  }
0x2f9: {  	v0 =	vld [tilespmem:$0x1FD10];
	v18 =	vor.u32 s30, v28;
	v11 =	vadd.s32 v38, v3  }
0x2fa: {  	v26 =	vor.u32 s18, v28;
	v13 =	vld.idx.msk [tilespmem:v24+s2+$0x0], $0xffff;
	v23 =	vadd.s32 v38, v7  }
0x2fb: {  	[tilespmem:v21+s10+$0x0] =	vst.idx.msk $0xffff, v19;
	v10 =	vld.idx.msk [tilespmem:v10+s2+$0x0], $0xffff;
	v22 =	vadd.s32 v38, v6  }
0x2fc: {  	v24 =	vor.u32 s16, v50;
	v12 =	vld.idx.msk [tilespmem:v12+s2+$0x0], $0xffff;
	[tilespmem:v20+s10+$0x0] =	vst.idx.msk $0xffff, v17  }
0x2fd: {  	v19 =	vor.u32 s17, v49;
	[tilespmem:v25+s10+$0x0] =	vst.idx.msk $0xffff, v9;
	v9 =	vadd.s32 v63, v1;
	v16 =	vld.idx.msk [tilespmem:v16+s2+$0x0], $0xffff  }
0x2fe: {  	s16 =	smov.u32 s24;
	[tilespmem:v18+s10+$0x0] =	vst.idx.msk $0xffff, v14;
	v14 =	vadd.s32 v53, v4;
	v18 =	vor.u32 s19, v52;
	v11 =	vld.idx.msk [tilespmem:v11+s2+$0x0], $0xffff  }
0x2ff: {  	[tilespmem:v26+s10+$0x0] =	vst.idx.msk $0xffff, v15;
	v15 =	vadd.s32 v63, v2;
	v21 =	vld.idx.msk [tilespmem:v23+s2+$0x0], $0xffff;
	v23 =	vor.u32 s16, v0  }
0x300: {  	v25 =	vor.u32 s30, v0;
	v17 =	vadd.s32 v48, v3;
	v20 =	vld.idx.msk [tilespmem:v22+s2+$0x0], $0xffff  }
0x301: {  	v26 =	vor.u32 s18, v0;
	v22 =	vadd.s32 v48, v7;
	[tilespmem:v24+s10+$0x0] =	vst.idx.msk $0xffff, v13;
	v13 =	vor.u32 s31, v28;
	v28 =	vld [tilespmem:$0x1FC60]  }
0x302: {  	[tilespmem:v19+s10+$0x0] =	vst.idx.msk $0xffff, v10;
	v24 =	vadd.s32 v48, v6;
	v9 =	vld.idx.msk [tilespmem:v9+s2+$0x0], $0xffff  }
0x303: {  	v10 =	vadd.s32 v38, v8;
	v19 =	vor.u32 s15, v54;
	v14 =	vld.idx.msk [tilespmem:v14+s2+$0x0], $0xffff;
	[tilespmem:v18+s10+$0x0] =	vst.idx.msk $0xffff, v12  }
0x304: {  	v12 =	vor.u32 s17, v55;
	v15 =	vld.idx.msk [tilespmem:v15+s2+$0x0], $0xffff;
	[tilespmem:v23+s10+$0x0] =	vst.idx.msk $0xffff, v11  }
0x305: {  	v18 =	vadd.s32 v31, v4;
	[tilespmem:v25+s10+$0x0] =	vst.idx.msk $0xffff, v21;
	v17 =	vld.idx.msk [tilespmem:v17+s2+$0x0], $0xffff  }
0x306: {  	v11 =	vadd.s32 v51, v1;
	v21 =	vor.u32 s19, v54;
	[tilespmem:v26+s10+$0x0] =	vst.idx.msk $0xffff, v20;
	v22 =	vld.idx.msk [tilespmem:v22+s2+$0x0], $0xffff  }
0x307: {  	v23 =	vor.u32 s16, v28;
	v20 =	vadd.s32 v51, v2;
	[tilespmem:v13+s10+$0x0] =	vst.idx.msk $0xffff, v16;
	v16 =	vld.idx.msk [tilespmem:v24+s2+$0x0], $0xffff  }
0x308: {  	v26 =	vor.u32 s18, v28;
	v10 =	vld.idx.msk [tilespmem:v10+s2+$0x0], $0xffff;
	[tilespmem:v19+s10+$0x0] =	vst.idx.msk $0xffff, v9  }
0x309: {  	v25 =	vor.u32 s30, v28;
	v13 =	vadd.s32 v44, v3;
	v9 =	vor.u32 s31, v0;
	[tilespmem:v12+s10+$0x0] =	vst.idx.msk $0xffff, v14;
	v0 =	vld [tilespmem:$0x1FC70]  }
0x30a: {  	v24 =	vadd.s32 v44, v7;
	v18 =	vld.idx.msk [tilespmem:v18+s2+$0x0], $0xffff  }
0x30b: {  	v19 =	vadd.s32 v44, v6;
	v11 =	vld.idx.msk [tilespmem:v11+s2+$0x0], $0xffff;
	[tilespmem:v21+s10+$0x0] =	vst.idx.msk $0xffff, v15  }
0x30c: {  	v12 =	vadd.s32 v48, v8;
	v14 =	vor.u32 s15, v49;
	[tilespmem:v23+s10+$0x0] =	vst.idx.msk $0xffff, v17;
	v20 =	vld.idx.msk [tilespmem:v20+s2+$0x0], $0xffff  }
0x30d: {  	v15 =	vadd.s32 v53, v1;
	v17 =	vor.u32 s17, v32;
	[tilespmem:v26+s10+$0x0] =	vst.idx.msk $0xffff, v16;
	v26 =	vld [tilespmem:$0x1FC80]  }
0x30e: {  	v21 =	vadd.s32 v33, v4;
	[tilespmem:v25+s10+$0x0] =	vst.idx.msk $0xffff, v22;
	v22 =	vor.u32 s19, v49;
	v13 =	vld.idx.msk [tilespmem:v13+s2+$0x0], $0xffff  }
0x30f: {  	v5 =	vadd.s32 v47, v8;
	v4 =	vmovc v8;
	v16 =	vadd.s32 v53, v2;
	v8 =	vld.idx.msk [tilespmem:v24+s2+$0x0], $0xffff;
	v23 =	vor.u32 s16, v0  }
0x310: {  	v24 =	vor.u32 s30, v0;
	[tilespmem:v9+s10+$0x0] =	vst.idx.msk $0xffff, v10;
	v9 =	vadd.s32 v45, v3;
	v10 =	vld.idx.msk [tilespmem:v19+s2+$0x0], $0xffff  }
0x311: {  	v19 =	vadd.s32 v45, v7;
	v25 =	vor.u32 s18, v0;
	v12 =	vld.idx.msk [tilespmem:v12+s2+$0x0], $0xffff;
	[tilespmem:v14+s10+$0x0] =	vst.idx.msk $0xffff, v11  }
0x312: {  	v11 =	vor.u32 s31, v28;
	v14 =	vadd.s32 v45, v6;
	v15 =	vld.idx.msk [tilespmem:v15+s2+$0x0], $0xffff;
	[tilespmem:v17+s10+$0x0] =	vst.idx.msk $0xffff, v18  }
0x313: {  	v18 =	vor.u32 s15, v55;
	[tilespmem:v22+s10+$0x0] =	vst.idx.msk $0xffff, v20;
	v21 =	vld.idx.msk [tilespmem:v21+s2+$0x0], $0xffff  }
0x314: {  	v17 =	vadd.s32 v44, v4;
	v20 =	vor.u32 s17, v50;
	[tilespmem:v23+s10+$0x0] =	vst.idx.msk $0xffff, v13;
	v16 =	vld.idx.msk [tilespmem:v16+s2+$0x0], $0xffff  }
0x315: {  	v13 =	vadd.s32 v31, v1;
	[tilespmem:v24+s10+$0x0] =	vst.idx.msk $0xffff, v8;
	v8 =	vld.idx.msk [tilespmem:v9+s2+$0x0], $0xffff;
	v9 =	vor.u32 s19, v55  }
0x316: {  	v22 =	vor.u32 s16, v26;
	[tilespmem:v25+s10+$0x0] =	vst.idx.msk $0xffff, v10;
	v10 =	vadd.s32 v31, v2;
	v19 =	vld.idx.msk [tilespmem:v19+s2+$0x0], $0xffff  }
0x317: {  	s17 =	smov.u32 s31;
	v23 =	vor.u32 s30, v26;
	[tilespmem:v11+s10+$0x0] =	vst.idx.msk $0xffff, v12;
	v11 =	vadd.s32 v46, v3;
	v12 =	vld.idx.msk [tilespmem:v14+s2+$0x0], $0xffff  }
0x318: {  	v24 =	vor.u32 s18, v26;
	v14 =	vadd.s32 v46, v7;
	[tilespmem:v18+s10+$0x0] =	vst.idx.msk $0xffff, v15;
	v15 =	vor.u32 s17, v0;
	v0 =	vld [tilespmem:$0x1FC90]  }
0x319: {  	v17 =	vld.idx.msk [tilespmem:v17+s2+$0x0], $0xffff;
	v18 =	vadd.s32 v46, v6;
	[tilespmem:v20+s10+$0x0] =	vst.idx.msk $0xffff, v21  }
0x31a: {  	v13 =	vld.idx.msk [tilespmem:v13+s2+$0x0], $0xffff;
	v20 =	vadd.s32 v45, v4;
	[tilespmem:v9+s10+$0x0] =	vst.idx.msk $0xffff, v16  }
0x31b: {  	v21 =	vor.u32 s15, v32;
	[tilespmem:v22+s10+$0x0] =	vst.idx.msk $0xffff, v8;
	v9 =	vld.idx.msk [tilespmem:v10+s2+$0x0], $0xffff  }
0x31c: {  	v8 =	vadd.s32 v33, v1;
	v1 =	vmov v7;
	[tilespmem:v23+s10+$0x0] =	vst.idx.msk $0xffff, v19;
	v10 =	vor.u32 s19, v32;
	v7 =	vld.idx.msk [tilespmem:v11+s2+$0x0], $0xffff  }
0x31d: {  	v11 =	vld.idx.msk [tilespmem:v14+s2+$0x0], $0xffff;
	[tilespmem:v24+s10+$0x0] =	vst.idx.msk $0xffff, v12;
	v14 =	vor.u32 s16, v0  }
0x31e: {  	v12 =	vadd.s32 v33, v2;
	v16 =	vor.u32 s30, v0;
	[tilespmem:v15+s10+$0x0] =	vst.idx.msk $0xffff, v17;
	v17 =	vld.idx.msk [tilespmem:v18+s2+$0x0], $0xffff  }
0x31f: {  	v15 =	vadd.s32 v47, v3;
	v19 =	vld.idx.msk [tilespmem:v20+s2+$0x0], $0xffff;
	v20 =	vor.u32 s18, v0  }
0x320: {  	v2 =	vmov v6;
	v18 =	vadd.s32 v47, v1;
	[tilespmem:v21+s10+$0x0] =	vst.idx.msk $0xffff, v13;
	v13 =	vor.u32 s17, v26  }
0x321: {  	s20 =	sadd.s32 $0x4, s20;
	v21 =	vadd.s32 v47, v2;
	[tilespmem:v10+s10+$0x0] =	vst.idx.msk $0xffff, v9  }
0x322: {  	p0 =	slt.u32 s20, $0x64;
	v23 =	vadd.s32 v46, v4;
	v24 =	vor.u32 s15, v50;
	v22 =	vld.idx.msk [tilespmem:v8+s2+$0x0], $0xffff;
	[tilespmem:v14+s10+$0x0] =	vst.idx.msk $0xffff, v7  }
.Ltmp5:
0x323: {  	v8 =	vadd.s32 v42, v1;
	v10 =	vadd.s32 v42, v2;
	v6 =	vld.idx.msk [tilespmem:v12+s2+$0x0], $0xffff;
	[tilespmem:v16+s10+$0x0] =	vst.idx.msk $0xffff, v11;
	(pc) =	sbr.rel @p0 .LBB2_4-.Ltmp5, $4  }
0x324: {  	s15 =	smov.u32 s30;
	v12 =	vadd.s32 v42, v3;
	v7 =	vor.u32 s19, v50;
	v11 =	vor.u32 s18, v27;
	v15 =	vld.idx.msk [tilespmem:v15+s2+$0x0], $0xffff;
	[tilespmem:v20+s10+$0x0] =	vst.idx.msk $0xffff, v17  }
0x325: {  	v14 =	vor.u32 s15, v27;
	v9 =	vld.idx.msk [tilespmem:v18+s2+$0x0], $0xffff;
	v18 =	vor.u32 s16, v43;
	v17 =	vor.u32 s15, v43;
	[tilespmem:v13+s10+$0x0] =	vst.idx.msk $0xffff, v19  }
0x326: {  	v20 =	vadd.s32 v62, v3;
	v19 =	vadd.s32 v62, v1;
	v13 =	vor.u32 s17, v43;
	v16 =	vld.idx.msk [tilespmem:v21+s2+$0x0], $0xffff  }
0x327: {  	s21 =	sadd.s32 $0x40, s21;
	s19 =	smov.u32 s18;
	v23 =	vld.idx.msk [tilespmem:v23+s2+$0x0], $0xffff;
	v21 =	vor.u32 s18, v43;
	[tilespmem:v24+s10+$0x0] =	vst.idx.msk $0xffff, v22;
	v24 =	vor.u32 s17, v0;
	v22 =	vadd.s32 v62, v2  }
0x328: {  	_ =	sdelay $0x3  }
0x329: {  	[tilespmem:v24+s10+$0x0] =	vst.idx.msk $0xffff, v23  }
0x32a: {  	v0 =	vld [tilespmem:$0x1FC20];
	_ =	sdelay $0x1  }
0x32b: {  	v5 =	vld.idx.msk [tilespmem:v5+s2+$0x0], $0xffff;
	[tilespmem:v18+s10+$0x0] =	vst.idx.msk $0xffff, v15  }
0x32c: {  	v15 =	vor.u32 s16, v27;
	v18 =	vld.idx.msk [tilespmem:v20+s2+$0x0], $0xffff;
	_ =	sdelay $0x1  }
0x32d: {  	[tilespmem:v17+s10+$0x0] =	vst.idx.msk $0xffff, v9;
	v63 =	vadd.s32 v0, v4  }
0x32e: {  	[tilespmem:v21+s10+$0x0] =	vst.idx.msk $0xffff, v16  }
0x32f: {  	[tilespmem:v13+s10+$0x0] =	vst.idx.msk $0xffff, v5;
	v13 =	vld.idx.msk [tilespmem:v19+s2+$0x0], $0xffff  }
0x330: {  	v19 =	vld [tilespmem:$0x1FD80];
	[tilespmem:v15+s10+$0x0] =	vst.idx.msk $0xffff, v18  }
0x331: {  	v20 =	vld [tilespmem:$0x1FCB0]  }
0x332: {  	v9 =	vor.u32 s17, v27;
	v5 =	vld.idx.msk [tilespmem:v63+s2+$0x0], $0xffff;
	_ =	sdelay $0x3  }
0x333: {  	v17 =	vld.idx.msk [tilespmem:v22+s2+$0x0], $0xffff;
	[tilespmem:v14+s10+$0x0] =	vst.idx.msk $0xffff, v13  }
0x334: {  	v12 =	vld.idx.msk [tilespmem:v12+s2+$0x0], $0xffff;
	v16 =	vadd.s32 v19, v4;
	v15 =	vor.u32 s16, v20;
	[tilespmem:v9+s10+$0x0] =	vst.idx.msk $0xffff, v5  }
0x335: {  	v21 =	vld [tilespmem:$0x1FCC0];
	_ =	sdelay $0x2  }
0x336: {  	v8 =	vld.idx.msk [tilespmem:v8+s2+$0x0], $0xffff;
	[tilespmem:v11+s10+$0x0] =	vst.idx.msk $0xffff, v17  }
0x337: {  	v13 =	vor.u32 s17, v20;
	v9 =	vld.idx.msk [tilespmem:v16+s2+$0x0], $0xffff;
	[tilespmem:v15+s10+$0x0] =	vst.idx.msk $0xffff, v12  }
0x338: {  	v11 =	vor.u32 s15, v20;
	v22 =	vld [tilespmem:$0x1FCD0];
	v5 =	vadd.s32 v21, v3;
	_ =	sdelay $0x3  }
0x339: {  	v16 =	vor.u32 s19, v20;
	v10 =	vld.idx.msk [tilespmem:v10+s2+$0x0], $0xffff;
	[tilespmem:v13+s10+$0x0] =	vst.idx.msk $0xffff, v9  }
0x33a: {  	v14 =	vadd.s32 v21, v4;
	[tilespmem:v11+s10+$0x0] =	vst.idx.msk $0xffff, v8;
	v12 =	vor.u32 s16, v22;
	v5 =	vld.idx.msk [tilespmem:v5+s2+$0x0], $0xffff  }
0x33b: {  	v23 =	vld [tilespmem:$0x1FCE0]  }
0x33c: {  	v17 =	vadd.s32 v21, v1;
	_ =	sdelay $0x1  }
0x33d: {  	[tilespmem:v16+s10+$0x0] =	vst.idx.msk $0xffff, v10  }
0x33e: {  	v18 =	vadd.s32 v21, v2;
	v9 =	vld.idx.msk [tilespmem:v14+s2+$0x0], $0xffff;
	[tilespmem:v12+s10+$0x0] =	vst.idx.msk $0xffff, v5  }
0x33f: {  	v11 =	vor.u32 s17, v22;
	v8 =	vadd.s32 v23, v3;
	v0 =	vld [tilespmem:$0x1FCA0]  }
0x340: {  	v13 =	vor.u32 s15, v22;
	v10 =	vld.idx.msk [tilespmem:v17+s2+$0x0], $0xffff;
	v14 =	vadd.s32 v23, v4;
	_ =	sdelay $0x2  }
0x341: {  	v16 =	vor.u32 s19, v22;
	v15 =	vld.idx.msk [tilespmem:v18+s2+$0x0], $0xffff;
	v17 =	vadd.s32 v23, v1  }
0x342: {  	v18 =	vadd.s32 v23, v2;
	v5 =	vld.idx.msk [tilespmem:v8+s2+$0x0], $0xffff;
	[tilespmem:v11+s10+$0x0] =	vst.idx.msk $0xffff, v9;
	v8 =	vor.u32 s16, v0  }
0x343: {  	v9 =	vadd.s32 v56, v3;
	[tilespmem:v13+s10+$0x0] =	vst.idx.msk $0xffff, v10;
	v10 =	vld.idx.msk [tilespmem:v14+s2+$0x0], $0xffff;
	v11 =	vor.u32 s17, v0  }
0x344: {  	v13 =	vadd.s32 v56, v4;
	_ =	sdelay $0x1  }
0x345: {  	[tilespmem:v16+s10+$0x0] =	vst.idx.msk $0xffff, v15;
	v12 =	vld.idx.msk [tilespmem:v17+s2+$0x0], $0xffff;
	v14 =	vor.u32 s15, v0  }
0x346: {  	v15 =	vld.idx.msk [tilespmem:v18+s2+$0x0], $0xffff;
	v17 =	vadd.s32 v56, v1;
	v16 =	vor.u32 s19, v0;
	[tilespmem:v8+s10+$0x0] =	vst.idx.msk $0xffff, v5  }
0x347: {  	v18 =	vadd.s32 v56, v2;
	v8 =	vor.u32 s16, v57;
	[tilespmem:v11+s10+$0x0] =	vst.idx.msk $0xffff, v10;
	v5 =	vld.idx.msk [tilespmem:v9+s2+$0x0], $0xffff  }
0x348: {  	v11 =	vor.u32 s17, v57;
	v9 =	vadd.s32 v60, v3;
	v10 =	vld.idx.msk [tilespmem:v13+s2+$0x0], $0xffff  }
0x349: {  	v13 =	vadd.s32 v60, v4  }
0x34a: {  	[tilespmem:v14+s10+$0x0] =	vst.idx.msk $0xffff, v12  }
0x34b: {  	[tilespmem:v16+s10+$0x0] =	vst.idx.msk $0xffff, v15;
	v14 =	vor.u32 s15, v57;
	v12 =	vld.idx.msk [tilespmem:v17+s2+$0x0], $0xffff  }
0x34c: {  	v16 =	vor.u32 s19, v57;
	v15 =	vld.idx.msk [tilespmem:v18+s2+$0x0], $0xffff;
	v17 =	vadd.s32 v60, v1;
	[tilespmem:v8+s10+$0x0] =	vst.idx.msk $0xffff, v5  }
0x34d: {  	v18 =	vadd.s32 v60, v2;
	v8 =	vor.u32 s16, v59;
	[tilespmem:v11+s10+$0x0] =	vst.idx.msk $0xffff, v10;
	v5 =	vld.idx.msk [tilespmem:v9+s2+$0x0], $0xffff  }
0x34e: {  	v11 =	vor.u32 s17, v59;
	v9 =	vadd.s32 v58, v3;
	v10 =	vld.idx.msk [tilespmem:v13+s2+$0x0], $0xffff;
	_ =	sdelay $0x1  }
0x34f: {  	[tilespmem:v14+s10+$0x0] =	vst.idx.msk $0xffff, v12  }
0x350: {  	[tilespmem:v16+s10+$0x0] =	vst.idx.msk $0xffff, v15;
	v14 =	vor.u32 s15, v59;
	v12 =	vld.idx.msk [tilespmem:v17+s2+$0x0], $0xffff  }
0x351: {  	v16 =	vor.u32 s19, v59;
	v13 =	vadd.s32 v58, v4;
	v15 =	vld.idx.msk [tilespmem:v18+s2+$0x0], $0xffff;
	[tilespmem:v8+s10+$0x0] =	vst.idx.msk $0xffff, v5  }
0x352: {  	v8 =	vor.u32 s16, v61;
	[tilespmem:v11+s10+$0x0] =	vst.idx.msk $0xffff, v10;
	v5 =	vld.idx.msk [tilespmem:v9+s2+$0x0], $0xffff  }
0x353: {  	v32 =	vld [tilespmem:$0x1FDC0];
	_ =	sdelay $0x1  }
0x354: {  	v17 =	vadd.s32 v58, v1;
	[tilespmem:v14+s10+$0x0] =	vst.idx.msk $0xffff, v12  }
0x355: {  	v18 =	vadd.s32 v58, v2;
	v11 =	vor.u32 s17, v61;
	v10 =	vld.idx.msk [tilespmem:v13+s2+$0x0], $0xffff;
	[tilespmem:v16+s10+$0x0] =	vst.idx.msk $0xffff, v15  }
0x356: {  	[tilespmem:v8+s10+$0x0] =	vst.idx.msk $0xffff, v5  }
0x357: {  	v9 =	vadd.s32 v32, v3;
	v42 =	vld [tilespmem:$0x1FDB0];
	_ =	sdelay $0x1  }
0x358: {  	v12 =	vld.idx.msk [tilespmem:v17+s2+$0x0], $0xffff  }
0x359: {  	v14 =	vor.u32 s15, v61;
	v16 =	vld.idx.msk [tilespmem:v18+s2+$0x0], $0xffff;
	[tilespmem:v11+s10+$0x0] =	vst.idx.msk $0xffff, v10  }
0x35a: {  	v17 =	vor.u32 s19, v61;
	v24 =	vld [tilespmem:$0x1FD90]  }
0x35b: {  	v13 =	vadd.s32 v32, v4;
	v5 =	vld.idx.msk [tilespmem:v9+s2+$0x0], $0xffff;
	v8 =	vor.u32 s16, v42;
	_ =	sdelay $0x2  }
0x35c: {  	v15 =	vadd.s32 v32, v1;
	[tilespmem:v14+s10+$0x0] =	vst.idx.msk $0xffff, v12  }
0x35d: {  	v18 =	vadd.s32 v32, v2;
	[tilespmem:v17+s10+$0x0] =	vst.idx.msk $0xffff, v16  }
0x35e: {  	v10 =	vld.idx.msk [tilespmem:v13+s2+$0x0], $0xffff;
	v11 =	vor.u32 s17, v42;
	v9 =	vadd.s32 v24, v3;
	[tilespmem:v8+s10+$0x0] =	vst.idx.msk $0xffff, v5  }
0x35f: {  	v38 =	vld [tilespmem:$0x1FDA0];
	_ =	sdelay $0x1  }
0x360: {  	v12 =	vld.idx.msk [tilespmem:v15+s2+$0x0], $0xffff  }
0x361: {  	v16 =	vld.idx.msk [tilespmem:v18+s2+$0x0], $0xffff;
	v14 =	vor.u32 s15, v42  }
0x362: {  	v17 =	vor.u32 s19, v42;
	v5 =	vld.idx.msk [tilespmem:v9+s2+$0x0], $0xffff;
	[tilespmem:v11+s10+$0x0] =	vst.idx.msk $0xffff, v10  }
0x363: {  	v13 =	vadd.s32 v24, v4;
	v51 =	vld [tilespmem:$0x1FD60];
	v8 =	vor.u32 s16, v38;
	_ =	sdelay $0x2  }
0x364: {  	v15 =	vadd.s32 v24, v1;
	[tilespmem:v14+s10+$0x0] =	vst.idx.msk $0xffff, v12  }
0x365: {  	v18 =	vadd.s32 v24, v2;
	[tilespmem:v17+s10+$0x0] =	vst.idx.msk $0xffff, v16  }
0x366: {  	v10 =	vld.idx.msk [tilespmem:v13+s2+$0x0], $0xffff;
	v11 =	vor.u32 s17, v38;
	v9 =	vadd.s32 v51, v3;
	[tilespmem:v8+s10+$0x0] =	vst.idx.msk $0xffff, v5  }
0x367: {  	v53 =	vld [tilespmem:$0x1FD70];
	_ =	sdelay $0x1  }
0x368: {  	v12 =	vld.idx.msk [tilespmem:v15+s2+$0x0], $0xffff  }
0x369: {  	v16 =	vld.idx.msk [tilespmem:v18+s2+$0x0], $0xffff;
	v13 =	vor.u32 s15, v38  }
0x36a: {  	v17 =	vor.u32 s19, v38;
	v5 =	vld.idx.msk [tilespmem:v9+s2+$0x0], $0xffff;
	[tilespmem:v11+s10+$0x0] =	vst.idx.msk $0xffff, v10  }
0x36b: {  	v14 =	vadd.s32 v51, v4;
	v26 =	vld [tilespmem:$0x1FD30];
	v8 =	vor.u32 s16, v53;
	_ =	sdelay $0x2  }
0x36c: {  	v15 =	vadd.s32 v51, v1;
	[tilespmem:v13+s10+$0x0] =	vst.idx.msk $0xffff, v12  }
0x36d: {  	v18 =	vadd.s32 v51, v2;
	[tilespmem:v17+s10+$0x0] =	vst.idx.msk $0xffff, v16  }
0x36e: {  	v10 =	vld.idx.msk [tilespmem:v14+s2+$0x0], $0xffff;
	v11 =	vor.u32 s17, v53;
	v9 =	vadd.s32 v26, v3;
	[tilespmem:v8+s10+$0x0] =	vst.idx.msk $0xffff, v5  }
0x36f: {  	v42 =	vld [tilespmem:$0x1FD20];
	_ =	sdelay $0x1  }
0x370: {  	v13 =	vld.idx.msk [tilespmem:v15+s2+$0x0], $0xffff  }
0x371: {  	v16 =	vld.idx.msk [tilespmem:v18+s2+$0x0], $0xffff;
	v14 =	vor.u32 s15, v53  }
0x372: {  	v17 =	vor.u32 s19, v53;
	v5 =	vld.idx.msk [tilespmem:v9+s2+$0x0], $0xffff;
	[tilespmem:v11+s10+$0x0] =	vst.idx.msk $0xffff, v10  }
0x373: {  	v12 =	vadd.s32 v26, v4;
	v28 =	vld [tilespmem:$0x1FD40];
	v8 =	vor.u32 s16, v42;
	_ =	sdelay $0x2  }
0x374: {  	v15 =	vadd.s32 v26, v1;
	[tilespmem:v14+s10+$0x0] =	vst.idx.msk $0xffff, v13  }
0x375: {  	v18 =	vadd.s32 v26, v2;
	[tilespmem:v17+s10+$0x0] =	vst.idx.msk $0xffff, v16  }
0x376: {  	v10 =	vld.idx.msk [tilespmem:v12+s2+$0x0], $0xffff;
	v11 =	vor.u32 s17, v42;
	v9 =	vadd.s32 v28, v3;
	[tilespmem:v8+s10+$0x0] =	vst.idx.msk $0xffff, v5  }
0x377: {  	v27 =	vld [tilespmem:$0x1FD50]  }
0x378: {  	v12 =	vadd.s32 v28, v4  }
0x379: {  	v13 =	vld.idx.msk [tilespmem:v15+s2+$0x0], $0xffff  }
0x37a: {  	v16 =	vld.idx.msk [tilespmem:v18+s2+$0x0], $0xffff;
	v14 =	vor.u32 s15, v42  }
0x37b: {  	v17 =	vor.u32 s19, v42;
	v5 =	vld.idx.msk [tilespmem:v9+s2+$0x0], $0xffff;
	[tilespmem:v11+s10+$0x0] =	vst.idx.msk $0xffff, v10  }
0x37c: {  	v15 =	vadd.s32 v28, v1;
	v31 =	vld [tilespmem:$0x1FC40];
	v8 =	vor.u32 s16, v27  }
0x37d: {  	v10 =	vld.idx.msk [tilespmem:v12+s2+$0x0], $0xffff;
	v11 =	vor.u32 s17, v27;
	_ =	sdelay $0x1  }
0x37e: {  	v18 =	vadd.s32 v28, v2;
	[tilespmem:v14+s10+$0x0] =	vst.idx.msk $0xffff, v13  }
0x37f: {  	[tilespmem:v17+s10+$0x0] =	vst.idx.msk $0xffff, v16  }
0x380: {  	v13 =	vld.idx.msk [tilespmem:v15+s2+$0x0], $0xffff;
	[tilespmem:v8+s10+$0x0] =	vst.idx.msk $0xffff, v5  }
0x381: {  	v9 =	vadd.s32 v31, v3;
	v52 =	vld [tilespmem:$0x1FE50];
	[tilespmem:v11+s10+$0x0] =	vst.idx.msk $0xffff, v10  }
0x382: {  	v14 =	vor.u32 s15, v27;
	v12 =	vadd.s32 v31, v4;
	v55 =	vld [tilespmem:$0x1FE60]  }
0x383: {  	v16 =	vld.idx.msk [tilespmem:v18+s2+$0x0], $0xffff;
	v17 =	vor.u32 s19, v27;
	v15 =	vadd.s32 v31, v1  }
0x384: {  	v18 =	vadd.s32 v31, v2;
	_ =	sdelay $0x1  }
0x385: {  	v5 =	vld.idx.msk [tilespmem:v9+s2+$0x0], $0xffff;
	v8 =	vor.u32 s16, v52  }
0x386: {  	v9 =	vld.idx.msk [tilespmem:v12+s2+$0x0], $0xffff;
	[tilespmem:v14+s10+$0x0] =	vst.idx.msk $0xffff, v13;
	v10 =	vor.u32 s17, v52;
	v3 =	vadd.s32 v55, v3  }
0x387: {  	[tilespmem:v17+s10+$0x0] =	vst.idx.msk $0xffff, v16;
	v11 =	vld.idx.msk [tilespmem:v15+s2+$0x0], $0xffff;
	v12 =	vor.u32 s15, v52;
	v4 =	vadd.s32 v55, v4  }
0x388: {  	v13 =	vld.idx.msk [tilespmem:v18+s2+$0x0], $0xffff;
	v14 =	vor.u32 s19, v52;
	v1 =	vadd.s32 v55, v1  }
0x389: {  	v2 =	vadd.s32 v55, v2  }
0x38a: {  	[tilespmem:v8+s10+$0x0] =	vst.idx.msk $0xffff, v5  }
0x38b: {  	v5 =	vor.u32 s16, v50;
	[tilespmem:v10+s10+$0x0] =	vst.idx.msk $0xffff, v9;
	v3 =	vld.idx.msk [tilespmem:v3+s2+$0x0], $0xffff  }
0x38c: {  	v8 =	vor.u32 s17, v50;
	[tilespmem:v12+s10+$0x0] =	vst.idx.msk $0xffff, v11;
	v4 =	vld.idx.msk [tilespmem:v4+s2+$0x0], $0xffff  }
0x38d: {  	v9 =	vor.u32 s15, v50;
	[tilespmem:v14+s10+$0x0] =	vst.idx.msk $0xffff, v13;
	v1 =	vld.idx.msk [tilespmem:v1+s2+$0x0], $0xffff  }
0x38e: {  	v10 =	vor.u32 s19, v50;
	v2 =	vld.idx.msk [tilespmem:v2+s2+$0x0], $0xffff  }
0x38f: {  	[tilespmem:v7+s10+$0x0] =	vst.idx.msk $0xffff, v6  }
0x390: {  	[tilespmem:v5+s10+$0x0] =	vst.idx.msk $0xffff, v3  }
0x391: {  	[tilespmem:v8+s10+$0x0] =	vst.idx.msk $0xffff, v4  }
0x392: {  	[tilespmem:v9+s10+$0x0] =	vst.idx.msk $0xffff, v1  }
0x393: {  	[tilespmem:v10+s10+$0x0] =	vst.idx.msk $0xffff, v2  }
0x394: {  	v8 =	vld [tilespmem:$0x1FE70]  }
0x395: {  	v16 =	vld [tilespmem:$0x1FE80]  }
0x396: {  	v11 =	vld [tilespmem:$0x1FE90]  }
0x397: {  	v63 =	vld [tilespmem:$0x1FEA0]  }
0x398: {  	v6 =	vld [tilespmem:$0x1FEC0]  }
0x399: {  	v10 =	vld [tilespmem:$0x1FEB0]  }
0x39a: {  	v25 =	vld [tilespmem:$0x1FDD0]  }
0x39b: {  	v26 =	vld [tilespmem:$0x1FDE0]  }
0x39c: {  	v27 =	vld [tilespmem:$0x1FDF0]  }
0x39d: {  	v31 =	vld [tilespmem:$0x1FE00]  }
0x39e: {  	v32 =	vld [tilespmem:$0x1FE10]  }
0x39f: {  	v62 =	vld [tilespmem:$0x1FE20]  }
0x3a0: {  	v52 =	vld [tilespmem:$0x1FE30]  }
0x3a1: {  	v38 =	vld [tilespmem:$0x1FE40]  }
0x3a2: {  	v13 =	vld [tilespmem:$0x1FCF0]  }
0x3a3: {  	v14 =	vld [tilespmem:$0x1FD00]  }
.Ltmp6:
0x3a4: {  	v33 =	vmov v44;
	v44 =	vld [tilespmem:$0x1FD10];
	(pc) =	sbr.rel .LBB2_6-.Ltmp6, $4  }
0x3a5: {  	s14 =	smul.u32 $0x1A00, s14;
	v1 =	vld [tilespmem:$0x1FC60]  }
0x3a6: {  	v2 =	vld [tilespmem:$0x1FC70]  }
0x3a7: {  	v54 =	vmovc v30;
	v49 =	vmovc v39;
	v39 =	vmov v48;
	s14 =	sadd.s32 s4, s14;
	v30 =	vmov v51;
	v17 =	vmov v23;
	v3 =	vld [tilespmem:$0x1FC80]  }
0x3a8: {  	v18 =	vmovc v21;
	v15 =	vmovc v22;
	v5 =	vmov v45;
	v45 =	vmov v47;
	v9 =	vmov v20;
	[hbm4b:s14+s2] =	stream.linear.scatter [tilespmem:s10], [sflag:$0x2], $0xD000, $0x38;
	v4 =	vld [tilespmem:$0x1FC90]  }
.LBB2_8:
0x3a9: {  	_ =	sfence.sel $0x180000  }
0x3aa: {  	[bflag:$0x0] =	sbarrier.arrive $0xFFFF  }
0x3ab: {  	p0 =	sne.s32 s3, $0x0;
	_ =	strace $0x90000047  }
0x3ac: {  	s0 =	sadd.s32 @!p0 $0x100000, s1;
	[bflag:$0x2] =	sbarrier.arrive $0xFFFF  }
0x3ad: {  	[sflag:s0] =	ssyncadd.tile.s32 @!p0 $0x1;
	_ =	shalt  }
.Lfunc_end2:
_tile_overlayer_lowered:
.L_overlay_start_2:
0x3ae: {  	(tag) =	ssettag $0x2  }
0x3af: {  	s0 =	rddreg [dreg:$0x0];
	s2 =	stileid.u32  }
0x3b0: {  	s1 =	rddreg [dreg:$0x1];
	p0 =	sne.s32 s2, $0x0  }
0x3b1: {  	s3 =	rddreg [dreg:$0x2];
	[bflag:$0x3] =	sbarrier.arrive $0xFFFF;
	s2 =	simm.s32 @!p0 $0x1C03  }
0x3b2: {  	[timem:s3], [sflag:s2] =	dma.local @!p0 [hbm:s0], s1  }
0x3b3: {  	s0 =	simm.s32 @!p0 $0x3  }
0x3b4: {  	_ =	swait.ge @!p0 [sflag:s0], s1  }
0x3b5: {  	s1 =	ssub.s32 @!p0 $0x0, s1;
	[sflag:s0] =	ssyncset.done @!p0 $0x0  }
0x3b6: {  	[sflag:s0] =	ssyncadd.s32 @!p0 s1  }
0x3b7: {  	[bflag:$0x3] =	sbarrier.arrive $0xFFFF  }
0x3b8: {  	_ =	shalt  }

// kernel: kernel.8.cloned.1.call-start
scs
__scs_entry_jumppad:
0x0: {  	(pc) =	sbr.rel $0x88, $3  }
0x1: {  	(tag) =	ssettag $0x0;
	lr =	simm.s32 $0x1  }
0x2: {  	[smem:$0x3F9E] =	sst lr;
	_ =	strace $0xD0000000  }
0x3: {  	_ = 	snop  }
0x4: {  	_ = 	snop  }
0x5: {  	_ = 	snop  }
0x6: {  	_ = 	snop  }
0x7: {  	_ = 	snop  }
__scs_overlays_trampoline_lowered:
0x8: {  	[smem:$0x3FAD] =	sst s0  }
0x9: {  	[smem:$0x3FAE] =	sst s1  }
0xa: {  	[smem:$0x3FAF] =	sst s2  }
0xb: {  	[smem:$0x3FB0] =	sst s3  }
0xc: {  	[smem:$0x3FB1] =	sst s4  }
0xd: {  	[smem:$0x3FB2] =	sst s5  }
0xe: {  	[smem:$0x3FB3] =	sst s6  }
0xf: {  	[smem:$0x3FB4] =	sst s7  }
0x10: {  	[smem:$0x3FB5] =	sst s8  }
0x11: {  	[smem:$0x3FB6] =	sst s9;
	s0 =	simm.s32 @!p0 $0x0  }
0x12: {  	s1 =	sld [smem:$0x3F9C];
	s0 =	simm.s32 @p0 $0x1  }
0x13: {  	[smem:$0x3FB7] =	sst s0;
	s0 =	simm.s32 @!p1 $0x0  }
0x14: {  	s2 =	sld [smem:$0x3F9B];
	s0 =	simm.s32 @p1 $0x1  }
0x15: {  	[smem:$0x3FB8] =	sst s0;
	s0 =	simm.s32 @!p2 $0x0  }
0x16: {  	s3 =	sld [smem:$0x3FDB];
	s0 =	simm.s32 @p2 $0x1  }
0x17: {  	s4 =	simm.s32 $0x1BF5;
	[smem:$0x3FBA] =	sst s0  }
0x18: {  	s0 =	sld [smem:$0x3F9D];
	_ =	swait.ge [sflag:s4], $0x0  }
0x19: {  	s7 =	sld [smem:$0x3F9E]  }
0x1a: {  	s8 =	sadd.s32 $0xFFFFE003, lr  }
0x1b: {  	s9 =	sadd.s32 $0xFFFFFEF7, lr;
	s5 =	simm.s32 $0xFFFFFFFF;
	p2 =	slt.u32 s8, $0xFFFFF086  }
0x1c: {  	p1 =	slt.u32 s9, $0xF7A;
	s5 =	simm.s32 @!p2 $0x0  }
0x1d: {  	s5 =	simm.s32 @p1 $0x1;
	p0 =	seq.s32 s7, s2  }
0x1e: {  	s7 =	smul.u32 @!p0 $0xF7A, s2;
	p2 =	seq.s32 @!p0 s5, $0x0  }
0x1f: {  	s9 =	smul.u32 $0xF7A, s1;
	s8 =	simm.s32 @!p0 $0x1BF5;
	p2 =	por !p2, p0  }
0x20: {  	[sflag:s8] =	ssyncset.s32 @!p0 $0xFFFFF086;
	s6 =	sadd.s32 @!p0 s3, s7;
	s7 =	simm.s32 @!p0 $0x108  }
0x21: {  	s3 =	sadd.s32 s3, s9;
	s6 =	sadd.s32 @!p0 $0x88, s6;
	s7 =	simm.s32 @p2 $0x1082  }
0x22: {  	[simem:s7], [sflag:s8] =	dma.local @!p0 [hbm:s6], $0xF7A  }
0x23: {  	s9 =	sor.u32 $0xD0000000, s2;
	s6 =	simm.s32 $0x108;
	_ =	swait.ge @!p0 [sflag:s8], $0x0  }
0x24: {  	s3 =	sadd.s32 $0x88, s3;
	s6 =	simm.s32 @!p1 $0x1082;
	[sflag:s4] =	ssyncset.s32 $0xFFFFF086  }
0x25: {  	[simem:s6], [sflag:s4] =	dma.local [hbm:s3], $0xF7A  }
0x26: {  	[smem:$0x3F9E] =	sst s1;
	(tag) =	ssettag s2;
	_ =	strace s9  }
0x27: {  	s1 =	sld [smem:$0x3FAE]  }
0x28: {  	s2 =	sld [smem:$0x3FAF]  }
0x29: {  	s4 =	sld [smem:$0x3FB1]  }
0x2a: {  	p0 =	seq.s32 s5, $0x0;
	s5 =	sld [smem:$0x3FB2]  }
0x2b: {  	s6 =	sld [smem:$0x3FB3]  }
0x2c: {  	s7 =	sld [smem:$0x3FB4]  }
0x2d: {  	s3 =	simm.s32 $0x108;
	s8 =	sld [smem:$0x3FB5]  }
0x2e: {  	s3 =	simm.s32 @!p0 $0x1082;
	s9 =	sld [smem:$0x3FB6]  }
0x2f: {  	lr =	sadd.s32 s0, s3;
	s0 =	sld [smem:$0x3FAD]  }
0x30: {  	s3 =	sld [smem:$0x3FB0]  }
0x31: {  	[smem:$0x3FB9] =	sst s10  }
0x32: {  	s10 =	sld [smem:$0x3FB7];
	_ =	sdelay $0x3  }
0x33: {  	p0 =	seq.s32 s10, $0x1;
	s10 =	sld [smem:$0x3FB9];
	_ =	sdelay $0x3  }
0x34: {  	[smem:$0x3FB9] =	sst s10  }
0x35: {  	s10 =	sld [smem:$0x3FB8];
	_ =	sdelay $0x3  }
0x36: {  	p1 =	seq.s32 s10, $0x1;
	s10 =	sld [smem:$0x3FB9];
	_ =	sdelay $0x3  }
0x37: {  	[smem:$0x3FB9] =	sst s10  }
0x38: {  	s10 =	sld [smem:$0x3FBA]  }
0x39: {  	_ = 	snop;
	(pc) =	sbr.ind lr, $3  }
0x3a: {  	_ = 	snop  }
0x3b: {  	_ = 	snop  }
0x3c: {  	p2 =	seq.s32 s10, $0x1;
	s10 =	sld [smem:$0x3FB9]  }
0x3d: {  	_ =	shalt  }
0x3e: {  	_ =	shalt  }
0x3f: {  	_ =	shalt  }
0x40: {  	_ =	shalt  }
0x41: {  	_ =	shalt  }
0x42: {  	_ =	shalt  }
0x43: {  	_ =	shalt  }
0x44: {  	_ =	shalt  }
0x45: {  	_ =	shalt  }
0x46: {  	_ =	shalt  }
0x47: {  	_ =	shalt  }
0x48: {  	_ =	shalt  }
0x49: {  	_ =	shalt  }
0x4a: {  	_ =	shalt  }
0x4b: {  	_ =	shalt  }
0x4c: {  	_ =	shalt  }
0x4d: {  	_ =	shalt  }
0x4e: {  	_ =	shalt  }
0x4f: {  	_ =	shalt  }
0x50: {  	_ =	shalt  }
0x51: {  	_ =	shalt  }
0x52: {  	_ =	shalt  }
0x53: {  	_ =	shalt  }
0x54: {  	_ =	shalt  }
0x55: {  	_ =	shalt  }
0x56: {  	_ =	shalt  }
0x57: {  	_ =	shalt  }
0x58: {  	_ =	shalt  }
0x59: {  	_ =	shalt  }
0x5a: {  	_ =	shalt  }
0x5b: {  	_ =	shalt  }
0x5c: {  	_ =	shalt  }
0x5d: {  	_ =	shalt  }
0x5e: {  	_ =	shalt  }
0x5f: {  	_ =	shalt  }
0x60: {  	_ =	shalt  }
0x61: {  	_ =	shalt  }
0x62: {  	_ =	shalt  }
0x63: {  	_ =	shalt  }
0x64: {  	_ =	shalt  }
0x65: {  	_ =	shalt  }
0x66: {  	_ =	shalt  }
0x67: {  	_ =	shalt  }
0x68: {  	_ =	shalt  }
0x69: {  	_ =	shalt  }
0x6a: {  	_ =	shalt  }
0x6b: {  	_ =	shalt  }
0x6c: {  	_ =	shalt  }
0x6d: {  	_ =	shalt  }
0x6e: {  	_ =	shalt  }
0x6f: {  	_ =	shalt  }
0x70: {  	_ =	shalt  }
0x71: {  	_ =	shalt  }
0x72: {  	_ =	shalt  }
0x73: {  	_ =	shalt  }
0x74: {  	_ =	shalt  }
0x75: {  	_ =	shalt  }
0x76: {  	_ =	shalt  }
0x77: {  	_ =	shalt  }
0x78: {  	_ =	shalt  }
0x79: {  	_ =	shalt  }
0x7a: {  	_ =	shalt  }
0x7b: {  	_ =	shalt  }
0x7c: {  	_ =	shalt  }
0x7d: {  	_ =	shalt  }
0x7e: {  	_ =	shalt  }
0x7f: {  	_ =	shalt  }
0x80: {  	_ =	shalt  }
0x81: {  	_ =	shalt  }
0x82: {  	_ =	shalt  }
0x83: {  	_ =	shalt  }
0x84: {  	_ =	shalt  }
0x85: {  	_ =	shalt  }
0x86: {  	_ =	shalt  }
0x87: {  	_ =	shalt  }
.Lfunc_end0:
.L_simem_size_0:
called_computation.1_lowered:
.L_overlay_start_0:
0x88: {  	s2 =	sld [smem:$0x3FD9]  }
0x89: {  	s3 =	sld [smem:$0x3FFE];
	_ =	sdelay $0x1  }
0x8a: {  	s1 =	srdreg.scid  }
0x8b: {  	s0 =	sand.u32 $0x1, s1  }
0x8c: {  	s17 =	sshll.u32 s0, $0xA;
	s2 =	sadd.s32 s3, s2  }
0x8d: {  	s2 =	sadd.s32 s2, s17  }
0x8e: {  	[smem:$0x3FC5] =	sst s2  }
0x8f: {  	_ = 	snop  }
0x90: {  	s2 =	sld [smem:$0x3FC9]  }
0x91: {  	s18 =	sld [smem:$0x3FC8]  }
0x92: {  	s4 =	sld [smem:$0x3FD0];
	(tm) =	ssettm $0x1  }
0x93: {  	s5 =	sld [smem:$0x3FFB];
	_ =	sdelay $0x3  }
0x94: {  	_ =	strace s5  }
0x95: {  	s5 =	sld [smem:$0x3FFC];
	_ =	sdelay $0x3  }
0x96: {  	_ =	strace s5  }
0x97: {  	s5 =	sld [smem:$0x3FFD];
	_ =	sdelay $0x3  }
0x98: {  	_ =	strace s5  }
0x99: {  	_ =	strace $0x8FFFFFFF  }
0x9a: {  	s19 =	sld [smem:$0x3FDB];
	_ =	sdelay $0x1  }
0x9b: {  	s6 =	simm.s32 $_scs_section_size  }
0x9c: {  	s7 =	simm.s32 $_size__tile_overlayer_lowered;
	s8 =	simm.s32 $_tile_overlayer_lowered  }
0x9d: {  	s22 =	simm.s32 $0x1BFF;
	s21 =	sshll.u32 s8, $0x1;
	s5 =	sadd.s32 s6, s19  }
0x9e: {  	s9 =	simm.s32 $0x0;
	s20 =	sshll.u32 s7, $0x1;
	s7 =	sadd.s32 s21, s5  }
0x9f: {  	[timem:s9], [sflag:s22] =	dma.local [hbm:s7], s20  }
0xa0: {  	_ =	swait.ge [sflag:s22], s20  }
0xa1: {  	s6 =	ssub.s32 $0x0, s20;
	[sflag:s22] =	ssyncset.done $0x0  }
0xa2: {  	[sflag:s22] =	ssyncadd.s32 s6;
	_ =	sdelay $0x1  }
0xa3: {  	s23 =	simm.s32 $0x1B8B  }
0xa4: {  	_ =	swait.ge [sflag:s23], $0x1  }
0xa5: {  	[sflag:s23] =	ssyncset.done $0x0  }
0xa6: {  	s25 =	simm.s32 $0x1B8E;
	s24 =	sld [smem:$0x3FFE];
	[sflag:s23] =	ssyncadd.s32 $0xFFFFFFFF  }
0xa7: {  	s26 =	simm.s32 $execute0_lowered;
	[smem:$0x3FD2] =	sst s25  }
0xa8: {  	s7 =	sshll.u32 s26, $0x1;
	_ =	strace $0x80000049;
	[dreg:$0x1] =	wrdreg $0xFFFFFFFF  }
0xa9: {  	s28 =	simm.s32 $_size_execute0_lowered;
	s5 =	sadd.s32 s5, s7;
	[dreg:$0x0] =	wrdreg $0x0  }
0xaa: {  	s7 =	sshll.u32 s28, $0x1;
	[dreg:$0x2] =	wrdreg s5  }
0xab: {  	[dreg:$0x3] =	wrdreg s7  }
0xac: {  	[dreg:$0x4] =	wrdreg $0xC0  }
0xad: {  	_ =	task [dreg:s9], $0x5FFFF  }
0xae: {  	[dreg:$0x1] =	wrdreg $0xFFFFFFFF  }
0xaf: {  	[dreg:$0x0] =	wrdreg $0x60  }
0xb0: {  	[dreg:$0x2] =	wrdreg s2  }
0xb1: {  	[dreg:$0x3] =	wrdreg s18  }
0xb2: {  	[dreg:$0x4] =	wrdreg s24  }
0xb3: {  	[dreg:$0x5] =	wrdreg s4  }
0xb4: {  	[dreg:$0x6] =	wrdreg $0x0  }
0xb5: {  	[dreg:$0x7] =	wrdreg $0xD0000  }
0xb6: {  	[dreg:$0x8] =	wrdreg $0x9  }
0xb7: {  	_ =	task.clear_ibuf [dreg:s9], $0x9FFFF;
	_ =	strace $0x90000049  }
0xb8: {  	s29 =	simm.s32 $0x9;
	_ =	strace $0x8000004B  }
0xb9: {  	_ =	swait.ge [sflag:s29], $0x1  }
0xba: {  	[sflag:s29] =	ssyncadd.s32 $0xFFFFFFFF  }
0xbb: {  	_ =	strace $0x9000004B  }
0xbc: {  	_ =	sfence  }
0xbd: {  	s30 =	sld [smem:$0x0];
	_ =	sdelay $0x2  }
0xbe: {  	s31 =	sshll.u32 s1, $0xD;
	s1 =	sshrl.u32 s1, $0x2  }
0xbf: {  	s3 =	sand.u32 $0x4000, s31;
	s1 =	sadd.s32 s1, s30  }
0xc0: {  	s0 =	sor.u32 s3, s0;
	s1 =	sshll.u32 s1, $0x11  }
0xc1: {  	s0 =	sor.u32 s1, s0  }
0xc2: {  	s0 =	sadd.s32 $0x8F2B, s0  }
0xc3: {  	[sflag:s0] =	ssyncadd.remote.s32 $0x1  }
0xc4: {  	_ =	sfence.sel $0xFFFF  }
0xc5: {  	[dreg:$0x0] =	wrdreg $0xFFFFFFFF;
	(pc) =	sbr.abs _section_cstart, $3  }
0xc6: {  	[dreg:$0x1] =	wrdreg $0xFFFFFFFF  }
0xc7: {  	_ =	task.clear_ibuf [dreg:s9], $0x2FFFF;
	_ =	strace $0x9FFFFFFF  }
0xc8: {  	(tm) =	ssettm $0x7FFFFFFF  }
0xc9: {  	_ =	shalt  }
tec
execute0_lowered:
.L_overlay_start_1:
0x0: {  	(tag) =	ssettag $0x1  }
0x1: {  	s7 =	rddreg [dreg:$0x0]  }
0x2: {  	s8 =	rddreg [dreg:$0x1]  }
0x3: {  	s6 =	rddreg [dreg:$0x2]  }
0x4: {  	s11 =	rddreg [dreg:$0x3]  }
0x5: {  	s1 =	rddreg [dreg:$0x4]  }
0x6: {  	s2 =	rddreg [dreg:$0x5];
	s4 =	simm.s32 $0x0;
	s3 =	srdreg.scid  }
0x7: {  	s19 =	simm.s32 $0xD680;
	s20 =	simm.s32 $0x11780;
	s21 =	simm.s32 $0x1A0  }
0x8: {  	s22 =	simm.s32 $0x19160;
	s23 =	simm.s32 $0x1;
	s9 =	sand.u32 $0x1, s3  }
0x9: {  	s24 =	simm.s32 $0x15880;
	s3 =	stileid.u32;
	s10 =	smul.u32 $0xD0000, s9  }
0xa: {  	s28 =	simm.s32 $0x2;
	s29 =	simm.s32 $0x15A20;
	s12 =	smul.u32 $0xD000, s3  }
0xb: {  	[smem:$0x7FF] =	sst s4;
	s5 =	sadd.s32 $0xE00, s6;
	s14 =	smul.u32 $0x680, s3  }
0xc: {  	_ =	strace $0x8000004A;
	s13 =	sshll.u32 s9, $0x4;
	s17 =	smul.u32 $0x6800, s9  }
0xd: {  	s15 =	ssub.s32 $0x2, s9;
	s26 =	smul.u32 $0x34000, s3;
	s13 =	sor.u32 s3, s13  }
0xe: {  	s16 =	sshrl.u32 s15, $0x1;
	s10 =	sadd.s32 s12, s10;
	s13 =	smul.u32 $0x820, s13  }
0xf: {  	s15 =	ssub.s32 s15, s16;
	s30 =	sadd.s32 s14, s17;
	s16 =	simm.s32 $0x15D60  }
0x10: {  	s17 =	simm.s32 $0x3;
	s10 =	sshrl.u32 s10, $0x3;
	s31 =	sshrl.u32 s30, $0x3  }
0x11: {  	s25 =	sadd.s32 s10, s6;
	s6 =	sadd.s32 s14, s2;
	s7 =	sadd.s32 s7, s13  }
0x12: {  	s8 =	sadd.s32 s8, s13;
	s10 =	sshrl.u32 s26, $0x2;
	s11 =	sadd.s32 s11, s31  }
0x13: {  	s26 =	simm.s32 $0x15BC0;
	s9 =	sadd.s32 $0x3D1800, s25;
	s10 =	sadd.s32 s10, s1  }
0x14: {  	s25 =	sadd.s32 s12, s1;
	s12 =	smax.u32 s15, $0x1;
	s13 =	sadd.s32 $0x3400, s10  }
0x15: {  	v0 =	vimm.f32 $0.0e+00;
	v1 =	vimm.f32 $1.000000000e+00;
	s14 =	sadd.s32 $0x6800, s10;
	s15 =	sadd.s32 $0x9C00, s10;
	s25 =	sshrl.u32 s25, $0x3  }
.LBB2_1:
0x16: {  	s30 =	simm.s32 $0x0  }
.LBB2_2:
0x17: {  	p0 =	sne.s32 s30, $0xCF80  }
.Ltmp0:
0x18: {  	_ = 	snop;
	(pc) =	sbr.rel @p0 .LBB2_2-.Ltmp0, $4  }
0x19: {  	_ = 	snop  }
0x1a: {  	s31 =	sshra.s32 s30, $0x2  }
0x1b: {  	[tilespmem:s31+$0x15D60] =	vst v0  }
0x1c: {  	s30 =	sadd.s32 $0x80, s30;
	[tilespmem:s31+$0x15D70] =	vst v0  }
0x1d: {  	s30 =	simm.s32 $0x40;
	s31 =	simm.s32 $0x0  }
.LBB2_4:
0x1e: {  	p0 =	sne.s32 s30, $0x19C0;
	[tilespmem:s31+$0x1C560] =	vst v0;
	s31 =	smov.u32 s30;
	s30 =	sadd.s32 $0x40, s30  }
.Ltmp1:
0x1f: {  	(pc) =	sbr.rel @p0 .LBB2_4-.Ltmp1, $2  }
0x20: {  	_ =	sdelay $0x2  }
0x21: {  	s31 =	sshra.s32 s31, $0x2  }
0x22: {  	[tilespmem:s31+$0x1C560] =	vst v0  }
0x23: {  	[tilespmem:$0x15BC0] =	vst v1  }
0x24: {  	[tilespmem:$0x15BD0] =	vst v1  }
0x25: {  	[tilespmem:$0x15BE0] =	vst v1  }
0x26: {  	[tilespmem:$0x15BF0] =	vst v1  }
0x27: {  	[tilespmem:$0x15C00] =	vst v1  }
0x28: {  	[tilespmem:$0x15C10] =	vst v1  }
0x29: {  	[tilespmem:$0x15C20] =	vst v1  }
0x2a: {  	[tilespmem:$0x15C30] =	vst v1  }
0x2b: {  	[tilespmem:$0x15C40] =	vst v1  }
0x2c: {  	[tilespmem:$0x15C50] =	vst v1  }
0x2d: {  	[tilespmem:$0x15C60] =	vst v1  }
0x2e: {  	[tilespmem:$0x15C70] =	vst v1  }
0x2f: {  	[tilespmem:$0x15C80] =	vst v1  }
0x30: {  	[tilespmem:$0x15C90] =	vst v1  }
0x31: {  	[tilespmem:$0x15CA0] =	vst v1  }
0x32: {  	[tilespmem:$0x15CB0] =	vst v1  }
0x33: {  	[tilespmem:$0x15CC0] =	vst v1  }
0x34: {  	[tilespmem:$0x15CD0] =	vst v1  }
0x35: {  	[tilespmem:$0x15CE0] =	vst v1  }
0x36: {  	[tilespmem:$0x15CF0] =	vst v1  }
0x37: {  	[tilespmem:$0x15D00] =	vst v1  }
0x38: {  	[tilespmem:$0x15D10] =	vst v1  }
0x39: {  	[tilespmem:$0x15D20] =	vst v1  }
0x3a: {  	[tilespmem:$0x15D30] =	vst v1  }
0x3b: {  	[tilespmem:$0x15D40] =	vst v1  }
0x3c: {  	[tilespmem:$0x15D50] =	vst v1  }
0x3d: {  	[spmem:s10] =	stream.linear.scatter [tilespmem:s16], [sflag:$0x3], $0x3400, $0x38;
	[tilespmem:$0x1CBE0] =	vst v63  }
0x3e: {  	_ =	swait.ge [sflag:s17], $0x3400  }
0x3f: {  	[sflag:s17] =	ssyncset.done $0x0  }
0x40: {  	[sflag:s17] =	ssyncadd.s32 $0xFFFFCC00  }
0x41: {  	[spmem:s13] =	stream.linear.scatter [tilespmem:s16], [sflag:$0x3], $0x3400, $0x38;
	[tilespmem:$0x1CBE0] =	vst v63  }
0x42: {  	_ =	swait.ge [sflag:s17], $0x3400  }
0x43: {  	[sflag:s17] =	ssyncset.done $0x0  }
0x44: {  	[sflag:s17] =	ssyncadd.s32 $0xFFFFCC00  }
0x45: {  	[spmem:s14] =	stream.linear.scatter [tilespmem:s16], [sflag:$0x3], $0x3400, $0x38;
	[tilespmem:$0x1CBE0] =	vst v63  }
0x46: {  	_ =	swait.ge [sflag:s17], $0x3400  }
0x47: {  	[sflag:s17] =	ssyncset.done $0x0  }
0x48: {  	[sflag:s17] =	ssyncadd.s32 $0xFFFFCC00  }
0x49: {  	[spmem:s15] =	stream.linear.scatter [tilespmem:s16], [sflag:$0x3], $0x3400, $0x38;
	[tilespmem:$0x1CBE0] =	vst v63  }
0x4a: {  	_ =	swait.ge [sflag:s17], $0x3400  }
0x4b: {  	[sflag:s17] =	ssyncset.done $0x0  }
0x4c: {  	s0 =	simm.s32 $0x1C560;
	[sflag:s17] =	ssyncadd.s32 $0xFFFFCC00  }
0x4d: {  	[spmem:s6] =	stream.linear.scatter [tilespmem:s0], [sflag:$0x3], $0x680, $0x38;
	[tilespmem:$0x1CBE0] =	vst v63  }
0x4e: {  	_ =	swait.ge [sflag:s17], $0x680  }
0x4f: {  	[sflag:s17] =	ssyncset.done $0x0  }
0x50: {  	s30 =	simm.s32 $0x0;
	[sflag:s17] =	ssyncadd.s32 $0xFFFFF980  }
0x51: {  	[tilespmem:s19], [sflag:$0x3] =	stream.linear.gather [hbm4b:s7+s30], $0x4100, $0x38;
	[tilespmem:$0x1CBE0] =	vst v63  }
0x52: {  	_ =	swait.ge [sflag:s17], $0x4100  }
0x53: {  	[sflag:s17] =	ssyncset.done $0x0  }
0x54: {  	[sflag:s17] =	ssyncadd.s32 $0xFFFFBF00  }
0x55: {  	[tilespmem:s20], [sflag:$0x3] =	stream.linear.gather [hbm4b:s8+s30], $0x4100, $0x38;
	[tilespmem:$0x1CBE0] =	vst v63  }
0x56: {  	_ =	swait.ge [sflag:s17], $0x4100  }
0x57: {  	[sflag:s17] =	ssyncset.done $0x0  }
0x58: {  	[sflag:s17] =	ssyncadd.s32 $0xFFFFBF00  }
0x59: {  	[bflag:$0x0] =	sbarrier.arrive $0xFFFF  }
0x5a: {  	v2 =	vld [tilespmem:$0x11780]  }
0x5b: {  	v3 =	vld [tilespmem:$0x11790]  }
0x5c: {  	v4 =	vld [tilespmem:$0x117A0]  }
0x5d: {  	v5 =	vld [tilespmem:$0x117B0]  }
0x5e: {  	v6 =	vld [tilespmem:$0x117C0]  }
0x5f: {  	[tilespmem:$0x15880] =	vst v2;
	v2 =	vld [tilespmem:$0x117D0]  }
0x60: {  	v52 =	vld [tilespmem:$0x117F0];
	[tilespmem:$0x15890] =	vst v3  }
0x61: {  	v53 =	vld [tilespmem:$0x11800];
	[tilespmem:$0x158A0] =	vst v4  }
0x62: {  	v54 =	vld [tilespmem:$0x11810];
	[tilespmem:$0x158B0] =	vst v5  }
0x63: {  	v3 =	vld [tilespmem:$0x117E0];
	[tilespmem:$0x158C0] =	vst v6  }
0x64: {  	[tilespmem:$0x158D0] =	vst v2;
	v2 =	vld [tilespmem:$0x11820]  }
0x65: {  	v55 =	vld [tilespmem:$0x11840];
	[tilespmem:$0x158F0] =	vst v52  }
0x66: {  	v56 =	vld [tilespmem:$0x11850];
	[tilespmem:$0x15900] =	vst v53  }
0x67: {  	v57 =	vld [tilespmem:$0x11860];
	[tilespmem:$0x15910] =	vst v54  }
0x68: {  	[tilespmem:$0x158E0] =	vst v3;
	v3 =	vld [tilespmem:$0x11830]  }
0x69: {  	[tilespmem:$0x15920] =	vst v2;
	v2 =	vld [tilespmem:$0x11870]  }
0x6a: {  	v58 =	vld [tilespmem:$0x11890];
	[tilespmem:$0x15940] =	vst v55  }
0x6b: {  	v59 =	vld [tilespmem:$0x118A0];
	[tilespmem:$0x15950] =	vst v56  }
0x6c: {  	v60 =	vld [tilespmem:$0x118B0];
	[tilespmem:$0x15960] =	vst v57  }
0x6d: {  	[tilespmem:$0x15930] =	vst v3;
	v3 =	vld [tilespmem:$0x11880]  }
0x6e: {  	[tilespmem:$0x15970] =	vst v2;
	v2 =	vld [tilespmem:$0x118C0]  }
0x6f: {  	v61 =	vld [tilespmem:$0x118E0];
	[tilespmem:$0x15990] =	vst v58  }
0x70: {  	v62 =	vld [tilespmem:$0x118F0];
	[tilespmem:$0x159A0] =	vst v59  }
0x71: {  	v63 =	vld [tilespmem:$0x11900];
	[tilespmem:$0x159B0] =	vst v60  }
0x72: {  	[tilespmem:$0x15980] =	vst v3;
	v3 =	vld [tilespmem:$0x118D0]  }
0x73: {  	[tilespmem:$0x159C0] =	vst v2;
	v2 =	vld [tilespmem:$0x11910]  }
0x74: {  	[tilespmem:$0x159E0] =	vst v61  }
0x75: {  	[tilespmem:$0x159F0] =	vst v62  }
0x76: {  	[tilespmem:$0x15A00] =	vst v63  }
0x77: {  	[tilespmem:$0x159D0] =	vst v3  }
0x78: {  	[tilespmem:$0x15A10] =	vst v2  }
0x79: {  	[tilespmem:s16], [sflag:$0x1] =	stream.indirect.gather [hbm4b:s5+s21], $0x20, s19, s21, $0xb8;
	[tilespmem:$0x1CBE0] =	vst v63  }
.LBB2_6:
0x7a: {  	s31 =	sshra.s32 s30, $0x2  }
0x7b: {  	v2 =	vld [tilespmem:s31+$0x11920];
	_ =	sdelay $0x4  }
0x7c: {  	[tilespmem:$0x15A20] =	vst v2  }
0x7d: {  	v2 =	vld [tilespmem:s31+$0x11930];
	_ =	sdelay $0x4  }
0x7e: {  	[tilespmem:$0x15A30] =	vst v2  }
0x7f: {  	v2 =	vld [tilespmem:s31+$0x11940];
	_ =	sdelay $0x4  }
0x80: {  	[tilespmem:$0x15A40] =	vst v2  }
0x81: {  	v2 =	vld [tilespmem:s31+$0x11950];
	_ =	sdelay $0x4  }
0x82: {  	[tilespmem:$0x15A50] =	vst v2  }
0x83: {  	v2 =	vld [tilespmem:s31+$0x11960];
	_ =	sdelay $0x4  }
0x84: {  	[tilespmem:$0x15A60] =	vst v2  }
0x85: {  	v2 =	vld [tilespmem:s31+$0x11970];
	_ =	sdelay $0x4  }
0x86: {  	[tilespmem:$0x15A70] =	vst v2  }
0x87: {  	v2 =	vld [tilespmem:s31+$0x11980];
	_ =	sdelay $0x4  }
0x88: {  	[tilespmem:$0x15A80] =	vst v2  }
0x89: {  	v2 =	vld [tilespmem:s31+$0x11990];
	_ =	sdelay $0x4  }
0x8a: {  	[tilespmem:$0x15A90] =	vst v2  }
0x8b: {  	v2 =	vld [tilespmem:s31+$0x119A0];
	_ =	sdelay $0x4  }
0x8c: {  	[tilespmem:$0x15AA0] =	vst v2  }
0x8d: {  	v2 =	vld [tilespmem:s31+$0x119B0];
	_ =	sdelay $0x4  }
0x8e: {  	[tilespmem:$0x15AB0] =	vst v2  }
0x8f: {  	v2 =	vld [tilespmem:s31+$0x119C0];
	_ =	sdelay $0x4  }
0x90: {  	[tilespmem:$0x15AC0] =	vst v2  }
0x91: {  	v2 =	vld [tilespmem:s31+$0x119D0];
	_ =	sdelay $0x4  }
0x92: {  	[tilespmem:$0x15AD0] =	vst v2  }
0x93: {  	v2 =	vld [tilespmem:s31+$0x119E0];
	_ =	sdelay $0x4  }
0x94: {  	[tilespmem:$0x15AE0] =	vst v2  }
0x95: {  	v2 =	vld [tilespmem:s31+$0x119F0];
	_ =	sdelay $0x4  }
0x96: {  	[tilespmem:$0x15AF0] =	vst v2  }
0x97: {  	v2 =	vld [tilespmem:s31+$0x11A00];
	_ =	sdelay $0x4  }
0x98: {  	[tilespmem:$0x15B00] =	vst v2  }
0x99: {  	v2 =	vld [tilespmem:s31+$0x11A10];
	_ =	sdelay $0x4  }
0x9a: {  	[tilespmem:$0x15B10] =	vst v2  }
0x9b: {  	v2 =	vld [tilespmem:s31+$0x11A20];
	_ =	sdelay $0x4  }
0x9c: {  	[tilespmem:$0x15B20] =	vst v2  }
0x9d: {  	v2 =	vld [tilespmem:s31+$0x11A30];
	_ =	sdelay $0x4  }
0x9e: {  	[tilespmem:$0x15B30] =	vst v2  }
0x9f: {  	v2 =	vld [tilespmem:s31+$0x11A40];
	_ =	sdelay $0x4  }
0xa0: {  	[tilespmem:$0x15B40] =	vst v2  }
0xa1: {  	v2 =	vld [tilespmem:s31+$0x11A50];
	_ =	sdelay $0x4  }
0xa2: {  	[tilespmem:$0x15B50] =	vst v2  }
0xa3: {  	v2 =	vld [tilespmem:s31+$0x11A60];
	_ =	sdelay $0x4  }
0xa4: {  	[tilespmem:$0x15B60] =	vst v2  }
0xa5: {  	v2 =	vld [tilespmem:s31+$0x11A70];
	_ =	sdelay $0x4  }
0xa6: {  	[tilespmem:$0x15B70] =	vst v2  }
0xa7: {  	v2 =	vld [tilespmem:s31+$0x11A80];
	_ =	sdelay $0x4  }
0xa8: {  	[tilespmem:$0x15B80] =	vst v2  }
0xa9: {  	v2 =	vld [tilespmem:s31+$0x11A90];
	_ =	sdelay $0x4  }
0xaa: {  	[tilespmem:$0x15B90] =	vst v2  }
0xab: {  	v2 =	vld [tilespmem:s31+$0x11AA0];
	_ =	sdelay $0x4  }
0xac: {  	[tilespmem:$0x15BA0] =	vst v2  }
0xad: {  	v2 =	vld [tilespmem:s31+$0x11AB0];
	_ =	sdelay $0x4  }
0xae: {  	s31 =	sadd.s32 $0xD820, s31;
	[tilespmem:$0x15BB0] =	vst v2  }
0xaf: {  	[tilespmem:s22], [sflag:$0x2] =	stream.indirect.gather [hbm4b:s5+s21], $0x20, s31, s21, $0xb8;
	[tilespmem:$0x1CBE0] =	vst v63  }
0xb0: {  	_ =	swait.ge [sflag:s23], $0x3400  }
0xb1: {  	[sflag:s23] =	ssyncset.done $0x0  }
0xb2: {  	[sflag:s23] =	ssyncadd.s32 $0xFFFFCC00  }
0xb3: {  	[spmem:s1] =	stream.indirect.scatter.add.f32 [tilespmem:s16], [sflag:$0x3], $0x20, s24, s21, $0xb8;
	[tilespmem:$0x1CBE0] =	vst v63  }
0xb4: {  	_ =	swait.ge [sflag:s17], $0x3400  }
0xb5: {  	[sflag:s17] =	ssyncset.done $0x0  }
0xb6: {  	[sflag:s17] =	ssyncadd.s32 $0xFFFFCC00  }
0xb7: {  	[spmem:s2] =	stream.indirect.scatter.add.f32 [tilespmem:s26], [sflag:$0x3], $0x1, s24, s21, $0xb8;
	[tilespmem:$0x1CBE0] =	vst v63  }
0xb8: {  	_ =	swait.ge [sflag:s17], $0x1A0  }
0xb9: {  	p0 =	seq.s32 s30, $0xF700;
	[sflag:s17] =	ssyncset.done $0x0  }
0xba: {  	s31 =	sshra.s32 @!p0 s30, $0x2;
	[sflag:s17] =	ssyncadd.s32 $0xFFFFFE60  }
0xbb: {  	v2 =	vld @!p0 [tilespmem:s31+$0x11AC0];
	_ =	sdelay $0x4  }
0xbc: {  	[tilespmem:$0x15880] =	vst @!p0 v2  }
0xbd: {  	v2 =	vld @!p0 [tilespmem:s31+$0x11AD0];
	_ =	sdelay $0x4  }
0xbe: {  	[tilespmem:$0x15890] =	vst @!p0 v2  }
0xbf: {  	v2 =	vld @!p0 [tilespmem:s31+$0x11AE0];
	_ =	sdelay $0x4  }
0xc0: {  	[tilespmem:$0x158A0] =	vst @!p0 v2  }
0xc1: {  	v2 =	vld @!p0 [tilespmem:s31+$0x11AF0];
	_ =	sdelay $0x4  }
0xc2: {  	[tilespmem:$0x158B0] =	vst @!p0 v2  }
0xc3: {  	v2 =	vld @!p0 [tilespmem:s31+$0x11B00];
	_ =	sdelay $0x4  }
0xc4: {  	[tilespmem:$0x158C0] =	vst @!p0 v2  }
0xc5: {  	v2 =	vld @!p0 [tilespmem:s31+$0x11B10];
	_ =	sdelay $0x4  }
0xc6: {  	[tilespmem:$0x158D0] =	vst @!p0 v2  }
0xc7: {  	v2 =	vld @!p0 [tilespmem:s31+$0x11B20];
	_ =	sdelay $0x4  }
0xc8: {  	[tilespmem:$0x158E0] =	vst @!p0 v2  }
0xc9: {  	v2 =	vld @!p0 [tilespmem:s31+$0x11B30];
	_ =	sdelay $0x4  }
0xca: {  	[tilespmem:$0x158F0] =	vst @!p0 v2  }
0xcb: {  	v2 =	vld @!p0 [tilespmem:s31+$0x11B40];
	_ =	sdelay $0x4  }
0xcc: {  	[tilespmem:$0x15900] =	vst @!p0 v2  }
0xcd: {  	v2 =	vld @!p0 [tilespmem:s31+$0x11B50];
	_ =	sdelay $0x4  }
0xce: {  	[tilespmem:$0x15910] =	vst @!p0 v2  }
0xcf: {  	v2 =	vld @!p0 [tilespmem:s31+$0x11B60];
	_ =	sdelay $0x4  }
0xd0: {  	[tilespmem:$0x15920] =	vst @!p0 v2  }
0xd1: {  	v2 =	vld @!p0 [tilespmem:s31+$0x11B70];
	_ =	sdelay $0x4  }
0xd2: {  	[tilespmem:$0x15930] =	vst @!p0 v2  }
0xd3: {  	v2 =	vld @!p0 [tilespmem:s31+$0x11B80];
	_ =	sdelay $0x4  }
0xd4: {  	[tilespmem:$0x15940] =	vst @!p0 v2  }
0xd5: {  	v2 =	vld @!p0 [tilespmem:s31+$0x11B90];
	_ =	sdelay $0x4  }
0xd6: {  	[tilespmem:$0x15950] =	vst @!p0 v2  }
0xd7: {  	v2 =	vld @!p0 [tilespmem:s31+$0x11BA0];
	_ =	sdelay $0x4  }
0xd8: {  	[tilespmem:$0x15960] =	vst @!p0 v2  }
0xd9: {  	v2 =	vld @!p0 [tilespmem:s31+$0x11BB0];
	_ =	sdelay $0x4  }
0xda: {  	[tilespmem:$0x15970] =	vst @!p0 v2  }
0xdb: {  	v2 =	vld @!p0 [tilespmem:s31+$0x11BC0];
	_ =	sdelay $0x4  }
0xdc: {  	[tilespmem:$0x15980] =	vst @!p0 v2  }
0xdd: {  	v2 =	vld @!p0 [tilespmem:s31+$0x11BD0];
	_ =	sdelay $0x4  }
0xde: {  	[tilespmem:$0x15990] =	vst @!p0 v2  }
0xdf: {  	v2 =	vld @!p0 [tilespmem:s31+$0x11BE0];
	_ =	sdelay $0x4  }
0xe0: {  	[tilespmem:$0x159A0] =	vst @!p0 v2  }
0xe1: {  	v2 =	vld @!p0 [tilespmem:s31+$0x11BF0];
	_ =	sdelay $0x4  }
0xe2: {  	[tilespmem:$0x159B0] =	vst @!p0 v2  }
0xe3: {  	v2 =	vld @!p0 [tilespmem:s31+$0x11C00];
	_ =	sdelay $0x4  }
0xe4: {  	[tilespmem:$0x159C0] =	vst @!p0 v2  }
0xe5: {  	v2 =	vld @!p0 [tilespmem:s31+$0x11C10];
	_ =	sdelay $0x4  }
0xe6: {  	[tilespmem:$0x159D0] =	vst @!p0 v2  }
0xe7: {  	v2 =	vld @!p0 [tilespmem:s31+$0x11C20];
	_ =	sdelay $0x4  }
0xe8: {  	[tilespmem:$0x159E0] =	vst @!p0 v2  }
0xe9: {  	v2 =	vld @!p0 [tilespmem:s31+$0x11C30];
	_ =	sdelay $0x4  }
0xea: {  	[tilespmem:$0x159F0] =	vst @!p0 v2  }
0xeb: {  	v2 =	vld @!p0 [tilespmem:s31+$0x11C40];
	_ =	sdelay $0x4  }
0xec: {  	[tilespmem:$0x15A00] =	vst @!p0 v2  }
0xed: {  	v2 =	vld @!p0 [tilespmem:s31+$0x11C50];
	_ =	sdelay $0x4  }
0xee: {  	s0 =	simm.s32 @!p0 $0x1A0;
	s18 =	simm.s32 @!p0 $0x15D60;
	s31 =	sadd.s32 @!p0 $0xD9C0, s31;
	[tilespmem:$0x15A10] =	vst @!p0 v2  }
0xef: {  	[tilespmem:s18], [sflag:$0x1] =	stream.indirect.gather @!p0 [hbm4b:s5+s0], $0x20, s31, s0, $0xb8;
	[tilespmem:$0x1CBE0] =	vst v63  }
0xf0: {  	_ =	swait.ge [sflag:s28], $0x3400  }
0xf1: {  	[sflag:s28] =	ssyncset.done $0x0  }
0xf2: {  	[sflag:s28] =	ssyncadd.s32 $0xFFFFCC00  }
0xf3: {  	[spmem:s1] =	stream.indirect.scatter.add.f32 [tilespmem:s22], [sflag:$0x3], $0x20, s29, s21, $0xb8;
	[tilespmem:$0x1CBE0] =	vst v63  }
0xf4: {  	s30 =	sadd.s32 $0xD00, s30;
	_ =	swait.ge [sflag:s17], $0x3400  }
0xf5: {  	p0 =	sne.s32 s30, $0x10400;
	[sflag:s17] =	ssyncset.done $0x0  }
.Ltmp2:
0xf6: {  	[sflag:s17] =	ssyncadd.s32 $0xFFFFCC00;
	(pc) =	sbr.rel @p0 .LBB2_6-.Ltmp2, $4  }
0xf7: {  	[spmem:s2] =	stream.indirect.scatter.add.f32 [tilespmem:s26], [sflag:$0x3], $0x1, s29, s21, $0xb8;
	[tilespmem:$0x1CBE0] =	vst v63  }
0xf8: {  	_ =	swait.ge [sflag:s17], $0x1A0  }
0xf9: {  	[sflag:s17] =	ssyncset.done $0x0  }
0xfa: {  	[sflag:s17] =	ssyncadd.s32 $0xFFFFFE60  }
0xfb: {  	s0 =	sshll.u32 s3, $0x6  }
0xfc: {  	[bflag:$0x0] =	sbarrier.arrive $0xFFFF;
	s0 =	sor.u32 $0x1C03, s0  }
0xfd: {  	[hbm:s9], [sflag:s0] =	dma.local [spmem:s25], $0x1A00  }
0xfe: {  	s4 =	sadd.s32 $0x1, s4;
	_ =	swait.ge [sflag:s17], $0x1A00  }
0xff: {  	p0 =	sne.s32 s4, s12;
	[sflag:s17] =	ssyncset.done $0x0  }
.Ltmp3:
0x100: {  	s18 =	sshrl.u32 s6, $0x3;
	[sflag:s17] =	ssyncadd.s32 $0xFFFFE600;
	(pc) =	sbr.rel @p0 .LBB2_1-.Ltmp3, $4  }
0x101: {  	[hbm:s11], [sflag:s0] =	dma.local [spmem:s18], $0xD0  }
0x102: {  	_ =	swait.ge [sflag:s17], $0xD0  }
0x103: {  	[sflag:s17] =	ssyncset.done $0x0  }
0x104: {  	[sflag:s17] =	ssyncadd.s32 $0xFFFFFF30  }
0x105: {  	_ =	sfence.sel $0x180000  }
0x106: {  	[bflag:$0x0] =	sbarrier.arrive $0xFFFF  }
0x107: {  	_ =	strace $0x9000004A  }
0x108: {  	[bflag:$0x2] =	sbarrier.arrive $0xFFFF  }
0x109: {  	p0 =	sne.s32 s3, $0x0;
	s0 =	rddreg [dreg:$0x6]  }
0x10a: {  	s0 =	sadd.s32 @!p0 $0x100000, s0  }
0x10b: {  	[sflag:s0] =	ssyncadd.tile.s32 @!p0 $0x1;
	_ =	shalt  }
.Lfunc_end2:
_tile_overlayer_lowered:
.L_overlay_start_2:
0x10c: {  	(tag) =	ssettag $0x2  }
0x10d: {  	s0 =	rddreg [dreg:$0x0];
	s2 =	stileid.u32  }
0x10e: {  	s1 =	rddreg [dreg:$0x1];
	p0 =	sne.s32 s2, $0x0  }
0x10f: {  	s3 =	rddreg [dreg:$0x2];
	[bflag:$0x3] =	sbarrier.arrive $0xFFFF;
	s2 =	simm.s32 @!p0 $0x1C03  }
0x110: {  	[timem:s3], [sflag:s2] =	dma.local @!p0 [hbm:s0], s1  }
0x111: {  	s0 =	simm.s32 @!p0 $0x3  }
0x112: {  	_ =	swait.ge @!p0 [sflag:s0], s1  }
0x113: {  	s1 =	ssub.s32 @!p0 $0x0, s1;
	[sflag:s0] =	ssyncset.done @!p0 $0x0  }
0x114: {  	[sflag:s0] =	ssyncadd.s32 @!p0 s1  }
0x115: {  	[bflag:$0x3] =	sbarrier.arrive $0xFFFF  }
0x116: {  	_ =	shalt  }

</sc_bundles>
